<compile_context>
chip_gen: v7x
topology: tpu7x:2x2x1
jax: 0.10.2.dev20260603
libtpu: 0.0.44.dev20260713+nightly
codegen_flags: <defaults>
</compile_context>

<pallas_src>
import functools

import jax
import jax.numpy as jnp
from jax import lax
from jax.experimental import pallas as pl
from jax.experimental.pallas import tpu as pltpu
from jax.experimental.pallas import tpu_sc as plsc

VOCAB = 1000000
EMBED_DIM = 64
BATCH = 16384
N_FIELDS = 26

TOTAL = BATCH * N_FIELDS
NUM_CORES = 2
NUM_SUBCORES = 16
NUM_WORKERS = NUM_CORES * NUM_SUBCORES
PER_WORKER = TOTAL // NUM_WORKERS
CHUNK = 416
N_CHUNKS = PER_WORKER // CHUNK
SLOTS = 4

_MESH = plsc.VectorSubcoreMesh(core_axis_name="c", subcore_axis_name="s")


@functools.partial(
    pl.kernel,
    mesh=_MESH,
    out_type=jax.ShapeDtypeStruct((TOTAL, EMBED_DIM), jnp.float32),
    compiler_params=pltpu.CompilerParams(use_tc_tiling_on_sc=False),
    scratch_types=[
        pltpu.VMEM((PER_WORKER,), jnp.int32),
        pltpu.VMEM((SLOTS, CHUNK, EMBED_DIM), jnp.float32),
        pltpu.SemaphoreType.DMA((SLOTS,)),
        pltpu.SemaphoreType.DMA((SLOTS,)),
    ],
)
def _emb_gather(idx_hbm, table_hbm, out_hbm, idx_v, rows_v, gsems, ssems):
    wid = lax.axis_index("s") * NUM_CORES + lax.axis_index("c")
    base = wid * PER_WORKER
    pltpu.sync_copy(idx_hbm.at[pl.ds(base, PER_WORKER)], idx_v)

    def gather(c):
        slot = c % SLOTS
        return pltpu.async_copy(
            table_hbm.at[idx_v.at[pl.ds(c * CHUNK, CHUNK)]],
            rows_v.at[slot], gsems.at[slot])

    def store(c):
        slot = c % SLOTS
        return pltpu.async_copy(
            rows_v.at[slot], out_hbm.at[pl.ds(base + c * CHUNK, CHUNK)],
            ssems.at[slot])

    g = [None] * N_CHUNKS
    s = [None] * N_CHUNKS
    for c in range(SLOTS):
        g[c] = gather(c)
    for c in range(N_CHUNKS):
        g[c].wait()
        s[c] = store(c)
        nxt = c + SLOTS
        if nxt < N_CHUNKS:
            s[c].wait()
            g[nxt] = gather(nxt)
    for c in range(N_CHUNKS - SLOTS, N_CHUNKS):
        s[c].wait()


def kernel(x, weight):
    idx = x.reshape(-1).astype(jnp.int32)
    out = _emb_gather(idx, weight)
    return out.reshape(BATCH, N_FIELDS, EMBED_DIM)

# --- scband reference (transcript-rebuilt; emitter-appended) ---
"""Pipeline reference for scband-vanilla-embedding-79791902425420 (READ-ONLY COPY).

The authoritative reference and input builder live on the scoring server;
editing this copy changes nothing except your own understanding.
"""

import jax, jax.numpy as jnp
import numpy as np

VOCAB = 1000000
EMBED_DIM = 64
BATCH = 16384
N_FIELDS = 26


def _xavier_uniform(key, shape, dtype=jnp.float32):
    fan_in, fan_out = shape[0], shape[1]
    limit = float(np.sqrt(6.0 / (fan_in + fan_out)))
    return jax.random.uniform(key, shape, dtype=dtype, minval=-limit, maxval=limit)


def setup_inputs(seed: int = 0) -> dict:
    key = jax.random.key(seed)
    k_idx, k_w = jax.random.split(key)
    x = jax.random.randint(k_idx, (BATCH, N_FIELDS), 0, VOCAB, dtype=jnp.int64 if jax.config.jax_enable_x64 else jnp.int32)
    weight = _xavier_uniform(k_w, (VOCAB, EMBED_DIM))
    return {"x": x, "weight": weight}


def reference(x, weight):
    # VanillaEmbedding with mode=None -> nn.Embedding: plain row gather
    return jnp.take(weight, x, axis=0)

if __name__ == "__main__":
    import jax
    _d = setup_inputs()
    print(jax.jit(kernel)(*tuple(_d.values())))

</pallas_src>

<mosaic_0001>
#map = affine_map<(d0, d1) -> (0)>
#map1 = affine_map<(d0, d1) -> (0, 0)>
module attributes {stable_mosaic.version = 14 : i64} {
  func.func @_emb_gather(%arg0: i32, %arg1: i32, %arg2: memref<425984xi32, #tpu.memory_space<hbm>>, %arg3: memref<1000000x64xf32, #tpu.memory_space<hbm>>, %arg4: memref<425984x64xf32, #tpu.memory_space<hbm>>, %arg5: memref<13312xi32, #tpu.memory_space<vmem>>, %arg6: memref<4x416x64xf32, #tpu.memory_space<vmem>>, %arg7: memref<4x!tpu.dma_semaphore, #tpu.memory_space<semaphore_mem>>, %arg8: memref<4x!tpu.dma_semaphore, #tpu.memory_space<semaphore_mem>>) attributes {dimension_semantics = [#tpu.dimension_semantics<core_parallel>, #tpu.dimension_semantics<subcore_parallel>], iteration_bounds = array<i64: 2, 16>, scalar_prefetch = 0 : i64, scratch_operands = 4 : i64, tpu.core_type = #tpu.core_type<sc_vector_subcore>, window_params = [{transform_indices = #map}, {transform_indices = #map1}, {transform_indices = #map1}]} {
    %mul3A = arith.constant 2 : i32
    %mul3A_0 = arith.muli %arg1, %mul3A : i32
    %add3A = arith.addi %mul3A_0, %arg0 : i32
    %mul3A_1 = arith.constant 13312 : i32
    %mul3A_2 = arith.muli %add3A, %mul3A_1 : i32
    "tpu.region"() ({
      %run_scoped3A = tpu.sem_alloc : memref<!tpu.dma_semaphore, #tpu.memory_space<semaphore_mem>>
      %dma_start3A_1921 = tpu.memref_slice %arg2[%mul3A_2] : memref<425984xi32, #tpu.memory_space<hbm>> -> memref<13312xi32, #tpu.memory_space<hbm>>
      %dma_start3A_1922 = tpu.memref_slice %arg2[%mul3A_2] : memref<425984xi32, #tpu.memory_space<hbm>> -> memref<13312xi32, #tpu.memory_space<hbm>>
      tpu.enqueue_dma source(%dma_start3A_1922 : memref<13312xi32, #tpu.memory_space<hbm>>) target(%arg5 : memref<13312xi32, #tpu.memory_space<vmem>>) target_semaphore(%run_scoped3A : memref<!tpu.dma_semaphore, #tpu.memory_space<semaphore_mem>>)
      %dma_wait3A_1923 = tpu.memref_slice %arg2[%mul3A_2] : memref<425984xi32, #tpu.memory_space<hbm>> -> memref<13312xi32, #tpu.memory_space<hbm>>
      %dma_wait3A_1924 = tpu.memref_slice %arg2[%mul3A_2] : memref<425984xi32, #tpu.memory_space<hbm>> -> memref<13312xi32, #tpu.memory_space<hbm>>
      tpu.wait_dma2 semaphore(%run_scoped3A : memref<!tpu.dma_semaphore, #tpu.memory_space<semaphore_mem>>) src(%dma_wait3A_1924 : memref<13312xi32, #tpu.memory_space<hbm>>) dst(%arg5 : memref<13312xi32, #tpu.memory_space<vmem>>)
      tpu.yield
    }) : () -> ()
    %dma_start3A = arith.constant 0 : i32
    %dma_start3A_3 = arith.constant 0 : i32
    %dma_start3A_4 = arith.constant 0 : i32
    %dma_start3A_5 = arith.constant 0 : i32
    %dma_start3A_6 = tpu.memref_slice %arg6[%dma_start3A, %dma_start3A_4, %dma_start3A_5] : memref<4x416x64xf32, #tpu.memory_space<vmem>> -> memref<1x416x64xf32, #tpu.memory_space<vmem>>
    %dma_start3A_7 = tpu.memref_squeeze %dma_start3A_6 : memref<1x416x64xf32, #tpu.memory_space<vmem>> -> memref<416x64xf32, #tpu.memory_space<vmem>>
    %dma_start3A_8 = arith.constant 0 : i32
    %dma_start3A_9 = tpu.memref_slice %arg5[%dma_start3A_8] : memref<13312xi32, #tpu.memory_space<vmem>> -> memref<416xi32, #tpu.memory_space<vmem>>
    %dma_start3A_10 = arith.constant 0 : i32
    %dma_start3A_11 = arith.constant 0 : i32
    %dma_start3A_12 = tpu.memref_slice %arg3[%dma_start3A_10, %dma_start3A_11] : memref<1000000x64xf32, #tpu.memory_space<hbm>> -> memref<1000000x64xf32, #tpu.memory_space<hbm>>
    %dma_start3A_13 = tpu.memref_slice %arg7[%dma_start3A_3] : memref<4x!tpu.dma_semaphore, #tpu.memory_space<semaphore_mem>> -> memref<1x!tpu.dma_semaphore, #tpu.memory_space<semaphore_mem>>
    %dma_start3A_14 = tpu.memref_squeeze %dma_start3A_13 : memref<1x!tpu.dma_semaphore, #tpu.memory_space<semaphore_mem>> -> memref<!tpu.dma_semaphore, #tpu.memory_space<semaphore_mem>>
    tpu.enqueue_indirect_dma source(%dma_start3A_12 : memref<1000000x64xf32, #tpu.memory_space<hbm>>) target(%dma_start3A_7 : memref<416x64xf32, #tpu.memory_space<vmem>>) offsets(%dma_start3A_9 : memref<416xi32, #tpu.memory_space<vmem>>) semaphore(%dma_start3A_14 : memref<!tpu.dma_semaphore, #tpu.memory_space<semaphore_mem>>)
    %dma_start3A_15 = arith.constant 1 : i32
    %dma_start3A_16 = arith.constant 1 : i32
    %dma_start3A_17 = arith.constant 0 : i32
    %dma_start3A_18 = arith.constant 0 : i32
    %dma_start3A_19 = tpu.memref_slice %arg6[%dma_start3A_15, %dma_start3A_17, %dma_start3A_18] : memref<4x416x64xf32, #tpu.memory_space<vmem>> -> memref<1x416x64xf32, #tpu.memory_space<vmem>>
    %dma_start3A_20 = tpu.memref_squeeze %dma_start3A_19 : memref<1x416x64xf32, #tpu.memory_space<vmem>> -> memref<416x64xf32, #tpu.memory_space<vmem>>
    %dma_start3A_21 = arith.constant 416 : i32
    %dma_start3A_22 = tpu.memref_slice %arg5[%dma_start3A_21] : memref<13312xi32, #tpu.memory_space<vmem>> -> memref<416xi32, #tpu.memory_space<vmem>>
    %dma_start3A_23 = arith.constant 0 : i32
    %dma_start3A_24 = arith.constant 0 : i32
    %dma_start3A_25 = tpu.memref_slice %arg3[%dma_start3A_23, %dma_start3A_24] : memref<1000000x64xf32, #tpu.memory_space<hbm>> -> memref<1000000x64xf32, #tpu.memory_space<hbm>>
    %dma_start3A_26 = tpu.memref_slice %arg7[%dma_start3A_16] : memref<4x!tpu.dma_semaphore, #tpu.memory_space<semaphore_mem>> -> memref<1x!tpu.dma_semaphore, #tpu.memory_space<semaphore_mem>>
    %dma_start3A_27 = tpu.memref_squeeze %dma_start3A_26 : memref<1x!tpu.dma_semaphore, #tpu.memory_space<semaphore_mem>> -> memref<!tpu.dma_semaphore, #tpu.memory_space<semaphore_mem>>
    tpu.enqueue_indirect_dma source(%dma_start3A_25 : memref<1000000x64xf32, #tpu.memory_space<hbm>>) target(%dma_start3A_20 : memref<416x64xf32, #tpu.memory_space<vmem>>) offsets(%dma_start3A_22 : memref<416xi32, #tpu.memory_space<vmem>>) semaphore(%dma_start3A_27 : memref<!tpu.dma_semaphore, #tpu.memory_space<semaphore_mem>>)
    %dma_start3A_28 = arith.constant 2 : i32
    %dma_start3A_29 = arith.constant 2 : i32
    %dma_start3A_30 = arith.constant 0 : i32
    %dma_start3A_31 = arith.constant 0 : i32
    %dma_start3A_32 = tpu.memref_slice %arg6[%dma_start3A_28, %dma_start3A_30, %dma_start3A_31] : memref<4x416x64xf32, #tpu.memory_space<vmem>> -> memref<1x416x64xf32, #tpu.memory_space<vmem>>
    %dma_start3A_33 = tpu.memref_squeeze %dma_start3A_32 : memref<1x416x64xf32, #tpu.memory_space<vmem>> -> memref<416x64xf32, #tpu.memory_space<vmem>>
    %dma_start3A_34 = arith.constant 832 : i32
    %dma_start3A_35 = tpu.memref_slice %arg5[%dma_start3A_34] : memref<13312xi32, #tpu.memory_space<vmem>> -> memref<416xi32, #tpu.memory_space<vmem>>
    %dma_start3A_36 = arith.constant 0 : i32
    %dma_start3A_37 = arith.constant 0 : i32
    %dma_start3A_38 = tpu.memref_slice %arg3[%dma_start3A_36, %dma_start3A_37] : memref<1000000x64xf32, #tpu.memory_space<hbm>> -> memref<1000000x64xf32, #tpu.memory_space<hbm>>
    %dma_start3A_39 = tpu.memref_slice %arg7[%dma_start3A_29] : memref<4x!tpu.dma_semaphore, #tpu.memory_space<semaphore_mem>> -> memref<1x!tpu.dma_semaphore, #tpu.memory_space<semaphore_mem>>
    %dma_start3A_40 = tpu.memref_squeeze %dma_start3A_39 : memref<1x!tpu.dma_semaphore, #tpu.memory_space<semaphore_mem>> -> memref<!tpu.dma_semaphore, #tpu.memory_space<semaphore_mem>>
    tpu.enqueue_indirect_dma source(%dma_start3A_38 : memref<1000000x64xf32, #tpu.memory_space<hbm>>) target(%dma_start3A_33 : memref<416x64xf32, #tpu.memory_space<vmem>>) offsets(%dma_start3A_35 : memref<416xi32, #tpu.memory_space<vmem>>) semaphore(%dma_start3A_40 : memref<!tpu.dma_semaphore, #tpu.memory_space<semaphore_mem>>)
    %dma_start3A_41 = arith.constant 3 : i32
    %dma_start3A_42 = arith.constant 3 : i32
    %dma_start3A_43 = arith.constant 0 : i32
    %dma_start3A_44 = arith.constant 0 : i32
    %dma_start3A_45 = tpu.memref_slice %arg6[%dma_start3A_41, %dma_start3A_43, %dma_start3A_44] : memref<4x416x64xf32, #tpu.memory_space<vmem>> -> memref<1x416x64xf32, #tpu.memory_space<vmem>>
    %dma_start3A_46 = tpu.memref_squeeze %dma_start3A_45 : memref<1x416x64xf32, #tpu.memory_space<vmem>> -> memref<416x64xf32, #tpu.memory_space<vmem>>
    %dma_start3A_47 = arith.constant 1248 : i32
    %dma_start3A_48 = tpu.memref_slice %arg5[%dma_start3A_47] : memref<13312xi32, #tpu.memory_space<vmem>> -> memref<416xi32, #tpu.memory_space<vmem>>
    %dma_start3A_49 = arith.constant 0 : i32
    %dma_start3A_50 = arith.constant 0 : i32
    %dma_start3A_51 = tpu.memref_slice %arg3[%dma_start3A_49, %dma_start3A_50] : memref<1000000x64xf32, #tpu.memory_space<hbm>> -> memref<1000000x64xf32, #tpu.memory_space<hbm>>
    %dma_start3A_52 = tpu.memref_slice %arg7[%dma_start3A_42] : memref<4x!tpu.dma_semaphore, #tpu.memory_space<semaphore_mem>> -> memref<1x!tpu.dma_semaphore, #tpu.memory_space<semaphore_mem>>
    %dma_start3A_53 = tpu.memref_squeeze %dma_start3A_52 : memref<1x!tpu.dma_semaphore, #tpu.memory_space<semaphore_mem>> -> memref<!tpu.dma_semaphore, #tpu.memory_space<semaphore_mem>>
    tpu.enqueue_indirect_dma source(%dma_start3A_51 : memref<1000000x64xf32, #tpu.memory_space<hbm>>) target(%dma_start3A_46 : memref<416x64xf32, #tpu.memory_space<vmem>>) offsets(%dma_start3A_48 : memref<416xi32, #tpu.memory_space<vmem>>) semaphore(%dma_start3A_53 : memref<!tpu.dma_semaphore, #tpu.memory_space<semaphore_mem>>)
    %dma_wait3A = arith.constant 0 : i32
    %dma_wait3A_54 = arith.constant 0 : i32
    %dma_wait3A_55 = arith.constant 0 : i32
    %dma_wait3A_56 = arith.constant 0 : i32
    %dma_wait3A_57 = tpu.memref_slice %arg6[%dma_wait3A, %dma_wait3A_55, %dma_wait3A_56] : memref<4x416x64xf32, #tpu.memory_space<vmem>> -> memref<1x416x64xf32, #tpu.memory_space<vmem>>
    %dma_wait3A_58 = tpu.memref_squeeze %dma_wait3A_57 : memref<1x416x64xf32, #tpu.memory_space<vmem>> -> memref<416x64xf32, #tpu.memory_space<vmem>>
    %dma_wait3A_59 = arith.constant 0 : i32
    %dma_wait3A_60 = tpu.memref_slice %arg5[%dma_wait3A_59] : memref<13312xi32, #tpu.memory_space<vmem>> -> memref<416xi32, #tpu.memory_space<vmem>>
    %dma_wait3A_61 = arith.constant 0 : i32
    %dma_wait3A_62 = arith.constant 0 : i32
    %dma_wait3A_63 = tpu.memref_slice %arg3[%dma_wait3A_61, %dma_wait3A_62] : memref<1000000x64xf32, #tpu.memory_space<hbm>> -> memref<1000000x64xf32, #tpu.memory_space<hbm>>
    %dma_wait3A_64 = tpu.memref_slice %arg7[%dma_wait3A_54] : memref<4x!tpu.dma_semaphore, #tpu.memory_space<semaphore_mem>> -> memref<1x!tpu.dma_semaphore, #tpu.memory_space<semaphore_mem>>
    %dma_wait3A_65 = tpu.memref_squeeze %dma_wait3A_64 : memref<1x!tpu.dma_semaphore, #tpu.memory_space<semaphore_mem>> -> memref<!tpu.dma_semaphore, #tpu.memory_space<semaphore_mem>>
    tpu.wait_indirect_dma semaphore(%dma_wait3A_65 : memref<!tpu.dma_semaphore, #tpu.memory_space<semaphore_mem>>) src(%dma_wait3A_63 : memref<1000000x64xf32, #tpu.memory_space<hbm>>) dst(%dma_wait3A_58 : memref<416x64xf32, #tpu.memory_space<vmem>>)
    %add3A_66 = arith.constant 0 : i32
    %add3A_67 = arith.addi %mul3A_2, %add3A_66 : i32
    %dma_start3A_68 = arith.constant 0 : i32
    %dma_start3A_69 = arith.constant 0 : i32
    %dma_start3A_70 = arith.constant 0 : i32
    %dma_start3A_71 = arith.constant 0 : i32
    %dma_start3A_72 = tpu.memref_slice %arg6[%dma_start3A_68, %dma_start3A_70, %dma_start3A_71] : memref<4x416x64xf32, #tpu.memory_space<vmem>> -> memref<1x416x64xf32, #tpu.memory_space<vmem>>
    %dma_start3A_73 = tpu.memref_squeeze %dma_start3A_72 : memref<1x416x64xf32, #tpu.memory_space<vmem>> -> memref<416x64xf32, #tpu.memory_space<vmem>>
    %dma_start3A_74 = arith.constant 0 : i32
    %dma_start3A_75 = tpu.memref_slice %arg4[%add3A_67, %dma_start3A_74] : memref<425984x64xf32, #tpu.memory_space<hbm>> -> memref<416x64xf32, #tpu.memory_space<hbm>>
    %dma_start3A_76 = tpu.memref_slice %arg8[%dma_start3A_69] : memref<4x!tpu.dma_semaphore, #tpu.memory_space<semaphore_mem>> -> memref<1x!tpu.dma_semaphore, #tpu.memory_space<semaphore_mem>>
    %dma_start3A_77 = tpu.memref_squeeze %dma_start3A_76 : memref<1x!tpu.dma_semaphore, #tpu.memory_space<semaphore_mem>> -> memref<!tpu.dma_semaphore, #tpu.memory_space<semaphore_mem>>
    %dma_start3A_78 = arith.constant 0 : i32
    %dma_start3A_79 = tpu.memref_slice %arg4[%add3A_67, %dma_start3A_78] : memref<425984x64xf32, #tpu.memory_space<hbm>> -> memref<416x64xf32, #tpu.memory_space<hbm>>
    %dma_start3A_80 = arith.constant 0 : i32
    %dma_start3A_81 = arith.constant 0 : i32
    %dma_start3A_82 = tpu.memref_slice %arg6[%dma_start3A_68, %dma_start3A_80, %dma_start3A_81] : memref<4x416x64xf32, #tpu.memory_space<vmem>> -> memref<1x416x64xf32, #tpu.memory_space<vmem>>
    %dma_start3A_83 = tpu.memref_squeeze %dma_start3A_82 : memref<1x416x64xf32, #tpu.memory_space<vmem>> -> memref<416x64xf32, #tpu.memory_space<vmem>>
    tpu.enqueue_dma source(%dma_start3A_83 : memref<416x64xf32, #tpu.memory_space<vmem>>) target(%dma_start3A_79 : memref<416x64xf32, #tpu.memory_space<hbm>>) target_semaphore(%dma_start3A_77 : memref<!tpu.dma_semaphore, #tpu.memory_space<semaphore_mem>>)
    %dma_wait3A_84 = arith.constant 0 : i32
    %dma_wait3A_85 = arith.constant 0 : i32
    %dma_wait3A_86 = arith.constant 0 : i32
    %dma_wait3A_87 = arith.constant 0 : i32
    %dma_wait3A_88 = tpu.memref_slice %arg6[%dma_wait3A_84, %dma_wait3A_86, %dma_wait3A_87] : memref<4x416x64xf32, #tpu.memory_space<vmem>> -> memref<1x416x64xf32, #tpu.memory_space<vmem>>
    %dma_wait3A_89 = tpu.memref_squeeze %dma_wait3A_88 : memref<1x416x64xf32, #tpu.memory_space<vmem>> -> memref<416x64xf32, #tpu.memory_space<vmem>>
    %dma_wait3A_90 = arith.constant 0 : i32
    %dma_wait3A_91 = tpu.memref_slice %arg4[%add3A_67, %dma_wait3A_90] : memref<425984x64xf32, #tpu.memory_space<hbm>> -> memref<416x64xf32, #tpu.memory_space<hbm>>
    %dma_wait3A_92 = tpu.memref_slice %arg8[%dma_wait3A_85] : memref<4x!tpu.dma_semaphore, #tpu.memory_space<semaphore_mem>> -> memref<1x!tpu.dma_semaphore, #tpu.memory_space<semaphore_mem>>
    %dma_wait3A_93 = tpu.memref_squeeze %dma_wait3A_92 : memref<1x!tpu.dma_semaphore, #tpu.memory_space<semaphore_mem>> -> memref<!tpu.dma_semaphore, #tpu.memory_space<semaphore_mem>>
    %dma_wait3A_94 = arith.constant 0 : i32
    %dma_wait3A_95 = tpu.memref_slice %arg4[%add3A_67, %dma_wait3A_94] : memref<425984x64xf32, #tpu.memory_space<hbm>> -> memref<416x64xf32, #tpu.memory_space<hbm>>
    %dma_wait3A_96 = arith.constant 0 : i32
    %dma_wait3A_97 = arith.constant 0 : i32
    %dma_wait3A_98 = tpu.memref_slice %arg6[%dma_wait3A_84, %dma_wait3A_96, %dma_wait3A_97] : memref<4x416x64xf32, #tpu.memory_space<vmem>> -> memref<1x416x64xf32, #tpu.memory_space<vmem>>
    %dma_wait3A_99 = tpu.memref_squeeze %dma_wait3A_98 : memref<1x416x64xf32, #tpu.memory_space<vmem>> -> memref<416x64xf32, #tpu.memory_space<vmem>>
    tpu.wait_dma2 semaphore(%dma_wait3A_93 : memref<!tpu.dma_semaphore, #tpu.memory_space<semaphore_mem>>) src(%dma_wait3A_99 : memref<416x64xf32, #tpu.memory_space<vmem>>) dst(%dma_wait3A_95 : memref<416x64xf32, #tpu.memory_space<hbm>>)
    %dma_start3A_100 = arith.constant 0 : i32
    %dma_start3A_101 = arith.constant 0 : i32
    %dma_start3A_102 = arith.constant 0 : i32
    %dma_start3A_103 = arith.constant 0 : i32
    %dma_start3A_104 = tpu.memref_slice %arg6[%dma_start3A_100, %dma_start3A_102, %dma_start3A_103] : memref<4x416x64xf32, #tpu.memory_space<vmem>> -> memref<1x416x64xf32, #tpu.memory_space<vmem>>
    %dma_start3A_105 = tpu.memref_squeeze %dma_start3A_104 : memref<1x416x64xf32, #tpu.memory_space<vmem>> -> memref<416x64xf32, #tpu.memory_space<vmem>>
    %dma_start3A_106 = arith.constant 1664 : i32
    %dma_start3A_107 = tpu.memref_slice %arg5[%dma_start3A_106] : memref<13312xi32, #tpu.memory_space<vmem>> -> memref<416xi32, #tpu.memory_space<vmem>>
    %dma_start3A_108 = arith.constant 0 : i32
    %dma_start3A_109 = arith.constant 0 : i32
    %dma_start3A_110 = tpu.memref_slice %arg3[%dma_start3A_108, %dma_start3A_109] : memref<1000000x64xf32, #tpu.memory_space<hbm>> -> memref<1000000x64xf32, #tpu.memory_space<hbm>>
    %dma_start3A_111 = tpu.memref_slice %arg7[%dma_start3A_101] : memref<4x!tpu.dma_semaphore, #tpu.memory_space<semaphore_mem>> -> memref<1x!tpu.dma_semaphore, #tpu.memory_space<semaphore_mem>>
    %dma_start3A_112 = tpu.memref_squeeze %dma_start3A_111 : memref<1x!tpu.dma_semaphore, #tpu.memory_space<semaphore_mem>> -> memref<!tpu.dma_semaphore, #tpu.memory_space<semaphore_mem>>
    tpu.enqueue_indirect_dma source(%dma_start3A_110 : memref<1000000x64xf32, #tpu.memory_space<hbm>>) target(%dma_start3A_105 : memref<416x64xf32, #tpu.memory_space<vmem>>) offsets(%dma_start3A_107 : memref<416xi32, #tpu.memory_space<vmem>>) semaphore(%dma_start3A_112 : memref<!tpu.dma_semaphore, #tpu.memory_space<semaphore_mem>>)
    %dma_wait3A_113 = arith.constant 1 : i32
    %dma_wait3A_114 = arith.constant 1 : i32
    %dma_wait3A_115 = arith.constant 0 : i32
    %dma_wait3A_116 = arith.constant 0 : i32
    %dma_wait3A_117 = tpu.memref_slice %arg6[%dma_wait3A_113, %dma_wait3A_115, %dma_wait3A_116] : memref<4x416x64xf32, #tpu.memory_space<vmem>> -> memref<1x416x64xf32, #tpu.memory_space<vmem>>
    %dma_wait3A_118 = tpu.memref_squeeze %dma_wait3A_117 : memref<1x416x64xf32, #tpu.memory_space<vmem>> -> memref<416x64xf32, #tpu.memory_space<vmem>>
    %dma_wait3A_119 = arith.constant 416 : i32
    %dma_wait3A_120 = tpu.memref_slice %arg5[%dma_wait3A_119] : memref<13312xi32, #tpu.memory_space<vmem>> -> memref<416xi32, #tpu.memory_space<vmem>>
    %dma_wait3A_121 = arith.constant 0 : i32
    %dma_wait3A_122 = arith.constant 0 : i32
    %dma_wait3A_123 = tpu.memref_slice %arg3[%dma_wait3A_121, %dma_wait3A_122] : memref<1000000x64xf32, #tpu.memory_space<hbm>> -> memref<1000000x64xf32, #tpu.memory_space<hbm>>
    %dma_wait3A_124 = tpu.memref_slice %arg7[%dma_wait3A_114] : memref<4x!tpu.dma_semaphore, #tpu.memory_space<semaphore_mem>> -> memref<1x!tpu.dma_semaphore, #tpu.memory_space<semaphore_mem>>
    %dma_wait3A_125 = tpu.memref_squeeze %dma_wait3A_124 : memref<1x!tpu.dma_semaphore, #tpu.memory_space<semaphore_mem>> -> memref<!tpu.dma_semaphore, #tpu.memory_space<semaphore_mem>>
    tpu.wait_indirect_dma semaphore(%dma_wait3A_125 : memref<!tpu.dma_semaphore, #tpu.memory_space<semaphore_mem>>) src(%dma_wait3A_123 : memref<1000000x64xf32, #tpu.memory_space<hbm>>) dst(%dma_wait3A_118 : memref<416x64xf32, #tpu.memory_space<vmem>>)
    %add3A_126 = arith.constant 416 : i32
    %add3A_127 = arith.addi %mul3A_2, %add3A_126 : i32
    %dma_start3A_128 = arith.constant 1 : i32
    %dma_start3A_129 = arith.constant 1 : i32
    %dma_start3A_130 = arith.constant 0 : i32
    %dma_start3A_131 = arith.constant 0 : i32
    %dma_start3A_132 = tpu.memref_slice %arg6[%dma_start3A_128, %dma_start3A_130, %dma_start3A_131] : memref<4x416x64xf32, #tpu.memory_space<vmem>> -> memref<1x416x64xf32, #tpu.memory_space<vmem>>
    %dma_start3A_133 = tpu.memref_squeeze %dma_start3A_132 : memref<1x416x64xf32, #tpu.memory_space<vmem>> -> memref<416x64xf32, #tpu.memory_space<vmem>>
    %dma_start3A_134 = arith.constant 0 : i32
    %dma_start3A_135 = tpu.memref_slice %arg4[%add3A_127, %dma_start3A_134] : memref<425984x64xf32, #tpu.memory_space<hbm>> -> memref<416x64xf32, #tpu.memory_space<hbm>>
    %dma_start3A_136 = tpu.memref_slice %arg8[%dma_start3A_129] : memref<4x!tpu.dma_semaphore, #tpu.memory_space<semaphore_mem>> -> memref<1x!tpu.dma_semaphore, #tpu.memory_space<semaphore_mem>>
    %dma_start3A_137 = tpu.memref_squeeze %dma_start3A_136 : memref<1x!tpu.dma_semaphore, #tpu.memory_space<semaphore_mem>> -> memref<!tpu.dma_semaphore, #tpu.memory_space<semaphore_mem>>
    %dma_start3A_138 = arith.constant 0 : i32
    %dma_start3A_139 = tpu.memref_slice %arg4[%add3A_127, %dma_start3A_138] : memref<425984x64xf32, #tpu.memory_space<hbm>> -> memref<416x64xf32, #tpu.memory_space<hbm>>
    %dma_start3A_140 = arith.constant 0 : i32
    %dma_start3A_141 = arith.constant 0 : i32
    %dma_start3A_142 = tpu.memref_slice %arg6[%dma_start3A_128, %dma_start3A_140, %dma_start3A_141] : memref<4x416x64xf32, #tpu.memory_space<vmem>> -> memref<1x416x64xf32, #tpu.memory_space<vmem>>
    %dma_start3A_143 = tpu.memref_squeeze %dma_start3A_142 : memref<1x416x64xf32, #tpu.memory_space<vmem>> -> memref<416x64xf32, #tpu.memory_space<vmem>>
    tpu.enqueue_dma source(%dma_start3A_143 : memref<416x64xf32, #tpu.memory_space<vmem>>) target(%dma_start3A_139 : memref<416x64xf32, #tpu.memory_space<hbm>>) target_semaphore(%dma_start3A_137 : memref<!tpu.dma_semaphore, #tpu.memory_space<semaphore_mem>>)
    %dma_wait3A_144 = arith.constant 1 : i32
    %dma_wait3A_145 = arith.constant 1 : i32
    %dma_wait3A_146 = arith.constant 0 : i32
    %dma_wait3A_147 = arith.constant 0 : i32
    %dma_wait3A_148 = tpu.memref_slice %arg6[%dma_wait3A_144, %dma_wait3A_146, %dma_wait3A_147] : memref<4x416x64xf32, #tpu.memory_space<vmem>> -> memref<1x416x64xf32, #tpu.memory_space<vmem>>
    %dma_wait3A_149 = tpu.memref_squeeze %dma_wait3A_148 : memref<1x416x64xf32, #tpu.memory_space<vmem>> -> memref<416x64xf32, #tpu.memory_space<vmem>>
    %dma_wait3A_150 = arith.constant 0 : i32
    %dma_wait3A_151 = tpu.memref_slice %arg4[%add3A_127, %dma_wait3A_150] : memref<425984x64xf32, #tpu.memory_space<hbm>> -> memref<416x64xf32, #tpu.memory_space<hbm>>
    %dma_wait3A_152 = tpu.memref_slice %arg8[%dma_wait3A_145] : memref<4x!tpu.dma_semaphore, #tpu.memory_space<semaphore_mem>> -> memref<1x!tpu.dma_semaphore, #tpu.memory_space<semaphore_mem>>
    %dma_wait3A_153 = tpu.memref_squeeze %dma_wait3A_152 : memref<1x!tpu.dma_semaphore, #tpu.memory_space<semaphore_mem>> -> memref<!tpu.dma_semaphore, #tpu.memory_space<semaphore_mem>>
    %dma_wait3A_154 = arith.constant 0 : i32
    %dma_wait3A_155 = tpu.memref_slice %arg4[%add3A_127, %dma_wait3A_154] : memref<425984x64xf32, #tpu.memory_space<hbm>> -> memref<416x64xf32, #tpu.memory_space<hbm>>
    %dma_wait3A_156 = arith.constant 0 : i32
    %dma_wait3A_157 = arith.constant 0 : i32
    %dma_wait3A_158 = tpu.memref_slice %arg6[%dma_wait3A_144, %dma_wait3A_156, %dma_wait3A_157] : memref<4x416x64xf32, #tpu.memory_space<vmem>> -> memref<1x416x64xf32, #tpu.memory_space<vmem>>
    %dma_wait3A_159 = tpu.memref_squeeze %dma_wait3A_158 : memref<1x416x64xf32, #tpu.memory_space<vmem>> -> memref<416x64xf32, #tpu.memory_space<vmem>>
    tpu.wait_dma2 semaphore(%dma_wait3A_153 : memref<!tpu.dma_semaphore, #tpu.memory_space<semaphore_mem>>) src(%dma_wait3A_159 : memref<416x64xf32, #tpu.memory_space<vmem>>) dst(%dma_wait3A_155 : memref<416x64xf32, #tpu.memory_space<hbm>>)
    %dma_start3A_160 = arith.constant 1 : i32
    %dma_start3A_161 = arith.constant 1 : i32
    %dma_start3A_162 = arith.constant 0 : i32
    %dma_start3A_163 = arith.constant 0 : i32
    %dma_start3A_164 = tpu.memref_slice %arg6[%dma_start3A_160, %dma_start3A_162, %dma_start3A_163] : memref<4x416x64xf32, #tpu.memory_space<vmem>> -> memref<1x416x64xf32, #tpu.memory_space<vmem>>
    %dma_start3A_165 = tpu.memref_squeeze %dma_start3A_164 : memref<1x416x64xf32, #tpu.memory_space<vmem>> -> memref<416x64xf32, #tpu.memory_space<vmem>>
    %dma_start3A_166 = arith.constant 2080 : i32
    %dma_start3A_167 = tpu.memref_slice %arg5[%dma_start3A_166] : memref<13312xi32, #tpu.memory_space<vmem>> -> memref<416xi32, #tpu.memory_space<vmem>>
    %dma_start3A_168 = arith.constant 0 : i32
    %dma_start3A_169 = arith.constant 0 : i32
    %dma_start3A_170 = tpu.memref_slice %arg3[%dma_start3A_168, %dma_start3A_169] : memref<1000000x64xf32, #tpu.memory_space<hbm>> -> memref<1000000x64xf32, #tpu.memory_space<hbm>>
    %dma_start3A_171 = tpu.memref_slice %arg7[%dma_start3A_161] : memref<4x!tpu.dma_semaphore, #tpu.memory_space<semaphore_mem>> -> memref<1x!tpu.dma_semaphore, #tpu.memory_space<semaphore_mem>>
    %dma_start3A_172 = tpu.memref_squeeze %dma_start3A_171 : memref<1x!tpu.dma_semaphore, #tpu.memory_space<semaphore_mem>> -> memref<!tpu.dma_semaphore, #tpu.memory_space<semaphore_mem>>
    tpu.enqueue_indirect_dma source(%dma_start3A_170 : memref<1000000x64xf32, #tpu.memory_space<hbm>>) target(%dma_start3A_165 : memref<416x64xf32, #tpu.memory_space<vmem>>) offsets(%dma_start3A_167 : memref<416xi32, #tpu.memory_space<vmem>>) semaphore(%dma_start3A_172 : memref<!tpu.dma_semaphore, #tpu.memory_space<semaphore_mem>>)
    %dma_wait3A_173 = arith.constant 2 : i32
    %dma_wait3A_174 = arith.constant 2 : i32
    %dma_wait3A_175 = arith.constant 0 : i32
    %dma_wait3A_176 = arith.constant 0 : i32
    %dma_wait3A_177 = tpu.memref_slice %arg6[%dma_wait3A_173, %dma_wait3A_175, %dma_wait3A_176] : memref<4x416x64xf32, #tpu.memory_space<vmem>> -> memref<1x416x64xf32, #tpu.memory_space<vmem>>
    %dma_wait3A_178 = tpu.memref_squeeze %dma_wait3A_177 : memref<1x416x64xf32, #tpu.memory_space<vmem>> -> memref<416x64xf32, #tpu.memory_space<vmem>>
    %dma_wait3A_179 = arith.constant 832 : i32
    %dma_wait3A_180 = tpu.memref_slice %arg5[%dma_wait3A_179] : memref<13312xi32, #tpu.memory_space<vmem>> -> memref<416xi32, #tpu.memory_space<vmem>>
    %dma_wait3A_181 = arith.constant 0 : i32
    %dma_wait3A_182 = arith.constant 0 : i32
    %dma_wait3A_183 = tpu.memref_slice %arg3[%dma_wait3A_181, %dma_wait3A_182] : memref<1000000x64xf32, #tpu.memory_space<hbm>> -> memref<1000000x64xf32, #tpu.memory_space<hbm>>
    %dma_wait3A_184 = tpu.memref_slice %arg7[%dma_wait3A_174] : memref<4x!tpu.dma_semaphore, #tpu.memory_space<semaphore_mem>> -> memref<1x!tpu.dma_semaphore, #tpu.memory_space<semaphore_mem>>
    %dma_wait3A_185 = tpu.memref_squeeze %dma_wait3A_184 : memref<1x!tpu.dma_semaphore, #tpu.memory_space<semaphore_mem>> -> memref<!tpu.dma_semaphore, #tpu.memory_space<semaphore_mem>>
    tpu.wait_indirect_dma semaphore(%dma_wait3A_185 : memref<!tpu.dma_semaphore, #tpu.memory_space<semaphore_mem>>) src(%dma_wait3A_183 : memref<1000000x64xf32, #tpu.memory_space<hbm>>) dst(%dma_wait3A_178 : memref<416x64xf32, #tpu.memory_space<vmem>>)
    %add3A_186 = arith.constant 832 : i32
    %add3A_187 = arith.addi %mul3A_2, %add3A_186 : i32
    %dma_start3A_188 = arith.constant 2 : i32
    %dma_start3A_189 = arith.constant 2 : i32
    %dma_start3A_190 = arith.constant 0 : i32
    %dma_start3A_191 = arith.constant 0 : i32
    %dma_start3A_192 = tpu.memref_slice %arg6[%dma_start3A_188, %dma_start3A_190, %dma_start3A_191] : memref<4x416x64xf32, #tpu.memory_space<vmem>> -> memref<1x416x64xf32, #tpu.memory_space<vmem>>
    %dma_start3A_193 = tpu.memref_squeeze %dma_start3A_192 : memref<1x416x64xf32, #tpu.memory_space<vmem>> -> memref<416x64xf32, #tpu.memory_space<vmem>>
    %dma_start3A_194 = arith.constant 0 : i32
    %dma_start3A_195 = tpu.memref_slice %arg4[%add3A_187, %dma_start3A_194] : memref<425984x64xf32, #tpu.memory_space<hbm>> -> memref<416x64xf32, #tpu.memory_space<hbm>>
    %dma_start3A_196 = tpu.memref_slice %arg8[%dma_start3A_189] : memref<4x!tpu.dma_semaphore, #tpu.memory_space<semaphore_mem>> -> memref<1x!tpu.dma_semaphore, #tpu.memory_space<semaphore_mem>>
    %dma_start3A_197 = tpu.memref_squeeze %dma_start3A_196 : memref<1x!tpu.dma_semaphore, #tpu.memory_space<semaphore_mem>> -> memref<!tpu.dma_semaphore, #tpu.memory_space<semaphore_mem>>
    %dma_start3A_198 = arith.constant 0 : i32
    %dma_start3A_199 = tpu.memref_slice %arg4[%add3A_187, %dma_start3A_198] : memref<425984x64xf32, #tpu.memory_space<hbm>> -> memref<416x64xf32, #tpu.memory_space<hbm>>
    %dma_start3A_200 = arith.constant 0 : i32
    %dma_start3A_201 = arith.constant 0 : i32
    %dma_start3A_202 = tpu.memref_slice %arg6[%dma_start3A_188, %dma_start3A_200, %dma_start3A_201] : memref<4x416x64xf32, #tpu.memory_space<vmem>> -> memref<1x416x64xf32, #tpu.memory_space<vmem>>
    %dma_start3A_203 = tpu.memref_squeeze %dma_start3A_202 : memref<1x416x64xf32, #tpu.memory_space<vmem>> -> memref<416x64xf32, #tpu.memory_space<vmem>>
    tpu.enqueue_dma source(%dma_start3A_203 : memref<416x64xf32, #tpu.memory_space<vmem>>) target(%dma_start3A_199 : memref<416x64xf32, #tpu.memory_space<hbm>>) target_semaphore(%dma_start3A_197 : memref<!tpu.dma_semaphore, #tpu.memory_space<semaphore_mem>>)
    %dma_wait3A_204 = arith.constant 2 : i32
    %dma_wait3A_205 = arith.constant 2 : i32
    %dma_wait3A_206 = arith.constant 0 : i32
    %dma_wait3A_207 = arith.constant 0 : i32
    %dma_wait3A_208 = tpu.memref_slice %arg6[%dma_wait3A_204, %dma_wait3A_206, %dma_wait3A_207] : memref<4x416x64xf32, #tpu.memory_space<vmem>> -> memref<1x416x64xf32, #tpu.memory_space<vmem>>
    %dma_wait3A_209 = tpu.memref_squeeze %dma_wait3A_208 : memref<1x416x64xf32, #tpu.memory_space<vmem>> -> memref<416x64xf32, #tpu.memory_space<vmem>>
    %dma_wait3A_210 = arith.constant 0 : i32
    %dma_wait3A_211 = tpu.memref_slice %arg4[%add3A_187, %dma_wait3A_210] : memref<425984x64xf32, #tpu.memory_space<hbm>> -> memref<416x64xf32, #tpu.memory_space<hbm>>
    %dma_wait3A_212 = tpu.memref_slice %arg8[%dma_wait3A_205] : memref<4x!tpu.dma_semaphore, #tpu.memory_space<semaphore_mem>> -> memref<1x!tpu.dma_semaphore, #tpu.memory_space<semaphore_mem>>
    %dma_wait3A_213 = tpu.memref_squeeze %dma_wait3A_212 : memref<1x!tpu.dma_semaphore, #tpu.memory_space<semaphore_mem>> -> memref<!tpu.dma_semaphore, #tpu.memory_space<semaphore_mem>>
    %dma_wait3A_214 = arith.constant 0 : i32
    %dma_wait3A_215 = tpu.memref_slice %arg4[%add3A_187, %dma_wait3A_214] : memref<425984x64xf32, #tpu.memory_space<hbm>> -> memref<416x64xf32, #tpu.memory_space<hbm>>
    %dma_wait3A_216 = arith.constant 0 : i32
    %dma_wait3A_217 = arith.constant 0 : i32
    %dma_wait3A_218 = tpu.memref_slice %arg6[%dma_wait3A_204, %dma_wait3A_216, %dma_wait3A_217] : memref<4x416x64xf32, #tpu.memory_space<vmem>> -> memref<1x416x64xf32, #tpu.memory_space<vmem>>
    %dma_wait3A_219 = tpu.memref_squeeze %dma_wait3A_218 : memref<1x416x64xf32, #tpu.memory_space<vmem>> -> memref<416x64xf32, #tpu.memory_space<vmem>>
    tpu.wait_dma2 semaphore(%dma_wait3A_213 : memref<!tpu.dma_semaphore, #tpu.memory_space<semaphore_mem>>) src(%dma_wait3A_219 : memref<416x64xf32, #tpu.memory_space<vmem>>) dst(%dma_wait3A_215 : memref<416x64xf32, #tpu.memory_space<hbm>>)
    %dma_start3A_220 = arith.constant 2 : i32
    %dma_start3A_221 = arith.constant 2 : i32
    %dma_start3A_222 = arith.constant 0 : i32
    %dma_start3A_223 = arith.constant 0 : i32
    %dma_start3A_224 = tpu.memref_slice %arg6[%dma_start3A_220, %dma_start3A_222, %dma_start3A_223] : memref<4x416x64xf32, #tpu.memory_space<vmem>> -> memref<1x416x64xf32, #tpu.memory_space<vmem>>
    %dma_start3A_225 = tpu.memref_squeeze %dma_start3A_224 : memref<1x416x64xf32, #tpu.memory_space<vmem>> -> memref<416x64xf32, #tpu.memory_space<vmem>>
    %dma_start3A_226 = arith.constant 2496 : i32
    %dma_start3A_227 = tpu.memref_slice %arg5[%dma_start3A_226] : memref<13312xi32, #tpu.memory_space<vmem>> -> memref<416xi32, #tpu.memory_space<vmem>>
    %dma_start3A_228 = arith.constant 0 : i32
    %dma_start3A_229 = arith.constant 0 : i32
    %dma_start3A_230 = tpu.memref_slice %arg3[%dma_start3A_228, %dma_start3A_229] : memref<1000000x64xf32, #tpu.memory_space<hbm>> -> memref<1000000x64xf32, #tpu.memory_space<hbm>>
    %dma_start3A_231 = tpu.memref_slice %arg7[%dma_start3A_221] : memref<4x!tpu.dma_semaphore, #tpu.memory_space<semaphore_mem>> -> memref<1x!tpu.dma_semaphore, #tpu.memory_space<semaphore_mem>>
    %dma_start3A_232 = tpu.memref_squeeze %dma_start3A_231 : memref<1x!tpu.dma_semaphore, #tpu.memory_space<semaphore_mem>> -> memref<!tpu.dma_semaphore, #tpu.memory_space<semaphore_mem>>
    tpu.enqueue_indirect_dma source(%dma_start3A_230 : memref<1000000x64xf32, #tpu.memory_space<hbm>>) target(%dma_start3A_225 : memref<416x64xf32, #tpu.memory_space<vmem>>) offsets(%dma_start3A_227 : memref<416xi32, #tpu.memory_space<vmem>>) semaphore(%dma_start3A_232 : memref<!tpu.dma_semaphore, #tpu.memory_space<semaphore_mem>>)
    %dma_wait3A_233 = arith.constant 3 : i32
    %dma_wait3A_234 = arith.constant 3 : i32
    %dma_wait3A_235 = arith.constant 0 : i32
    %dma_wait3A_236 = arith.constant 0 : i32
    %dma_wait3A_237 = tpu.memref_slice %arg6[%dma_wait3A_233, %dma_wait3A_235, %dma_wait3A_236] : memref<4x416x64xf32, #tpu.memory_space<vmem>> -> memref<1x416x64xf32, #tpu.memory_space<vmem>>
    %dma_wait3A_238 = tpu.memref_squeeze %dma_wait3A_237 : memref<1x416x64xf32, #tpu.memory_space<vmem>> -> memref<416x64xf32, #tpu.memory_space<vmem>>
    %dma_wait3A_239 = arith.constant 1248 : i32
    %dma_wait3A_240 = tpu.memref_slice %arg5[%dma_wait3A_239] : memref<13312xi32, #tpu.memory_space<vmem>> -> memref<416xi32, #tpu.memory_space<vmem>>
    %dma_wait3A_241 = arith.constant 0 : i32
    %dma_wait3A_242 = arith.constant 0 : i32
    %dma_wait3A_243 = tpu.memref_slice %arg3[%dma_wait3A_241, %dma_wait3A_242] : memref<1000000x64xf32, #tpu.memory_space<hbm>> -> memref<1000000x64xf32, #tpu.memory_space<hbm>>
    %dma_wait3A_244 = tpu.memref_slice %arg7[%dma_wait3A_234] : memref<4x!tpu.dma_semaphore, #tpu.memory_space<semaphore_mem>> -> memref<1x!tpu.dma_semaphore, #tpu.memory_space<semaphore_mem>>
    %dma_wait3A_245 = tpu.memref_squeeze %dma_wait3A_244 : memref<1x!tpu.dma_semaphore, #tpu.memory_space<semaphore_mem>> -> memref<!tpu.dma_semaphore, #tpu.memory_space<semaphore_mem>>
    tpu.wait_indirect_dma semaphore(%dma_wait3A_245 : memref<!tpu.dma_semaphore, #tpu.memory_space<semaphore_mem>>) src(%dma_wait3A_243 : memref<1000000x64xf32, #tpu.memory_space<hbm>>) dst(%dma_wait3A_238 : memref<416x64xf32, #tpu.memory_space<vmem>>)
    %add3A_246 = arith.constant 1248 : i32
    %add3A_247 = arith.addi %mul3A_2, %add3A_246 : i32
    %dma_start3A_248 = arith.constant 3 : i32
    %dma_start3A_249 = arith.constant 3 : i32
    %dma_start3A_250 = arith.constant 0 : i32
    %dma_start3A_251 = arith.constant 0 : i32
    %dma_start3A_252 = tpu.memref_slice %arg6[%dma_start3A_248, %dma_start3A_250, %dma_start3A_251] : memref<4x416x64xf32, #tpu.memory_space<vmem>> -> memref<1x416x64xf32, #tpu.memory_space<vmem>>
    %dma_start3A_253 = tpu.memref_squeeze %dma_start3A_252 : memref<1x416x64xf32, #tpu.memory_space<vmem>> -> memref<416x64xf32, #tpu.memory_space<vmem>>
    %dma_start3A_254 = arith.constant 0 : i32
    %dma_start3A_255 = tpu.memref_slice %arg4[%add3A_247, %dma_start3A_254] : memref<425984x64xf32, #tpu.memory_space<hbm>> -> memref<416x64xf32, #tpu.memory_space<hbm>>
    %dma_start3A_256 = tpu.memref_slice %arg8[%dma_start3A_249] : memref<4x!tpu.dma_semaphore, #tpu.memory_space<semaphore_mem>> -> memref<1x!tpu.dma_semaphore, #tpu.memory_space<semaphore_mem>>
    %dma_start3A_257 = tpu.memref_squeeze %dma_start3A_256 : memref<1x!tpu.dma_semaphore, #tpu.memory_space<semaphore_mem>> -> memref<!tpu.dma_semaphore, #tpu.memory_space<semaphore_mem>>
    %dma_start3A_258 = arith.constant 0 : i32
    %dma_start3A_259 = tpu.memref_slice %arg4[%add3A_247, %dma_start3A_258] : memref<425984x64xf32, #tpu.memory_space<hbm>> -> memref<416x64xf32, #tpu.memory_space<hbm>>
    %dma_start3A_260 = arith.constant 0 : i32
    %dma_start3A_261 = arith.constant 0 : i32
    %dma_start3A_262 = tpu.memref_slice %arg6[%dma_start3A_248, %dma_start3A_260, %dma_start3A_261] : memref<4x416x64xf32, #tpu.memory_space<vmem>> -> memref<1x416x64xf32, #tpu.memory_space<vmem>>
    %dma_start3A_263 = tpu.memref_squeeze %dma_start3A_262 : memref<1x416x64xf32, #tpu.memory_space<vmem>> -> memref<416x64xf32, #tpu.memory_space<vmem>>
    tpu.enqueue_dma source(%dma_start3A_263 : memref<416x64xf32, #tpu.memory_space<vmem>>) target(%dma_start3A_259 : memref<416x64xf32, #tpu.memory_space<hbm>>) target_semaphore(%dma_start3A_257 : memref<!tpu.dma_semaphore, #tpu.memory_space<semaphore_mem>>)
    %dma_wait3A_264 = arith.constant 3 : i32
    %dma_wait3A_265 = arith.constant 3 : i32
    %dma_wait3A_266 = arith.constant 0 : i32
    %dma_wait3A_267 = arith.constant 0 : i32
    %dma_wait3A_268 = tpu.memref_slice %arg6[%dma_wait3A_264, %dma_wait3A_266, %dma_wait3A_267] : memref<4x416x64xf32, #tpu.memory_space<vmem>> -> memref<1x416x64xf32, #tpu.memory_space<vmem>>
    %dma_wait3A_269 = tpu.memref_squeeze %dma_wait3A_268 : memref<1x416x64xf32, #tpu.memory_space<vmem>> -> memref<416x64xf32, #tpu.memory_space<vmem>>
    %dma_wait3A_270 = arith.constant 0 : i32
    %dma_wait3A_271 = tpu.memref_slice %arg4[%add3A_247, %dma_wait3A_270] : memref<425984x64xf32, #tpu.memory_space<hbm>> -> memref<416x64xf32, #tpu.memory_space<hbm>>
    %dma_wait3A_272 = tpu.memref_slice %arg8[%dma_wait3A_265] : memref<4x!tpu.dma_semaphore, #tpu.memory_space<semaphore_mem>> -> memref<1x!tpu.dma_semaphore, #tpu.memory_space<semaphore_mem>>
    %dma_wait3A_273 = tpu.memref_squeeze %dma_wait3A_272 : memref<1x!tpu.dma_semaphore, #tpu.memory_space<semaphore_mem>> -> memref<!tpu.dma_semaphore, #tpu.memory_space<semaphore_mem>>
    %dma_wait3A_274 = arith.constant 0 : i32
    %dma_wait3A_275 = tpu.memref_slice %arg4[%add3A_247, %dma_wait3A_274] : memref<425984x64xf32, #tpu.memory_space<hbm>> -> memref<416x64xf32, #tpu.memory_space<hbm>>
    %dma_wait3A_276 = arith.constant 0 : i32
    %dma_wait3A_277 = arith.constant 0 : i32
    %dma_wait3A_278 = tpu.memref_slice %arg6[%dma_wait3A_264, %dma_wait3A_276, %dma_wait3A_277] : memref<4x416x64xf32, #tpu.memory_space<vmem>> -> memref<1x416x64xf32, #tpu.memory_space<vmem>>
    %dma_wait3A_279 = tpu.memref_squeeze %dma_wait3A_278 : memref<1x416x64xf32, #tpu.memory_space<vmem>> -> memref<416x64xf32, #tpu.memory_space<vmem>>
    tpu.wait_dma2 semaphore(%dma_wait3A_273 : memref<!tpu.dma_semaphore, #tpu.memory_space<semaphore_mem>>) src(%dma_wait3A_279 : memref<416x64xf32, #tpu.memory_space<vmem>>) dst(%dma_wait3A_275 : memref<416x64xf32, #tpu.memory_space<hbm>>)
    %dma_start3A_280 = arith.constant 3 : i32
    %dma_start3A_281 = arith.constant 3 : i32
    %dma_start3A_282 = arith.constant 0 : i32
    %dma_start3A_283 = arith.constant 0 : i32
    %dma_start3A_284 = tpu.memref_slice %arg6[%dma_start3A_280, %dma_start3A_282, %dma_start3A_283] : memref<4x416x64xf32, #tpu.memory_space<vmem>> -> memref<1x416x64xf32, #tpu.memory_space<vmem>>
    %dma_start3A_285 = tpu.memref_squeeze %dma_start3A_284 : memref<1x416x64xf32, #tpu.memory_space<vmem>> -> memref<416x64xf32, #tpu.memory_space<vmem>>
    %dma_start3A_286 = arith.constant 2912 : i32
    %dma_start3A_287 = tpu.memref_slice %arg5[%dma_start3A_286] : memref<13312xi32, #tpu.memory_space<vmem>> -> memref<416xi32, #tpu.memory_space<vmem>>
    %dma_start3A_288 = arith.constant 0 : i32
    %dma_start3A_289 = arith.constant 0 : i32
    %dma_start3A_290 = tpu.memref_slice %arg3[%dma_start3A_288, %dma_start3A_289] : memref<1000000x64xf32, #tpu.memory_space<hbm>> -> memref<1000000x64xf32, #tpu.memory_space<hbm>>
    %dma_start3A_291 = tpu.memref_slice %arg7[%dma_start3A_281] : memref<4x!tpu.dma_semaphore, #tpu.memory_space<semaphore_mem>> -> memref<1x!tpu.dma_semaphore, #tpu.memory_space<semaphore_mem>>
    %dma_start3A_292 = tpu.memref_squeeze %dma_start3A_291 : memref<1x!tpu.dma_semaphore, #tpu.memory_space<semaphore_mem>> -> memref<!tpu.dma_semaphore, #tpu.memory_space<semaphore_mem>>
    tpu.enqueue_indirect_dma source(%dma_start3A_290 : memref<1000000x64xf32, #tpu.memory_space<hbm>>) target(%dma_start3A_285 : memref<416x64xf32, #tpu.memory_space<vmem>>) offsets(%dma_start3A_287 : memref<416xi32, #tpu.memory_space<vmem>>) semaphore(%dma_start3A_292 : memref<!tpu.dma_semaphore, #tpu.memory_space<semaphore_mem>>)
    %dma_wait3A_293 = arith.constant 0 : i32
    %dma_wait3A_294 = arith.constant 0 : i32
    %dma_wait3A_295 = arith.constant 0 : i32
    %dma_wait3A_296 = arith.constant 0 : i32
    %dma_wait3A_297 = tpu.memref_slice %arg6[%dma_wait3A_293, %dma_wait3A_295, %dma_wait3A_296] : memref<4x416x64xf32, #tpu.memory_space<vmem>> -> memref<1x416x64xf32, #tpu.memory_space<vmem>>
    %dma_wait3A_298 = tpu.memref_squeeze %dma_wait3A_297 : memref<1x416x64xf32, #tpu.memory_space<vmem>> -> memref<416x64xf32, #tpu.memory_space<vmem>>
    %dma_wait3A_299 = arith.constant 1664 : i32
    %dma_wait3A_300 = tpu.memref_slice %arg5[%dma_wait3A_299] : memref<13312xi32, #tpu.memory_space<vmem>> -> memref<416xi32, #tpu.memory_space<vmem>>
    %dma_wait3A_301 = arith.constant 0 : i32
    %dma_wait3A_302 = arith.constant 0 : i32
    %dma_wait3A_303 = tpu.memref_slice %arg3[%dma_wait3A_301, %dma_wait3A_302] : memref<1000000x64xf32, #tpu.memory_space<hbm>> -> memref<1000000x64xf32, #tpu.memory_space<hbm>>
    %dma_wait3A_304 = tpu.memref_slice %arg7[%dma_wait3A_294] : memref<4x!tpu.dma_semaphore, #tpu.memory_space<semaphore_mem>> -> memref<1x!tpu.dma_semaphore, #tpu.memory_space<semaphore_mem>>
    %dma_wait3A_305 = tpu.memref_squeeze %dma_wait3A_304 : memref<1x!tpu.dma_semaphore, #tpu.memory_space<semaphore_mem>> -> memref<!tpu.dma_semaphore, #tpu.memory_space<semaphore_mem>>
    tpu.wait_indirect_dma semaphore(%dma_wait3A_305 : memref<!tpu.dma_semaphore, #tpu.memory_space<semaphore_mem>>) src(%dma_wait3A_303 : memref<1000000x64xf32, #tpu.memory_space<hbm>>) dst(%dma_wait3A_298 : memref<416x64xf32, #tpu.memory_space<vmem>>)
    %add3A_306 = arith.constant 1664 : i32
    %add3A_307 = arith.addi %mul3A_2, %add3A_306 : i32
    %dma_start3A_308 = arith.constant 0 : i32
    %dma_start3A_309 = arith.constant 0 : i32
    %dma_start3A_310 = arith.constant 0 : i32
    %dma_start3A_311 = arith.constant 0 : i32
    %dma_start3A_312 = tpu.memref_slice %arg6[%dma_start3A_308, %dma_start3A_310, %dma_start3A_311] : memref<4x416x64xf32, #tpu.memory_space<vmem>> -> memref<1x416x64xf32, #tpu.memory_space<vmem>>
    %dma_start3A_313 = tpu.memref_squeeze %dma_start3A_312 : memref<1x416x64xf32, #tpu.memory_space<vmem>> -> memref<416x64xf32, #tpu.memory_space<vmem>>
    %dma_start3A_314 = arith.constant 0 : i32
    %dma_start3A_315 = tpu.memref_slice %arg4[%add3A_307, %dma_start3A_314] : memref<425984x64xf32, #tpu.memory_space<hbm>> -> memref<416x64xf32, #tpu.memory_space<hbm>>
    %dma_start3A_316 = tpu.memref_slice %arg8[%dma_start3A_309] : memref<4x!tpu.dma_semaphore, #tpu.memory_space<semaphore_mem>> -> memref<1x!tpu.dma_semaphore, #tpu.memory_space<semaphore_mem>>
    %dma_start3A_317 = tpu.memref_squeeze %dma_start3A_316 : memref<1x!tpu.dma_semaphore, #tpu.memory_space<semaphore_mem>> -> memref<!tpu.dma_semaphore, #tpu.memory_space<semaphore_mem>>
    %dma_start3A_318 = arith.constant 0 : i32
    %dma_start3A_319 = tpu.memref_slice %arg4[%add3A_307, %dma_start3A_318] : memref<425984x64xf32, #tpu.memory_space<hbm>> -> memref<416x64xf32, #tpu.memory_space<hbm>>
    %dma_start3A_320 = arith.constant 0 : i32
    %dma_start3A_321 = arith.constant 0 : i32
    %dma_start3A_322 = tpu.memref_slice %arg6[%dma_start3A_308, %dma_start3A_320, %dma_start3A_321] : memref<4x416x64xf32, #tpu.memory_space<vmem>> -> memref<1x416x64xf32, #tpu.memory_space<vmem>>
    %dma_start3A_323 = tpu.memref_squeeze %dma_start3A_322 : memref<1x416x64xf32, #tpu.memory_space<vmem>> -> memref<416x64xf32, #tpu.memory_space<vmem>>
    tpu.enqueue_dma source(%dma_start3A_323 : memref<416x64xf32, #tpu.memory_space<vmem>>) target(%dma_start3A_319 : memref<416x64xf32, #tpu.memory_space<hbm>>) target_semaphore(%dma_start3A_317 : memref<!tpu.dma_semaphore, #tpu.memory_space<semaphore_mem>>)
    %dma_wait3A_324 = arith.constant 0 : i32
    %dma_wait3A_325 = arith.constant 0 : i32
    %dma_wait3A_326 = arith.constant 0 : i32
    %dma_wait3A_327 = arith.constant 0 : i32
    %dma_wait3A_328 = tpu.memref_slice %arg6[%dma_wait3A_324, %dma_wait3A_326, %dma_wait3A_327] : memref<4x416x64xf32, #tpu.memory_space<vmem>> -> memref<1x416x64xf32, #tpu.memory_space<vmem>>
    %dma_wait3A_329 = tpu.memref_squeeze %dma_wait3A_328 : memref<1x416x64xf32, #tpu.memory_space<vmem>> -> memref<416x64xf32, #tpu.memory_space<vmem>>
    %dma_wait3A_330 = arith.constant 0 : i32
    %dma_wait3A_331 = tpu.memref_slice %arg4[%add3A_307, %dma_wait3A_330] : memref<425984x64xf32, #tpu.memory_space<hbm>> -> memref<416x64xf32, #tpu.memory_space<hbm>>
    %dma_wait3A_332 = tpu.memref_slice %arg8[%dma_wait3A_325] : memref<4x!tpu.dma_semaphore, #tpu.memory_space<semaphore_mem>> -> memref<1x!tpu.dma_semaphore, #tpu.memory_space<semaphore_mem>>
    %dma_wait3A_333 = tpu.memref_squeeze %dma_wait3A_332 : memref<1x!tpu.dma_semaphore, #tpu.memory_space<semaphore_mem>> -> memref<!tpu.dma_semaphore, #tpu.memory_space<semaphore_mem>>
    %dma_wait3A_334 = arith.constant 0 : i32
    %dma_wait3A_335 = tpu.memref_slice %arg4[%add3A_307, %dma_wait3A_334] : memref<425984x64xf32, #tpu.memory_space<hbm>> -> memref<416x64xf32, #tpu.memory_space<hbm>>
    %dma_wait3A_336 = arith.constant 0 : i32
    %dma_wait3A_337 = arith.constant 0 : i32
    %dma_wait3A_338 = tpu.memref_slice %arg6[%dma_wait3A_324, %dma_wait3A_336, %dma_wait3A_337] : memref<4x416x64xf32, #tpu.memory_space<vmem>> -> memref<1x416x64xf32, #tpu.memory_space<vmem>>
    %dma_wait3A_339 = tpu.memref_squeeze %dma_wait3A_338 : memref<1x416x64xf32, #tpu.memory_space<vmem>> -> memref<416x64xf32, #tpu.memory_space<vmem>>
    tpu.wait_dma2 semaphore(%dma_wait3A_333 : memref<!tpu.dma_semaphore, #tpu.memory_space<semaphore_mem>>) src(%dma_wait3A_339 : memref<416x64xf32, #tpu.memory_space<vmem>>) dst(%dma_wait3A_335 : memref<416x64xf32, #tpu.memory_space<hbm>>)
    %dma_start3A_340 = arith.constant 0 : i32
    %dma_start3A_341 = arith.constant 0 : i32
    %dma_start3A_342 = arith.constant 0 : i32
    %dma_start3A_343 = arith.constant 0 : i32
    %dma_start3A_344 = tpu.memref_slice %arg6[%dma_start3A_340, %dma_start3A_342, %dma_start3A_343] : memref<4x416x64xf32, #tpu.memory_space<vmem>> -> memref<1x416x64xf32, #tpu.memory_space<vmem>>
    %dma_start3A_345 = tpu.memref_squeeze %dma_start3A_344 : memref<1x416x64xf32, #tpu.memory_space<vmem>> -> memref<416x64xf32, #tpu.memory_space<vmem>>
    %dma_start3A_346 = arith.constant 3328 : i32
    %dma_start3A_347 = tpu.memref_slice %arg5[%dma_start3A_346] : memref<13312xi32, #tpu.memory_space<vmem>> -> memref<416xi32, #tpu.memory_space<vmem>>
    %dma_start3A_348 = arith.constant 0 : i32
    %dma_start3A_349 = arith.constant 0 : i32
    %dma_start3A_350 = tpu.memref_slice %arg3[%dma_start3A_348, %dma_start3A_349] : memref<1000000x64xf32, #tpu.memory_space<hbm>> -> memref<1000000x64xf32, #tpu.memory_space<hbm>>
    %dma_start3A_351 = tpu.memref_slice %arg7[%dma_start3A_341] : memref<4x!tpu.dma_semaphore, #tpu.memory_space<semaphore_mem>> -> memref<1x!tpu.dma_semaphore, #tpu.memory_space<semaphore_mem>>
    %dma_start3A_352 = tpu.memref_squeeze %dma_start3A_351 : memref<1x!tpu.dma_semaphore, #tpu.memory_space<semaphore_mem>> -> memref<!tpu.dma_semaphore, #tpu.memory_space<semaphore_mem>>
    tpu.enqueue_indirect_dma source(%dma_start3A_350 : memref<1000000x64xf32, #tpu.memory_space<hbm>>) target(%dma_start3A_345 : memref<416x64xf32, #tpu.memory_space<vmem>>) offsets(%dma_start3A_347 : memref<416xi32, #tpu.memory_space<vmem>>) semaphore(%dma_start3A_352 : memref<!tpu.dma_semaphore, #tpu.memory_space<semaphore_mem>>)
    %dma_wait3A_353 = arith.constant 1 : i32
    %dma_wait3A_354 = arith.constant 1 : i32
    %dma_wait3A_355 = arith.constant 0 : i32
    %dma_wait3A_356 = arith.constant 0 : i32
    %dma_wait3A_357 = tpu.memref_slice %arg6[%dma_wait3A_353, %dma_wait3A_355, %dma_wait3A_356] : memref<4x416x64xf32, #tpu.memory_space<vmem>> -> memref<1x416x64xf32, #tpu.memory_space<vmem>>
    %dma_wait3A_358 = tpu.memref_squeeze %dma_wait3A_357 : memref<1x416x64xf32, #tpu.memory_space<vmem>> -> memref<416x64xf32, #tpu.memory_space<vmem>>
    %dma_wait3A_359 = arith.constant 2080 : i32
    %dma_wait3A_360 = tpu.memref_slice %arg5[%dma_wait3A_359] : memref<13312xi32, #tpu.memory_space<vmem>> -> memref<416xi32, #tpu.memory_space<vmem>>
    %dma_wait3A_361 = arith.constant 0 : i32
    %dma_wait3A_362 = arith.constant 0 : i32
    %dma_wait3A_363 = tpu.memref_slice %arg3[%dma_wait3A_361, %dma_wait3A_362] : memref<1000000x64xf32, #tpu.memory_space<hbm>> -> memref<1000000x64xf32, #tpu.memory_space<hbm>>
    %dma_wait3A_364 = tpu.memref_slice %arg7[%dma_wait3A_354] : memref<4x!tpu.dma_semaphore, #tpu.memory_space<semaphore_mem>> -> memref<1x!tpu.dma_semaphore, #tpu.memory_space<semaphore_mem>>
    %dma_wait3A_365 = tpu.memref_squeeze %dma_wait3A_364 : memref<1x!tpu.dma_semaphore, #tpu.memory_space<semaphore_mem>> -> memref<!tpu.dma_semaphore, #tpu.memory_space<semaphore_mem>>
    tpu.wait_indirect_dma semaphore(%dma_wait3A_365 : memref<!tpu.dma_semaphore, #tpu.memory_space<semaphore_mem>>) src(%dma_wait3A_363 : memref<1000000x64xf32, #tpu.memory_space<hbm>>) dst(%dma_wait3A_358 : memref<416x64xf32, #tpu.memory_space<vmem>>)
    %add3A_366 = arith.constant 2080 : i32
    %add3A_367 = arith.addi %mul3A_2, %add3A_366 : i32
    %dma_start3A_368 = arith.constant 1 : i32
    %dma_start3A_369 = arith.constant 1 : i32
    %dma_start3A_370 = arith.constant 0 : i32
    %dma_start3A_371 = arith.constant 0 : i32
    %dma_start3A_372 = tpu.memref_slice %arg6[%dma_start3A_368, %dma_start3A_370, %dma_start3A_371] : memref<4x416x64xf32, #tpu.memory_space<vmem>> -> memref<1x416x64xf32, #tpu.memory_space<vmem>>
    %dma_start3A_373 = tpu.memref_squeeze %dma_start3A_372 : memref<1x416x64xf32, #tpu.memory_space<vmem>> -> memref<416x64xf32, #tpu.memory_space<vmem>>
    %dma_start3A_374 = arith.constant 0 : i32
    %dma_start3A_375 = tpu.memref_slice %arg4[%add3A_367, %dma_start3A_374] : memref<425984x64xf32, #tpu.memory_space<hbm>> -> memref<416x64xf32, #tpu.memory_space<hbm>>
    %dma_start3A_376 = tpu.memref_slice %arg8[%dma_start3A_369] : memref<4x!tpu.dma_semaphore, #tpu.memory_space<semaphore_mem>> -> memref<1x!tpu.dma_semaphore, #tpu.memory_space<semaphore_mem>>
    %dma_start3A_377 = tpu.memref_squeeze %dma_start3A_376 : memref<1x!tpu.dma_semaphore, #tpu.memory_space<semaphore_mem>> -> memref<!tpu.dma_semaphore, #tpu.memory_space<semaphore_mem>>
    %dma_start3A_378 = arith.constant 0 : i32
    %dma_start3A_379 = tpu.memref_slice %arg4[%add3A_367, %dma_start3A_378] : memref<425984x64xf32, #tpu.memory_space<hbm>> -> memref<416x64xf32, #tpu.memory_space<hbm>>
    %dma_start3A_380 = arith.constant 0 : i32
    %dma_start3A_381 = arith.constant 0 : i32
    %dma_start3A_382 = tpu.memref_slice %arg6[%dma_start3A_368, %dma_start3A_380, %dma_start3A_381] : memref<4x416x64xf32, #tpu.memory_space<vmem>> -> memref<1x416x64xf32, #tpu.memory_space<vmem>>
    %dma_start3A_383 = tpu.memref_squeeze %dma_start3A_382 : memref<1x416x64xf32, #tpu.memory_space<vmem>> -> memref<416x64xf32, #tpu.memory_space<vmem>>
    tpu.enqueue_dma source(%dma_start3A_383 : memref<416x64xf32, #tpu.memory_space<vmem>>) target(%dma_start3A_379 : memref<416x64xf32, #tpu.memory_space<hbm>>) target_semaphore(%dma_start3A_377 : memref<!tpu.dma_semaphore, #tpu.memory_space<semaphore_mem>>)
    %dma_wait3A_384 = arith.constant 1 : i32
    %dma_wait3A_385 = arith.constant 1 : i32
    %dma_wait3A_386 = arith.constant 0 : i32
    %dma_wait3A_387 = arith.constant 0 : i32
    %dma_wait3A_388 = tpu.memref_slice %arg6[%dma_wait3A_384, %dma_wait3A_386, %dma_wait3A_387] : memref<4x416x64xf32, #tpu.memory_space<vmem>> -> memref<1x416x64xf32, #tpu.memory_space<vmem>>
    %dma_wait3A_389 = tpu.memref_squeeze %dma_wait3A_388 : memref<1x416x64xf32, #tpu.memory_space<vmem>> -> memref<416x64xf32, #tpu.memory_space<vmem>>
    %dma_wait3A_390 = arith.constant 0 : i32
    %dma_wait3A_391 = tpu.memref_slice %arg4[%add3A_367, %dma_wait3A_390] : memref<425984x64xf32, #tpu.memory_space<hbm>> -> memref<416x64xf32, #tpu.memory_space<hbm>>
    %dma_wait3A_392 = tpu.memref_slice %arg8[%dma_wait3A_385] : memref<4x!tpu.dma_semaphore, #tpu.memory_space<semaphore_mem>> -> memref<1x!tpu.dma_semaphore, #tpu.memory_space<semaphore_mem>>
    %dma_wait3A_393 = tpu.memref_squeeze %dma_wait3A_392 : memref<1x!tpu.dma_semaphore, #tpu.memory_space<semaphore_mem>> -> memref<!tpu.dma_semaphore, #tpu.memory_space<semaphore_mem>>
    %dma_wait3A_394 = arith.constant 0 : i32
    %dma_wait3A_395 = tpu.memref_slice %arg4[%add3A_367, %dma_wait3A_394] : memref<425984x64xf32, #tpu.memory_space<hbm>> -> memref<416x64xf32, #tpu.memory_space<hbm>>
    %dma_wait3A_396 = arith.constant 0 : i32
    %dma_wait3A_397 = arith.constant 0 : i32
    %dma_wait3A_398 = tpu.memref_slice %arg6[%dma_wait3A_384, %dma_wait3A_396, %dma_wait3A_397] : memref<4x416x64xf32, #tpu.memory_space<vmem>> -> memref<1x416x64xf32, #tpu.memory_space<vmem>>
    %dma_wait3A_399 = tpu.memref_squeeze %dma_wait3A_398 : memref<1x416x64xf32, #tpu.memory_space<vmem>> -> memref<416x64xf32, #tpu.memory_space<vmem>>
    tpu.wait_dma2 semaphore(%dma_wait3A_393 : memref<!tpu.dma_semaphore, #tpu.memory_space<semaphore_mem>>) src(%dma_wait3A_399 : memref<416x64xf32, #tpu.memory_space<vmem>>) dst(%dma_wait3A_395 : memref<416x64xf32, #tpu.memory_space<hbm>>)
    %dma_start3A_400 = arith.constant 1 : i32
    %dma_start3A_401 = arith.constant 1 : i32
    %dma_start3A_402 = arith.constant 0 : i32
    %dma_start3A_403 = arith.constant 0 : i32
    %dma_start3A_404 = tpu.memref_slice %arg6[%dma_start3A_400, %dma_start3A_402, %dma_start3A_403] : memref<4x416x64xf32, #tpu.memory_space<vmem>> -> memref<1x416x64xf32, #tpu.memory_space<vmem>>
    %dma_start3A_405 = tpu.memref_squeeze %dma_start3A_404 : memref<1x416x64xf32, #tpu.memory_space<vmem>> -> memref<416x64xf32, #tpu.memory_space<vmem>>
    %dma_start3A_406 = arith.constant 3744 : i32
    %dma_start3A_407 = tpu.memref_slice %arg5[%dma_start3A_406] : memref<13312xi32, #tpu.memory_space<vmem>> -> memref<416xi32, #tpu.memory_space<vmem>>
    %dma_start3A_408 = arith.constant 0 : i32
    %dma_start3A_409 = arith.constant 0 : i32
    %dma_start3A_410 = tpu.memref_slice %arg3[%dma_start3A_408, %dma_start3A_409] : memref<1000000x64xf32, #tpu.memory_space<hbm>> -> memref<1000000x64xf32, #tpu.memory_space<hbm>>
    %dma_start3A_411 = tpu.memref_slice %arg7[%dma_start3A_401] : memref<4x!tpu.dma_semaphore, #tpu.memory_space<semaphore_mem>> -> memref<1x!tpu.dma_semaphore, #tpu.memory_space<semaphore_mem>>
    %dma_start3A_412 = tpu.memref_squeeze %dma_start3A_411 : memref<1x!tpu.dma_semaphore, #tpu.memory_space<semaphore_mem>> -> memref<!tpu.dma_semaphore, #tpu.memory_space<semaphore_mem>>
    tpu.enqueue_indirect_dma source(%dma_start3A_410 : memref<1000000x64xf32, #tpu.memory_space<hbm>>) target(%dma_start3A_405 : memref<416x64xf32, #tpu.memory_space<vmem>>) offsets(%dma_start3A_407 : memref<416xi32, #tpu.memory_space<vmem>>) semaphore(%dma_start3A_412 : memref<!tpu.dma_semaphore, #tpu.memory_space<semaphore_mem>>)
    %dma_wait3A_413 = arith.constant 2 : i32
    %dma_wait3A_414 = arith.constant 2 : i32
    %dma_wait3A_415 = arith.constant 0 : i32
    %dma_wait3A_416 = arith.constant 0 : i32
    %dma_wait3A_417 = tpu.memref_slice %arg6[%dma_wait3A_413, %dma_wait3A_415, %dma_wait3A_416] : memref<4x416x64xf32, #tpu.memory_space<vmem>> -> memref<1x416x64xf32, #tpu.memory_space<vmem>>
    %dma_wait3A_418 = tpu.memref_squeeze %dma_wait3A_417 : memref<1x416x64xf32, #tpu.memory_space<vmem>> -> memref<416x64xf32, #tpu.memory_space<vmem>>
    %dma_wait3A_419 = arith.constant 2496 : i32
    %dma_wait3A_420 = tpu.memref_slice %arg5[%dma_wait3A_419] : memref<13312xi32, #tpu.memory_space<vmem>> -> memref<416xi32, #tpu.memory_space<vmem>>
    %dma_wait3A_421 = arith.constant 0 : i32
    %dma_wait3A_422 = arith.constant 0 : i32
    %dma_wait3A_423 = tpu.memref_slice %arg3[%dma_wait3A_421, %dma_wait3A_422] : memref<1000000x64xf32, #tpu.memory_space<hbm>> -> memref<1000000x64xf32, #tpu.memory_space<hbm>>
    %dma_wait3A_424 = tpu.memref_slice %arg7[%dma_wait3A_414] : memref<4x!tpu.dma_semaphore, #tpu.memory_space<semaphore_mem>> -> memref<1x!tpu.dma_semaphore, #tpu.memory_space<semaphore_mem>>
    %dma_wait3A_425 = tpu.memref_squeeze %dma_wait3A_424 : memref<1x!tpu.dma_semaphore, #tpu.memory_space<semaphore_mem>> -> memref<!tpu.dma_semaphore, #tpu.memory_space<semaphore_mem>>
    tpu.wait_indirect_dma semaphore(%dma_wait3A_425 : memref<!tpu.dma_semaphore, #tpu.memory_space<semaphore_mem>>) src(%dma_wait3A_423 : memref<1000000x64xf32, #tpu.memory_space<hbm>>) dst(%dma_wait3A_418 : memref<416x64xf32, #tpu.memory_space<vmem>>)
    %add3A_426 = arith.constant 2496 : i32
    %add3A_427 = arith.addi %mul3A_2, %add3A_426 : i32
    %dma_start3A_428 = arith.constant 2 : i32
    %dma_start3A_429 = arith.constant 2 : i32
    %dma_start3A_430 = arith.constant 0 : i32
    %dma_start3A_431 = arith.constant 0 : i32
    %dma_start3A_432 = tpu.memref_slice %arg6[%dma_start3A_428, %dma_start3A_430, %dma_start3A_431] : memref<4x416x64xf32, #tpu.memory_space<vmem>> -> memref<1x416x64xf32, #tpu.memory_space<vmem>>
    %dma_start3A_433 = tpu.memref_squeeze %dma_start3A_432 : memref<1x416x64xf32, #tpu.memory_space<vmem>> -> memref<416x64xf32, #tpu.memory_space<vmem>>
    %dma_start3A_434 = arith.constant 0 : i32
    %dma_start3A_435 = tpu.memref_slice %arg4[%add3A_427, %dma_start3A_434] : memref<425984x64xf32, #tpu.memory_space<hbm>> -> memref<416x64xf32, #tpu.memory_space<hbm>>
    %dma_start3A_436 = tpu.memref_slice %arg8[%dma_start3A_429] : memref<4x!tpu.dma_semaphore, #tpu.memory_space<semaphore_mem>> -> memref<1x!tpu.dma_semaphore, #tpu.memory_space<semaphore_mem>>
    %dma_start3A_437 = tpu.memref_squeeze %dma_start3A_436 : memref<1x!tpu.dma_semaphore, #tpu.memory_space<semaphore_mem>> -> memref<!tpu.dma_semaphore, #tpu.memory_space<semaphore_mem>>
    %dma_start3A_438 = arith.constant 0 : i32
    %dma_start3A_439 = tpu.memref_slice %arg4[%add3A_427, %dma_start3A_438] : memref<425984x64xf32, #tpu.memory_space<hbm>> -> memref<416x64xf32, #tpu.memory_space<hbm>>
    %dma_start3A_440 = arith.constant 0 : i32
    %dma_start3A_441 = arith.constant 0 : i32
    %dma_start3A_442 = tpu.memref_slice %arg6[%dma_start3A_428, %dma_start3A_440, %dma_start3A_441] : memref<4x416x64xf32, #tpu.memory_space<vmem>> -> memref<1x416x64xf32, #tpu.memory_space<vmem>>
    %dma_start3A_443 = tpu.memref_squeeze %dma_start3A_442 : memref<1x416x64xf32, #tpu.memory_space<vmem>> -> memref<416x64xf32, #tpu.memory_space<vmem>>
    tpu.enqueue_dma source(%dma_start3A_443 : memref<416x64xf32, #tpu.memory_space<vmem>>) target(%dma_start3A_439 : memref<416x64xf32, #tpu.memory_space<hbm>>) target_semaphore(%dma_start3A_437 : memref<!tpu.dma_semaphore, #tpu.memory_space<semaphore_mem>>)
    %dma_wait3A_444 = arith.constant 2 : i32
    %dma_wait3A_445 = arith.constant 2 : i32
    %dma_wait3A_446 = arith.constant 0 : i32
    %dma_wait3A_447 = arith.constant 0 : i32
    %dma_wait3A_448 = tpu.memref_slice %arg6[%dma_wait3A_444, %dma_wait3A_446, %dma_wait3A_447] : memref<4x416x64xf32, #tpu.memory_space<vmem>> -> memref<1x416x64xf32, #tpu.memory_space<vmem>>
    %dma_wait3A_449 = tpu.memref_squeeze %dma_wait3A_448 : memref<1x416x64xf32, #tpu.memory_space<vmem>> -> memref<416x64xf32, #tpu.memory_space<vmem>>
    %dma_wait3A_450 = arith.constant 0 : i32
    %dma_wait3A_451 = tpu.memref_slice %arg4[%add3A_427, %dma_wait3A_450] : memref<425984x64xf32, #tpu.memory_space<hbm>> -> memref<416x64xf32, #tpu.memory_space<hbm>>
    %dma_wait3A_452 = tpu.memref_slice %arg8[%dma_wait3A_445] : memref<4x!tpu.dma_semaphore, #tpu.memory_space<semaphore_mem>> -> memref<1x!tpu.dma_semaphore, #tpu.memory_space<semaphore_mem>>
    %dma_wait3A_453 = tpu.memref_squeeze %dma_wait3A_452 : memref<1x!tpu.dma_semaphore, #tpu.memory_space<semaphore_mem>> -> memref<!tpu.dma_semaphore, #tpu.memory_space<semaphore_mem>>
    %dma_wait3A_454 = arith.constant 0 : i32
    %dma_wait3A_455 = tpu.memref_slice %arg4[%add3A_427, %dma_wait3A_454] : memref<425984x64xf32, #tpu.memory_space<hbm>> -> memref<416x64xf32, #tpu.memory_space<hbm>>
    %dma_wait3A_456 = arith.constant 0 : i32
    %dma_wait3A_457 = arith.constant 0 : i32
    %dma_wait3A_458 = tpu.memref_slice %arg6[%dma_wait3A_444, %dma_wait3A_456, %dma_wait3A_457] : memref<4x416x64xf32, #tpu.memory_space<vmem>> -> memref<1x416x64xf32, #tpu.memory_space<vmem>>
    %dma_wait3A_459 = tpu.memref_squeeze %dma_wait3A_458 : memref<1x416x64xf32, #tpu.memory_space<vmem>> -> memref<416x64xf32, #tpu.memory_space<vmem>>
    tpu.wait_dma2 semaphore(%dma_wait3A_453 : memref<!tpu.dma_semaphore, #tpu.memory_space<semaphore_mem>>) src(%dma_wait3A_459 : memref<416x64xf32, #tpu.memory_space<vmem>>) dst(%dma_wait3A_455 : memref<416x64xf32, #tpu.memory_space<hbm>>)
    %dma_start3A_460 = arith.constant 2 : i32
    %dma_start3A_461 = arith.constant 2 : i32
    %dma_start3A_462 = arith.constant 0 : i32
    %dma_start3A_463 = arith.constant 0 : i32
    %dma_start3A_464 = tpu.memref_slice %arg6[%dma_start3A_460, %dma_start3A_462, %dma_start3A_463] : memref<4x416x64xf32, #tpu.memory_space<vmem>> -> memref<1x416x64xf32, #tpu.memory_space<vmem>>
    %dma_start3A_465 = tpu.memref_squeeze %dma_start3A_464 : memref<1x416x64xf32, #tpu.memory_space<vmem>> -> memref<416x64xf32, #tpu.memory_space<vmem>>
    %dma_start3A_466 = arith.constant 4160 : i32
    %dma_start3A_467 = tpu.memref_slice %arg5[%dma_start3A_466] : memref<13312xi32, #tpu.memory_space<vmem>> -> memref<416xi32, #tpu.memory_space<vmem>>
    %dma_start3A_468 = arith.constant 0 : i32
    %dma_start3A_469 = arith.constant 0 : i32
    %dma_start3A_470 = tpu.memref_slice %arg3[%dma_start3A_468, %dma_start3A_469] : memref<1000000x64xf32, #tpu.memory_space<hbm>> -> memref<1000000x64xf32, #tpu.memory_space<hbm>>
    %dma_start3A_471 = tpu.memref_slice %arg7[%dma_start3A_461] : memref<4x!tpu.dma_semaphore, #tpu.memory_space<semaphore_mem>> -> memref<1x!tpu.dma_semaphore, #tpu.memory_space<semaphore_mem>>
    %dma_start3A_472 = tpu.memref_squeeze %dma_start3A_471 : memref<1x!tpu.dma_semaphore, #tpu.memory_space<semaphore_mem>> -> memref<!tpu.dma_semaphore, #tpu.memory_space<semaphore_mem>>
    tpu.enqueue_indirect_dma source(%dma_start3A_470 : memref<1000000x64xf32, #tpu.memory_space<hbm>>) target(%dma_start3A_465 : memref<416x64xf32, #tpu.memory_space<vmem>>) offsets(%dma_start3A_467 : memref<416xi32, #tpu.memory_space<vmem>>) semaphore(%dma_start3A_472 : memref<!tpu.dma_semaphore, #tpu.memory_space<semaphore_mem>>)
    %dma_wait3A_473 = arith.constant 3 : i32
    %dma_wait3A_474 = arith.constant 3 : i32
    %dma_wait3A_475 = arith.constant 0 : i32
    %dma_wait3A_476 = arith.constant 0 : i32
    %dma_wait3A_477 = tpu.memref_slice %arg6[%dma_wait3A_473, %dma_wait3A_475, %dma_wait3A_476] : memref<4x416x64xf32, #tpu.memory_space<vmem>> -> memref<1x416x64xf32, #tpu.memory_space<vmem>>
    %dma_wait3A_478 = tpu.memref_squeeze %dma_wait3A_477 : memref<1x416x64xf32, #tpu.memory_space<vmem>> -> memref<416x64xf32, #tpu.memory_space<vmem>>
    %dma_wait3A_479 = arith.constant 2912 : i32
    %dma_wait3A_480 = tpu.memref_slice %arg5[%dma_wait3A_479] : memref<13312xi32, #tpu.memory_space<vmem>> -> memref<416xi32, #tpu.memory_space<vmem>>
    %dma_wait3A_481 = arith.constant 0 : i32
    %dma_wait3A_482 = arith.constant 0 : i32
    %dma_wait3A_483 = tpu.memref_slice %arg3[%dma_wait3A_481, %dma_wait3A_482] : memref<1000000x64xf32, #tpu.memory_space<hbm>> -> memref<1000000x64xf32, #tpu.memory_space<hbm>>
    %dma_wait3A_484 = tpu.memref_slice %arg7[%dma_wait3A_474] : memref<4x!tpu.dma_semaphore, #tpu.memory_space<semaphore_mem>> -> memref<1x!tpu.dma_semaphore, #tpu.memory_space<semaphore_mem>>
    %dma_wait3A_485 = tpu.memref_squeeze %dma_wait3A_484 : memref<1x!tpu.dma_semaphore, #tpu.memory_space<semaphore_mem>> -> memref<!tpu.dma_semaphore, #tpu.memory_space<semaphore_mem>>
    tpu.wait_indirect_dma semaphore(%dma_wait3A_485 : memref<!tpu.dma_semaphore, #tpu.memory_space<semaphore_mem>>) src(%dma_wait3A_483 : memref<1000000x64xf32, #tpu.memory_space<hbm>>) dst(%dma_wait3A_478 : memref<416x64xf32, #tpu.memory_space<vmem>>)
    %add3A_486 = arith.constant 2912 : i32
    %add3A_487 = arith.addi %mul3A_2, %add3A_486 : i32
    %dma_start3A_488 = arith.constant 3 : i32
    %dma_start3A_489 = arith.constant 3 : i32
    %dma_start3A_490 = arith.constant 0 : i32
    %dma_start3A_491 = arith.constant 0 : i32
    %dma_start3A_492 = tpu.memref_slice %arg6[%dma_start3A_488, %dma_start3A_490, %dma_start3A_491] : memref<4x416x64xf32, #tpu.memory_space<vmem>> -> memref<1x416x64xf32, #tpu.memory_space<vmem>>
    %dma_start3A_493 = tpu.memref_squeeze %dma_start3A_492 : memref<1x416x64xf32, #tpu.memory_space<vmem>> -> memref<416x64xf32, #tpu.memory_space<vmem>>
    %dma_start3A_494 = arith.constant 0 : i32
    %dma_start3A_495 = tpu.memref_slice %arg4[%add3A_487, %dma_start3A_494] : memref<425984x64xf32, #tpu.memory_space<hbm>> -> memref<416x64xf32, #tpu.memory_space<hbm>>
    %dma_start3A_496 = tpu.memref_slice %arg8[%dma_start3A_489] : memref<4x!tpu.dma_semaphore, #tpu.memory_space<semaphore_mem>> -> memref<1x!tpu.dma_semaphore, #tpu.memory_space<semaphore_mem>>
    %dma_start3A_497 = tpu.memref_squeeze %dma_start3A_496 : memref<1x!tpu.dma_semaphore, #tpu.memory_space<semaphore_mem>> -> memref<!tpu.dma_semaphore, #tpu.memory_space<semaphore_mem>>
    %dma_start3A_498 = arith.constant 0 : i32
    %dma_start3A_499 = tpu.memref_slice %arg4[%add3A_487, %dma_start3A_498] : memref<425984x64xf32, #tpu.memory_space<hbm>> -> memref<416x64xf32, #tpu.memory_space<hbm>>
    %dma_start3A_500 = arith.constant 0 : i32
    %dma_start3A_501 = arith.constant 0 : i32
    %dma_start3A_502 = tpu.memref_slice %arg6[%dma_start3A_488, %dma_start3A_500, %dma_start3A_501] : memref<4x416x64xf32, #tpu.memory_space<vmem>> -> memref<1x416x64xf32, #tpu.memory_space<vmem>>
    %dma_start3A_503 = tpu.memref_squeeze %dma_start3A_502 : memref<1x416x64xf32, #tpu.memory_space<vmem>> -> memref<416x64xf32, #tpu.memory_space<vmem>>
    tpu.enqueue_dma source(%dma_start3A_503 : memref<416x64xf32, #tpu.memory_space<vmem>>) target(%dma_start3A_499 : memref<416x64xf32, #tpu.memory_space<hbm>>) target_semaphore(%dma_start3A_497 : memref<!tpu.dma_semaphore, #tpu.memory_space<semaphore_mem>>)
    %dma_wait3A_504 = arith.constant 3 : i32
    %dma_wait3A_505 = arith.constant 3 : i32
    %dma_wait3A_506 = arith.constant 0 : i32
    %dma_wait3A_507 = arith.constant 0 : i32
    %dma_wait3A_508 = tpu.memref_slice %arg6[%dma_wait3A_504, %dma_wait3A_506, %dma_wait3A_507] : memref<4x416x64xf32, #tpu.memory_space<vmem>> -> memref<1x416x64xf32, #tpu.memory_space<vmem>>
    %dma_wait3A_509 = tpu.memref_squeeze %dma_wait3A_508 : memref<1x416x64xf32, #tpu.memory_space<vmem>> -> memref<416x64xf32, #tpu.memory_space<vmem>>
    %dma_wait3A_510 = arith.constant 0 : i32
    %dma_wait3A_511 = tpu.memref_slice %arg4[%add3A_487, %dma_wait3A_510] : memref<425984x64xf32, #tpu.memory_space<hbm>> -> memref<416x64xf32, #tpu.memory_space<hbm>>
    %dma_wait3A_512 = tpu.memref_slice %arg8[%dma_wait3A_505] : memref<4x!tpu.dma_semaphore, #tpu.memory_space<semaphore_mem>> -> memref<1x!tpu.dma_semaphore, #tpu.memory_space<semaphore_mem>>
    %dma_wait3A_513 = tpu.memref_squeeze %dma_wait3A_512 : memref<1x!tpu.dma_semaphore, #tpu.memory_space<semaphore_mem>> -> memref<!tpu.dma_semaphore, #tpu.memory_space<semaphore_mem>>
    %dma_wait3A_514 = arith.constant 0 : i32
    %dma_wait3A_515 = tpu.memref_slice %arg4[%add3A_487, %dma_wait3A_514] : memref<425984x64xf32, #tpu.memory_space<hbm>> -> memref<416x64xf32, #tpu.memory_space<hbm>>
    %dma_wait3A_516 = arith.constant 0 : i32
    %dma_wait3A_517 = arith.constant 0 : i32
    %dma_wait3A_518 = tpu.memref_slice %arg6[%dma_wait3A_504, %dma_wait3A_516, %dma_wait3A_517] : memref<4x416x64xf32, #tpu.memory_space<vmem>> -> memref<1x416x64xf32, #tpu.memory_space<vmem>>
    %dma_wait3A_519 = tpu.memref_squeeze %dma_wait3A_518 : memref<1x416x64xf32, #tpu.memory_space<vmem>> -> memref<416x64xf32, #tpu.memory_space<vmem>>
    tpu.wait_dma2 semaphore(%dma_wait3A_513 : memref<!tpu.dma_semaphore, #tpu.memory_space<semaphore_mem>>) src(%dma_wait3A_519 : memref<416x64xf32, #tpu.memory_space<vmem>>) dst(%dma_wait3A_515 : memref<416x64xf32, #tpu.memory_space<hbm>>)
    %dma_start3A_520 = arith.constant 3 : i32
    %dma_start3A_521 = arith.constant 3 : i32
    %dma_start3A_522 = arith.constant 0 : i32
    %dma_start3A_523 = arith.constant 0 : i32
    %dma_start3A_524 = tpu.memref_slice %arg6[%dma_start3A_520, %dma_start3A_522, %dma_start3A_523] : memref<4x416x64xf32, #tpu.memory_space<vmem>> -> memref<1x416x64xf32, #tpu.memory_space<vmem>>
    %dma_start3A_525 = tpu.memref_squeeze %dma_start3A_524 : memref<1x416x64xf32, #tpu.memory_space<vmem>> -> memref<416x64xf32, #tpu.memory_space<vmem>>
    %dma_start3A_526 = arith.constant 4576 : i32
    %dma_start3A_527 = tpu.memref_slice %arg5[%dma_start3A_526] : memref<13312xi32, #tpu.memory_space<vmem>> -> memref<416xi32, #tpu.memory_space<vmem>>
    %dma_start3A_528 = arith.constant 0 : i32
    %dma_start3A_529 = arith.constant 0 : i32
    %dma_start3A_530 = tpu.memref_slice %arg3[%dma_start3A_528, %dma_start3A_529] : memref<1000000x64xf32, #tpu.memory_space<hbm>> -> memref<1000000x64xf32, #tpu.memory_space<hbm>>
    %dma_start3A_531 = tpu.memref_slice %arg7[%dma_start3A_521] : memref<4x!tpu.dma_semaphore, #tpu.memory_space<semaphore_mem>> -> memref<1x!tpu.dma_semaphore, #tpu.memory_space<semaphore_mem>>
    %dma_start3A_532 = tpu.memref_squeeze %dma_start3A_531 : memref<1x!tpu.dma_semaphore, #tpu.memory_space<semaphore_mem>> -> memref<!tpu.dma_semaphore, #tpu.memory_space<semaphore_mem>>
    tpu.enqueue_indirect_dma source(%dma_start3A_530 : memref<1000000x64xf32, #tpu.memory_space<hbm>>) target(%dma_start3A_525 : memref<416x64xf32, #tpu.memory_space<vmem>>) offsets(%dma_start3A_527 : memref<416xi32, #tpu.memory_space<vmem>>) semaphore(%dma_start3A_532 : memref<!tpu.dma_semaphore, #tpu.memory_space<semaphore_mem>>)
    %dma_wait3A_533 = arith.constant 0 : i32
    %dma_wait3A_534 = arith.constant 0 : i32
    %dma_wait3A_535 = arith.constant 0 : i32
    %dma_wait3A_536 = arith.constant 0 : i32
    %dma_wait3A_537 = tpu.memref_slice %arg6[%dma_wait3A_533, %dma_wait3A_535, %dma_wait3A_536] : memref<4x416x64xf32, #tpu.memory_space<vmem>> -> memref<1x416x64xf32, #tpu.memory_space<vmem>>
    %dma_wait3A_538 = tpu.memref_squeeze %dma_wait3A_537 : memref<1x416x64xf32, #tpu.memory_space<vmem>> -> memref<416x64xf32, #tpu.memory_space<vmem>>
    %dma_wait3A_539 = arith.constant 3328 : i32
    %dma_wait3A_540 = tpu.memref_slice %arg5[%dma_wait3A_539] : memref<13312xi32, #tpu.memory_space<vmem>> -> memref<416xi32, #tpu.memory_space<vmem>>
    %dma_wait3A_541 = arith.constant 0 : i32
    %dma_wait3A_542 = arith.constant 0 : i32
    %dma_wait3A_543 = tpu.memref_slice %arg3[%dma_wait3A_541, %dma_wait3A_542] : memref<1000000x64xf32, #tpu.memory_space<hbm>> -> memref<1000000x64xf32, #tpu.memory_space<hbm>>
    %dma_wait3A_544 = tpu.memref_slice %arg7[%dma_wait3A_534] : memref<4x!tpu.dma_semaphore, #tpu.memory_space<semaphore_mem>> -> memref<1x!tpu.dma_semaphore, #tpu.memory_space<semaphore_mem>>
    %dma_wait3A_545 = tpu.memref_squeeze %dma_wait3A_544 : memref<1x!tpu.dma_semaphore, #tpu.memory_space<semaphore_mem>> -> memref<!tpu.dma_semaphore, #tpu.memory_space<semaphore_mem>>
    tpu.wait_indirect_dma semaphore(%dma_wait3A_545 : memref<!tpu.dma_semaphore, #tpu.memory_space<semaphore_mem>>) src(%dma_wait3A_543 : memref<1000000x64xf32, #tpu.memory_space<hbm>>) dst(%dma_wait3A_538 : memref<416x64xf32, #tpu.memory_space<vmem>>)
    %add3A_546 = arith.constant 3328 : i32
    %add3A_547 = arith.addi %mul3A_2, %add3A_546 : i32
    %dma_start3A_548 = arith.constant 0 : i32
    %dma_start3A_549 = arith.constant 0 : i32
    %dma_start3A_550 = arith.constant 0 : i32
    %dma_start3A_551 = arith.constant 0 : i32
    %dma_start3A_552 = tpu.memref_slice %arg6[%dma_start3A_548, %dma_start3A_550, %dma_start3A_551] : memref<4x416x64xf32, #tpu.memory_space<vmem>> -> memref<1x416x64xf32, #tpu.memory_space<vmem>>
    %dma_start3A_553 = tpu.memref_squeeze %dma_start3A_552 : memref<1x416x64xf32, #tpu.memory_space<vmem>> -> memref<416x64xf32, #tpu.memory_space<vmem>>
    %dma_start3A_554 = arith.constant 0 : i32
    %dma_start3A_555 = tpu.memref_slice %arg4[%add3A_547, %dma_start3A_554] : memref<425984x64xf32, #tpu.memory_space<hbm>> -> memref<416x64xf32, #tpu.memory_space<hbm>>
    %dma_start3A_556 = tpu.memref_slice %arg8[%dma_start3A_549] : memref<4x!tpu.dma_semaphore, #tpu.memory_space<semaphore_mem>> -> memref<1x!tpu.dma_semaphore, #tpu.memory_space<semaphore_mem>>
    %dma_start3A_557 = tpu.memref_squeeze %dma_start3A_556 : memref<1x!tpu.dma_semaphore, #tpu.memory_space<semaphore_mem>> -> memref<!tpu.dma_semaphore, #tpu.memory_space<semaphore_mem>>
    %dma_start3A_558 = arith.constant 0 : i32
    %dma_start3A_559 = tpu.memref_slice %arg4[%add3A_547, %dma_start3A_558] : memref<425984x64xf32, #tpu.memory_space<hbm>> -> memref<416x64xf32, #tpu.memory_space<hbm>>
    %dma_start3A_560 = arith.constant 0 : i32
    %dma_start3A_561 = arith.constant 0 : i32
    %dma_start3A_562 = tpu.memref_slice %arg6[%dma_start3A_548, %dma_start3A_560, %dma_start3A_561] : memref<4x416x64xf32, #tpu.memory_space<vmem>> -> memref<1x416x64xf32, #tpu.memory_space<vmem>>
    %dma_start3A_563 = tpu.memref_squeeze %dma_start3A_562 : memref<1x416x64xf32, #tpu.memory_space<vmem>> -> memref<416x64xf32, #tpu.memory_space<vmem>>
    tpu.enqueue_dma source(%dma_start3A_563 : memref<416x64xf32, #tpu.memory_space<vmem>>) target(%dma_start3A_559 : memref<416x64xf32, #tpu.memory_space<hbm>>) target_semaphore(%dma_start3A_557 : memref<!tpu.dma_semaphore, #tpu.memory_space<semaphore_mem>>)
    %dma_wait3A_564 = arith.constant 0 : i32
    %dma_wait3A_565 = arith.constant 0 : i32
    %dma_wait3A_566 = arith.constant 0 : i32
    %dma_wait3A_567 = arith.constant 0 : i32
    %dma_wait3A_568 = tpu.memref_slice %arg6[%dma_wait3A_564, %dma_wait3A_566, %dma_wait3A_567] : memref<4x416x64xf32, #tpu.memory_space<vmem>> -> memref<1x416x64xf32, #tpu.memory_space<vmem>>
    %dma_wait3A_569 = tpu.memref_squeeze %dma_wait3A_568 : memref<1x416x64xf32, #tpu.memory_space<vmem>> -> memref<416x64xf32, #tpu.memory_space<vmem>>
    %dma_wait3A_570 = arith.constant 0 : i32
    %dma_wait3A_571 = tpu.memref_slice %arg4[%add3A_547, %dma_wait3A_570] : memref<425984x64xf32, #tpu.memory_space<hbm>> -> memref<416x64xf32, #tpu.memory_space<hbm>>
    %dma_wait3A_572 = tpu.memref_slice %arg8[%dma_wait3A_565] : memref<4x!tpu.dma_semaphore, #tpu.memory_space<semaphore_mem>> -> memref<1x!tpu.dma_semaphore, #tpu.memory_space<semaphore_mem>>
    %dma_wait3A_573 = tpu.memref_squeeze %dma_wait3A_572 : memref<1x!tpu.dma_semaphore, #tpu.memory_space<semaphore_mem>> -> memref<!tpu.dma_semaphore, #tpu.memory_space<semaphore_mem>>
    %dma_wait3A_574 = arith.constant 0 : i32
    %dma_wait3A_575 = tpu.memref_slice %arg4[%add3A_547, %dma_wait3A_574] : memref<425984x64xf32, #tpu.memory_space<hbm>> -> memref<416x64xf32, #tpu.memory_space<hbm>>
    %dma_wait3A_576 = arith.constant 0 : i32
    %dma_wait3A_577 = arith.constant 0 : i32
    %dma_wait3A_578 = tpu.memref_slice %arg6[%dma_wait3A_564, %dma_wait3A_576, %dma_wait3A_577] : memref<4x416x64xf32, #tpu.memory_space<vmem>> -> memref<1x416x64xf32, #tpu.memory_space<vmem>>
    %dma_wait3A_579 = tpu.memref_squeeze %dma_wait3A_578 : memref<1x416x64xf32, #tpu.memory_space<vmem>> -> memref<416x64xf32, #tpu.memory_space<vmem>>
    tpu.wait_dma2 semaphore(%dma_wait3A_573 : memref<!tpu.dma_semaphore, #tpu.memory_space<semaphore_mem>>) src(%dma_wait3A_579 : memref<416x64xf32, #tpu.memory_space<vmem>>) dst(%dma_wait3A_575 : memref<416x64xf32, #tpu.memory_space<hbm>>)
    %dma_start3A_580 = arith.constant 0 : i32
    %dma_start3A_581 = arith.constant 0 : i32
    %dma_start3A_582 = arith.constant 0 : i32
    %dma_start3A_583 = arith.constant 0 : i32
    %dma_start3A_584 = tpu.memref_slice %arg6[%dma_start3A_580, %dma_start3A_582, %dma_start3A_583] : memref<4x416x64xf32, #tpu.memory_space<vmem>> -> memref<1x416x64xf32, #tpu.memory_space<vmem>>
    %dma_start3A_585 = tpu.memref_squeeze %dma_start3A_584 : memref<1x416x64xf32, #tpu.memory_space<vmem>> -> memref<416x64xf32, #tpu.memory_space<vmem>>
    %dma_start3A_586 = arith.constant 4992 : i32
    %dma_start3A_587 = tpu.memref_slice %arg5[%dma_start3A_586] : memref<13312xi32, #tpu.memory_space<vmem>> -> memref<416xi32, #tpu.memory_space<vmem>>
    %dma_start3A_588 = arith.constant 0 : i32
    %dma_start3A_589 = arith.constant 0 : i32
    %dma_start3A_590 = tpu.memref_slice %arg3[%dma_start3A_588, %dma_start3A_589] : memref<1000000x64xf32, #tpu.memory_space<hbm>> -> memref<1000000x64xf32, #tpu.memory_space<hbm>>
    %dma_start3A_591 = tpu.memref_slice %arg7[%dma_start3A_581] : memref<4x!tpu.dma_semaphore, #tpu.memory_space<semaphore_mem>> -> memref<1x!tpu.dma_semaphore, #tpu.memory_space<semaphore_mem>>
    %dma_start3A_592 = tpu.memref_squeeze %dma_start3A_591 : memref<1x!tpu.dma_semaphore, #tpu.memory_space<semaphore_mem>> -> memref<!tpu.dma_semaphore, #tpu.memory_space<semaphore_mem>>
    tpu.enqueue_indirect_dma source(%dma_start3A_590 : memref<1000000x64xf32, #tpu.memory_space<hbm>>) target(%dma_start3A_585 : memref<416x64xf32, #tpu.memory_space<vmem>>) offsets(%dma_start3A_587 : memref<416xi32, #tpu.memory_space<vmem>>) semaphore(%dma_start3A_592 : memref<!tpu.dma_semaphore, #tpu.memory_space<semaphore_mem>>)
    %dma_wait3A_593 = arith.constant 1 : i32
    %dma_wait3A_594 = arith.constant 1 : i32
    %dma_wait3A_595 = arith.constant 0 : i32
    %dma_wait3A_596 = arith.constant 0 : i32
    %dma_wait3A_597 = tpu.memref_slice %arg6[%dma_wait3A_593, %dma_wait3A_595, %dma_wait3A_596] : memref<4x416x64xf32, #tpu.memory_space<vmem>> -> memref<1x416x64xf32, #tpu.memory_space<vmem>>
    %dma_wait3A_598 = tpu.memref_squeeze %dma_wait3A_597 : memref<1x416x64xf32, #tpu.memory_space<vmem>> -> memref<416x64xf32, #tpu.memory_space<vmem>>
    %dma_wait3A_599 = arith.constant 3744 : i32
    %dma_wait3A_600 = tpu.memref_slice %arg5[%dma_wait3A_599] : memref<13312xi32, #tpu.memory_space<vmem>> -> memref<416xi32, #tpu.memory_space<vmem>>
    %dma_wait3A_601 = arith.constant 0 : i32
    %dma_wait3A_602 = arith.constant 0 : i32
    %dma_wait3A_603 = tpu.memref_slice %arg3[%dma_wait3A_601, %dma_wait3A_602] : memref<1000000x64xf32, #tpu.memory_space<hbm>> -> memref<1000000x64xf32, #tpu.memory_space<hbm>>
    %dma_wait3A_604 = tpu.memref_slice %arg7[%dma_wait3A_594] : memref<4x!tpu.dma_semaphore, #tpu.memory_space<semaphore_mem>> -> memref<1x!tpu.dma_semaphore, #tpu.memory_space<semaphore_mem>>
    %dma_wait3A_605 = tpu.memref_squeeze %dma_wait3A_604 : memref<1x!tpu.dma_semaphore, #tpu.memory_space<semaphore_mem>> -> memref<!tpu.dma_semaphore, #tpu.memory_space<semaphore_mem>>
    tpu.wait_indirect_dma semaphore(%dma_wait3A_605 : memref<!tpu.dma_semaphore, #tpu.memory_space<semaphore_mem>>) src(%dma_wait3A_603 : memref<1000000x64xf32, #tpu.memory_space<hbm>>) dst(%dma_wait3A_598 : memref<416x64xf32, #tpu.memory_space<vmem>>)
    %add3A_606 = arith.constant 3744 : i32
    %add3A_607 = arith.addi %mul3A_2, %add3A_606 : i32
    %dma_start3A_608 = arith.constant 1 : i32
    %dma_start3A_609 = arith.constant 1 : i32
    %dma_start3A_610 = arith.constant 0 : i32
    %dma_start3A_611 = arith.constant 0 : i32
    %dma_start3A_612 = tpu.memref_slice %arg6[%dma_start3A_608, %dma_start3A_610, %dma_start3A_611] : memref<4x416x64xf32, #tpu.memory_space<vmem>> -> memref<1x416x64xf32, #tpu.memory_space<vmem>>
    %dma_start3A_613 = tpu.memref_squeeze %dma_start3A_612 : memref<1x416x64xf32, #tpu.memory_space<vmem>> -> memref<416x64xf32, #tpu.memory_space<vmem>>
    %dma_start3A_614 = arith.constant 0 : i32
    %dma_start3A_615 = tpu.memref_slice %arg4[%add3A_607, %dma_start3A_614] : memref<425984x64xf32, #tpu.memory_space<hbm>> -> memref<416x64xf32, #tpu.memory_space<hbm>>
    %dma_start3A_616 = tpu.memref_slice %arg8[%dma_start3A_609] : memref<4x!tpu.dma_semaphore, #tpu.memory_space<semaphore_mem>> -> memref<1x!tpu.dma_semaphore, #tpu.memory_space<semaphore_mem>>
    %dma_start3A_617 = tpu.memref_squeeze %dma_start3A_616 : memref<1x!tpu.dma_semaphore, #tpu.memory_space<semaphore_mem>> -> memref<!tpu.dma_semaphore, #tpu.memory_space<semaphore_mem>>
    %dma_start3A_618 = arith.constant 0 : i32
    %dma_start3A_619 = tpu.memref_slice %arg4[%add3A_607, %dma_start3A_618] : memref<425984x64xf32, #tpu.memory_space<hbm>> -> memref<416x64xf32, #tpu.memory_space<hbm>>
    %dma_start3A_620 = arith.constant 0 : i32
    %dma_start3A_621 = arith.constant 0 : i32
    %dma_start3A_622 = tpu.memref_slice %arg6[%dma_start3A_608, %dma_start3A_620, %dma_start3A_621] : memref<4x416x64xf32, #tpu.memory_space<vmem>> -> memref<1x416x64xf32, #tpu.memory_space<vmem>>
    %dma_start3A_623 = tpu.memref_squeeze %dma_start3A_622 : memref<1x416x64xf32, #tpu.memory_space<vmem>> -> memref<416x64xf32, #tpu.memory_space<vmem>>
    tpu.enqueue_dma source(%dma_start3A_623 : memref<416x64xf32, #tpu.memory_space<vmem>>) target(%dma_start3A_619 : memref<416x64xf32, #tpu.memory_space<hbm>>) target_semaphore(%dma_start3A_617 : memref<!tpu.dma_semaphore, #tpu.memory_space<semaphore_mem>>)
    %dma_wait3A_624 = arith.constant 1 : i32
    %dma_wait3A_625 = arith.constant 1 : i32
    %dma_wait3A_626 = arith.constant 0 : i32
    %dma_wait3A_627 = arith.constant 0 : i32
    %dma_wait3A_628 = tpu.memref_slice %arg6[%dma_wait3A_624, %dma_wait3A_626, %dma_wait3A_627] : memref<4x416x64xf32, #tpu.memory_space<vmem>> -> memref<1x416x64xf32, #tpu.memory_space<vmem>>
    %dma_wait3A_629 = tpu.memref_squeeze %dma_wait3A_628 : memref<1x416x64xf32, #tpu.memory_space<vmem>> -> memref<416x64xf32, #tpu.memory_space<vmem>>
    %dma_wait3A_630 = arith.constant 0 : i32
    %dma_wait3A_631 = tpu.memref_slice %arg4[%add3A_607, %dma_wait3A_630] : memref<425984x64xf32, #tpu.memory_space<hbm>> -> memref<416x64xf32, #tpu.memory_space<hbm>>
    %dma_wait3A_632 = tpu.memref_slice %arg8[%dma_wait3A_625] : memref<4x!tpu.dma_semaphore, #tpu.memory_space<semaphore_mem>> -> memref<1x!tpu.dma_semaphore, #tpu.memory_space<semaphore_mem>>
    %dma_wait3A_633 = tpu.memref_squeeze %dma_wait3A_632 : memref<1x!tpu.dma_semaphore, #tpu.memory_space<semaphore_mem>> -> memref<!tpu.dma_semaphore, #tpu.memory_space<semaphore_mem>>
    %dma_wait3A_634 = arith.constant 0 : i32
    %dma_wait3A_635 = tpu.memref_slice %arg4[%add3A_607, %dma_wait3A_634] : memref<425984x64xf32, #tpu.memory_space<hbm>> -> memref<416x64xf32, #tpu.memory_space<hbm>>
    %dma_wait3A_636 = arith.constant 0 : i32
    %dma_wait3A_637 = arith.constant 0 : i32
    %dma_wait3A_638 = tpu.memref_slice %arg6[%dma_wait3A_624, %dma_wait3A_636, %dma_wait3A_637] : memref<4x416x64xf32, #tpu.memory_space<vmem>> -> memref<1x416x64xf32, #tpu.memory_space<vmem>>
    %dma_wait3A_639 = tpu.memref_squeeze %dma_wait3A_638 : memref<1x416x64xf32, #tpu.memory_space<vmem>> -> memref<416x64xf32, #tpu.memory_space<vmem>>
    tpu.wait_dma2 semaphore(%dma_wait3A_633 : memref<!tpu.dma_semaphore, #tpu.memory_space<semaphore_mem>>) src(%dma_wait3A_639 : memref<416x64xf32, #tpu.memory_space<vmem>>) dst(%dma_wait3A_635 : memref<416x64xf32, #tpu.memory_space<hbm>>)
    %dma_start3A_640 = arith.constant 1 : i32
    %dma_start3A_641 = arith.constant 1 : i32
    %dma_start3A_642 = arith.constant 0 : i32
    %dma_start3A_643 = arith.constant 0 : i32
    %dma_start3A_644 = tpu.memref_slice %arg6[%dma_start3A_640, %dma_start3A_642, %dma_start3A_643] : memref<4x416x64xf32, #tpu.memory_space<vmem>> -> memref<1x416x64xf32, #tpu.memory_space<vmem>>
    %dma_start3A_645 = tpu.memref_squeeze %dma_start3A_644 : memref<1x416x64xf32, #tpu.memory_space<vmem>> -> memref<416x64xf32, #tpu.memory_space<vmem>>
    %dma_start3A_646 = arith.constant 5408 : i32
    %dma_start3A_647 = tpu.memref_slice %arg5[%dma_start3A_646] : memref<13312xi32, #tpu.memory_space<vmem>> -> memref<416xi32, #tpu.memory_space<vmem>>
    %dma_start3A_648 = arith.constant 0 : i32
    %dma_start3A_649 = arith.constant 0 : i32
    %dma_start3A_650 = tpu.memref_slice %arg3[%dma_start3A_648, %dma_start3A_649] : memref<1000000x64xf32, #tpu.memory_space<hbm>> -> memref<1000000x64xf32, #tpu.memory_space<hbm>>
    %dma_start3A_651 = tpu.memref_slice %arg7[%dma_start3A_641] : memref<4x!tpu.dma_semaphore, #tpu.memory_space<semaphore_mem>> -> memref<1x!tpu.dma_semaphore, #tpu.memory_space<semaphore_mem>>
    %dma_start3A_652 = tpu.memref_squeeze %dma_start3A_651 : memref<1x!tpu.dma_semaphore, #tpu.memory_space<semaphore_mem>> -> memref<!tpu.dma_semaphore, #tpu.memory_space<semaphore_mem>>
    tpu.enqueue_indirect_dma source(%dma_start3A_650 : memref<1000000x64xf32, #tpu.memory_space<hbm>>) target(%dma_start3A_645 : memref<416x64xf32, #tpu.memory_space<vmem>>) offsets(%dma_start3A_647 : memref<416xi32, #tpu.memory_space<vmem>>) semaphore(%dma_start3A_652 : memref<!tpu.dma_semaphore, #tpu.memory_space<semaphore_mem>>)
    %dma_wait3A_653 = arith.constant 2 : i32
    %dma_wait3A_654 = arith.constant 2 : i32
    %dma_wait3A_655 = arith.constant 0 : i32
    %dma_wait3A_656 = arith.constant 0 : i32
    %dma_wait3A_657 = tpu.memref_slice %arg6[%dma_wait3A_653, %dma_wait3A_655, %dma_wait3A_656] : memref<4x416x64xf32, #tpu.memory_space<vmem>> -> memref<1x416x64xf32, #tpu.memory_space<vmem>>
    %dma_wait3A_658 = tpu.memref_squeeze %dma_wait3A_657 : memref<1x416x64xf32, #tpu.memory_space<vmem>> -> memref<416x64xf32, #tpu.memory_space<vmem>>
    %dma_wait3A_659 = arith.constant 4160 : i32
    %dma_wait3A_660 = tpu.memref_slice %arg5[%dma_wait3A_659] : memref<13312xi32, #tpu.memory_space<vmem>> -> memref<416xi32, #tpu.memory_space<vmem>>
    %dma_wait3A_661 = arith.constant 0 : i32
    %dma_wait3A_662 = arith.constant 0 : i32
    %dma_wait3A_663 = tpu.memref_slice %arg3[%dma_wait3A_661, %dma_wait3A_662] : memref<1000000x64xf32, #tpu.memory_space<hbm>> -> memref<1000000x64xf32, #tpu.memory_space<hbm>>
    %dma_wait3A_664 = tpu.memref_slice %arg7[%dma_wait3A_654] : memref<4x!tpu.dma_semaphore, #tpu.memory_space<semaphore_mem>> -> memref<1x!tpu.dma_semaphore, #tpu.memory_space<semaphore_mem>>
    %dma_wait3A_665 = tpu.memref_squeeze %dma_wait3A_664 : memref<1x!tpu.dma_semaphore, #tpu.memory_space<semaphore_mem>> -> memref<!tpu.dma_semaphore, #tpu.memory_space<semaphore_mem>>
    tpu.wait_indirect_dma semaphore(%dma_wait3A_665 : memref<!tpu.dma_semaphore, #tpu.memory_space<semaphore_mem>>) src(%dma_wait3A_663 : memref<1000000x64xf32, #tpu.memory_space<hbm>>) dst(%dma_wait3A_658 : memref<416x64xf32, #tpu.memory_space<vmem>>)
    %add3A_666 = arith.constant 4160 : i32
    %add3A_667 = arith.addi %mul3A_2, %add3A_666 : i32
    %dma_start3A_668 = arith.constant 2 : i32
    %dma_start3A_669 = arith.constant 2 : i32
    %dma_start3A_670 = arith.constant 0 : i32
    %dma_start3A_671 = arith.constant 0 : i32
    %dma_start3A_672 = tpu.memref_slice %arg6[%dma_start3A_668, %dma_start3A_670, %dma_start3A_671] : memref<4x416x64xf32, #tpu.memory_space<vmem>> -> memref<1x416x64xf32, #tpu.memory_space<vmem>>
    %dma_start3A_673 = tpu.memref_squeeze %dma_start3A_672 : memref<1x416x64xf32, #tpu.memory_space<vmem>> -> memref<416x64xf32, #tpu.memory_space<vmem>>
    %dma_start3A_674 = arith.constant 0 : i32
    %dma_start3A_675 = tpu.memref_slice %arg4[%add3A_667, %dma_start3A_674] : memref<425984x64xf32, #tpu.memory_space<hbm>> -> memref<416x64xf32, #tpu.memory_space<hbm>>
    %dma_start3A_676 = tpu.memref_slice %arg8[%dma_start3A_669] : memref<4x!tpu.dma_semaphore, #tpu.memory_space<semaphore_mem>> -> memref<1x!tpu.dma_semaphore, #tpu.memory_space<semaphore_mem>>
    %dma_start3A_677 = tpu.memref_squeeze %dma_start3A_676 : memref<1x!tpu.dma_semaphore, #tpu.memory_space<semaphore_mem>> -> memref<!tpu.dma_semaphore, #tpu.memory_space<semaphore_mem>>
    %dma_start3A_678 = arith.constant 0 : i32
    %dma_start3A_679 = tpu.memref_slice %arg4[%add3A_667, %dma_start3A_678] : memref<425984x64xf32, #tpu.memory_space<hbm>> -> memref<416x64xf32, #tpu.memory_space<hbm>>
    %dma_start3A_680 = arith.constant 0 : i32
    %dma_start3A_681 = arith.constant 0 : i32
    %dma_start3A_682 = tpu.memref_slice %arg6[%dma_start3A_668, %dma_start3A_680, %dma_start3A_681] : memref<4x416x64xf32, #tpu.memory_space<vmem>> -> memref<1x416x64xf32, #tpu.memory_space<vmem>>
    %dma_start3A_683 = tpu.memref_squeeze %dma_start3A_682 : memref<1x416x64xf32, #tpu.memory_space<vmem>> -> memref<416x64xf32, #tpu.memory_space<vmem>>
    tpu.enqueue_dma source(%dma_start3A_683 : memref<416x64xf32, #tpu.memory_space<vmem>>) target(%dma_start3A_679 : memref<416x64xf32, #tpu.memory_space<hbm>>) target_semaphore(%dma_start3A_677 : memref<!tpu.dma_semaphore, #tpu.memory_space<semaphore_mem>>)
    %dma_wait3A_684 = arith.constant 2 : i32
    %dma_wait3A_685 = arith.constant 2 : i32
    %dma_wait3A_686 = arith.constant 0 : i32
    %dma_wait3A_687 = arith.constant 0 : i32
    %dma_wait3A_688 = tpu.memref_slice %arg6[%dma_wait3A_684, %dma_wait3A_686, %dma_wait3A_687] : memref<4x416x64xf32, #tpu.memory_space<vmem>> -> memref<1x416x64xf32, #tpu.memory_space<vmem>>
    %dma_wait3A_689 = tpu.memref_squeeze %dma_wait3A_688 : memref<1x416x64xf32, #tpu.memory_space<vmem>> -> memref<416x64xf32, #tpu.memory_space<vmem>>
    %dma_wait3A_690 = arith.constant 0 : i32
    %dma_wait3A_691 = tpu.memref_slice %arg4[%add3A_667, %dma_wait3A_690] : memref<425984x64xf32, #tpu.memory_space<hbm>> -> memref<416x64xf32, #tpu.memory_space<hbm>>
    %dma_wait3A_692 = tpu.memref_slice %arg8[%dma_wait3A_685] : memref<4x!tpu.dma_semaphore, #tpu.memory_space<semaphore_mem>> -> memref<1x!tpu.dma_semaphore, #tpu.memory_space<semaphore_mem>>
    %dma_wait3A_693 = tpu.memref_squeeze %dma_wait3A_692 : memref<1x!tpu.dma_semaphore, #tpu.memory_space<semaphore_mem>> -> memref<!tpu.dma_semaphore, #tpu.memory_space<semaphore_mem>>
    %dma_wait3A_694 = arith.constant 0 : i32
    %dma_wait3A_695 = tpu.memref_slice %arg4[%add3A_667, %dma_wait3A_694] : memref<425984x64xf32, #tpu.memory_space<hbm>> -> memref<416x64xf32, #tpu.memory_space<hbm>>
    %dma_wait3A_696 = arith.constant 0 : i32
    %dma_wait3A_697 = arith.constant 0 : i32
    %dma_wait3A_698 = tpu.memref_slice %arg6[%dma_wait3A_684, %dma_wait3A_696, %dma_wait3A_697] : memref<4x416x64xf32, #tpu.memory_space<vmem>> -> memref<1x416x64xf32, #tpu.memory_space<vmem>>
    %dma_wait3A_699 = tpu.memref_squeeze %dma_wait3A_698 : memref<1x416x64xf32, #tpu.memory_space<vmem>> -> memref<416x64xf32, #tpu.memory_space<vmem>>
    tpu.wait_dma2 semaphore(%dma_wait3A_693 : memref<!tpu.dma_semaphore, #tpu.memory_space<semaphore_mem>>) src(%dma_wait3A_699 : memref<416x64xf32, #tpu.memory_space<vmem>>) dst(%dma_wait3A_695 : memref<416x64xf32, #tpu.memory_space<hbm>>)
    %dma_start3A_700 = arith.constant 2 : i32
    %dma_start3A_701 = arith.constant 2 : i32
    %dma_start3A_702 = arith.constant 0 : i32
    %dma_start3A_703 = arith.constant 0 : i32
    %dma_start3A_704 = tpu.memref_slice %arg6[%dma_start3A_700, %dma_start3A_702, %dma_start3A_703] : memref<4x416x64xf32, #tpu.memory_space<vmem>> -> memref<1x416x64xf32, #tpu.memory_space<vmem>>
    %dma_start3A_705 = tpu.memref_squeeze %dma_start3A_704 : memref<1x416x64xf32, #tpu.memory_space<vmem>> -> memref<416x64xf32, #tpu.memory_space<vmem>>
    %dma_start3A_706 = arith.constant 5824 : i32
    %dma_start3A_707 = tpu.memref_slice %arg5[%dma_start3A_706] : memref<13312xi32, #tpu.memory_space<vmem>> -> memref<416xi32, #tpu.memory_space<vmem>>
    %dma_start3A_708 = arith.constant 0 : i32
    %dma_start3A_709 = arith.constant 0 : i32
    %dma_start3A_710 = tpu.memref_slice %arg3[%dma_start3A_708, %dma_start3A_709] : memref<1000000x64xf32, #tpu.memory_space<hbm>> -> memref<1000000x64xf32, #tpu.memory_space<hbm>>
    %dma_start3A_711 = tpu.memref_slice %arg7[%dma_start3A_701] : memref<4x!tpu.dma_semaphore, #tpu.memory_space<semaphore_mem>> -> memref<1x!tpu.dma_semaphore, #tpu.memory_space<semaphore_mem>>
    %dma_start3A_712 = tpu.memref_squeeze %dma_start3A_711 : memref<1x!tpu.dma_semaphore, #tpu.memory_space<semaphore_mem>> -> memref<!tpu.dma_semaphore, #tpu.memory_space<semaphore_mem>>
    tpu.enqueue_indirect_dma source(%dma_start3A_710 : memref<1000000x64xf32, #tpu.memory_space<hbm>>) target(%dma_start3A_705 : memref<416x64xf32, #tpu.memory_space<vmem>>) offsets(%dma_start3A_707 : memref<416xi32, #tpu.memory_space<vmem>>) semaphore(%dma_start3A_712 : memref<!tpu.dma_semaphore, #tpu.memory_space<semaphore_mem>>)
    %dma_wait3A_713 = arith.constant 3 : i32
    %dma_wait3A_714 = arith.constant 3 : i32
    %dma_wait3A_715 = arith.constant 0 : i32
    %dma_wait3A_716 = arith.constant 0 : i32
    %dma_wait3A_717 = tpu.memref_slice %arg6[%dma_wait3A_713, %dma_wait3A_715, %dma_wait3A_716] : memref<4x416x64xf32, #tpu.memory_space<vmem>> -> memref<1x416x64xf32, #tpu.memory_space<vmem>>
    %dma_wait3A_718 = tpu.memref_squeeze %dma_wait3A_717 : memref<1x416x64xf32, #tpu.memory_space<vmem>> -> memref<416x64xf32, #tpu.memory_space<vmem>>
    %dma_wait3A_719 = arith.constant 4576 : i32
    %dma_wait3A_720 = tpu.memref_slice %arg5[%dma_wait3A_719] : memref<13312xi32, #tpu.memory_space<vmem>> -> memref<416xi32, #tpu.memory_space<vmem>>
    %dma_wait3A_721 = arith.constant 0 : i32
    %dma_wait3A_722 = arith.constant 0 : i32
    %dma_wait3A_723 = tpu.memref_slice %arg3[%dma_wait3A_721, %dma_wait3A_722] : memref<1000000x64xf32, #tpu.memory_space<hbm>> -> memref<1000000x64xf32, #tpu.memory_space<hbm>>
    %dma_wait3A_724 = tpu.memref_slice %arg7[%dma_wait3A_714] : memref<4x!tpu.dma_semaphore, #tpu.memory_space<semaphore_mem>> -> memref<1x!tpu.dma_semaphore, #tpu.memory_space<semaphore_mem>>
    %dma_wait3A_725 = tpu.memref_squeeze %dma_wait3A_724 : memref<1x!tpu.dma_semaphore, #tpu.memory_space<semaphore_mem>> -> memref<!tpu.dma_semaphore, #tpu.memory_space<semaphore_mem>>
    tpu.wait_indirect_dma semaphore(%dma_wait3A_725 : memref<!tpu.dma_semaphore, #tpu.memory_space<semaphore_mem>>) src(%dma_wait3A_723 : memref<1000000x64xf32, #tpu.memory_space<hbm>>) dst(%dma_wait3A_718 : memref<416x64xf32, #tpu.memory_space<vmem>>)
    %add3A_726 = arith.constant 4576 : i32
    %add3A_727 = arith.addi %mul3A_2, %add3A_726 : i32
    %dma_start3A_728 = arith.constant 3 : i32
    %dma_start3A_729 = arith.constant 3 : i32
    %dma_start3A_730 = arith.constant 0 : i32
    %dma_start3A_731 = arith.constant 0 : i32
    %dma_start3A_732 = tpu.memref_slice %arg6[%dma_start3A_728, %dma_start3A_730, %dma_start3A_731] : memref<4x416x64xf32, #tpu.memory_space<vmem>> -> memref<1x416x64xf32, #tpu.memory_space<vmem>>
    %dma_start3A_733 = tpu.memref_squeeze %dma_start3A_732 : memref<1x416x64xf32, #tpu.memory_space<vmem>> -> memref<416x64xf32, #tpu.memory_space<vmem>>
    %dma_start3A_734 = arith.constant 0 : i32
    %dma_start3A_735 = tpu.memref_slice %arg4[%add3A_727, %dma_start3A_734] : memref<425984x64xf32, #tpu.memory_space<hbm>> -> memref<416x64xf32, #tpu.memory_space<hbm>>
    %dma_start3A_736 = tpu.memref_slice %arg8[%dma_start3A_729] : memref<4x!tpu.dma_semaphore, #tpu.memory_space<semaphore_mem>> -> memref<1x!tpu.dma_semaphore, #tpu.memory_space<semaphore_mem>>
    %dma_start3A_737 = tpu.memref_squeeze %dma_start3A_736 : memref<1x!tpu.dma_semaphore, #tpu.memory_space<semaphore_mem>> -> memref<!tpu.dma_semaphore, #tpu.memory_space<semaphore_mem>>
    %dma_start3A_738 = arith.constant 0 : i32
    %dma_start3A_739 = tpu.memref_slice %arg4[%add3A_727, %dma_start3A_738] : memref<425984x64xf32, #tpu.memory_space<hbm>> -> memref<416x64xf32, #tpu.memory_space<hbm>>
    %dma_start3A_740 = arith.constant 0 : i32
    %dma_start3A_741 = arith.constant 0 : i32
    %dma_start3A_742 = tpu.memref_slice %arg6[%dma_start3A_728, %dma_start3A_740, %dma_start3A_741] : memref<4x416x64xf32, #tpu.memory_space<vmem>> -> memref<1x416x64xf32, #tpu.memory_space<vmem>>
    %dma_start3A_743 = tpu.memref_squeeze %dma_start3A_742 : memref<1x416x64xf32, #tpu.memory_space<vmem>> -> memref<416x64xf32, #tpu.memory_space<vmem>>
    tpu.enqueue_dma source(%dma_start3A_743 : memref<416x64xf32, #tpu.memory_space<vmem>>) target(%dma_start3A_739 : memref<416x64xf32, #tpu.memory_space<hbm>>) target_semaphore(%dma_start3A_737 : memref<!tpu.dma_semaphore, #tpu.memory_space<semaphore_mem>>)
    %dma_wait3A_744 = arith.constant 3 : i32
    %dma_wait3A_745 = arith.constant 3 : i32
    %dma_wait3A_746 = arith.constant 0 : i32
    %dma_wait3A_747 = arith.constant 0 : i32
    %dma_wait3A_748 = tpu.memref_slice %arg6[%dma_wait3A_744, %dma_wait3A_746, %dma_wait3A_747] : memref<4x416x64xf32, #tpu.memory_space<vmem>> -> memref<1x416x64xf32, #tpu.memory_space<vmem>>
    %dma_wait3A_749 = tpu.memref_squeeze %dma_wait3A_748 : memref<1x416x64xf32, #tpu.memory_space<vmem>> -> memref<416x64xf32, #tpu.memory_space<vmem>>
    %dma_wait3A_750 = arith.constant 0 : i32
    %dma_wait3A_751 = tpu.memref_slice %arg4[%add3A_727, %dma_wait3A_750] : memref<425984x64xf32, #tpu.memory_space<hbm>> -> memref<416x64xf32, #tpu.memory_space<hbm>>
    %dma_wait3A_752 = tpu.memref_slice %arg8[%dma_wait3A_745] : memref<4x!tpu.dma_semaphore, #tpu.memory_space<semaphore_mem>> -> memref<1x!tpu.dma_semaphore, #tpu.memory_space<semaphore_mem>>
    %dma_wait3A_753 = tpu.memref_squeeze %dma_wait3A_752 : memref<1x!tpu.dma_semaphore, #tpu.memory_space<semaphore_mem>> -> memref<!tpu.dma_semaphore, #tpu.memory_space<semaphore_mem>>
    %dma_wait3A_754 = arith.constant 0 : i32
    %dma_wait3A_755 = tpu.memref_slice %arg4[%add3A_727, %dma_wait3A_754] : memref<425984x64xf32, #tpu.memory_space<hbm>> -> memref<416x64xf32, #tpu.memory_space<hbm>>
    %dma_wait3A_756 = arith.constant 0 : i32
    %dma_wait3A_757 = arith.constant 0 : i32
    %dma_wait3A_758 = tpu.memref_slice %arg6[%dma_wait3A_744, %dma_wait3A_756, %dma_wait3A_757] : memref<4x416x64xf32, #tpu.memory_space<vmem>> -> memref<1x416x64xf32, #tpu.memory_space<vmem>>
    %dma_wait3A_759 = tpu.memref_squeeze %dma_wait3A_758 : memref<1x416x64xf32, #tpu.memory_space<vmem>> -> memref<416x64xf32, #tpu.memory_space<vmem>>
    tpu.wait_dma2 semaphore(%dma_wait3A_753 : memref<!tpu.dma_semaphore, #tpu.memory_space<semaphore_mem>>) src(%dma_wait3A_759 : memref<416x64xf32, #tpu.memory_space<vmem>>) dst(%dma_wait3A_755 : memref<416x64xf32, #tpu.memory_space<hbm>>)
    %dma_start3A_760 = arith.constant 3 : i32
    %dma_start3A_761 = arith.constant 3 : i32
    %dma_start3A_762 = arith.constant 0 : i32
    %dma_start3A_763 = arith.constant 0 : i32
    %dma_start3A_764 = tpu.memref_slice %arg6[%dma_start3A_760, %dma_start3A_762, %dma_start3A_763] : memref<4x416x64xf32, #tpu.memory_space<vmem>> -> memref<1x416x64xf32, #tpu.memory_space<vmem>>
    %dma_start3A_765 = tpu.memref_squeeze %dma_start3A_764 : memref<1x416x64xf32, #tpu.memory_space<vmem>> -> memref<416x64xf32, #tpu.memory_space<vmem>>
    %dma_start3A_766 = arith.constant 6240 : i32
    %dma_start3A_767 = tpu.memref_slice %arg5[%dma_start3A_766] : memref<13312xi32, #tpu.memory_space<vmem>> -> memref<416xi32, #tpu.memory_space<vmem>>
    %dma_start3A_768 = arith.constant 0 : i32
    %dma_start3A_769 = arith.constant 0 : i32
    %dma_start3A_770 = tpu.memref_slice %arg3[%dma_start3A_768, %dma_start3A_769] : memref<1000000x64xf32, #tpu.memory_space<hbm>> -> memref<1000000x64xf32, #tpu.memory_space<hbm>>
    %dma_start3A_771 = tpu.memref_slice %arg7[%dma_start3A_761] : memref<4x!tpu.dma_semaphore, #tpu.memory_space<semaphore_mem>> -> memref<1x!tpu.dma_semaphore, #tpu.memory_space<semaphore_mem>>
    %dma_start3A_772 = tpu.memref_squeeze %dma_start3A_771 : memref<1x!tpu.dma_semaphore, #tpu.memory_space<semaphore_mem>> -> memref<!tpu.dma_semaphore, #tpu.memory_space<semaphore_mem>>
    tpu.enqueue_indirect_dma source(%dma_start3A_770 : memref<1000000x64xf32, #tpu.memory_space<hbm>>) target(%dma_start3A_765 : memref<416x64xf32, #tpu.memory_space<vmem>>) offsets(%dma_start3A_767 : memref<416xi32, #tpu.memory_space<vmem>>) semaphore(%dma_start3A_772 : memref<!tpu.dma_semaphore, #tpu.memory_space<semaphore_mem>>)
    %dma_wait3A_773 = arith.constant 0 : i32
    %dma_wait3A_774 = arith.constant 0 : i32
    %dma_wait3A_775 = arith.constant 0 : i32
    %dma_wait3A_776 = arith.constant 0 : i32
    %dma_wait3A_777 = tpu.memref_slice %arg6[%dma_wait3A_773, %dma_wait3A_775, %dma_wait3A_776] : memref<4x416x64xf32, #tpu.memory_space<vmem>> -> memref<1x416x64xf32, #tpu.memory_space<vmem>>
    %dma_wait3A_778 = tpu.memref_squeeze %dma_wait3A_777 : memref<1x416x64xf32, #tpu.memory_space<vmem>> -> memref<416x64xf32, #tpu.memory_space<vmem>>
    %dma_wait3A_779 = arith.constant 4992 : i32
    %dma_wait3A_780 = tpu.memref_slice %arg5[%dma_wait3A_779] : memref<13312xi32, #tpu.memory_space<vmem>> -> memref<416xi32, #tpu.memory_space<vmem>>
    %dma_wait3A_781 = arith.constant 0 : i32
    %dma_wait3A_782 = arith.constant 0 : i32
    %dma_wait3A_783 = tpu.memref_slice %arg3[%dma_wait3A_781, %dma_wait3A_782] : memref<1000000x64xf32, #tpu.memory_space<hbm>> -> memref<1000000x64xf32, #tpu.memory_space<hbm>>
    %dma_wait3A_784 = tpu.memref_slice %arg7[%dma_wait3A_774] : memref<4x!tpu.dma_semaphore, #tpu.memory_space<semaphore_mem>> -> memref<1x!tpu.dma_semaphore, #tpu.memory_space<semaphore_mem>>
    %dma_wait3A_785 = tpu.memref_squeeze %dma_wait3A_784 : memref<1x!tpu.dma_semaphore, #tpu.memory_space<semaphore_mem>> -> memref<!tpu.dma_semaphore, #tpu.memory_space<semaphore_mem>>
    tpu.wait_indirect_dma semaphore(%dma_wait3A_785 : memref<!tpu.dma_semaphore, #tpu.memory_space<semaphore_mem>>) src(%dma_wait3A_783 : memref<1000000x64xf32, #tpu.memory_space<hbm>>) dst(%dma_wait3A_778 : memref<416x64xf32, #tpu.memory_space<vmem>>)
    %add3A_786 = arith.constant 4992 : i32
    %add3A_787 = arith.addi %mul3A_2, %add3A_786 : i32
    %dma_start3A_788 = arith.constant 0 : i32
    %dma_start3A_789 = arith.constant 0 : i32
    %dma_start3A_790 = arith.constant 0 : i32
    %dma_start3A_791 = arith.constant 0 : i32
    %dma_start3A_792 = tpu.memref_slice %arg6[%dma_start3A_788, %dma_start3A_790, %dma_start3A_791] : memref<4x416x64xf32, #tpu.memory_space<vmem>> -> memref<1x416x64xf32, #tpu.memory_space<vmem>>
    %dma_start3A_793 = tpu.memref_squeeze %dma_start3A_792 : memref<1x416x64xf32, #tpu.memory_space<vmem>> -> memref<416x64xf32, #tpu.memory_space<vmem>>
    %dma_start3A_794 = arith.constant 0 : i32
    %dma_start3A_795 = tpu.memref_slice %arg4[%add3A_787, %dma_start3A_794] : memref<425984x64xf32, #tpu.memory_space<hbm>> -> memref<416x64xf32, #tpu.memory_space<hbm>>
    %dma_start3A_796 = tpu.memref_slice %arg8[%dma_start3A_789] : memref<4x!tpu.dma_semaphore, #tpu.memory_space<semaphore_mem>> -> memref<1x!tpu.dma_semaphore, #tpu.memory_space<semaphore_mem>>
    %dma_start3A_797 = tpu.memref_squeeze %dma_start3A_796 : memref<1x!tpu.dma_semaphore, #tpu.memory_space<semaphore_mem>> -> memref<!tpu.dma_semaphore, #tpu.memory_space<semaphore_mem>>
    %dma_start3A_798 = arith.constant 0 : i32
    %dma_start3A_799 = tpu.memref_slice %arg4[%add3A_787, %dma_start3A_798] : memref<425984x64xf32, #tpu.memory_space<hbm>> -> memref<416x64xf32, #tpu.memory_space<hbm>>
    %dma_start3A_800 = arith.constant 0 : i32
    %dma_start3A_801 = arith.constant 0 : i32
    %dma_start3A_802 = tpu.memref_slice %arg6[%dma_start3A_788, %dma_start3A_800, %dma_start3A_801] : memref<4x416x64xf32, #tpu.memory_space<vmem>> -> memref<1x416x64xf32, #tpu.memory_space<vmem>>
    %dma_start3A_803 = tpu.memref_squeeze %dma_start3A_802 : memref<1x416x64xf32, #tpu.memory_space<vmem>> -> memref<416x64xf32, #tpu.memory_space<vmem>>
    tpu.enqueue_dma source(%dma_start3A_803 : memref<416x64xf32, #tpu.memory_space<vmem>>) target(%dma_start3A_799 : memref<416x64xf32, #tpu.memory_space<hbm>>) target_semaphore(%dma_start3A_797 : memref<!tpu.dma_semaphore, #tpu.memory_space<semaphore_mem>>)
    %dma_wait3A_804 = arith.constant 0 : i32
    %dma_wait3A_805 = arith.constant 0 : i32
    %dma_wait3A_806 = arith.constant 0 : i32
    %dma_wait3A_807 = arith.constant 0 : i32
    %dma_wait3A_808 = tpu.memref_slice %arg6[%dma_wait3A_804, %dma_wait3A_806, %dma_wait3A_807] : memref<4x416x64xf32, #tpu.memory_space<vmem>> -> memref<1x416x64xf32, #tpu.memory_space<vmem>>
    %dma_wait3A_809 = tpu.memref_squeeze %dma_wait3A_808 : memref<1x416x64xf32, #tpu.memory_space<vmem>> -> memref<416x64xf32, #tpu.memory_space<vmem>>
    %dma_wait3A_810 = arith.constant 0 : i32
    %dma_wait3A_811 = tpu.memref_slice %arg4[%add3A_787, %dma_wait3A_810] : memref<425984x64xf32, #tpu.memory_space<hbm>> -> memref<416x64xf32, #tpu.memory_space<hbm>>
    %dma_wait3A_812 = tpu.memref_slice %arg8[%dma_wait3A_805] : memref<4x!tpu.dma_semaphore, #tpu.memory_space<semaphore_mem>> -> memref<1x!tpu.dma_semaphore, #tpu.memory_space<semaphore_mem>>
    %dma_wait3A_813 = tpu.memref_squeeze %dma_wait3A_812 : memref<1x!tpu.dma_semaphore, #tpu.memory_space<semaphore_mem>> -> memref<!tpu.dma_semaphore, #tpu.memory_space<semaphore_mem>>
    %dma_wait3A_814 = arith.constant 0 : i32
    %dma_wait3A_815 = tpu.memref_slice %arg4[%add3A_787, %dma_wait3A_814] : memref<425984x64xf32, #tpu.memory_space<hbm>> -> memref<416x64xf32, #tpu.memory_space<hbm>>
    %dma_wait3A_816 = arith.constant 0 : i32
    %dma_wait3A_817 = arith.constant 0 : i32
    %dma_wait3A_818 = tpu.memref_slice %arg6[%dma_wait3A_804, %dma_wait3A_816, %dma_wait3A_817] : memref<4x416x64xf32, #tpu.memory_space<vmem>> -> memref<1x416x64xf32, #tpu.memory_space<vmem>>
    %dma_wait3A_819 = tpu.memref_squeeze %dma_wait3A_818 : memref<1x416x64xf32, #tpu.memory_space<vmem>> -> memref<416x64xf32, #tpu.memory_space<vmem>>
    tpu.wait_dma2 semaphore(%dma_wait3A_813 : memref<!tpu.dma_semaphore, #tpu.memory_space<semaphore_mem>>) src(%dma_wait3A_819 : memref<416x64xf32, #tpu.memory_space<vmem>>) dst(%dma_wait3A_815 : memref<416x64xf32, #tpu.memory_space<hbm>>)
    %dma_start3A_820 = arith.constant 0 : i32
    %dma_start3A_821 = arith.constant 0 : i32
    %dma_start3A_822 = arith.constant 0 : i32
    %dma_start3A_823 = arith.constant 0 : i32
    %dma_start3A_824 = tpu.memref_slice %arg6[%dma_start3A_820, %dma_start3A_822, %dma_start3A_823] : memref<4x416x64xf32, #tpu.memory_space<vmem>> -> memref<1x416x64xf32, #tpu.memory_space<vmem>>
    %dma_start3A_825 = tpu.memref_squeeze %dma_start3A_824 : memref<1x416x64xf32, #tpu.memory_space<vmem>> -> memref<416x64xf32, #tpu.memory_space<vmem>>
    %dma_start3A_826 = arith.constant 6656 : i32
    %dma_start3A_827 = tpu.memref_slice %arg5[%dma_start3A_826] : memref<13312xi32, #tpu.memory_space<vmem>> -> memref<416xi32, #tpu.memory_space<vmem>>
    %dma_start3A_828 = arith.constant 0 : i32
    %dma_start3A_829 = arith.constant 0 : i32
    %dma_start3A_830 = tpu.memref_slice %arg3[%dma_start3A_828, %dma_start3A_829] : memref<1000000x64xf32, #tpu.memory_space<hbm>> -> memref<1000000x64xf32, #tpu.memory_space<hbm>>
    %dma_start3A_831 = tpu.memref_slice %arg7[%dma_start3A_821] : memref<4x!tpu.dma_semaphore, #tpu.memory_space<semaphore_mem>> -> memref<1x!tpu.dma_semaphore, #tpu.memory_space<semaphore_mem>>
    %dma_start3A_832 = tpu.memref_squeeze %dma_start3A_831 : memref<1x!tpu.dma_semaphore, #tpu.memory_space<semaphore_mem>> -> memref<!tpu.dma_semaphore, #tpu.memory_space<semaphore_mem>>
    tpu.enqueue_indirect_dma source(%dma_start3A_830 : memref<1000000x64xf32, #tpu.memory_space<hbm>>) target(%dma_start3A_825 : memref<416x64xf32, #tpu.memory_space<vmem>>) offsets(%dma_start3A_827 : memref<416xi32, #tpu.memory_space<vmem>>) semaphore(%dma_start3A_832 : memref<!tpu.dma_semaphore, #tpu.memory_space<semaphore_mem>>)
    %dma_wait3A_833 = arith.constant 1 : i32
    %dma_wait3A_834 = arith.constant 1 : i32
    %dma_wait3A_835 = arith.constant 0 : i32
    %dma_wait3A_836 = arith.constant 0 : i32
    %dma_wait3A_837 = tpu.memref_slice %arg6[%dma_wait3A_833, %dma_wait3A_835, %dma_wait3A_836] : memref<4x416x64xf32, #tpu.memory_space<vmem>> -> memref<1x416x64xf32, #tpu.memory_space<vmem>>
    %dma_wait3A_838 = tpu.memref_squeeze %dma_wait3A_837 : memref<1x416x64xf32, #tpu.memory_space<vmem>> -> memref<416x64xf32, #tpu.memory_space<vmem>>
    %dma_wait3A_839 = arith.constant 5408 : i32
    %dma_wait3A_840 = tpu.memref_slice %arg5[%dma_wait3A_839] : memref<13312xi32, #tpu.memory_space<vmem>> -> memref<416xi32, #tpu.memory_space<vmem>>
    %dma_wait3A_841 = arith.constant 0 : i32
    %dma_wait3A_842 = arith.constant 0 : i32
    %dma_wait3A_843 = tpu.memref_slice %arg3[%dma_wait3A_841, %dma_wait3A_842] : memref<1000000x64xf32, #tpu.memory_space<hbm>> -> memref<1000000x64xf32, #tpu.memory_space<hbm>>
    %dma_wait3A_844 = tpu.memref_slice %arg7[%dma_wait3A_834] : memref<4x!tpu.dma_semaphore, #tpu.memory_space<semaphore_mem>> -> memref<1x!tpu.dma_semaphore, #tpu.memory_space<semaphore_mem>>
    %dma_wait3A_845 = tpu.memref_squeeze %dma_wait3A_844 : memref<1x!tpu.dma_semaphore, #tpu.memory_space<semaphore_mem>> -> memref<!tpu.dma_semaphore, #tpu.memory_space<semaphore_mem>>
    tpu.wait_indirect_dma semaphore(%dma_wait3A_845 : memref<!tpu.dma_semaphore, #tpu.memory_space<semaphore_mem>>) src(%dma_wait3A_843 : memref<1000000x64xf32, #tpu.memory_space<hbm>>) dst(%dma_wait3A_838 : memref<416x64xf32, #tpu.memory_space<vmem>>)
    %add3A_846 = arith.constant 5408 : i32
    %add3A_847 = arith.addi %mul3A_2, %add3A_846 : i32
    %dma_start3A_848 = arith.constant 1 : i32
    %dma_start3A_849 = arith.constant 1 : i32
    %dma_start3A_850 = arith.constant 0 : i32
    %dma_start3A_851 = arith.constant 0 : i32
    %dma_start3A_852 = tpu.memref_slice %arg6[%dma_start3A_848, %dma_start3A_850, %dma_start3A_851] : memref<4x416x64xf32, #tpu.memory_space<vmem>> -> memref<1x416x64xf32, #tpu.memory_space<vmem>>
    %dma_start3A_853 = tpu.memref_squeeze %dma_start3A_852 : memref<1x416x64xf32, #tpu.memory_space<vmem>> -> memref<416x64xf32, #tpu.memory_space<vmem>>
    %dma_start3A_854 = arith.constant 0 : i32
    %dma_start3A_855 = tpu.memref_slice %arg4[%add3A_847, %dma_start3A_854] : memref<425984x64xf32, #tpu.memory_space<hbm>> -> memref<416x64xf32, #tpu.memory_space<hbm>>
    %dma_start3A_856 = tpu.memref_slice %arg8[%dma_start3A_849] : memref<4x!tpu.dma_semaphore, #tpu.memory_space<semaphore_mem>> -> memref<1x!tpu.dma_semaphore, #tpu.memory_space<semaphore_mem>>
    %dma_start3A_857 = tpu.memref_squeeze %dma_start3A_856 : memref<1x!tpu.dma_semaphore, #tpu.memory_space<semaphore_mem>> -> memref<!tpu.dma_semaphore, #tpu.memory_space<semaphore_mem>>
    %dma_start3A_858 = arith.constant 0 : i32
    %dma_start3A_859 = tpu.memref_slice %arg4[%add3A_847, %dma_start3A_858] : memref<425984x64xf32, #tpu.memory_space<hbm>> -> memref<416x64xf32, #tpu.memory_space<hbm>>
    %dma_start3A_860 = arith.constant 0 : i32
    %dma_start3A_861 = arith.constant 0 : i32
    %dma_start3A_862 = tpu.memref_slice %arg6[%dma_start3A_848, %dma_start3A_860, %dma_start3A_861] : memref<4x416x64xf32, #tpu.memory_space<vmem>> -> memref<1x416x64xf32, #tpu.memory_space<vmem>>
    %dma_start3A_863 = tpu.memref_squeeze %dma_start3A_862 : memref<1x416x64xf32, #tpu.memory_space<vmem>> -> memref<416x64xf32, #tpu.memory_space<vmem>>
    tpu.enqueue_dma source(%dma_start3A_863 : memref<416x64xf32, #tpu.memory_space<vmem>>) target(%dma_start3A_859 : memref<416x64xf32, #tpu.memory_space<hbm>>) target_semaphore(%dma_start3A_857 : memref<!tpu.dma_semaphore, #tpu.memory_space<semaphore_mem>>)
    %dma_wait3A_864 = arith.constant 1 : i32
    %dma_wait3A_865 = arith.constant 1 : i32
    %dma_wait3A_866 = arith.constant 0 : i32
    %dma_wait3A_867 = arith.constant 0 : i32
    %dma_wait3A_868 = tpu.memref_slice %arg6[%dma_wait3A_864, %dma_wait3A_866, %dma_wait3A_867] : memref<4x416x64xf32, #tpu.memory_space<vmem>> -> memref<1x416x64xf32, #tpu.memory_space<vmem>>
    %dma_wait3A_869 = tpu.memref_squeeze %dma_wait3A_868 : memref<1x416x64xf32, #tpu.memory_space<vmem>> -> memref<416x64xf32, #tpu.memory_space<vmem>>
    %dma_wait3A_870 = arith.constant 0 : i32
    %dma_wait3A_871 = tpu.memref_slice %arg4[%add3A_847, %dma_wait3A_870] : memref<425984x64xf32, #tpu.memory_space<hbm>> -> memref<416x64xf32, #tpu.memory_space<hbm>>
    %dma_wait3A_872 = tpu.memref_slice %arg8[%dma_wait3A_865] : memref<4x!tpu.dma_semaphore, #tpu.memory_space<semaphore_mem>> -> memref<1x!tpu.dma_semaphore, #tpu.memory_space<semaphore_mem>>
    %dma_wait3A_873 = tpu.memref_squeeze %dma_wait3A_872 : memref<1x!tpu.dma_semaphore, #tpu.memory_space<semaphore_mem>> -> memref<!tpu.dma_semaphore, #tpu.memory_space<semaphore_mem>>
    %dma_wait3A_874 = arith.constant 0 : i32
    %dma_wait3A_875 = tpu.memref_slice %arg4[%add3A_847, %dma_wait3A_874] : memref<425984x64xf32, #tpu.memory_space<hbm>> -> memref<416x64xf32, #tpu.memory_space<hbm>>
    %dma_wait3A_876 = arith.constant 0 : i32
    %dma_wait3A_877 = arith.constant 0 : i32
    %dma_wait3A_878 = tpu.memref_slice %arg6[%dma_wait3A_864, %dma_wait3A_876, %dma_wait3A_877] : memref<4x416x64xf32, #tpu.memory_space<vmem>> -> memref<1x416x64xf32, #tpu.memory_space<vmem>>
    %dma_wait3A_879 = tpu.memref_squeeze %dma_wait3A_878 : memref<1x416x64xf32, #tpu.memory_space<vmem>> -> memref<416x64xf32, #tpu.memory_space<vmem>>
    tpu.wait_dma2 semaphore(%dma_wait3A_873 : memref<!tpu.dma_semaphore, #tpu.memory_space<semaphore_mem>>) src(%dma_wait3A_879 : memref<416x64xf32, #tpu.memory_space<vmem>>) dst(%dma_wait3A_875 : memref<416x64xf32, #tpu.memory_space<hbm>>)
    %dma_start3A_880 = arith.constant 1 : i32
    %dma_start3A_881 = arith.constant 1 : i32
    %dma_start3A_882 = arith.constant 0 : i32
    %dma_start3A_883 = arith.constant 0 : i32
    %dma_start3A_884 = tpu.memref_slice %arg6[%dma_start3A_880, %dma_start3A_882, %dma_start3A_883] : memref<4x416x64xf32, #tpu.memory_space<vmem>> -> memref<1x416x64xf32, #tpu.memory_space<vmem>>
    %dma_start3A_885 = tpu.memref_squeeze %dma_start3A_884 : memref<1x416x64xf32, #tpu.memory_space<vmem>> -> memref<416x64xf32, #tpu.memory_space<vmem>>
    %dma_start3A_886 = arith.constant 7072 : i32
    %dma_start3A_887 = tpu.memref_slice %arg5[%dma_start3A_886] : memref<13312xi32, #tpu.memory_space<vmem>> -> memref<416xi32, #tpu.memory_space<vmem>>
    %dma_start3A_888 = arith.constant 0 : i32
    %dma_start3A_889 = arith.constant 0 : i32
    %dma_start3A_890 = tpu.memref_slice %arg3[%dma_start3A_888, %dma_start3A_889] : memref<1000000x64xf32, #tpu.memory_space<hbm>> -> memref<1000000x64xf32, #tpu.memory_space<hbm>>
    %dma_start3A_891 = tpu.memref_slice %arg7[%dma_start3A_881] : memref<4x!tpu.dma_semaphore, #tpu.memory_space<semaphore_mem>> -> memref<1x!tpu.dma_semaphore, #tpu.memory_space<semaphore_mem>>
    %dma_start3A_892 = tpu.memref_squeeze %dma_start3A_891 : memref<1x!tpu.dma_semaphore, #tpu.memory_space<semaphore_mem>> -> memref<!tpu.dma_semaphore, #tpu.memory_space<semaphore_mem>>
    tpu.enqueue_indirect_dma source(%dma_start3A_890 : memref<1000000x64xf32, #tpu.memory_space<hbm>>) target(%dma_start3A_885 : memref<416x64xf32, #tpu.memory_space<vmem>>) offsets(%dma_start3A_887 : memref<416xi32, #tpu.memory_space<vmem>>) semaphore(%dma_start3A_892 : memref<!tpu.dma_semaphore, #tpu.memory_space<semaphore_mem>>)
    %dma_wait3A_893 = arith.constant 2 : i32
    %dma_wait3A_894 = arith.constant 2 : i32
    %dma_wait3A_895 = arith.constant 0 : i32
    %dma_wait3A_896 = arith.constant 0 : i32
    %dma_wait3A_897 = tpu.memref_slice %arg6[%dma_wait3A_893, %dma_wait3A_895, %dma_wait3A_896] : memref<4x416x64xf32, #tpu.memory_space<vmem>> -> memref<1x416x64xf32, #tpu.memory_space<vmem>>
    %dma_wait3A_898 = tpu.memref_squeeze %dma_wait3A_897 : memref<1x416x64xf32, #tpu.memory_space<vmem>> -> memref<416x64xf32, #tpu.memory_space<vmem>>
    %dma_wait3A_899 = arith.constant 5824 : i32
    %dma_wait3A_900 = tpu.memref_slice %arg5[%dma_wait3A_899] : memref<13312xi32, #tpu.memory_space<vmem>> -> memref<416xi32, #tpu.memory_space<vmem>>
    %dma_wait3A_901 = arith.constant 0 : i32
    %dma_wait3A_902 = arith.constant 0 : i32
    %dma_wait3A_903 = tpu.memref_slice %arg3[%dma_wait3A_901, %dma_wait3A_902] : memref<1000000x64xf32, #tpu.memory_space<hbm>> -> memref<1000000x64xf32, #tpu.memory_space<hbm>>
    %dma_wait3A_904 = tpu.memref_slice %arg7[%dma_wait3A_894] : memref<4x!tpu.dma_semaphore, #tpu.memory_space<semaphore_mem>> -> memref<1x!tpu.dma_semaphore, #tpu.memory_space<semaphore_mem>>
    %dma_wait3A_905 = tpu.memref_squeeze %dma_wait3A_904 : memref<1x!tpu.dma_semaphore, #tpu.memory_space<semaphore_mem>> -> memref<!tpu.dma_semaphore, #tpu.memory_space<semaphore_mem>>
    tpu.wait_indirect_dma semaphore(%dma_wait3A_905 : memref<!tpu.dma_semaphore, #tpu.memory_space<semaphore_mem>>) src(%dma_wait3A_903 : memref<1000000x64xf32, #tpu.memory_space<hbm>>) dst(%dma_wait3A_898 : memref<416x64xf32, #tpu.memory_space<vmem>>)
    %add3A_906 = arith.constant 5824 : i32
    %add3A_907 = arith.addi %mul3A_2, %add3A_906 : i32
    %dma_start3A_908 = arith.constant 2 : i32
    %dma_start3A_909 = arith.constant 2 : i32
    %dma_start3A_910 = arith.constant 0 : i32
    %dma_start3A_911 = arith.constant 0 : i32
    %dma_start3A_912 = tpu.memref_slice %arg6[%dma_start3A_908, %dma_start3A_910, %dma_start3A_911] : memref<4x416x64xf32, #tpu.memory_space<vmem>> -> memref<1x416x64xf32, #tpu.memory_space<vmem>>
    %dma_start3A_913 = tpu.memref_squeeze %dma_start3A_912 : memref<1x416x64xf32, #tpu.memory_space<vmem>> -> memref<416x64xf32, #tpu.memory_space<vmem>>
    %dma_start3A_914 = arith.constant 0 : i32
    %dma_start3A_915 = tpu.memref_slice %arg4[%add3A_907, %dma_start3A_914] : memref<425984x64xf32, #tpu.memory_space<hbm>> -> memref<416x64xf32, #tpu.memory_space<hbm>>
    %dma_start3A_916 = tpu.memref_slice %arg8[%dma_start3A_909] : memref<4x!tpu.dma_semaphore, #tpu.memory_space<semaphore_mem>> -> memref<1x!tpu.dma_semaphore, #tpu.memory_space<semaphore_mem>>
    %dma_start3A_917 = tpu.memref_squeeze %dma_start3A_916 : memref<1x!tpu.dma_semaphore, #tpu.memory_space<semaphore_mem>> -> memref<!tpu.dma_semaphore, #tpu.memory_space<semaphore_mem>>
    %dma_start3A_918 = arith.constant 0 : i32
    %dma_start3A_919 = tpu.memref_slice %arg4[%add3A_907, %dma_start3A_918] : memref<425984x64xf32, #tpu.memory_space<hbm>> -> memref<416x64xf32, #tpu.memory_space<hbm>>
    %dma_start3A_920 = arith.constant 0 : i32
    %dma_start3A_921 = arith.constant 0 : i32
    %dma_start3A_922 = tpu.memref_slice %arg6[%dma_start3A_908, %dma_start3A_920, %dma_start3A_921] : memref<4x416x64xf32, #tpu.memory_space<vmem>> -> memref<1x416x64xf32, #tpu.memory_space<vmem>>
    %dma_start3A_923 = tpu.memref_squeeze %dma_start3A_922 : memref<1x416x64xf32, #tpu.memory_space<vmem>> -> memref<416x64xf32, #tpu.memory_space<vmem>>
    tpu.enqueue_dma source(%dma_start3A_923 : memref<416x64xf32, #tpu.memory_space<vmem>>) target(%dma_start3A_919 : memref<416x64xf32, #tpu.memory_space<hbm>>) target_semaphore(%dma_start3A_917 : memref<!tpu.dma_semaphore, #tpu.memory_space<semaphore_mem>>)
    %dma_wait3A_924 = arith.constant 2 : i32
    %dma_wait3A_925 = arith.constant 2 : i32
    %dma_wait3A_926 = arith.constant 0 : i32
    %dma_wait3A_927 = arith.constant 0 : i32
    %dma_wait3A_928 = tpu.memref_slice %arg6[%dma_wait3A_924, %dma_wait3A_926, %dma_wait3A_927] : memref<4x416x64xf32, #tpu.memory_space<vmem>> -> memref<1x416x64xf32, #tpu.memory_space<vmem>>
    %dma_wait3A_929 = tpu.memref_squeeze %dma_wait3A_928 : memref<1x416x64xf32, #tpu.memory_space<vmem>> -> memref<416x64xf32, #tpu.memory_space<vmem>>
    %dma_wait3A_930 = arith.constant 0 : i32
    %dma_wait3A_931 = tpu.memref_slice %arg4[%add3A_907, %dma_wait3A_930] : memref<425984x64xf32, #tpu.memory_space<hbm>> -> memref<416x64xf32, #tpu.memory_space<hbm>>
    %dma_wait3A_932 = tpu.memref_slice %arg8[%dma_wait3A_925] : memref<4x!tpu.dma_semaphore, #tpu.memory_space<semaphore_mem>> -> memref<1x!tpu.dma_semaphore, #tpu.memory_space<semaphore_mem>>
    %dma_wait3A_933 = tpu.memref_squeeze %dma_wait3A_932 : memref<1x!tpu.dma_semaphore, #tpu.memory_space<semaphore_mem>> -> memref<!tpu.dma_semaphore, #tpu.memory_space<semaphore_mem>>
    %dma_wait3A_934 = arith.constant 0 : i32
    %dma_wait3A_935 = tpu.memref_slice %arg4[%add3A_907, %dma_wait3A_934] : memref<425984x64xf32, #tpu.memory_space<hbm>> -> memref<416x64xf32, #tpu.memory_space<hbm>>
    %dma_wait3A_936 = arith.constant 0 : i32
    %dma_wait3A_937 = arith.constant 0 : i32
    %dma_wait3A_938 = tpu.memref_slice %arg6[%dma_wait3A_924, %dma_wait3A_936, %dma_wait3A_937] : memref<4x416x64xf32, #tpu.memory_space<vmem>> -> memref<1x416x64xf32, #tpu.memory_space<vmem>>
    %dma_wait3A_939 = tpu.memref_squeeze %dma_wait3A_938 : memref<1x416x64xf32, #tpu.memory_space<vmem>> -> memref<416x64xf32, #tpu.memory_space<vmem>>
    tpu.wait_dma2 semaphore(%dma_wait3A_933 : memref<!tpu.dma_semaphore, #tpu.memory_space<semaphore_mem>>) src(%dma_wait3A_939 : memref<416x64xf32, #tpu.memory_space<vmem>>) dst(%dma_wait3A_935 : memref<416x64xf32, #tpu.memory_space<hbm>>)
    %dma_start3A_940 = arith.constant 2 : i32
    %dma_start3A_941 = arith.constant 2 : i32
    %dma_start3A_942 = arith.constant 0 : i32
    %dma_start3A_943 = arith.constant 0 : i32
    %dma_start3A_944 = tpu.memref_slice %arg6[%dma_start3A_940, %dma_start3A_942, %dma_start3A_943] : memref<4x416x64xf32, #tpu.memory_space<vmem>> -> memref<1x416x64xf32, #tpu.memory_space<vmem>>
    %dma_start3A_945 = tpu.memref_squeeze %dma_start3A_944 : memref<1x416x64xf32, #tpu.memory_space<vmem>> -> memref<416x64xf32, #tpu.memory_space<vmem>>
    %dma_start3A_946 = arith.constant 7488 : i32
    %dma_start3A_947 = tpu.memref_slice %arg5[%dma_start3A_946] : memref<13312xi32, #tpu.memory_space<vmem>> -> memref<416xi32, #tpu.memory_space<vmem>>
    %dma_start3A_948 = arith.constant 0 : i32
    %dma_start3A_949 = arith.constant 0 : i32
    %dma_start3A_950 = tpu.memref_slice %arg3[%dma_start3A_948, %dma_start3A_949] : memref<1000000x64xf32, #tpu.memory_space<hbm>> -> memref<1000000x64xf32, #tpu.memory_space<hbm>>
    %dma_start3A_951 = tpu.memref_slice %arg7[%dma_start3A_941] : memref<4x!tpu.dma_semaphore, #tpu.memory_space<semaphore_mem>> -> memref<1x!tpu.dma_semaphore, #tpu.memory_space<semaphore_mem>>
    %dma_start3A_952 = tpu.memref_squeeze %dma_start3A_951 : memref<1x!tpu.dma_semaphore, #tpu.memory_space<semaphore_mem>> -> memref<!tpu.dma_semaphore, #tpu.memory_space<semaphore_mem>>
    tpu.enqueue_indirect_dma source(%dma_start3A_950 : memref<1000000x64xf32, #tpu.memory_space<hbm>>) target(%dma_start3A_945 : memref<416x64xf32, #tpu.memory_space<vmem>>) offsets(%dma_start3A_947 : memref<416xi32, #tpu.memory_space<vmem>>) semaphore(%dma_start3A_952 : memref<!tpu.dma_semaphore, #tpu.memory_space<semaphore_mem>>)
    %dma_wait3A_953 = arith.constant 3 : i32
    %dma_wait3A_954 = arith.constant 3 : i32
    %dma_wait3A_955 = arith.constant 0 : i32
    %dma_wait3A_956 = arith.constant 0 : i32
    %dma_wait3A_957 = tpu.memref_slice %arg6[%dma_wait3A_953, %dma_wait3A_955, %dma_wait3A_956] : memref<4x416x64xf32, #tpu.memory_space<vmem>> -> memref<1x416x64xf32, #tpu.memory_space<vmem>>
    %dma_wait3A_958 = tpu.memref_squeeze %dma_wait3A_957 : memref<1x416x64xf32, #tpu.memory_space<vmem>> -> memref<416x64xf32, #tpu.memory_space<vmem>>
    %dma_wait3A_959 = arith.constant 6240 : i32
    %dma_wait3A_960 = tpu.memref_slice %arg5[%dma_wait3A_959] : memref<13312xi32, #tpu.memory_space<vmem>> -> memref<416xi32, #tpu.memory_space<vmem>>
    %dma_wait3A_961 = arith.constant 0 : i32
    %dma_wait3A_962 = arith.constant 0 : i32
    %dma_wait3A_963 = tpu.memref_slice %arg3[%dma_wait3A_961, %dma_wait3A_962] : memref<1000000x64xf32, #tpu.memory_space<hbm>> -> memref<1000000x64xf32, #tpu.memory_space<hbm>>
    %dma_wait3A_964 = tpu.memref_slice %arg7[%dma_wait3A_954] : memref<4x!tpu.dma_semaphore, #tpu.memory_space<semaphore_mem>> -> memref<1x!tpu.dma_semaphore, #tpu.memory_space<semaphore_mem>>
    %dma_wait3A_965 = tpu.memref_squeeze %dma_wait3A_964 : memref<1x!tpu.dma_semaphore, #tpu.memory_space<semaphore_mem>> -> memref<!tpu.dma_semaphore, #tpu.memory_space<semaphore_mem>>
    tpu.wait_indirect_dma semaphore(%dma_wait3A_965 : memref<!tpu.dma_semaphore, #tpu.memory_space<semaphore_mem>>) src(%dma_wait3A_963 : memref<1000000x64xf32, #tpu.memory_space<hbm>>) dst(%dma_wait3A_958 : memref<416x64xf32, #tpu.memory_space<vmem>>)
    %add3A_966 = arith.constant 6240 : i32
    %add3A_967 = arith.addi %mul3A_2, %add3A_966 : i32
    %dma_start3A_968 = arith.constant 3 : i32
    %dma_start3A_969 = arith.constant 3 : i32
    %dma_start3A_970 = arith.constant 0 : i32
    %dma_start3A_971 = arith.constant 0 : i32
    %dma_start3A_972 = tpu.memref_slice %arg6[%dma_start3A_968, %dma_start3A_970, %dma_start3A_971] : memref<4x416x64xf32, #tpu.memory_space<vmem>> -> memref<1x416x64xf32, #tpu.memory_space<vmem>>
    %dma_start3A_973 = tpu.memref_squeeze %dma_start3A_972 : memref<1x416x64xf32, #tpu.memory_space<vmem>> -> memref<416x64xf32, #tpu.memory_space<vmem>>
    %dma_start3A_974 = arith.constant 0 : i32
    %dma_start3A_975 = tpu.memref_slice %arg4[%add3A_967, %dma_start3A_974] : memref<425984x64xf32, #tpu.memory_space<hbm>> -> memref<416x64xf32, #tpu.memory_space<hbm>>
    %dma_start3A_976 = tpu.memref_slice %arg8[%dma_start3A_969] : memref<4x!tpu.dma_semaphore, #tpu.memory_space<semaphore_mem>> -> memref<1x!tpu.dma_semaphore, #tpu.memory_space<semaphore_mem>>
    %dma_start3A_977 = tpu.memref_squeeze %dma_start3A_976 : memref<1x!tpu.dma_semaphore, #tpu.memory_space<semaphore_mem>> -> memref<!tpu.dma_semaphore, #tpu.memory_space<semaphore_mem>>
    %dma_start3A_978 = arith.constant 0 : i32
    %dma_start3A_979 = tpu.memref_slice %arg4[%add3A_967, %dma_start3A_978] : memref<425984x64xf32, #tpu.memory_space<hbm>> -> memref<416x64xf32, #tpu.memory_space<hbm>>
    %dma_start3A_980 = arith.constant 0 : i32
    %dma_start3A_981 = arith.constant 0 : i32
    %dma_start3A_982 = tpu.memref_slice %arg6[%dma_start3A_968, %dma_start3A_980, %dma_start3A_981] : memref<4x416x64xf32, #tpu.memory_space<vmem>> -> memref<1x416x64xf32, #tpu.memory_space<vmem>>
    %dma_start3A_983 = tpu.memref_squeeze %dma_start3A_982 : memref<1x416x64xf32, #tpu.memory_space<vmem>> -> memref<416x64xf32, #tpu.memory_space<vmem>>
    tpu.enqueue_dma source(%dma_start3A_983 : memref<416x64xf32, #tpu.memory_space<vmem>>) target(%dma_start3A_979 : memref<416x64xf32, #tpu.memory_space<hbm>>) target_semaphore(%dma_start3A_977 : memref<!tpu.dma_semaphore, #tpu.memory_space<semaphore_mem>>)
    %dma_wait3A_984 = arith.constant 3 : i32
    %dma_wait3A_985 = arith.constant 3 : i32
    %dma_wait3A_986 = arith.constant 0 : i32
    %dma_wait3A_987 = arith.constant 0 : i32
    %dma_wait3A_988 = tpu.memref_slice %arg6[%dma_wait3A_984, %dma_wait3A_986, %dma_wait3A_987] : memref<4x416x64xf32, #tpu.memory_space<vmem>> -> memref<1x416x64xf32, #tpu.memory_space<vmem>>
    %dma_wait3A_989 = tpu.memref_squeeze %dma_wait3A_988 : memref<1x416x64xf32, #tpu.memory_space<vmem>> -> memref<416x64xf32, #tpu.memory_space<vmem>>
    %dma_wait3A_990 = arith.constant 0 : i32
    %dma_wait3A_991 = tpu.memref_slice %arg4[%add3A_967, %dma_wait3A_990] : memref<425984x64xf32, #tpu.memory_space<hbm>> -> memref<416x64xf32, #tpu.memory_space<hbm>>
    %dma_wait3A_992 = tpu.memref_slice %arg8[%dma_wait3A_985] : memref<4x!tpu.dma_semaphore, #tpu.memory_space<semaphore_mem>> -> memref<1x!tpu.dma_semaphore, #tpu.memory_space<semaphore_mem>>
    %dma_wait3A_993 = tpu.memref_squeeze %dma_wait3A_992 : memref<1x!tpu.dma_semaphore, #tpu.memory_space<semaphore_mem>> -> memref<!tpu.dma_semaphore, #tpu.memory_space<semaphore_mem>>
    %dma_wait3A_994 = arith.constant 0 : i32
    %dma_wait3A_995 = tpu.memref_slice %arg4[%add3A_967, %dma_wait3A_994] : memref<425984x64xf32, #tpu.memory_space<hbm>> -> memref<416x64xf32, #tpu.memory_space<hbm>>
    %dma_wait3A_996 = arith.constant 0 : i32
    %dma_wait3A_997 = arith.constant 0 : i32
    %dma_wait3A_998 = tpu.memref_slice %arg6[%dma_wait3A_984, %dma_wait3A_996, %dma_wait3A_997] : memref<4x416x64xf32, #tpu.memory_space<vmem>> -> memref<1x416x64xf32, #tpu.memory_space<vmem>>
    %dma_wait3A_999 = tpu.memref_squeeze %dma_wait3A_998 : memref<1x416x64xf32, #tpu.memory_space<vmem>> -> memref<416x64xf32, #tpu.memory_space<vmem>>
    tpu.wait_dma2 semaphore(%dma_wait3A_993 : memref<!tpu.dma_semaphore, #tpu.memory_space<semaphore_mem>>) src(%dma_wait3A_999 : memref<416x64xf32, #tpu.memory_space<vmem>>) dst(%dma_wait3A_995 : memref<416x64xf32, #tpu.memory_space<hbm>>)
    %dma_start3A_1000 = arith.constant 3 : i32
    %dma_start3A_1001 = arith.constant 3 : i32
    %dma_start3A_1002 = arith.constant 0 : i32
    %dma_start3A_1003 = arith.constant 0 : i32
    %dma_start3A_1004 = tpu.memref_slice %arg6[%dma_start3A_1000, %dma_start3A_1002, %dma_start3A_1003] : memref<4x416x64xf32, #tpu.memory_space<vmem>> -> memref<1x416x64xf32, #tpu.memory_space<vmem>>
    %dma_start3A_1005 = tpu.memref_squeeze %dma_start3A_1004 : memref<1x416x64xf32, #tpu.memory_space<vmem>> -> memref<416x64xf32, #tpu.memory_space<vmem>>
    %dma_start3A_1006 = arith.constant 7904 : i32
    %dma_start3A_1007 = tpu.memref_slice %arg5[%dma_start3A_1006] : memref<13312xi32, #tpu.memory_space<vmem>> -> memref<416xi32, #tpu.memory_space<vmem>>
    %dma_start3A_1008 = arith.constant 0 : i32
    %dma_start3A_1009 = arith.constant 0 : i32
    %dma_start3A_1010 = tpu.memref_slice %arg3[%dma_start3A_1008, %dma_start3A_1009] : memref<1000000x64xf32, #tpu.memory_space<hbm>> -> memref<1000000x64xf32, #tpu.memory_space<hbm>>
    %dma_start3A_1011 = tpu.memref_slice %arg7[%dma_start3A_1001] : memref<4x!tpu.dma_semaphore, #tpu.memory_space<semaphore_mem>> -> memref<1x!tpu.dma_semaphore, #tpu.memory_space<semaphore_mem>>
    %dma_start3A_1012 = tpu.memref_squeeze %dma_start3A_1011 : memref<1x!tpu.dma_semaphore, #tpu.memory_space<semaphore_mem>> -> memref<!tpu.dma_semaphore, #tpu.memory_space<semaphore_mem>>
    tpu.enqueue_indirect_dma source(%dma_start3A_1010 : memref<1000000x64xf32, #tpu.memory_space<hbm>>) target(%dma_start3A_1005 : memref<416x64xf32, #tpu.memory_space<vmem>>) offsets(%dma_start3A_1007 : memref<416xi32, #tpu.memory_space<vmem>>) semaphore(%dma_start3A_1012 : memref<!tpu.dma_semaphore, #tpu.memory_space<semaphore_mem>>)
    %dma_wait3A_1013 = arith.constant 0 : i32
    %dma_wait3A_1014 = arith.constant 0 : i32
    %dma_wait3A_1015 = arith.constant 0 : i32
    %dma_wait3A_1016 = arith.constant 0 : i32
    %dma_wait3A_1017 = tpu.memref_slice %arg6[%dma_wait3A_1013, %dma_wait3A_1015, %dma_wait3A_1016] : memref<4x416x64xf32, #tpu.memory_space<vmem>> -> memref<1x416x64xf32, #tpu.memory_space<vmem>>
    %dma_wait3A_1018 = tpu.memref_squeeze %dma_wait3A_1017 : memref<1x416x64xf32, #tpu.memory_space<vmem>> -> memref<416x64xf32, #tpu.memory_space<vmem>>
    %dma_wait3A_1019 = arith.constant 6656 : i32
    %dma_wait3A_1020 = tpu.memref_slice %arg5[%dma_wait3A_1019] : memref<13312xi32, #tpu.memory_space<vmem>> -> memref<416xi32, #tpu.memory_space<vmem>>
    %dma_wait3A_1021 = arith.constant 0 : i32
    %dma_wait3A_1022 = arith.constant 0 : i32
    %dma_wait3A_1023 = tpu.memref_slice %arg3[%dma_wait3A_1021, %dma_wait3A_1022] : memref<1000000x64xf32, #tpu.memory_space<hbm>> -> memref<1000000x64xf32, #tpu.memory_space<hbm>>
    %dma_wait3A_1024 = tpu.memref_slice %arg7[%dma_wait3A_1014] : memref<4x!tpu.dma_semaphore, #tpu.memory_space<semaphore_mem>> -> memref<1x!tpu.dma_semaphore, #tpu.memory_space<semaphore_mem>>
    %dma_wait3A_1025 = tpu.memref_squeeze %dma_wait3A_1024 : memref<1x!tpu.dma_semaphore, #tpu.memory_space<semaphore_mem>> -> memref<!tpu.dma_semaphore, #tpu.memory_space<semaphore_mem>>
    tpu.wait_indirect_dma semaphore(%dma_wait3A_1025 : memref<!tpu.dma_semaphore, #tpu.memory_space<semaphore_mem>>) src(%dma_wait3A_1023 : memref<1000000x64xf32, #tpu.memory_space<hbm>>) dst(%dma_wait3A_1018 : memref<416x64xf32, #tpu.memory_space<vmem>>)
    %add3A_1026 = arith.constant 6656 : i32
    %add3A_1027 = arith.addi %mul3A_2, %add3A_1026 : i32
    %dma_start3A_1028 = arith.constant 0 : i32
    %dma_start3A_1029 = arith.constant 0 : i32
    %dma_start3A_1030 = arith.constant 0 : i32
    %dma_start3A_1031 = arith.constant 0 : i32
    %dma_start3A_1032 = tpu.memref_slice %arg6[%dma_start3A_1028, %dma_start3A_1030, %dma_start3A_1031] : memref<4x416x64xf32, #tpu.memory_space<vmem>> -> memref<1x416x64xf32, #tpu.memory_space<vmem>>
    %dma_start3A_1033 = tpu.memref_squeeze %dma_start3A_1032 : memref<1x416x64xf32, #tpu.memory_space<vmem>> -> memref<416x64xf32, #tpu.memory_space<vmem>>
    %dma_start3A_1034 = arith.constant 0 : i32
    %dma_start3A_1035 = tpu.memref_slice %arg4[%add3A_1027, %dma_start3A_1034] : memref<425984x64xf32, #tpu.memory_space<hbm>> -> memref<416x64xf32, #tpu.memory_space<hbm>>
    %dma_start3A_1036 = tpu.memref_slice %arg8[%dma_start3A_1029] : memref<4x!tpu.dma_semaphore, #tpu.memory_space<semaphore_mem>> -> memref<1x!tpu.dma_semaphore, #tpu.memory_space<semaphore_mem>>
    %dma_start3A_1037 = tpu.memref_squeeze %dma_start3A_1036 : memref<1x!tpu.dma_semaphore, #tpu.memory_space<semaphore_mem>> -> memref<!tpu.dma_semaphore, #tpu.memory_space<semaphore_mem>>
    %dma_start3A_1038 = arith.constant 0 : i32
    %dma_start3A_1039 = tpu.memref_slice %arg4[%add3A_1027, %dma_start3A_1038] : memref<425984x64xf32, #tpu.memory_space<hbm>> -> memref<416x64xf32, #tpu.memory_space<hbm>>
    %dma_start3A_1040 = arith.constant 0 : i32
    %dma_start3A_1041 = arith.constant 0 : i32
    %dma_start3A_1042 = tpu.memref_slice %arg6[%dma_start3A_1028, %dma_start3A_1040, %dma_start3A_1041] : memref<4x416x64xf32, #tpu.memory_space<vmem>> -> memref<1x416x64xf32, #tpu.memory_space<vmem>>
    %dma_start3A_1043 = tpu.memref_squeeze %dma_start3A_1042 : memref<1x416x64xf32, #tpu.memory_space<vmem>> -> memref<416x64xf32, #tpu.memory_space<vmem>>
    tpu.enqueue_dma source(%dma_start3A_1043 : memref<416x64xf32, #tpu.memory_space<vmem>>) target(%dma_start3A_1039 : memref<416x64xf32, #tpu.memory_space<hbm>>) target_semaphore(%dma_start3A_1037 : memref<!tpu.dma_semaphore, #tpu.memory_space<semaphore_mem>>)
    %dma_wait3A_1044 = arith.constant 0 : i32
    %dma_wait3A_1045 = arith.constant 0 : i32
    %dma_wait3A_1046 = arith.constant 0 : i32
    %dma_wait3A_1047 = arith.constant 0 : i32
    %dma_wait3A_1048 = tpu.memref_slice %arg6[%dma_wait3A_1044, %dma_wait3A_1046, %dma_wait3A_1047] : memref<4x416x64xf32, #tpu.memory_space<vmem>> -> memref<1x416x64xf32, #tpu.memory_space<vmem>>
    %dma_wait3A_1049 = tpu.memref_squeeze %dma_wait3A_1048 : memref<1x416x64xf32, #tpu.memory_space<vmem>> -> memref<416x64xf32, #tpu.memory_space<vmem>>
    %dma_wait3A_1050 = arith.constant 0 : i32
    %dma_wait3A_1051 = tpu.memref_slice %arg4[%add3A_1027, %dma_wait3A_1050] : memref<425984x64xf32, #tpu.memory_space<hbm>> -> memref<416x64xf32, #tpu.memory_space<hbm>>
    %dma_wait3A_1052 = tpu.memref_slice %arg8[%dma_wait3A_1045] : memref<4x!tpu.dma_semaphore, #tpu.memory_space<semaphore_mem>> -> memref<1x!tpu.dma_semaphore, #tpu.memory_space<semaphore_mem>>
    %dma_wait3A_1053 = tpu.memref_squeeze %dma_wait3A_1052 : memref<1x!tpu.dma_semaphore, #tpu.memory_space<semaphore_mem>> -> memref<!tpu.dma_semaphore, #tpu.memory_space<semaphore_mem>>
    %dma_wait3A_1054 = arith.constant 0 : i32
    %dma_wait3A_1055 = tpu.memref_slice %arg4[%add3A_1027, %dma_wait3A_1054] : memref<425984x64xf32, #tpu.memory_space<hbm>> -> memref<416x64xf32, #tpu.memory_space<hbm>>
    %dma_wait3A_1056 = arith.constant 0 : i32
    %dma_wait3A_1057 = arith.constant 0 : i32
    %dma_wait3A_1058 = tpu.memref_slice %arg6[%dma_wait3A_1044, %dma_wait3A_1056, %dma_wait3A_1057] : memref<4x416x64xf32, #tpu.memory_space<vmem>> -> memref<1x416x64xf32, #tpu.memory_space<vmem>>
    %dma_wait3A_1059 = tpu.memref_squeeze %dma_wait3A_1058 : memref<1x416x64xf32, #tpu.memory_space<vmem>> -> memref<416x64xf32, #tpu.memory_space<vmem>>
    tpu.wait_dma2 semaphore(%dma_wait3A_1053 : memref<!tpu.dma_semaphore, #tpu.memory_space<semaphore_mem>>) src(%dma_wait3A_1059 : memref<416x64xf32, #tpu.memory_space<vmem>>) dst(%dma_wait3A_1055 : memref<416x64xf32, #tpu.memory_space<hbm>>)
    %dma_start3A_1060 = arith.constant 0 : i32
    %dma_start3A_1061 = arith.constant 0 : i32
    %dma_start3A_1062 = arith.constant 0 : i32
    %dma_start3A_1063 = arith.constant 0 : i32
    %dma_start3A_1064 = tpu.memref_slice %arg6[%dma_start3A_1060, %dma_start3A_1062, %dma_start3A_1063] : memref<4x416x64xf32, #tpu.memory_space<vmem>> -> memref<1x416x64xf32, #tpu.memory_space<vmem>>
    %dma_start3A_1065 = tpu.memref_squeeze %dma_start3A_1064 : memref<1x416x64xf32, #tpu.memory_space<vmem>> -> memref<416x64xf32, #tpu.memory_space<vmem>>
    %dma_start3A_1066 = arith.constant 8320 : i32
    %dma_start3A_1067 = tpu.memref_slice %arg5[%dma_start3A_1066] : memref<13312xi32, #tpu.memory_space<vmem>> -> memref<416xi32, #tpu.memory_space<vmem>>
    %dma_start3A_1068 = arith.constant 0 : i32
    %dma_start3A_1069 = arith.constant 0 : i32
    %dma_start3A_1070 = tpu.memref_slice %arg3[%dma_start3A_1068, %dma_start3A_1069] : memref<1000000x64xf32, #tpu.memory_space<hbm>> -> memref<1000000x64xf32, #tpu.memory_space<hbm>>
    %dma_start3A_1071 = tpu.memref_slice %arg7[%dma_start3A_1061] : memref<4x!tpu.dma_semaphore, #tpu.memory_space<semaphore_mem>> -> memref<1x!tpu.dma_semaphore, #tpu.memory_space<semaphore_mem>>
    %dma_start3A_1072 = tpu.memref_squeeze %dma_start3A_1071 : memref<1x!tpu.dma_semaphore, #tpu.memory_space<semaphore_mem>> -> memref<!tpu.dma_semaphore, #tpu.memory_space<semaphore_mem>>
    tpu.enqueue_indirect_dma source(%dma_start3A_1070 : memref<1000000x64xf32, #tpu.memory_space<hbm>>) target(%dma_start3A_1065 : memref<416x64xf32, #tpu.memory_space<vmem>>) offsets(%dma_start3A_1067 : memref<416xi32, #tpu.memory_space<vmem>>) semaphore(%dma_start3A_1072 : memref<!tpu.dma_semaphore, #tpu.memory_space<semaphore_mem>>)
    %dma_wait3A_1073 = arith.constant 1 : i32
    %dma_wait3A_1074 = arith.constant 1 : i32
    %dma_wait3A_1075 = arith.constant 0 : i32
    %dma_wait3A_1076 = arith.constant 0 : i32
    %dma_wait3A_1077 = tpu.memref_slice %arg6[%dma_wait3A_1073, %dma_wait3A_1075, %dma_wait3A_1076] : memref<4x416x64xf32, #tpu.memory_space<vmem>> -> memref<1x416x64xf32, #tpu.memory_space<vmem>>
    %dma_wait3A_1078 = tpu.memref_squeeze %dma_wait3A_1077 : memref<1x416x64xf32, #tpu.memory_space<vmem>> -> memref<416x64xf32, #tpu.memory_space<vmem>>
    %dma_wait3A_1079 = arith.constant 7072 : i32
    %dma_wait3A_1080 = tpu.memref_slice %arg5[%dma_wait3A_1079] : memref<13312xi32, #tpu.memory_space<vmem>> -> memref<416xi32, #tpu.memory_space<vmem>>
    %dma_wait3A_1081 = arith.constant 0 : i32
    %dma_wait3A_1082 = arith.constant 0 : i32
    %dma_wait3A_1083 = tpu.memref_slice %arg3[%dma_wait3A_1081, %dma_wait3A_1082] : memref<1000000x64xf32, #tpu.memory_space<hbm>> -> memref<1000000x64xf32, #tpu.memory_space<hbm>>
    %dma_wait3A_1084 = tpu.memref_slice %arg7[%dma_wait3A_1074] : memref<4x!tpu.dma_semaphore, #tpu.memory_space<semaphore_mem>> -> memref<1x!tpu.dma_semaphore, #tpu.memory_space<semaphore_mem>>
    %dma_wait3A_1085 = tpu.memref_squeeze %dma_wait3A_1084 : memref<1x!tpu.dma_semaphore, #tpu.memory_space<semaphore_mem>> -> memref<!tpu.dma_semaphore, #tpu.memory_space<semaphore_mem>>
    tpu.wait_indirect_dma semaphore(%dma_wait3A_1085 : memref<!tpu.dma_semaphore, #tpu.memory_space<semaphore_mem>>) src(%dma_wait3A_1083 : memref<1000000x64xf32, #tpu.memory_space<hbm>>) dst(%dma_wait3A_1078 : memref<416x64xf32, #tpu.memory_space<vmem>>)
    %add3A_1086 = arith.constant 7072 : i32
    %add3A_1087 = arith.addi %mul3A_2, %add3A_1086 : i32
    %dma_start3A_1088 = arith.constant 1 : i32
    %dma_start3A_1089 = arith.constant 1 : i32
    %dma_start3A_1090 = arith.constant 0 : i32
    %dma_start3A_1091 = arith.constant 0 : i32
    %dma_start3A_1092 = tpu.memref_slice %arg6[%dma_start3A_1088, %dma_start3A_1090, %dma_start3A_1091] : memref<4x416x64xf32, #tpu.memory_space<vmem>> -> memref<1x416x64xf32, #tpu.memory_space<vmem>>
    %dma_start3A_1093 = tpu.memref_squeeze %dma_start3A_1092 : memref<1x416x64xf32, #tpu.memory_space<vmem>> -> memref<416x64xf32, #tpu.memory_space<vmem>>
    %dma_start3A_1094 = arith.constant 0 : i32
    %dma_start3A_1095 = tpu.memref_slice %arg4[%add3A_1087, %dma_start3A_1094] : memref<425984x64xf32, #tpu.memory_space<hbm>> -> memref<416x64xf32, #tpu.memory_space<hbm>>
    %dma_start3A_1096 = tpu.memref_slice %arg8[%dma_start3A_1089] : memref<4x!tpu.dma_semaphore, #tpu.memory_space<semaphore_mem>> -> memref<1x!tpu.dma_semaphore, #tpu.memory_space<semaphore_mem>>
    %dma_start3A_1097 = tpu.memref_squeeze %dma_start3A_1096 : memref<1x!tpu.dma_semaphore, #tpu.memory_space<semaphore_mem>> -> memref<!tpu.dma_semaphore, #tpu.memory_space<semaphore_mem>>
    %dma_start3A_1098 = arith.constant 0 : i32
    %dma_start3A_1099 = tpu.memref_slice %arg4[%add3A_1087, %dma_start3A_1098] : memref<425984x64xf32, #tpu.memory_space<hbm>> -> memref<416x64xf32, #tpu.memory_space<hbm>>
    %dma_start3A_1100 = arith.constant 0 : i32
    %dma_start3A_1101 = arith.constant 0 : i32
    %dma_start3A_1102 = tpu.memref_slice %arg6[%dma_start3A_1088, %dma_start3A_1100, %dma_start3A_1101] : memref<4x416x64xf32, #tpu.memory_space<vmem>> -> memref<1x416x64xf32, #tpu.memory_space<vmem>>
    %dma_start3A_1103 = tpu.memref_squeeze %dma_start3A_1102 : memref<1x416x64xf32, #tpu.memory_space<vmem>> -> memref<416x64xf32, #tpu.memory_space<vmem>>
    tpu.enqueue_dma source(%dma_start3A_1103 : memref<416x64xf32, #tpu.memory_space<vmem>>) target(%dma_start3A_1099 : memref<416x64xf32, #tpu.memory_space<hbm>>) target_semaphore(%dma_start3A_1097 : memref<!tpu.dma_semaphore, #tpu.memory_space<semaphore_mem>>)
    %dma_wait3A_1104 = arith.constant 1 : i32
    %dma_wait3A_1105 = arith.constant 1 : i32
    %dma_wait3A_1106 = arith.constant 0 : i32
    %dma_wait3A_1107 = arith.constant 0 : i32
    %dma_wait3A_1108 = tpu.memref_slice %arg6[%dma_wait3A_1104, %dma_wait3A_1106, %dma_wait3A_1107] : memref<4x416x64xf32, #tpu.memory_space<vmem>> -> memref<1x416x64xf32, #tpu.memory_space<vmem>>
    %dma_wait3A_1109 = tpu.memref_squeeze %dma_wait3A_1108 : memref<1x416x64xf32, #tpu.memory_space<vmem>> -> memref<416x64xf32, #tpu.memory_space<vmem>>
    %dma_wait3A_1110 = arith.constant 0 : i32
    %dma_wait3A_1111 = tpu.memref_slice %arg4[%add3A_1087, %dma_wait3A_1110] : memref<425984x64xf32, #tpu.memory_space<hbm>> -> memref<416x64xf32, #tpu.memory_space<hbm>>
    %dma_wait3A_1112 = tpu.memref_slice %arg8[%dma_wait3A_1105] : memref<4x!tpu.dma_semaphore, #tpu.memory_space<semaphore_mem>> -> memref<1x!tpu.dma_semaphore, #tpu.memory_space<semaphore_mem>>
    %dma_wait3A_1113 = tpu.memref_squeeze %dma_wait3A_1112 : memref<1x!tpu.dma_semaphore, #tpu.memory_space<semaphore_mem>> -> memref<!tpu.dma_semaphore, #tpu.memory_space<semaphore_mem>>
    %dma_wait3A_1114 = arith.constant 0 : i32
    %dma_wait3A_1115 = tpu.memref_slice %arg4[%add3A_1087, %dma_wait3A_1114] : memref<425984x64xf32, #tpu.memory_space<hbm>> -> memref<416x64xf32, #tpu.memory_space<hbm>>
    %dma_wait3A_1116 = arith.constant 0 : i32
    %dma_wait3A_1117 = arith.constant 0 : i32
    %dma_wait3A_1118 = tpu.memref_slice %arg6[%dma_wait3A_1104, %dma_wait3A_1116, %dma_wait3A_1117] : memref<4x416x64xf32, #tpu.memory_space<vmem>> -> memref<1x416x64xf32, #tpu.memory_space<vmem>>
    %dma_wait3A_1119 = tpu.memref_squeeze %dma_wait3A_1118 : memref<1x416x64xf32, #tpu.memory_space<vmem>> -> memref<416x64xf32, #tpu.memory_space<vmem>>
    tpu.wait_dma2 semaphore(%dma_wait3A_1113 : memref<!tpu.dma_semaphore, #tpu.memory_space<semaphore_mem>>) src(%dma_wait3A_1119 : memref<416x64xf32, #tpu.memory_space<vmem>>) dst(%dma_wait3A_1115 : memref<416x64xf32, #tpu.memory_space<hbm>>)
    %dma_start3A_1120 = arith.constant 1 : i32
    %dma_start3A_1121 = arith.constant 1 : i32
    %dma_start3A_1122 = arith.constant 0 : i32
    %dma_start3A_1123 = arith.constant 0 : i32
    %dma_start3A_1124 = tpu.memref_slice %arg6[%dma_start3A_1120, %dma_start3A_1122, %dma_start3A_1123] : memref<4x416x64xf32, #tpu.memory_space<vmem>> -> memref<1x416x64xf32, #tpu.memory_space<vmem>>
    %dma_start3A_1125 = tpu.memref_squeeze %dma_start3A_1124 : memref<1x416x64xf32, #tpu.memory_space<vmem>> -> memref<416x64xf32, #tpu.memory_space<vmem>>
    %dma_start3A_1126 = arith.constant 8736 : i32
    %dma_start3A_1127 = tpu.memref_slice %arg5[%dma_start3A_1126] : memref<13312xi32, #tpu.memory_space<vmem>> -> memref<416xi32, #tpu.memory_space<vmem>>
    %dma_start3A_1128 = arith.constant 0 : i32
    %dma_start3A_1129 = arith.constant 0 : i32
    %dma_start3A_1130 = tpu.memref_slice %arg3[%dma_start3A_1128, %dma_start3A_1129] : memref<1000000x64xf32, #tpu.memory_space<hbm>> -> memref<1000000x64xf32, #tpu.memory_space<hbm>>
    %dma_start3A_1131 = tpu.memref_slice %arg7[%dma_start3A_1121] : memref<4x!tpu.dma_semaphore, #tpu.memory_space<semaphore_mem>> -> memref<1x!tpu.dma_semaphore, #tpu.memory_space<semaphore_mem>>
    %dma_start3A_1132 = tpu.memref_squeeze %dma_start3A_1131 : memref<1x!tpu.dma_semaphore, #tpu.memory_space<semaphore_mem>> -> memref<!tpu.dma_semaphore, #tpu.memory_space<semaphore_mem>>
    tpu.enqueue_indirect_dma source(%dma_start3A_1130 : memref<1000000x64xf32, #tpu.memory_space<hbm>>) target(%dma_start3A_1125 : memref<416x64xf32, #tpu.memory_space<vmem>>) offsets(%dma_start3A_1127 : memref<416xi32, #tpu.memory_space<vmem>>) semaphore(%dma_start3A_1132 : memref<!tpu.dma_semaphore, #tpu.memory_space<semaphore_mem>>)
    %dma_wait3A_1133 = arith.constant 2 : i32
    %dma_wait3A_1134 = arith.constant 2 : i32
    %dma_wait3A_1135 = arith.constant 0 : i32
    %dma_wait3A_1136 = arith.constant 0 : i32
    %dma_wait3A_1137 = tpu.memref_slice %arg6[%dma_wait3A_1133, %dma_wait3A_1135, %dma_wait3A_1136] : memref<4x416x64xf32, #tpu.memory_space<vmem>> -> memref<1x416x64xf32, #tpu.memory_space<vmem>>
    %dma_wait3A_1138 = tpu.memref_squeeze %dma_wait3A_1137 : memref<1x416x64xf32, #tpu.memory_space<vmem>> -> memref<416x64xf32, #tpu.memory_space<vmem>>
    %dma_wait3A_1139 = arith.constant 7488 : i32
    %dma_wait3A_1140 = tpu.memref_slice %arg5[%dma_wait3A_1139] : memref<13312xi32, #tpu.memory_space<vmem>> -> memref<416xi32, #tpu.memory_space<vmem>>
    %dma_wait3A_1141 = arith.constant 0 : i32
    %dma_wait3A_1142 = arith.constant 0 : i32
    %dma_wait3A_1143 = tpu.memref_slice %arg3[%dma_wait3A_1141, %dma_wait3A_1142] : memref<1000000x64xf32, #tpu.memory_space<hbm>> -> memref<1000000x64xf32, #tpu.memory_space<hbm>>
    %dma_wait3A_1144 = tpu.memref_slice %arg7[%dma_wait3A_1134] : memref<4x!tpu.dma_semaphore, #tpu.memory_space<semaphore_mem>> -> memref<1x!tpu.dma_semaphore, #tpu.memory_space<semaphore_mem>>
    %dma_wait3A_1145 = tpu.memref_squeeze %dma_wait3A_1144 : memref<1x!tpu.dma_semaphore, #tpu.memory_space<semaphore_mem>> -> memref<!tpu.dma_semaphore, #tpu.memory_space<semaphore_mem>>
    tpu.wait_indirect_dma semaphore(%dma_wait3A_1145 : memref<!tpu.dma_semaphore, #tpu.memory_space<semaphore_mem>>) src(%dma_wait3A_1143 : memref<1000000x64xf32, #tpu.memory_space<hbm>>) dst(%dma_wait3A_1138 : memref<416x64xf32, #tpu.memory_space<vmem>>)
    %add3A_1146 = arith.constant 7488 : i32
    %add3A_1147 = arith.addi %mul3A_2, %add3A_1146 : i32
    %dma_start3A_1148 = arith.constant 2 : i32
    %dma_start3A_1149 = arith.constant 2 : i32
    %dma_start3A_1150 = arith.constant 0 : i32
    %dma_start3A_1151 = arith.constant 0 : i32
    %dma_start3A_1152 = tpu.memref_slice %arg6[%dma_start3A_1148, %dma_start3A_1150, %dma_start3A_1151] : memref<4x416x64xf32, #tpu.memory_space<vmem>> -> memref<1x416x64xf32, #tpu.memory_space<vmem>>
    %dma_start3A_1153 = tpu.memref_squeeze %dma_start3A_1152 : memref<1x416x64xf32, #tpu.memory_space<vmem>> -> memref<416x64xf32, #tpu.memory_space<vmem>>
    %dma_start3A_1154 = arith.constant 0 : i32
    %dma_start3A_1155 = tpu.memref_slice %arg4[%add3A_1147, %dma_start3A_1154] : memref<425984x64xf32, #tpu.memory_space<hbm>> -> memref<416x64xf32, #tpu.memory_space<hbm>>
    %dma_start3A_1156 = tpu.memref_slice %arg8[%dma_start3A_1149] : memref<4x!tpu.dma_semaphore, #tpu.memory_space<semaphore_mem>> -> memref<1x!tpu.dma_semaphore, #tpu.memory_space<semaphore_mem>>
    %dma_start3A_1157 = tpu.memref_squeeze %dma_start3A_1156 : memref<1x!tpu.dma_semaphore, #tpu.memory_space<semaphore_mem>> -> memref<!tpu.dma_semaphore, #tpu.memory_space<semaphore_mem>>
    %dma_start3A_1158 = arith.constant 0 : i32
    %dma_start3A_1159 = tpu.memref_slice %arg4[%add3A_1147, %dma_start3A_1158] : memref<425984x64xf32, #tpu.memory_space<hbm>> -> memref<416x64xf32, #tpu.memory_space<hbm>>
    %dma_start3A_1160 = arith.constant 0 : i32
    %dma_start3A_1161 = arith.constant 0 : i32
    %dma_start3A_1162 = tpu.memref_slice %arg6[%dma_start3A_1148, %dma_start3A_1160, %dma_start3A_1161] : memref<4x416x64xf32, #tpu.memory_space<vmem>> -> memref<1x416x64xf32, #tpu.memory_space<vmem>>
    %dma_start3A_1163 = tpu.memref_squeeze %dma_start3A_1162 : memref<1x416x64xf32, #tpu.memory_space<vmem>> -> memref<416x64xf32, #tpu.memory_space<vmem>>
    tpu.enqueue_dma source(%dma_start3A_1163 : memref<416x64xf32, #tpu.memory_space<vmem>>) target(%dma_start3A_1159 : memref<416x64xf32, #tpu.memory_space<hbm>>) target_semaphore(%dma_start3A_1157 : memref<!tpu.dma_semaphore, #tpu.memory_space<semaphore_mem>>)
    %dma_wait3A_1164 = arith.constant 2 : i32
    %dma_wait3A_1165 = arith.constant 2 : i32
    %dma_wait3A_1166 = arith.constant 0 : i32
    %dma_wait3A_1167 = arith.constant 0 : i32
    %dma_wait3A_1168 = tpu.memref_slice %arg6[%dma_wait3A_1164, %dma_wait3A_1166, %dma_wait3A_1167] : memref<4x416x64xf32, #tpu.memory_space<vmem>> -> memref<1x416x64xf32, #tpu.memory_space<vmem>>
    %dma_wait3A_1169 = tpu.memref_squeeze %dma_wait3A_1168 : memref<1x416x64xf32, #tpu.memory_space<vmem>> -> memref<416x64xf32, #tpu.memory_space<vmem>>
    %dma_wait3A_1170 = arith.constant 0 : i32
    %dma_wait3A_1171 = tpu.memref_slice %arg4[%add3A_1147, %dma_wait3A_1170] : memref<425984x64xf32, #tpu.memory_space<hbm>> -> memref<416x64xf32, #tpu.memory_space<hbm>>
    %dma_wait3A_1172 = tpu.memref_slice %arg8[%dma_wait3A_1165] : memref<4x!tpu.dma_semaphore, #tpu.memory_space<semaphore_mem>> -> memref<1x!tpu.dma_semaphore, #tpu.memory_space<semaphore_mem>>
    %dma_wait3A_1173 = tpu.memref_squeeze %dma_wait3A_1172 : memref<1x!tpu.dma_semaphore, #tpu.memory_space<semaphore_mem>> -> memref<!tpu.dma_semaphore, #tpu.memory_space<semaphore_mem>>
    %dma_wait3A_1174 = arith.constant 0 : i32
    %dma_wait3A_1175 = tpu.memref_slice %arg4[%add3A_1147, %dma_wait3A_1174] : memref<425984x64xf32, #tpu.memory_space<hbm>> -> memref<416x64xf32, #tpu.memory_space<hbm>>
    %dma_wait3A_1176 = arith.constant 0 : i32
    %dma_wait3A_1177 = arith.constant 0 : i32
    %dma_wait3A_1178 = tpu.memref_slice %arg6[%dma_wait3A_1164, %dma_wait3A_1176, %dma_wait3A_1177] : memref<4x416x64xf32, #tpu.memory_space<vmem>> -> memref<1x416x64xf32, #tpu.memory_space<vmem>>
    %dma_wait3A_1179 = tpu.memref_squeeze %dma_wait3A_1178 : memref<1x416x64xf32, #tpu.memory_space<vmem>> -> memref<416x64xf32, #tpu.memory_space<vmem>>
    tpu.wait_dma2 semaphore(%dma_wait3A_1173 : memref<!tpu.dma_semaphore, #tpu.memory_space<semaphore_mem>>) src(%dma_wait3A_1179 : memref<416x64xf32, #tpu.memory_space<vmem>>) dst(%dma_wait3A_1175 : memref<416x64xf32, #tpu.memory_space<hbm>>)
    %dma_start3A_1180 = arith.constant 2 : i32
    %dma_start3A_1181 = arith.constant 2 : i32
    %dma_start3A_1182 = arith.constant 0 : i32
    %dma_start3A_1183 = arith.constant 0 : i32
    %dma_start3A_1184 = tpu.memref_slice %arg6[%dma_start3A_1180, %dma_start3A_1182, %dma_start3A_1183] : memref<4x416x64xf32, #tpu.memory_space<vmem>> -> memref<1x416x64xf32, #tpu.memory_space<vmem>>
    %dma_start3A_1185 = tpu.memref_squeeze %dma_start3A_1184 : memref<1x416x64xf32, #tpu.memory_space<vmem>> -> memref<416x64xf32, #tpu.memory_space<vmem>>
    %dma_start3A_1186 = arith.constant 9152 : i32
    %dma_start3A_1187 = tpu.memref_slice %arg5[%dma_start3A_1186] : memref<13312xi32, #tpu.memory_space<vmem>> -> memref<416xi32, #tpu.memory_space<vmem>>
    %dma_start3A_1188 = arith.constant 0 : i32
    %dma_start3A_1189 = arith.constant 0 : i32
    %dma_start3A_1190 = tpu.memref_slice %arg3[%dma_start3A_1188, %dma_start3A_1189] : memref<1000000x64xf32, #tpu.memory_space<hbm>> -> memref<1000000x64xf32, #tpu.memory_space<hbm>>
    %dma_start3A_1191 = tpu.memref_slice %arg7[%dma_start3A_1181] : memref<4x!tpu.dma_semaphore, #tpu.memory_space<semaphore_mem>> -> memref<1x!tpu.dma_semaphore, #tpu.memory_space<semaphore_mem>>
    %dma_start3A_1192 = tpu.memref_squeeze %dma_start3A_1191 : memref<1x!tpu.dma_semaphore, #tpu.memory_space<semaphore_mem>> -> memref<!tpu.dma_semaphore, #tpu.memory_space<semaphore_mem>>
    tpu.enqueue_indirect_dma source(%dma_start3A_1190 : memref<1000000x64xf32, #tpu.memory_space<hbm>>) target(%dma_start3A_1185 : memref<416x64xf32, #tpu.memory_space<vmem>>) offsets(%dma_start3A_1187 : memref<416xi32, #tpu.memory_space<vmem>>) semaphore(%dma_start3A_1192 : memref<!tpu.dma_semaphore, #tpu.memory_space<semaphore_mem>>)
    %dma_wait3A_1193 = arith.constant 3 : i32
    %dma_wait3A_1194 = arith.constant 3 : i32
    %dma_wait3A_1195 = arith.constant 0 : i32
    %dma_wait3A_1196 = arith.constant 0 : i32
    %dma_wait3A_1197 = tpu.memref_slice %arg6[%dma_wait3A_1193, %dma_wait3A_1195, %dma_wait3A_1196] : memref<4x416x64xf32, #tpu.memory_space<vmem>> -> memref<1x416x64xf32, #tpu.memory_space<vmem>>
    %dma_wait3A_1198 = tpu.memref_squeeze %dma_wait3A_1197 : memref<1x416x64xf32, #tpu.memory_space<vmem>> -> memref<416x64xf32, #tpu.memory_space<vmem>>
    %dma_wait3A_1199 = arith.constant 7904 : i32
    %dma_wait3A_1200 = tpu.memref_slice %arg5[%dma_wait3A_1199] : memref<13312xi32, #tpu.memory_space<vmem>> -> memref<416xi32, #tpu.memory_space<vmem>>
    %dma_wait3A_1201 = arith.constant 0 : i32
    %dma_wait3A_1202 = arith.constant 0 : i32
    %dma_wait3A_1203 = tpu.memref_slice %arg3[%dma_wait3A_1201, %dma_wait3A_1202] : memref<1000000x64xf32, #tpu.memory_space<hbm>> -> memref<1000000x64xf32, #tpu.memory_space<hbm>>
    %dma_wait3A_1204 = tpu.memref_slice %arg7[%dma_wait3A_1194] : memref<4x!tpu.dma_semaphore, #tpu.memory_space<semaphore_mem>> -> memref<1x!tpu.dma_semaphore, #tpu.memory_space<semaphore_mem>>
    %dma_wait3A_1205 = tpu.memref_squeeze %dma_wait3A_1204 : memref<1x!tpu.dma_semaphore, #tpu.memory_space<semaphore_mem>> -> memref<!tpu.dma_semaphore, #tpu.memory_space<semaphore_mem>>
    tpu.wait_indirect_dma semaphore(%dma_wait3A_1205 : memref<!tpu.dma_semaphore, #tpu.memory_space<semaphore_mem>>) src(%dma_wait3A_1203 : memref<1000000x64xf32, #tpu.memory_space<hbm>>) dst(%dma_wait3A_1198 : memref<416x64xf32, #tpu.memory_space<vmem>>)
    %add3A_1206 = arith.constant 7904 : i32
    %add3A_1207 = arith.addi %mul3A_2, %add3A_1206 : i32
    %dma_start3A_1208 = arith.constant 3 : i32
    %dma_start3A_1209 = arith.constant 3 : i32
    %dma_start3A_1210 = arith.constant 0 : i32
    %dma_start3A_1211 = arith.constant 0 : i32
    %dma_start3A_1212 = tpu.memref_slice %arg6[%dma_start3A_1208, %dma_start3A_1210, %dma_start3A_1211] : memref<4x416x64xf32, #tpu.memory_space<vmem>> -> memref<1x416x64xf32, #tpu.memory_space<vmem>>
    %dma_start3A_1213 = tpu.memref_squeeze %dma_start3A_1212 : memref<1x416x64xf32, #tpu.memory_space<vmem>> -> memref<416x64xf32, #tpu.memory_space<vmem>>
    %dma_start3A_1214 = arith.constant 0 : i32
    %dma_start3A_1215 = tpu.memref_slice %arg4[%add3A_1207, %dma_start3A_1214] : memref<425984x64xf32, #tpu.memory_space<hbm>> -> memref<416x64xf32, #tpu.memory_space<hbm>>
    %dma_start3A_1216 = tpu.memref_slice %arg8[%dma_start3A_1209] : memref<4x!tpu.dma_semaphore, #tpu.memory_space<semaphore_mem>> -> memref<1x!tpu.dma_semaphore, #tpu.memory_space<semaphore_mem>>
    %dma_start3A_1217 = tpu.memref_squeeze %dma_start3A_1216 : memref<1x!tpu.dma_semaphore, #tpu.memory_space<semaphore_mem>> -> memref<!tpu.dma_semaphore, #tpu.memory_space<semaphore_mem>>
    %dma_start3A_1218 = arith.constant 0 : i32
    %dma_start3A_1219 = tpu.memref_slice %arg4[%add3A_1207, %dma_start3A_1218] : memref<425984x64xf32, #tpu.memory_space<hbm>> -> memref<416x64xf32, #tpu.memory_space<hbm>>
    %dma_start3A_1220 = arith.constant 0 : i32
    %dma_start3A_1221 = arith.constant 0 : i32
    %dma_start3A_1222 = tpu.memref_slice %arg6[%dma_start3A_1208, %dma_start3A_1220, %dma_start3A_1221] : memref<4x416x64xf32, #tpu.memory_space<vmem>> -> memref<1x416x64xf32, #tpu.memory_space<vmem>>
    %dma_start3A_1223 = tpu.memref_squeeze %dma_start3A_1222 : memref<1x416x64xf32, #tpu.memory_space<vmem>> -> memref<416x64xf32, #tpu.memory_space<vmem>>
    tpu.enqueue_dma source(%dma_start3A_1223 : memref<416x64xf32, #tpu.memory_space<vmem>>) target(%dma_start3A_1219 : memref<416x64xf32, #tpu.memory_space<hbm>>) target_semaphore(%dma_start3A_1217 : memref<!tpu.dma_semaphore, #tpu.memory_space<semaphore_mem>>)
    %dma_wait3A_1224 = arith.constant 3 : i32
    %dma_wait3A_1225 = arith.constant 3 : i32
    %dma_wait3A_1226 = arith.constant 0 : i32
    %dma_wait3A_1227 = arith.constant 0 : i32
    %dma_wait3A_1228 = tpu.memref_slice %arg6[%dma_wait3A_1224, %dma_wait3A_1226, %dma_wait3A_1227] : memref<4x416x64xf32, #tpu.memory_space<vmem>> -> memref<1x416x64xf32, #tpu.memory_space<vmem>>
    %dma_wait3A_1229 = tpu.memref_squeeze %dma_wait3A_1228 : memref<1x416x64xf32, #tpu.memory_space<vmem>> -> memref<416x64xf32, #tpu.memory_space<vmem>>
    %dma_wait3A_1230 = arith.constant 0 : i32
    %dma_wait3A_1231 = tpu.memref_slice %arg4[%add3A_1207, %dma_wait3A_1230] : memref<425984x64xf32, #tpu.memory_space<hbm>> -> memref<416x64xf32, #tpu.memory_space<hbm>>
    %dma_wait3A_1232 = tpu.memref_slice %arg8[%dma_wait3A_1225] : memref<4x!tpu.dma_semaphore, #tpu.memory_space<semaphore_mem>> -> memref<1x!tpu.dma_semaphore, #tpu.memory_space<semaphore_mem>>
    %dma_wait3A_1233 = tpu.memref_squeeze %dma_wait3A_1232 : memref<1x!tpu.dma_semaphore, #tpu.memory_space<semaphore_mem>> -> memref<!tpu.dma_semaphore, #tpu.memory_space<semaphore_mem>>
    %dma_wait3A_1234 = arith.constant 0 : i32
    %dma_wait3A_1235 = tpu.memref_slice %arg4[%add3A_1207, %dma_wait3A_1234] : memref<425984x64xf32, #tpu.memory_space<hbm>> -> memref<416x64xf32, #tpu.memory_space<hbm>>
    %dma_wait3A_1236 = arith.constant 0 : i32
    %dma_wait3A_1237 = arith.constant 0 : i32
    %dma_wait3A_1238 = tpu.memref_slice %arg6[%dma_wait3A_1224, %dma_wait3A_1236, %dma_wait3A_1237] : memref<4x416x64xf32, #tpu.memory_space<vmem>> -> memref<1x416x64xf32, #tpu.memory_space<vmem>>
    %dma_wait3A_1239 = tpu.memref_squeeze %dma_wait3A_1238 : memref<1x416x64xf32, #tpu.memory_space<vmem>> -> memref<416x64xf32, #tpu.memory_space<vmem>>
    tpu.wait_dma2 semaphore(%dma_wait3A_1233 : memref<!tpu.dma_semaphore, #tpu.memory_space<semaphore_mem>>) src(%dma_wait3A_1239 : memref<416x64xf32, #tpu.memory_space<vmem>>) dst(%dma_wait3A_1235 : memref<416x64xf32, #tpu.memory_space<hbm>>)
    %dma_start3A_1240 = arith.constant 3 : i32
    %dma_start3A_1241 = arith.constant 3 : i32
    %dma_start3A_1242 = arith.constant 0 : i32
    %dma_start3A_1243 = arith.constant 0 : i32
    %dma_start3A_1244 = tpu.memref_slice %arg6[%dma_start3A_1240, %dma_start3A_1242, %dma_start3A_1243] : memref<4x416x64xf32, #tpu.memory_space<vmem>> -> memref<1x416x64xf32, #tpu.memory_space<vmem>>
    %dma_start3A_1245 = tpu.memref_squeeze %dma_start3A_1244 : memref<1x416x64xf32, #tpu.memory_space<vmem>> -> memref<416x64xf32, #tpu.memory_space<vmem>>
    %dma_start3A_1246 = arith.constant 9568 : i32
    %dma_start3A_1247 = tpu.memref_slice %arg5[%dma_start3A_1246] : memref<13312xi32, #tpu.memory_space<vmem>> -> memref<416xi32, #tpu.memory_space<vmem>>
    %dma_start3A_1248 = arith.constant 0 : i32
    %dma_start3A_1249 = arith.constant 0 : i32
    %dma_start3A_1250 = tpu.memref_slice %arg3[%dma_start3A_1248, %dma_start3A_1249] : memref<1000000x64xf32, #tpu.memory_space<hbm>> -> memref<1000000x64xf32, #tpu.memory_space<hbm>>
    %dma_start3A_1251 = tpu.memref_slice %arg7[%dma_start3A_1241] : memref<4x!tpu.dma_semaphore, #tpu.memory_space<semaphore_mem>> -> memref<1x!tpu.dma_semaphore, #tpu.memory_space<semaphore_mem>>
    %dma_start3A_1252 = tpu.memref_squeeze %dma_start3A_1251 : memref<1x!tpu.dma_semaphore, #tpu.memory_space<semaphore_mem>> -> memref<!tpu.dma_semaphore, #tpu.memory_space<semaphore_mem>>
    tpu.enqueue_indirect_dma source(%dma_start3A_1250 : memref<1000000x64xf32, #tpu.memory_space<hbm>>) target(%dma_start3A_1245 : memref<416x64xf32, #tpu.memory_space<vmem>>) offsets(%dma_start3A_1247 : memref<416xi32, #tpu.memory_space<vmem>>) semaphore(%dma_start3A_1252 : memref<!tpu.dma_semaphore, #tpu.memory_space<semaphore_mem>>)
    %dma_wait3A_1253 = arith.constant 0 : i32
    %dma_wait3A_1254 = arith.constant 0 : i32
    %dma_wait3A_1255 = arith.constant 0 : i32
    %dma_wait3A_1256 = arith.constant 0 : i32
    %dma_wait3A_1257 = tpu.memref_slice %arg6[%dma_wait3A_1253, %dma_wait3A_1255, %dma_wait3A_1256] : memref<4x416x64xf32, #tpu.memory_space<vmem>> -> memref<1x416x64xf32, #tpu.memory_space<vmem>>
    %dma_wait3A_1258 = tpu.memref_squeeze %dma_wait3A_1257 : memref<1x416x64xf32, #tpu.memory_space<vmem>> -> memref<416x64xf32, #tpu.memory_space<vmem>>
    %dma_wait3A_1259 = arith.constant 8320 : i32
    %dma_wait3A_1260 = tpu.memref_slice %arg5[%dma_wait3A_1259] : memref<13312xi32, #tpu.memory_space<vmem>> -> memref<416xi32, #tpu.memory_space<vmem>>
    %dma_wait3A_1261 = arith.constant 0 : i32
    %dma_wait3A_1262 = arith.constant 0 : i32
    %dma_wait3A_1263 = tpu.memref_slice %arg3[%dma_wait3A_1261, %dma_wait3A_1262] : memref<1000000x64xf32, #tpu.memory_space<hbm>> -> memref<1000000x64xf32, #tpu.memory_space<hbm>>
    %dma_wait3A_1264 = tpu.memref_slice %arg7[%dma_wait3A_1254] : memref<4x!tpu.dma_semaphore, #tpu.memory_space<semaphore_mem>> -> memref<1x!tpu.dma_semaphore, #tpu.memory_space<semaphore_mem>>
    %dma_wait3A_1265 = tpu.memref_squeeze %dma_wait3A_1264 : memref<1x!tpu.dma_semaphore, #tpu.memory_space<semaphore_mem>> -> memref<!tpu.dma_semaphore, #tpu.memory_space<semaphore_mem>>
    tpu.wait_indirect_dma semaphore(%dma_wait3A_1265 : memref<!tpu.dma_semaphore, #tpu.memory_space<semaphore_mem>>) src(%dma_wait3A_1263 : memref<1000000x64xf32, #tpu.memory_space<hbm>>) dst(%dma_wait3A_1258 : memref<416x64xf32, #tpu.memory_space<vmem>>)
    %add3A_1266 = arith.constant 8320 : i32
    %add3A_1267 = arith.addi %mul3A_2, %add3A_1266 : i32
    %dma_start3A_1268 = arith.constant 0 : i32
    %dma_start3A_1269 = arith.constant 0 : i32
    %dma_start3A_1270 = arith.constant 0 : i32
    %dma_start3A_1271 = arith.constant 0 : i32
    %dma_start3A_1272 = tpu.memref_slice %arg6[%dma_start3A_1268, %dma_start3A_1270, %dma_start3A_1271] : memref<4x416x64xf32, #tpu.memory_space<vmem>> -> memref<1x416x64xf32, #tpu.memory_space<vmem>>
    %dma_start3A_1273 = tpu.memref_squeeze %dma_start3A_1272 : memref<1x416x64xf32, #tpu.memory_space<vmem>> -> memref<416x64xf32, #tpu.memory_space<vmem>>
    %dma_start3A_1274 = arith.constant 0 : i32
    %dma_start3A_1275 = tpu.memref_slice %arg4[%add3A_1267, %dma_start3A_1274] : memref<425984x64xf32, #tpu.memory_space<hbm>> -> memref<416x64xf32, #tpu.memory_space<hbm>>
    %dma_start3A_1276 = tpu.memref_slice %arg8[%dma_start3A_1269] : memref<4x!tpu.dma_semaphore, #tpu.memory_space<semaphore_mem>> -> memref<1x!tpu.dma_semaphore, #tpu.memory_space<semaphore_mem>>
    %dma_start3A_1277 = tpu.memref_squeeze %dma_start3A_1276 : memref<1x!tpu.dma_semaphore, #tpu.memory_space<semaphore_mem>> -> memref<!tpu.dma_semaphore, #tpu.memory_space<semaphore_mem>>
    %dma_start3A_1278 = arith.constant 0 : i32
    %dma_start3A_1279 = tpu.memref_slice %arg4[%add3A_1267, %dma_start3A_1278] : memref<425984x64xf32, #tpu.memory_space<hbm>> -> memref<416x64xf32, #tpu.memory_space<hbm>>
    %dma_start3A_1280 = arith.constant 0 : i32
    %dma_start3A_1281 = arith.constant 0 : i32
    %dma_start3A_1282 = tpu.memref_slice %arg6[%dma_start3A_1268, %dma_start3A_1280, %dma_start3A_1281] : memref<4x416x64xf32, #tpu.memory_space<vmem>> -> memref<1x416x64xf32, #tpu.memory_space<vmem>>
    %dma_start3A_1283 = tpu.memref_squeeze %dma_start3A_1282 : memref<1x416x64xf32, #tpu.memory_space<vmem>> -> memref<416x64xf32, #tpu.memory_space<vmem>>
    tpu.enqueue_dma source(%dma_start3A_1283 : memref<416x64xf32, #tpu.memory_space<vmem>>) target(%dma_start3A_1279 : memref<416x64xf32, #tpu.memory_space<hbm>>) target_semaphore(%dma_start3A_1277 : memref<!tpu.dma_semaphore, #tpu.memory_space<semaphore_mem>>)
    %dma_wait3A_1284 = arith.constant 0 : i32
    %dma_wait3A_1285 = arith.constant 0 : i32
    %dma_wait3A_1286 = arith.constant 0 : i32
    %dma_wait3A_1287 = arith.constant 0 : i32
    %dma_wait3A_1288 = tpu.memref_slice %arg6[%dma_wait3A_1284, %dma_wait3A_1286, %dma_wait3A_1287] : memref<4x416x64xf32, #tpu.memory_space<vmem>> -> memref<1x416x64xf32, #tpu.memory_space<vmem>>
    %dma_wait3A_1289 = tpu.memref_squeeze %dma_wait3A_1288 : memref<1x416x64xf32, #tpu.memory_space<vmem>> -> memref<416x64xf32, #tpu.memory_space<vmem>>
    %dma_wait3A_1290 = arith.constant 0 : i32
    %dma_wait3A_1291 = tpu.memref_slice %arg4[%add3A_1267, %dma_wait3A_1290] : memref<425984x64xf32, #tpu.memory_space<hbm>> -> memref<416x64xf32, #tpu.memory_space<hbm>>
    %dma_wait3A_1292 = tpu.memref_slice %arg8[%dma_wait3A_1285] : memref<4x!tpu.dma_semaphore, #tpu.memory_space<semaphore_mem>> -> memref<1x!tpu.dma_semaphore, #tpu.memory_space<semaphore_mem>>
    %dma_wait3A_1293 = tpu.memref_squeeze %dma_wait3A_1292 : memref<1x!tpu.dma_semaphore, #tpu.memory_space<semaphore_mem>> -> memref<!tpu.dma_semaphore, #tpu.memory_space<semaphore_mem>>
    %dma_wait3A_1294 = arith.constant 0 : i32
    %dma_wait3A_1295 = tpu.memref_slice %arg4[%add3A_1267, %dma_wait3A_1294] : memref<425984x64xf32, #tpu.memory_space<hbm>> -> memref<416x64xf32, #tpu.memory_space<hbm>>
    %dma_wait3A_1296 = arith.constant 0 : i32
    %dma_wait3A_1297 = arith.constant 0 : i32
    %dma_wait3A_1298 = tpu.memref_slice %arg6[%dma_wait3A_1284, %dma_wait3A_1296, %dma_wait3A_1297] : memref<4x416x64xf32, #tpu.memory_space<vmem>> -> memref<1x416x64xf32, #tpu.memory_space<vmem>>
    %dma_wait3A_1299 = tpu.memref_squeeze %dma_wait3A_1298 : memref<1x416x64xf32, #tpu.memory_space<vmem>> -> memref<416x64xf32, #tpu.memory_space<vmem>>
    tpu.wait_dma2 semaphore(%dma_wait3A_1293 : memref<!tpu.dma_semaphore, #tpu.memory_space<semaphore_mem>>) src(%dma_wait3A_1299 : memref<416x64xf32, #tpu.memory_space<vmem>>) dst(%dma_wait3A_1295 : memref<416x64xf32, #tpu.memory_space<hbm>>)
    %dma_start3A_1300 = arith.constant 0 : i32
    %dma_start3A_1301 = arith.constant 0 : i32
    %dma_start3A_1302 = arith.constant 0 : i32
    %dma_start3A_1303 = arith.constant 0 : i32
    %dma_start3A_1304 = tpu.memref_slice %arg6[%dma_start3A_1300, %dma_start3A_1302, %dma_start3A_1303] : memref<4x416x64xf32, #tpu.memory_space<vmem>> -> memref<1x416x64xf32, #tpu.memory_space<vmem>>
    %dma_start3A_1305 = tpu.memref_squeeze %dma_start3A_1304 : memref<1x416x64xf32, #tpu.memory_space<vmem>> -> memref<416x64xf32, #tpu.memory_space<vmem>>
    %dma_start3A_1306 = arith.constant 9984 : i32
    %dma_start3A_1307 = tpu.memref_slice %arg5[%dma_start3A_1306] : memref<13312xi32, #tpu.memory_space<vmem>> -> memref<416xi32, #tpu.memory_space<vmem>>
    %dma_start3A_1308 = arith.constant 0 : i32
    %dma_start3A_1309 = arith.constant 0 : i32
    %dma_start3A_1310 = tpu.memref_slice %arg3[%dma_start3A_1308, %dma_start3A_1309] : memref<1000000x64xf32, #tpu.memory_space<hbm>> -> memref<1000000x64xf32, #tpu.memory_space<hbm>>
    %dma_start3A_1311 = tpu.memref_slice %arg7[%dma_start3A_1301] : memref<4x!tpu.dma_semaphore, #tpu.memory_space<semaphore_mem>> -> memref<1x!tpu.dma_semaphore, #tpu.memory_space<semaphore_mem>>
    %dma_start3A_1312 = tpu.memref_squeeze %dma_start3A_1311 : memref<1x!tpu.dma_semaphore, #tpu.memory_space<semaphore_mem>> -> memref<!tpu.dma_semaphore, #tpu.memory_space<semaphore_mem>>
    tpu.enqueue_indirect_dma source(%dma_start3A_1310 : memref<1000000x64xf32, #tpu.memory_space<hbm>>) target(%dma_start3A_1305 : memref<416x64xf32, #tpu.memory_space<vmem>>) offsets(%dma_start3A_1307 : memref<416xi32, #tpu.memory_space<vmem>>) semaphore(%dma_start3A_1312 : memref<!tpu.dma_semaphore, #tpu.memory_space<semaphore_mem>>)
    %dma_wait3A_1313 = arith.constant 1 : i32
    %dma_wait3A_1314 = arith.constant 1 : i32
    %dma_wait3A_1315 = arith.constant 0 : i32
    %dma_wait3A_1316 = arith.constant 0 : i32
    %dma_wait3A_1317 = tpu.memref_slice %arg6[%dma_wait3A_1313, %dma_wait3A_1315, %dma_wait3A_1316] : memref<4x416x64xf32, #tpu.memory_space<vmem>> -> memref<1x416x64xf32, #tpu.memory_space<vmem>>
    %dma_wait3A_1318 = tpu.memref_squeeze %dma_wait3A_1317 : memref<1x416x64xf32, #tpu.memory_space<vmem>> -> memref<416x64xf32, #tpu.memory_space<vmem>>
    %dma_wait3A_1319 = arith.constant 8736 : i32
    %dma_wait3A_1320 = tpu.memref_slice %arg5[%dma_wait3A_1319] : memref<13312xi32, #tpu.memory_space<vmem>> -> memref<416xi32, #tpu.memory_space<vmem>>
    %dma_wait3A_1321 = arith.constant 0 : i32
    %dma_wait3A_1322 = arith.constant 0 : i32
    %dma_wait3A_1323 = tpu.memref_slice %arg3[%dma_wait3A_1321, %dma_wait3A_1322] : memref<1000000x64xf32, #tpu.memory_space<hbm>> -> memref<1000000x64xf32, #tpu.memory_space<hbm>>
    %dma_wait3A_1324 = tpu.memref_slice %arg7[%dma_wait3A_1314] : memref<4x!tpu.dma_semaphore, #tpu.memory_space<semaphore_mem>> -> memref<1x!tpu.dma_semaphore, #tpu.memory_space<semaphore_mem>>
    %dma_wait3A_1325 = tpu.memref_squeeze %dma_wait3A_1324 : memref<1x!tpu.dma_semaphore, #tpu.memory_space<semaphore_mem>> -> memref<!tpu.dma_semaphore, #tpu.memory_space<semaphore_mem>>
    tpu.wait_indirect_dma semaphore(%dma_wait3A_1325 : memref<!tpu.dma_semaphore, #tpu.memory_space<semaphore_mem>>) src(%dma_wait3A_1323 : memref<1000000x64xf32, #tpu.memory_space<hbm>>) dst(%dma_wait3A_1318 : memref<416x64xf32, #tpu.memory_space<vmem>>)
    %add3A_1326 = arith.constant 8736 : i32
    %add3A_1327 = arith.addi %mul3A_2, %add3A_1326 : i32
    %dma_start3A_1328 = arith.constant 1 : i32
    %dma_start3A_1329 = arith.constant 1 : i32
    %dma_start3A_1330 = arith.constant 0 : i32
    %dma_start3A_1331 = arith.constant 0 : i32
    %dma_start3A_1332 = tpu.memref_slice %arg6[%dma_start3A_1328, %dma_start3A_1330, %dma_start3A_1331] : memref<4x416x64xf32, #tpu.memory_space<vmem>> -> memref<1x416x64xf32, #tpu.memory_space<vmem>>
    %dma_start3A_1333 = tpu.memref_squeeze %dma_start3A_1332 : memref<1x416x64xf32, #tpu.memory_space<vmem>> -> memref<416x64xf32, #tpu.memory_space<vmem>>
    %dma_start3A_1334 = arith.constant 0 : i32
    %dma_start3A_1335 = tpu.memref_slice %arg4[%add3A_1327, %dma_start3A_1334] : memref<425984x64xf32, #tpu.memory_space<hbm>> -> memref<416x64xf32, #tpu.memory_space<hbm>>
    %dma_start3A_1336 = tpu.memref_slice %arg8[%dma_start3A_1329] : memref<4x!tpu.dma_semaphore, #tpu.memory_space<semaphore_mem>> -> memref<1x!tpu.dma_semaphore, #tpu.memory_space<semaphore_mem>>
    %dma_start3A_1337 = tpu.memref_squeeze %dma_start3A_1336 : memref<1x!tpu.dma_semaphore, #tpu.memory_space<semaphore_mem>> -> memref<!tpu.dma_semaphore, #tpu.memory_space<semaphore_mem>>
    %dma_start3A_1338 = arith.constant 0 : i32
    %dma_start3A_1339 = tpu.memref_slice %arg4[%add3A_1327, %dma_start3A_1338] : memref<425984x64xf32, #tpu.memory_space<hbm>> -> memref<416x64xf32, #tpu.memory_space<hbm>>
    %dma_start3A_1340 = arith.constant 0 : i32
    %dma_start3A_1341 = arith.constant 0 : i32
    %dma_start3A_1342 = tpu.memref_slice %arg6[%dma_start3A_1328, %dma_start3A_1340, %dma_start3A_1341] : memref<4x416x64xf32, #tpu.memory_space<vmem>> -> memref<1x416x64xf32, #tpu.memory_space<vmem>>
    %dma_start3A_1343 = tpu.memref_squeeze %dma_start3A_1342 : memref<1x416x64xf32, #tpu.memory_space<vmem>> -> memref<416x64xf32, #tpu.memory_space<vmem>>
    tpu.enqueue_dma source(%dma_start3A_1343 : memref<416x64xf32, #tpu.memory_space<vmem>>) target(%dma_start3A_1339 : memref<416x64xf32, #tpu.memory_space<hbm>>) target_semaphore(%dma_start3A_1337 : memref<!tpu.dma_semaphore, #tpu.memory_space<semaphore_mem>>)
    %dma_wait3A_1344 = arith.constant 1 : i32
    %dma_wait3A_1345 = arith.constant 1 : i32
    %dma_wait3A_1346 = arith.constant 0 : i32
    %dma_wait3A_1347 = arith.constant 0 : i32
    %dma_wait3A_1348 = tpu.memref_slice %arg6[%dma_wait3A_1344, %dma_wait3A_1346, %dma_wait3A_1347] : memref<4x416x64xf32, #tpu.memory_space<vmem>> -> memref<1x416x64xf32, #tpu.memory_space<vmem>>
    %dma_wait3A_1349 = tpu.memref_squeeze %dma_wait3A_1348 : memref<1x416x64xf32, #tpu.memory_space<vmem>> -> memref<416x64xf32, #tpu.memory_space<vmem>>
    %dma_wait3A_1350 = arith.constant 0 : i32
    %dma_wait3A_1351 = tpu.memref_slice %arg4[%add3A_1327, %dma_wait3A_1350] : memref<425984x64xf32, #tpu.memory_space<hbm>> -> memref<416x64xf32, #tpu.memory_space<hbm>>
    %dma_wait3A_1352 = tpu.memref_slice %arg8[%dma_wait3A_1345] : memref<4x!tpu.dma_semaphore, #tpu.memory_space<semaphore_mem>> -> memref<1x!tpu.dma_semaphore, #tpu.memory_space<semaphore_mem>>
    %dma_wait3A_1353 = tpu.memref_squeeze %dma_wait3A_1352 : memref<1x!tpu.dma_semaphore, #tpu.memory_space<semaphore_mem>> -> memref<!tpu.dma_semaphore, #tpu.memory_space<semaphore_mem>>
    %dma_wait3A_1354 = arith.constant 0 : i32
    %dma_wait3A_1355 = tpu.memref_slice %arg4[%add3A_1327, %dma_wait3A_1354] : memref<425984x64xf32, #tpu.memory_space<hbm>> -> memref<416x64xf32, #tpu.memory_space<hbm>>
    %dma_wait3A_1356 = arith.constant 0 : i32
    %dma_wait3A_1357 = arith.constant 0 : i32
    %dma_wait3A_1358 = tpu.memref_slice %arg6[%dma_wait3A_1344, %dma_wait3A_1356, %dma_wait3A_1357] : memref<4x416x64xf32, #tpu.memory_space<vmem>> -> memref<1x416x64xf32, #tpu.memory_space<vmem>>
    %dma_wait3A_1359 = tpu.memref_squeeze %dma_wait3A_1358 : memref<1x416x64xf32, #tpu.memory_space<vmem>> -> memref<416x64xf32, #tpu.memory_space<vmem>>
    tpu.wait_dma2 semaphore(%dma_wait3A_1353 : memref<!tpu.dma_semaphore, #tpu.memory_space<semaphore_mem>>) src(%dma_wait3A_1359 : memref<416x64xf32, #tpu.memory_space<vmem>>) dst(%dma_wait3A_1355 : memref<416x64xf32, #tpu.memory_space<hbm>>)
    %dma_start3A_1360 = arith.constant 1 : i32
    %dma_start3A_1361 = arith.constant 1 : i32
    %dma_start3A_1362 = arith.constant 0 : i32
    %dma_start3A_1363 = arith.constant 0 : i32
    %dma_start3A_1364 = tpu.memref_slice %arg6[%dma_start3A_1360, %dma_start3A_1362, %dma_start3A_1363] : memref<4x416x64xf32, #tpu.memory_space<vmem>> -> memref<1x416x64xf32, #tpu.memory_space<vmem>>
    %dma_start3A_1365 = tpu.memref_squeeze %dma_start3A_1364 : memref<1x416x64xf32, #tpu.memory_space<vmem>> -> memref<416x64xf32, #tpu.memory_space<vmem>>
    %dma_start3A_1366 = arith.constant 10400 : i32
    %dma_start3A_1367 = tpu.memref_slice %arg5[%dma_start3A_1366] : memref<13312xi32, #tpu.memory_space<vmem>> -> memref<416xi32, #tpu.memory_space<vmem>>
    %dma_start3A_1368 = arith.constant 0 : i32
    %dma_start3A_1369 = arith.constant 0 : i32
    %dma_start3A_1370 = tpu.memref_slice %arg3[%dma_start3A_1368, %dma_start3A_1369] : memref<1000000x64xf32, #tpu.memory_space<hbm>> -> memref<1000000x64xf32, #tpu.memory_space<hbm>>
    %dma_start3A_1371 = tpu.memref_slice %arg7[%dma_start3A_1361] : memref<4x!tpu.dma_semaphore, #tpu.memory_space<semaphore_mem>> -> memref<1x!tpu.dma_semaphore, #tpu.memory_space<semaphore_mem>>
    %dma_start3A_1372 = tpu.memref_squeeze %dma_start3A_1371 : memref<1x!tpu.dma_semaphore, #tpu.memory_space<semaphore_mem>> -> memref<!tpu.dma_semaphore, #tpu.memory_space<semaphore_mem>>
    tpu.enqueue_indirect_dma source(%dma_start3A_1370 : memref<1000000x64xf32, #tpu.memory_space<hbm>>) target(%dma_start3A_1365 : memref<416x64xf32, #tpu.memory_space<vmem>>) offsets(%dma_start3A_1367 : memref<416xi32, #tpu.memory_space<vmem>>) semaphore(%dma_start3A_1372 : memref<!tpu.dma_semaphore, #tpu.memory_space<semaphore_mem>>)
    %dma_wait3A_1373 = arith.constant 2 : i32
    %dma_wait3A_1374 = arith.constant 2 : i32
    %dma_wait3A_1375 = arith.constant 0 : i32
    %dma_wait3A_1376 = arith.constant 0 : i32
    %dma_wait3A_1377 = tpu.memref_slice %arg6[%dma_wait3A_1373, %dma_wait3A_1375, %dma_wait3A_1376] : memref<4x416x64xf32, #tpu.memory_space<vmem>> -> memref<1x416x64xf32, #tpu.memory_space<vmem>>
    %dma_wait3A_1378 = tpu.memref_squeeze %dma_wait3A_1377 : memref<1x416x64xf32, #tpu.memory_space<vmem>> -> memref<416x64xf32, #tpu.memory_space<vmem>>
    %dma_wait3A_1379 = arith.constant 9152 : i32
    %dma_wait3A_1380 = tpu.memref_slice %arg5[%dma_wait3A_1379] : memref<13312xi32, #tpu.memory_space<vmem>> -> memref<416xi32, #tpu.memory_space<vmem>>
    %dma_wait3A_1381 = arith.constant 0 : i32
    %dma_wait3A_1382 = arith.constant 0 : i32
    %dma_wait3A_1383 = tpu.memref_slice %arg3[%dma_wait3A_1381, %dma_wait3A_1382] : memref<1000000x64xf32, #tpu.memory_space<hbm>> -> memref<1000000x64xf32, #tpu.memory_space<hbm>>
    %dma_wait3A_1384 = tpu.memref_slice %arg7[%dma_wait3A_1374] : memref<4x!tpu.dma_semaphore, #tpu.memory_space<semaphore_mem>> -> memref<1x!tpu.dma_semaphore, #tpu.memory_space<semaphore_mem>>
    %dma_wait3A_1385 = tpu.memref_squeeze %dma_wait3A_1384 : memref<1x!tpu.dma_semaphore, #tpu.memory_space<semaphore_mem>> -> memref<!tpu.dma_semaphore, #tpu.memory_space<semaphore_mem>>
    tpu.wait_indirect_dma semaphore(%dma_wait3A_1385 : memref<!tpu.dma_semaphore, #tpu.memory_space<semaphore_mem>>) src(%dma_wait3A_1383 : memref<1000000x64xf32, #tpu.memory_space<hbm>>) dst(%dma_wait3A_1378 : memref<416x64xf32, #tpu.memory_space<vmem>>)
    %add3A_1386 = arith.constant 9152 : i32
    %add3A_1387 = arith.addi %mul3A_2, %add3A_1386 : i32
    %dma_start3A_1388 = arith.constant 2 : i32
    %dma_start3A_1389 = arith.constant 2 : i32
    %dma_start3A_1390 = arith.constant 0 : i32
    %dma_start3A_1391 = arith.constant 0 : i32
    %dma_start3A_1392 = tpu.memref_slice %arg6[%dma_start3A_1388, %dma_start3A_1390, %dma_start3A_1391] : memref<4x416x64xf32, #tpu.memory_space<vmem>> -> memref<1x416x64xf32, #tpu.memory_space<vmem>>
    %dma_start3A_1393 = tpu.memref_squeeze %dma_start3A_1392 : memref<1x416x64xf32, #tpu.memory_space<vmem>> -> memref<416x64xf32, #tpu.memory_space<vmem>>
    %dma_start3A_1394 = arith.constant 0 : i32
    %dma_start3A_1395 = tpu.memref_slice %arg4[%add3A_1387, %dma_start3A_1394] : memref<425984x64xf32, #tpu.memory_space<hbm>> -> memref<416x64xf32, #tpu.memory_space<hbm>>
    %dma_start3A_1396 = tpu.memref_slice %arg8[%dma_start3A_1389] : memref<4x!tpu.dma_semaphore, #tpu.memory_space<semaphore_mem>> -> memref<1x!tpu.dma_semaphore, #tpu.memory_space<semaphore_mem>>
    %dma_start3A_1397 = tpu.memref_squeeze %dma_start3A_1396 : memref<1x!tpu.dma_semaphore, #tpu.memory_space<semaphore_mem>> -> memref<!tpu.dma_semaphore, #tpu.memory_space<semaphore_mem>>
    %dma_start3A_1398 = arith.constant 0 : i32
    %dma_start3A_1399 = tpu.memref_slice %arg4[%add3A_1387, %dma_start3A_1398] : memref<425984x64xf32, #tpu.memory_space<hbm>> -> memref<416x64xf32, #tpu.memory_space<hbm>>
    %dma_start3A_1400 = arith.constant 0 : i32
    %dma_start3A_1401 = arith.constant 0 : i32
    %dma_start3A_1402 = tpu.memref_slice %arg6[%dma_start3A_1388, %dma_start3A_1400, %dma_start3A_1401] : memref<4x416x64xf32, #tpu.memory_space<vmem>> -> memref<1x416x64xf32, #tpu.memory_space<vmem>>
    %dma_start3A_1403 = tpu.memref_squeeze %dma_start3A_1402 : memref<1x416x64xf32, #tpu.memory_space<vmem>> -> memref<416x64xf32, #tpu.memory_space<vmem>>
    tpu.enqueue_dma source(%dma_start3A_1403 : memref<416x64xf32, #tpu.memory_space<vmem>>) target(%dma_start3A_1399 : memref<416x64xf32, #tpu.memory_space<hbm>>) target_semaphore(%dma_start3A_1397 : memref<!tpu.dma_semaphore, #tpu.memory_space<semaphore_mem>>)
    %dma_wait3A_1404 = arith.constant 2 : i32
    %dma_wait3A_1405 = arith.constant 2 : i32
    %dma_wait3A_1406 = arith.constant 0 : i32
    %dma_wait3A_1407 = arith.constant 0 : i32
    %dma_wait3A_1408 = tpu.memref_slice %arg6[%dma_wait3A_1404, %dma_wait3A_1406, %dma_wait3A_1407] : memref<4x416x64xf32, #tpu.memory_space<vmem>> -> memref<1x416x64xf32, #tpu.memory_space<vmem>>
    %dma_wait3A_1409 = tpu.memref_squeeze %dma_wait3A_1408 : memref<1x416x64xf32, #tpu.memory_space<vmem>> -> memref<416x64xf32, #tpu.memory_space<vmem>>
    %dma_wait3A_1410 = arith.constant 0 : i32
    %dma_wait3A_1411 = tpu.memref_slice %arg4[%add3A_1387, %dma_wait3A_1410] : memref<425984x64xf32, #tpu.memory_space<hbm>> -> memref<416x64xf32, #tpu.memory_space<hbm>>
    %dma_wait3A_1412 = tpu.memref_slice %arg8[%dma_wait3A_1405] : memref<4x!tpu.dma_semaphore, #tpu.memory_space<semaphore_mem>> -> memref<1x!tpu.dma_semaphore, #tpu.memory_space<semaphore_mem>>
    %dma_wait3A_1413 = tpu.memref_squeeze %dma_wait3A_1412 : memref<1x!tpu.dma_semaphore, #tpu.memory_space<semaphore_mem>> -> memref<!tpu.dma_semaphore, #tpu.memory_space<semaphore_mem>>
    %dma_wait3A_1414 = arith.constant 0 : i32
    %dma_wait3A_1415 = tpu.memref_slice %arg4[%add3A_1387, %dma_wait3A_1414] : memref<425984x64xf32, #tpu.memory_space<hbm>> -> memref<416x64xf32, #tpu.memory_space<hbm>>
    %dma_wait3A_1416 = arith.constant 0 : i32
    %dma_wait3A_1417 = arith.constant 0 : i32
    %dma_wait3A_1418 = tpu.memref_slice %arg6[%dma_wait3A_1404, %dma_wait3A_1416, %dma_wait3A_1417] : memref<4x416x64xf32, #tpu.memory_space<vmem>> -> memref<1x416x64xf32, #tpu.memory_space<vmem>>
    %dma_wait3A_1419 = tpu.memref_squeeze %dma_wait3A_1418 : memref<1x416x64xf32, #tpu.memory_space<vmem>> -> memref<416x64xf32, #tpu.memory_space<vmem>>
    tpu.wait_dma2 semaphore(%dma_wait3A_1413 : memref<!tpu.dma_semaphore, #tpu.memory_space<semaphore_mem>>) src(%dma_wait3A_1419 : memref<416x64xf32, #tpu.memory_space<vmem>>) dst(%dma_wait3A_1415 : memref<416x64xf32, #tpu.memory_space<hbm>>)
    %dma_start3A_1420 = arith.constant 2 : i32
    %dma_start3A_1421 = arith.constant 2 : i32
    %dma_start3A_1422 = arith.constant 0 : i32
    %dma_start3A_1423 = arith.constant 0 : i32
    %dma_start3A_1424 = tpu.memref_slice %arg6[%dma_start3A_1420, %dma_start3A_1422, %dma_start3A_1423] : memref<4x416x64xf32, #tpu.memory_space<vmem>> -> memref<1x416x64xf32, #tpu.memory_space<vmem>>
    %dma_start3A_1425 = tpu.memref_squeeze %dma_start3A_1424 : memref<1x416x64xf32, #tpu.memory_space<vmem>> -> memref<416x64xf32, #tpu.memory_space<vmem>>
    %dma_start3A_1426 = arith.constant 10816 : i32
    %dma_start3A_1427 = tpu.memref_slice %arg5[%dma_start3A_1426] : memref<13312xi32, #tpu.memory_space<vmem>> -> memref<416xi32, #tpu.memory_space<vmem>>
    %dma_start3A_1428 = arith.constant 0 : i32
    %dma_start3A_1429 = arith.constant 0 : i32
    %dma_start3A_1430 = tpu.memref_slice %arg3[%dma_start3A_1428, %dma_start3A_1429] : memref<1000000x64xf32, #tpu.memory_space<hbm>> -> memref<1000000x64xf32, #tpu.memory_space<hbm>>
    %dma_start3A_1431 = tpu.memref_slice %arg7[%dma_start3A_1421] : memref<4x!tpu.dma_semaphore, #tpu.memory_space<semaphore_mem>> -> memref<1x!tpu.dma_semaphore, #tpu.memory_space<semaphore_mem>>
    %dma_start3A_1432 = tpu.memref_squeeze %dma_start3A_1431 : memref<1x!tpu.dma_semaphore, #tpu.memory_space<semaphore_mem>> -> memref<!tpu.dma_semaphore, #tpu.memory_space<semaphore_mem>>
    tpu.enqueue_indirect_dma source(%dma_start3A_1430 : memref<1000000x64xf32, #tpu.memory_space<hbm>>) target(%dma_start3A_1425 : memref<416x64xf32, #tpu.memory_space<vmem>>) offsets(%dma_start3A_1427 : memref<416xi32, #tpu.memory_space<vmem>>) semaphore(%dma_start3A_1432 : memref<!tpu.dma_semaphore, #tpu.memory_space<semaphore_mem>>)
    %dma_wait3A_1433 = arith.constant 3 : i32
    %dma_wait3A_1434 = arith.constant 3 : i32
    %dma_wait3A_1435 = arith.constant 0 : i32
    %dma_wait3A_1436 = arith.constant 0 : i32
    %dma_wait3A_1437 = tpu.memref_slice %arg6[%dma_wait3A_1433, %dma_wait3A_1435, %dma_wait3A_1436] : memref<4x416x64xf32, #tpu.memory_space<vmem>> -> memref<1x416x64xf32, #tpu.memory_space<vmem>>
    %dma_wait3A_1438 = tpu.memref_squeeze %dma_wait3A_1437 : memref<1x416x64xf32, #tpu.memory_space<vmem>> -> memref<416x64xf32, #tpu.memory_space<vmem>>
    %dma_wait3A_1439 = arith.constant 9568 : i32
    %dma_wait3A_1440 = tpu.memref_slice %arg5[%dma_wait3A_1439] : memref<13312xi32, #tpu.memory_space<vmem>> -> memref<416xi32, #tpu.memory_space<vmem>>
    %dma_wait3A_1441 = arith.constant 0 : i32
    %dma_wait3A_1442 = arith.constant 0 : i32
    %dma_wait3A_1443 = tpu.memref_slice %arg3[%dma_wait3A_1441, %dma_wait3A_1442] : memref<1000000x64xf32, #tpu.memory_space<hbm>> -> memref<1000000x64xf32, #tpu.memory_space<hbm>>
    %dma_wait3A_1444 = tpu.memref_slice %arg7[%dma_wait3A_1434] : memref<4x!tpu.dma_semaphore, #tpu.memory_space<semaphore_mem>> -> memref<1x!tpu.dma_semaphore, #tpu.memory_space<semaphore_mem>>
    %dma_wait3A_1445 = tpu.memref_squeeze %dma_wait3A_1444 : memref<1x!tpu.dma_semaphore, #tpu.memory_space<semaphore_mem>> -> memref<!tpu.dma_semaphore, #tpu.memory_space<semaphore_mem>>
    tpu.wait_indirect_dma semaphore(%dma_wait3A_1445 : memref<!tpu.dma_semaphore, #tpu.memory_space<semaphore_mem>>) src(%dma_wait3A_1443 : memref<1000000x64xf32, #tpu.memory_space<hbm>>) dst(%dma_wait3A_1438 : memref<416x64xf32, #tpu.memory_space<vmem>>)
    %add3A_1446 = arith.constant 9568 : i32
    %add3A_1447 = arith.addi %mul3A_2, %add3A_1446 : i32
    %dma_start3A_1448 = arith.constant 3 : i32
    %dma_start3A_1449 = arith.constant 3 : i32
    %dma_start3A_1450 = arith.constant 0 : i32
    %dma_start3A_1451 = arith.constant 0 : i32
    %dma_start3A_1452 = tpu.memref_slice %arg6[%dma_start3A_1448, %dma_start3A_1450, %dma_start3A_1451] : memref<4x416x64xf32, #tpu.memory_space<vmem>> -> memref<1x416x64xf32, #tpu.memory_space<vmem>>
    %dma_start3A_1453 = tpu.memref_squeeze %dma_start3A_1452 : memref<1x416x64xf32, #tpu.memory_space<vmem>> -> memref<416x64xf32, #tpu.memory_space<vmem>>
    %dma_start3A_1454 = arith.constant 0 : i32
    %dma_start3A_1455 = tpu.memref_slice %arg4[%add3A_1447, %dma_start3A_1454] : memref<425984x64xf32, #tpu.memory_space<hbm>> -> memref<416x64xf32, #tpu.memory_space<hbm>>
    %dma_start3A_1456 = tpu.memref_slice %arg8[%dma_start3A_1449] : memref<4x!tpu.dma_semaphore, #tpu.memory_space<semaphore_mem>> -> memref<1x!tpu.dma_semaphore, #tpu.memory_space<semaphore_mem>>
    %dma_start3A_1457 = tpu.memref_squeeze %dma_start3A_1456 : memref<1x!tpu.dma_semaphore, #tpu.memory_space<semaphore_mem>> -> memref<!tpu.dma_semaphore, #tpu.memory_space<semaphore_mem>>
    %dma_start3A_1458 = arith.constant 0 : i32
    %dma_start3A_1459 = tpu.memref_slice %arg4[%add3A_1447, %dma_start3A_1458] : memref<425984x64xf32, #tpu.memory_space<hbm>> -> memref<416x64xf32, #tpu.memory_space<hbm>>
    %dma_start3A_1460 = arith.constant 0 : i32
    %dma_start3A_1461 = arith.constant 0 : i32
    %dma_start3A_1462 = tpu.memref_slice %arg6[%dma_start3A_1448, %dma_start3A_1460, %dma_start3A_1461] : memref<4x416x64xf32, #tpu.memory_space<vmem>> -> memref<1x416x64xf32, #tpu.memory_space<vmem>>
    %dma_start3A_1463 = tpu.memref_squeeze %dma_start3A_1462 : memref<1x416x64xf32, #tpu.memory_space<vmem>> -> memref<416x64xf32, #tpu.memory_space<vmem>>
    tpu.enqueue_dma source(%dma_start3A_1463 : memref<416x64xf32, #tpu.memory_space<vmem>>) target(%dma_start3A_1459 : memref<416x64xf32, #tpu.memory_space<hbm>>) target_semaphore(%dma_start3A_1457 : memref<!tpu.dma_semaphore, #tpu.memory_space<semaphore_mem>>)
    %dma_wait3A_1464 = arith.constant 3 : i32
    %dma_wait3A_1465 = arith.constant 3 : i32
    %dma_wait3A_1466 = arith.constant 0 : i32
    %dma_wait3A_1467 = arith.constant 0 : i32
    %dma_wait3A_1468 = tpu.memref_slice %arg6[%dma_wait3A_1464, %dma_wait3A_1466, %dma_wait3A_1467] : memref<4x416x64xf32, #tpu.memory_space<vmem>> -> memref<1x416x64xf32, #tpu.memory_space<vmem>>
    %dma_wait3A_1469 = tpu.memref_squeeze %dma_wait3A_1468 : memref<1x416x64xf32, #tpu.memory_space<vmem>> -> memref<416x64xf32, #tpu.memory_space<vmem>>
    %dma_wait3A_1470 = arith.constant 0 : i32
    %dma_wait3A_1471 = tpu.memref_slice %arg4[%add3A_1447, %dma_wait3A_1470] : memref<425984x64xf32, #tpu.memory_space<hbm>> -> memref<416x64xf32, #tpu.memory_space<hbm>>
    %dma_wait3A_1472 = tpu.memref_slice %arg8[%dma_wait3A_1465] : memref<4x!tpu.dma_semaphore, #tpu.memory_space<semaphore_mem>> -> memref<1x!tpu.dma_semaphore, #tpu.memory_space<semaphore_mem>>
    %dma_wait3A_1473 = tpu.memref_squeeze %dma_wait3A_1472 : memref<1x!tpu.dma_semaphore, #tpu.memory_space<semaphore_mem>> -> memref<!tpu.dma_semaphore, #tpu.memory_space<semaphore_mem>>
    %dma_wait3A_1474 = arith.constant 0 : i32
    %dma_wait3A_1475 = tpu.memref_slice %arg4[%add3A_1447, %dma_wait3A_1474] : memref<425984x64xf32, #tpu.memory_space<hbm>> -> memref<416x64xf32, #tpu.memory_space<hbm>>
    %dma_wait3A_1476 = arith.constant 0 : i32
    %dma_wait3A_1477 = arith.constant 0 : i32
    %dma_wait3A_1478 = tpu.memref_slice %arg6[%dma_wait3A_1464, %dma_wait3A_1476, %dma_wait3A_1477] : memref<4x416x64xf32, #tpu.memory_space<vmem>> -> memref<1x416x64xf32, #tpu.memory_space<vmem>>
    %dma_wait3A_1479 = tpu.memref_squeeze %dma_wait3A_1478 : memref<1x416x64xf32, #tpu.memory_space<vmem>> -> memref<416x64xf32, #tpu.memory_space<vmem>>
    tpu.wait_dma2 semaphore(%dma_wait3A_1473 : memref<!tpu.dma_semaphore, #tpu.memory_space<semaphore_mem>>) src(%dma_wait3A_1479 : memref<416x64xf32, #tpu.memory_space<vmem>>) dst(%dma_wait3A_1475 : memref<416x64xf32, #tpu.memory_space<hbm>>)
    %dma_start3A_1480 = arith.constant 3 : i32
    %dma_start3A_1481 = arith.constant 3 : i32
    %dma_start3A_1482 = arith.constant 0 : i32
    %dma_start3A_1483 = arith.constant 0 : i32
    %dma_start3A_1484 = tpu.memref_slice %arg6[%dma_start3A_1480, %dma_start3A_1482, %dma_start3A_1483] : memref<4x416x64xf32, #tpu.memory_space<vmem>> -> memref<1x416x64xf32, #tpu.memory_space<vmem>>
    %dma_start3A_1485 = tpu.memref_squeeze %dma_start3A_1484 : memref<1x416x64xf32, #tpu.memory_space<vmem>> -> memref<416x64xf32, #tpu.memory_space<vmem>>
    %dma_start3A_1486 = arith.constant 11232 : i32
    %dma_start3A_1487 = tpu.memref_slice %arg5[%dma_start3A_1486] : memref<13312xi32, #tpu.memory_space<vmem>> -> memref<416xi32, #tpu.memory_space<vmem>>
    %dma_start3A_1488 = arith.constant 0 : i32
    %dma_start3A_1489 = arith.constant 0 : i32
    %dma_start3A_1490 = tpu.memref_slice %arg3[%dma_start3A_1488, %dma_start3A_1489] : memref<1000000x64xf32, #tpu.memory_space<hbm>> -> memref<1000000x64xf32, #tpu.memory_space<hbm>>
    %dma_start3A_1491 = tpu.memref_slice %arg7[%dma_start3A_1481] : memref<4x!tpu.dma_semaphore, #tpu.memory_space<semaphore_mem>> -> memref<1x!tpu.dma_semaphore, #tpu.memory_space<semaphore_mem>>
    %dma_start3A_1492 = tpu.memref_squeeze %dma_start3A_1491 : memref<1x!tpu.dma_semaphore, #tpu.memory_space<semaphore_mem>> -> memref<!tpu.dma_semaphore, #tpu.memory_space<semaphore_mem>>
    tpu.enqueue_indirect_dma source(%dma_start3A_1490 : memref<1000000x64xf32, #tpu.memory_space<hbm>>) target(%dma_start3A_1485 : memref<416x64xf32, #tpu.memory_space<vmem>>) offsets(%dma_start3A_1487 : memref<416xi32, #tpu.memory_space<vmem>>) semaphore(%dma_start3A_1492 : memref<!tpu.dma_semaphore, #tpu.memory_space<semaphore_mem>>)
    %dma_wait3A_1493 = arith.constant 0 : i32
    %dma_wait3A_1494 = arith.constant 0 : i32
    %dma_wait3A_1495 = arith.constant 0 : i32
    %dma_wait3A_1496 = arith.constant 0 : i32
    %dma_wait3A_1497 = tpu.memref_slice %arg6[%dma_wait3A_1493, %dma_wait3A_1495, %dma_wait3A_1496] : memref<4x416x64xf32, #tpu.memory_space<vmem>> -> memref<1x416x64xf32, #tpu.memory_space<vmem>>
    %dma_wait3A_1498 = tpu.memref_squeeze %dma_wait3A_1497 : memref<1x416x64xf32, #tpu.memory_space<vmem>> -> memref<416x64xf32, #tpu.memory_space<vmem>>
    %dma_wait3A_1499 = arith.constant 9984 : i32
    %dma_wait3A_1500 = tpu.memref_slice %arg5[%dma_wait3A_1499] : memref<13312xi32, #tpu.memory_space<vmem>> -> memref<416xi32, #tpu.memory_space<vmem>>
    %dma_wait3A_1501 = arith.constant 0 : i32
    %dma_wait3A_1502 = arith.constant 0 : i32
    %dma_wait3A_1503 = tpu.memref_slice %arg3[%dma_wait3A_1501, %dma_wait3A_1502] : memref<1000000x64xf32, #tpu.memory_space<hbm>> -> memref<1000000x64xf32, #tpu.memory_space<hbm>>
    %dma_wait3A_1504 = tpu.memref_slice %arg7[%dma_wait3A_1494] : memref<4x!tpu.dma_semaphore, #tpu.memory_space<semaphore_mem>> -> memref<1x!tpu.dma_semaphore, #tpu.memory_space<semaphore_mem>>
    %dma_wait3A_1505 = tpu.memref_squeeze %dma_wait3A_1504 : memref<1x!tpu.dma_semaphore, #tpu.memory_space<semaphore_mem>> -> memref<!tpu.dma_semaphore, #tpu.memory_space<semaphore_mem>>
    tpu.wait_indirect_dma semaphore(%dma_wait3A_1505 : memref<!tpu.dma_semaphore, #tpu.memory_space<semaphore_mem>>) src(%dma_wait3A_1503 : memref<1000000x64xf32, #tpu.memory_space<hbm>>) dst(%dma_wait3A_1498 : memref<416x64xf32, #tpu.memory_space<vmem>>)
    %add3A_1506 = arith.constant 9984 : i32
    %add3A_1507 = arith.addi %mul3A_2, %add3A_1506 : i32
    %dma_start3A_1508 = arith.constant 0 : i32
    %dma_start3A_1509 = arith.constant 0 : i32
    %dma_start3A_1510 = arith.constant 0 : i32
    %dma_start3A_1511 = arith.constant 0 : i32
    %dma_start3A_1512 = tpu.memref_slice %arg6[%dma_start3A_1508, %dma_start3A_1510, %dma_start3A_1511] : memref<4x416x64xf32, #tpu.memory_space<vmem>> -> memref<1x416x64xf32, #tpu.memory_space<vmem>>
    %dma_start3A_1513 = tpu.memref_squeeze %dma_start3A_1512 : memref<1x416x64xf32, #tpu.memory_space<vmem>> -> memref<416x64xf32, #tpu.memory_space<vmem>>
    %dma_start3A_1514 = arith.constant 0 : i32
    %dma_start3A_1515 = tpu.memref_slice %arg4[%add3A_1507, %dma_start3A_1514] : memref<425984x64xf32, #tpu.memory_space<hbm>> -> memref<416x64xf32, #tpu.memory_space<hbm>>
    %dma_start3A_1516 = tpu.memref_slice %arg8[%dma_start3A_1509] : memref<4x!tpu.dma_semaphore, #tpu.memory_space<semaphore_mem>> -> memref<1x!tpu.dma_semaphore, #tpu.memory_space<semaphore_mem>>
    %dma_start3A_1517 = tpu.memref_squeeze %dma_start3A_1516 : memref<1x!tpu.dma_semaphore, #tpu.memory_space<semaphore_mem>> -> memref<!tpu.dma_semaphore, #tpu.memory_space<semaphore_mem>>
    %dma_start3A_1518 = arith.constant 0 : i32
    %dma_start3A_1519 = tpu.memref_slice %arg4[%add3A_1507, %dma_start3A_1518] : memref<425984x64xf32, #tpu.memory_space<hbm>> -> memref<416x64xf32, #tpu.memory_space<hbm>>
    %dma_start3A_1520 = arith.constant 0 : i32
    %dma_start3A_1521 = arith.constant 0 : i32
    %dma_start3A_1522 = tpu.memref_slice %arg6[%dma_start3A_1508, %dma_start3A_1520, %dma_start3A_1521] : memref<4x416x64xf32, #tpu.memory_space<vmem>> -> memref<1x416x64xf32, #tpu.memory_space<vmem>>
    %dma_start3A_1523 = tpu.memref_squeeze %dma_start3A_1522 : memref<1x416x64xf32, #tpu.memory_space<vmem>> -> memref<416x64xf32, #tpu.memory_space<vmem>>
    tpu.enqueue_dma source(%dma_start3A_1523 : memref<416x64xf32, #tpu.memory_space<vmem>>) target(%dma_start3A_1519 : memref<416x64xf32, #tpu.memory_space<hbm>>) target_semaphore(%dma_start3A_1517 : memref<!tpu.dma_semaphore, #tpu.memory_space<semaphore_mem>>)
    %dma_wait3A_1524 = arith.constant 0 : i32
    %dma_wait3A_1525 = arith.constant 0 : i32
    %dma_wait3A_1526 = arith.constant 0 : i32
    %dma_wait3A_1527 = arith.constant 0 : i32
    %dma_wait3A_1528 = tpu.memref_slice %arg6[%dma_wait3A_1524, %dma_wait3A_1526, %dma_wait3A_1527] : memref<4x416x64xf32, #tpu.memory_space<vmem>> -> memref<1x416x64xf32, #tpu.memory_space<vmem>>
    %dma_wait3A_1529 = tpu.memref_squeeze %dma_wait3A_1528 : memref<1x416x64xf32, #tpu.memory_space<vmem>> -> memref<416x64xf32, #tpu.memory_space<vmem>>
    %dma_wait3A_1530 = arith.constant 0 : i32
    %dma_wait3A_1531 = tpu.memref_slice %arg4[%add3A_1507, %dma_wait3A_1530] : memref<425984x64xf32, #tpu.memory_space<hbm>> -> memref<416x64xf32, #tpu.memory_space<hbm>>
    %dma_wait3A_1532 = tpu.memref_slice %arg8[%dma_wait3A_1525] : memref<4x!tpu.dma_semaphore, #tpu.memory_space<semaphore_mem>> -> memref<1x!tpu.dma_semaphore, #tpu.memory_space<semaphore_mem>>
    %dma_wait3A_1533 = tpu.memref_squeeze %dma_wait3A_1532 : memref<1x!tpu.dma_semaphore, #tpu.memory_space<semaphore_mem>> -> memref<!tpu.dma_semaphore, #tpu.memory_space<semaphore_mem>>
    %dma_wait3A_1534 = arith.constant 0 : i32
    %dma_wait3A_1535 = tpu.memref_slice %arg4[%add3A_1507, %dma_wait3A_1534] : memref<425984x64xf32, #tpu.memory_space<hbm>> -> memref<416x64xf32, #tpu.memory_space<hbm>>
    %dma_wait3A_1536 = arith.constant 0 : i32
    %dma_wait3A_1537 = arith.constant 0 : i32
    %dma_wait3A_1538 = tpu.memref_slice %arg6[%dma_wait3A_1524, %dma_wait3A_1536, %dma_wait3A_1537] : memref<4x416x64xf32, #tpu.memory_space<vmem>> -> memref<1x416x64xf32, #tpu.memory_space<vmem>>
    %dma_wait3A_1539 = tpu.memref_squeeze %dma_wait3A_1538 : memref<1x416x64xf32, #tpu.memory_space<vmem>> -> memref<416x64xf32, #tpu.memory_space<vmem>>
    tpu.wait_dma2 semaphore(%dma_wait3A_1533 : memref<!tpu.dma_semaphore, #tpu.memory_space<semaphore_mem>>) src(%dma_wait3A_1539 : memref<416x64xf32, #tpu.memory_space<vmem>>) dst(%dma_wait3A_1535 : memref<416x64xf32, #tpu.memory_space<hbm>>)
    %dma_start3A_1540 = arith.constant 0 : i32
    %dma_start3A_1541 = arith.constant 0 : i32
    %dma_start3A_1542 = arith.constant 0 : i32
    %dma_start3A_1543 = arith.constant 0 : i32
    %dma_start3A_1544 = tpu.memref_slice %arg6[%dma_start3A_1540, %dma_start3A_1542, %dma_start3A_1543] : memref<4x416x64xf32, #tpu.memory_space<vmem>> -> memref<1x416x64xf32, #tpu.memory_space<vmem>>
    %dma_start3A_1545 = tpu.memref_squeeze %dma_start3A_1544 : memref<1x416x64xf32, #tpu.memory_space<vmem>> -> memref<416x64xf32, #tpu.memory_space<vmem>>
    %dma_start3A_1546 = arith.constant 11648 : i32
    %dma_start3A_1547 = tpu.memref_slice %arg5[%dma_start3A_1546] : memref<13312xi32, #tpu.memory_space<vmem>> -> memref<416xi32, #tpu.memory_space<vmem>>
    %dma_start3A_1548 = arith.constant 0 : i32
    %dma_start3A_1549 = arith.constant 0 : i32
    %dma_start3A_1550 = tpu.memref_slice %arg3[%dma_start3A_1548, %dma_start3A_1549] : memref<1000000x64xf32, #tpu.memory_space<hbm>> -> memref<1000000x64xf32, #tpu.memory_space<hbm>>
    %dma_start3A_1551 = tpu.memref_slice %arg7[%dma_start3A_1541] : memref<4x!tpu.dma_semaphore, #tpu.memory_space<semaphore_mem>> -> memref<1x!tpu.dma_semaphore, #tpu.memory_space<semaphore_mem>>
    %dma_start3A_1552 = tpu.memref_squeeze %dma_start3A_1551 : memref<1x!tpu.dma_semaphore, #tpu.memory_space<semaphore_mem>> -> memref<!tpu.dma_semaphore, #tpu.memory_space<semaphore_mem>>
    tpu.enqueue_indirect_dma source(%dma_start3A_1550 : memref<1000000x64xf32, #tpu.memory_space<hbm>>) target(%dma_start3A_1545 : memref<416x64xf32, #tpu.memory_space<vmem>>) offsets(%dma_start3A_1547 : memref<416xi32, #tpu.memory_space<vmem>>) semaphore(%dma_start3A_1552 : memref<!tpu.dma_semaphore, #tpu.memory_space<semaphore_mem>>)
    %dma_wait3A_1553 = arith.constant 1 : i32
    %dma_wait3A_1554 = arith.constant 1 : i32
    %dma_wait3A_1555 = arith.constant 0 : i32
    %dma_wait3A_1556 = arith.constant 0 : i32
    %dma_wait3A_1557 = tpu.memref_slice %arg6[%dma_wait3A_1553, %dma_wait3A_1555, %dma_wait3A_1556] : memref<4x416x64xf32, #tpu.memory_space<vmem>> -> memref<1x416x64xf32, #tpu.memory_space<vmem>>
    %dma_wait3A_1558 = tpu.memref_squeeze %dma_wait3A_1557 : memref<1x416x64xf32, #tpu.memory_space<vmem>> -> memref<416x64xf32, #tpu.memory_space<vmem>>
    %dma_wait3A_1559 = arith.constant 10400 : i32
    %dma_wait3A_1560 = tpu.memref_slice %arg5[%dma_wait3A_1559] : memref<13312xi32, #tpu.memory_space<vmem>> -> memref<416xi32, #tpu.memory_space<vmem>>
    %dma_wait3A_1561 = arith.constant 0 : i32
    %dma_wait3A_1562 = arith.constant 0 : i32
    %dma_wait3A_1563 = tpu.memref_slice %arg3[%dma_wait3A_1561, %dma_wait3A_1562] : memref<1000000x64xf32, #tpu.memory_space<hbm>> -> memref<1000000x64xf32, #tpu.memory_space<hbm>>
    %dma_wait3A_1564 = tpu.memref_slice %arg7[%dma_wait3A_1554] : memref<4x!tpu.dma_semaphore, #tpu.memory_space<semaphore_mem>> -> memref<1x!tpu.dma_semaphore, #tpu.memory_space<semaphore_mem>>
    %dma_wait3A_1565 = tpu.memref_squeeze %dma_wait3A_1564 : memref<1x!tpu.dma_semaphore, #tpu.memory_space<semaphore_mem>> -> memref<!tpu.dma_semaphore, #tpu.memory_space<semaphore_mem>>
    tpu.wait_indirect_dma semaphore(%dma_wait3A_1565 : memref<!tpu.dma_semaphore, #tpu.memory_space<semaphore_mem>>) src(%dma_wait3A_1563 : memref<1000000x64xf32, #tpu.memory_space<hbm>>) dst(%dma_wait3A_1558 : memref<416x64xf32, #tpu.memory_space<vmem>>)
    %add3A_1566 = arith.constant 10400 : i32
    %add3A_1567 = arith.addi %mul3A_2, %add3A_1566 : i32
    %dma_start3A_1568 = arith.constant 1 : i32
    %dma_start3A_1569 = arith.constant 1 : i32
    %dma_start3A_1570 = arith.constant 0 : i32
    %dma_start3A_1571 = arith.constant 0 : i32
    %dma_start3A_1572 = tpu.memref_slice %arg6[%dma_start3A_1568, %dma_start3A_1570, %dma_start3A_1571] : memref<4x416x64xf32, #tpu.memory_space<vmem>> -> memref<1x416x64xf32, #tpu.memory_space<vmem>>
    %dma_start3A_1573 = tpu.memref_squeeze %dma_start3A_1572 : memref<1x416x64xf32, #tpu.memory_space<vmem>> -> memref<416x64xf32, #tpu.memory_space<vmem>>
    %dma_start3A_1574 = arith.constant 0 : i32
    %dma_start3A_1575 = tpu.memref_slice %arg4[%add3A_1567, %dma_start3A_1574] : memref<425984x64xf32, #tpu.memory_space<hbm>> -> memref<416x64xf32, #tpu.memory_space<hbm>>
    %dma_start3A_1576 = tpu.memref_slice %arg8[%dma_start3A_1569] : memref<4x!tpu.dma_semaphore, #tpu.memory_space<semaphore_mem>> -> memref<1x!tpu.dma_semaphore, #tpu.memory_space<semaphore_mem>>
    %dma_start3A_1577 = tpu.memref_squeeze %dma_start3A_1576 : memref<1x!tpu.dma_semaphore, #tpu.memory_space<semaphore_mem>> -> memref<!tpu.dma_semaphore, #tpu.memory_space<semaphore_mem>>
    %dma_start3A_1578 = arith.constant 0 : i32
    %dma_start3A_1579 = tpu.memref_slice %arg4[%add3A_1567, %dma_start3A_1578] : memref<425984x64xf32, #tpu.memory_space<hbm>> -> memref<416x64xf32, #tpu.memory_space<hbm>>
    %dma_start3A_1580 = arith.constant 0 : i32
    %dma_start3A_1581 = arith.constant 0 : i32
    %dma_start3A_1582 = tpu.memref_slice %arg6[%dma_start3A_1568, %dma_start3A_1580, %dma_start3A_1581] : memref<4x416x64xf32, #tpu.memory_space<vmem>> -> memref<1x416x64xf32, #tpu.memory_space<vmem>>
    %dma_start3A_1583 = tpu.memref_squeeze %dma_start3A_1582 : memref<1x416x64xf32, #tpu.memory_space<vmem>> -> memref<416x64xf32, #tpu.memory_space<vmem>>
    tpu.enqueue_dma source(%dma_start3A_1583 : memref<416x64xf32, #tpu.memory_space<vmem>>) target(%dma_start3A_1579 : memref<416x64xf32, #tpu.memory_space<hbm>>) target_semaphore(%dma_start3A_1577 : memref<!tpu.dma_semaphore, #tpu.memory_space<semaphore_mem>>)
    %dma_wait3A_1584 = arith.constant 1 : i32
    %dma_wait3A_1585 = arith.constant 1 : i32
    %dma_wait3A_1586 = arith.constant 0 : i32
    %dma_wait3A_1587 = arith.constant 0 : i32
    %dma_wait3A_1588 = tpu.memref_slice %arg6[%dma_wait3A_1584, %dma_wait3A_1586, %dma_wait3A_1587] : memref<4x416x64xf32, #tpu.memory_space<vmem>> -> memref<1x416x64xf32, #tpu.memory_space<vmem>>
    %dma_wait3A_1589 = tpu.memref_squeeze %dma_wait3A_1588 : memref<1x416x64xf32, #tpu.memory_space<vmem>> -> memref<416x64xf32, #tpu.memory_space<vmem>>
    %dma_wait3A_1590 = arith.constant 0 : i32
    %dma_wait3A_1591 = tpu.memref_slice %arg4[%add3A_1567, %dma_wait3A_1590] : memref<425984x64xf32, #tpu.memory_space<hbm>> -> memref<416x64xf32, #tpu.memory_space<hbm>>
    %dma_wait3A_1592 = tpu.memref_slice %arg8[%dma_wait3A_1585] : memref<4x!tpu.dma_semaphore, #tpu.memory_space<semaphore_mem>> -> memref<1x!tpu.dma_semaphore, #tpu.memory_space<semaphore_mem>>
    %dma_wait3A_1593 = tpu.memref_squeeze %dma_wait3A_1592 : memref<1x!tpu.dma_semaphore, #tpu.memory_space<semaphore_mem>> -> memref<!tpu.dma_semaphore, #tpu.memory_space<semaphore_mem>>
    %dma_wait3A_1594 = arith.constant 0 : i32
    %dma_wait3A_1595 = tpu.memref_slice %arg4[%add3A_1567, %dma_wait3A_1594] : memref<425984x64xf32, #tpu.memory_space<hbm>> -> memref<416x64xf32, #tpu.memory_space<hbm>>
    %dma_wait3A_1596 = arith.constant 0 : i32
    %dma_wait3A_1597 = arith.constant 0 : i32
    %dma_wait3A_1598 = tpu.memref_slice %arg6[%dma_wait3A_1584, %dma_wait3A_1596, %dma_wait3A_1597] : memref<4x416x64xf32, #tpu.memory_space<vmem>> -> memref<1x416x64xf32, #tpu.memory_space<vmem>>
    %dma_wait3A_1599 = tpu.memref_squeeze %dma_wait3A_1598 : memref<1x416x64xf32, #tpu.memory_space<vmem>> -> memref<416x64xf32, #tpu.memory_space<vmem>>
    tpu.wait_dma2 semaphore(%dma_wait3A_1593 : memref<!tpu.dma_semaphore, #tpu.memory_space<semaphore_mem>>) src(%dma_wait3A_1599 : memref<416x64xf32, #tpu.memory_space<vmem>>) dst(%dma_wait3A_1595 : memref<416x64xf32, #tpu.memory_space<hbm>>)
    %dma_start3A_1600 = arith.constant 1 : i32
    %dma_start3A_1601 = arith.constant 1 : i32
    %dma_start3A_1602 = arith.constant 0 : i32
    %dma_start3A_1603 = arith.constant 0 : i32
    %dma_start3A_1604 = tpu.memref_slice %arg6[%dma_start3A_1600, %dma_start3A_1602, %dma_start3A_1603] : memref<4x416x64xf32, #tpu.memory_space<vmem>> -> memref<1x416x64xf32, #tpu.memory_space<vmem>>
    %dma_start3A_1605 = tpu.memref_squeeze %dma_start3A_1604 : memref<1x416x64xf32, #tpu.memory_space<vmem>> -> memref<416x64xf32, #tpu.memory_space<vmem>>
    %dma_start3A_1606 = arith.constant 12064 : i32
    %dma_start3A_1607 = tpu.memref_slice %arg5[%dma_start3A_1606] : memref<13312xi32, #tpu.memory_space<vmem>> -> memref<416xi32, #tpu.memory_space<vmem>>
    %dma_start3A_1608 = arith.constant 0 : i32
    %dma_start3A_1609 = arith.constant 0 : i32
    %dma_start3A_1610 = tpu.memref_slice %arg3[%dma_start3A_1608, %dma_start3A_1609] : memref<1000000x64xf32, #tpu.memory_space<hbm>> -> memref<1000000x64xf32, #tpu.memory_space<hbm>>
    %dma_start3A_1611 = tpu.memref_slice %arg7[%dma_start3A_1601] : memref<4x!tpu.dma_semaphore, #tpu.memory_space<semaphore_mem>> -> memref<1x!tpu.dma_semaphore, #tpu.memory_space<semaphore_mem>>
    %dma_start3A_1612 = tpu.memref_squeeze %dma_start3A_1611 : memref<1x!tpu.dma_semaphore, #tpu.memory_space<semaphore_mem>> -> memref<!tpu.dma_semaphore, #tpu.memory_space<semaphore_mem>>
    tpu.enqueue_indirect_dma source(%dma_start3A_1610 : memref<1000000x64xf32, #tpu.memory_space<hbm>>) target(%dma_start3A_1605 : memref<416x64xf32, #tpu.memory_space<vmem>>) offsets(%dma_start3A_1607 : memref<416xi32, #tpu.memory_space<vmem>>) semaphore(%dma_start3A_1612 : memref<!tpu.dma_semaphore, #tpu.memory_space<semaphore_mem>>)
    %dma_wait3A_1613 = arith.constant 2 : i32
    %dma_wait3A_1614 = arith.constant 2 : i32
    %dma_wait3A_1615 = arith.constant 0 : i32
    %dma_wait3A_1616 = arith.constant 0 : i32
    %dma_wait3A_1617 = tpu.memref_slice %arg6[%dma_wait3A_1613, %dma_wait3A_1615, %dma_wait3A_1616] : memref<4x416x64xf32, #tpu.memory_space<vmem>> -> memref<1x416x64xf32, #tpu.memory_space<vmem>>
    %dma_wait3A_1618 = tpu.memref_squeeze %dma_wait3A_1617 : memref<1x416x64xf32, #tpu.memory_space<vmem>> -> memref<416x64xf32, #tpu.memory_space<vmem>>
    %dma_wait3A_1619 = arith.constant 10816 : i32
    %dma_wait3A_1620 = tpu.memref_slice %arg5[%dma_wait3A_1619] : memref<13312xi32, #tpu.memory_space<vmem>> -> memref<416xi32, #tpu.memory_space<vmem>>
    %dma_wait3A_1621 = arith.constant 0 : i32
    %dma_wait3A_1622 = arith.constant 0 : i32
    %dma_wait3A_1623 = tpu.memref_slice %arg3[%dma_wait3A_1621, %dma_wait3A_1622] : memref<1000000x64xf32, #tpu.memory_space<hbm>> -> memref<1000000x64xf32, #tpu.memory_space<hbm>>
    %dma_wait3A_1624 = tpu.memref_slice %arg7[%dma_wait3A_1614] : memref<4x!tpu.dma_semaphore, #tpu.memory_space<semaphore_mem>> -> memref<1x!tpu.dma_semaphore, #tpu.memory_space<semaphore_mem>>
    %dma_wait3A_1625 = tpu.memref_squeeze %dma_wait3A_1624 : memref<1x!tpu.dma_semaphore, #tpu.memory_space<semaphore_mem>> -> memref<!tpu.dma_semaphore, #tpu.memory_space<semaphore_mem>>
    tpu.wait_indirect_dma semaphore(%dma_wait3A_1625 : memref<!tpu.dma_semaphore, #tpu.memory_space<semaphore_mem>>) src(%dma_wait3A_1623 : memref<1000000x64xf32, #tpu.memory_space<hbm>>) dst(%dma_wait3A_1618 : memref<416x64xf32, #tpu.memory_space<vmem>>)
    %add3A_1626 = arith.constant 10816 : i32
    %add3A_1627 = arith.addi %mul3A_2, %add3A_1626 : i32
    %dma_start3A_1628 = arith.constant 2 : i32
    %dma_start3A_1629 = arith.constant 2 : i32
    %dma_start3A_1630 = arith.constant 0 : i32
    %dma_start3A_1631 = arith.constant 0 : i32
    %dma_start3A_1632 = tpu.memref_slice %arg6[%dma_start3A_1628, %dma_start3A_1630, %dma_start3A_1631] : memref<4x416x64xf32, #tpu.memory_space<vmem>> -> memref<1x416x64xf32, #tpu.memory_space<vmem>>
    %dma_start3A_1633 = tpu.memref_squeeze %dma_start3A_1632 : memref<1x416x64xf32, #tpu.memory_space<vmem>> -> memref<416x64xf32, #tpu.memory_space<vmem>>
    %dma_start3A_1634 = arith.constant 0 : i32
    %dma_start3A_1635 = tpu.memref_slice %arg4[%add3A_1627, %dma_start3A_1634] : memref<425984x64xf32, #tpu.memory_space<hbm>> -> memref<416x64xf32, #tpu.memory_space<hbm>>
    %dma_start3A_1636 = tpu.memref_slice %arg8[%dma_start3A_1629] : memref<4x!tpu.dma_semaphore, #tpu.memory_space<semaphore_mem>> -> memref<1x!tpu.dma_semaphore, #tpu.memory_space<semaphore_mem>>
    %dma_start3A_1637 = tpu.memref_squeeze %dma_start3A_1636 : memref<1x!tpu.dma_semaphore, #tpu.memory_space<semaphore_mem>> -> memref<!tpu.dma_semaphore, #tpu.memory_space<semaphore_mem>>
    %dma_start3A_1638 = arith.constant 0 : i32
    %dma_start3A_1639 = tpu.memref_slice %arg4[%add3A_1627, %dma_start3A_1638] : memref<425984x64xf32, #tpu.memory_space<hbm>> -> memref<416x64xf32, #tpu.memory_space<hbm>>
    %dma_start3A_1640 = arith.constant 0 : i32
    %dma_start3A_1641 = arith.constant 0 : i32
    %dma_start3A_1642 = tpu.memref_slice %arg6[%dma_start3A_1628, %dma_start3A_1640, %dma_start3A_1641] : memref<4x416x64xf32, #tpu.memory_space<vmem>> -> memref<1x416x64xf32, #tpu.memory_space<vmem>>
    %dma_start3A_1643 = tpu.memref_squeeze %dma_start3A_1642 : memref<1x416x64xf32, #tpu.memory_space<vmem>> -> memref<416x64xf32, #tpu.memory_space<vmem>>
    tpu.enqueue_dma source(%dma_start3A_1643 : memref<416x64xf32, #tpu.memory_space<vmem>>) target(%dma_start3A_1639 : memref<416x64xf32, #tpu.memory_space<hbm>>) target_semaphore(%dma_start3A_1637 : memref<!tpu.dma_semaphore, #tpu.memory_space<semaphore_mem>>)
    %dma_wait3A_1644 = arith.constant 2 : i32
    %dma_wait3A_1645 = arith.constant 2 : i32
    %dma_wait3A_1646 = arith.constant 0 : i32
    %dma_wait3A_1647 = arith.constant 0 : i32
    %dma_wait3A_1648 = tpu.memref_slice %arg6[%dma_wait3A_1644, %dma_wait3A_1646, %dma_wait3A_1647] : memref<4x416x64xf32, #tpu.memory_space<vmem>> -> memref<1x416x64xf32, #tpu.memory_space<vmem>>
    %dma_wait3A_1649 = tpu.memref_squeeze %dma_wait3A_1648 : memref<1x416x64xf32, #tpu.memory_space<vmem>> -> memref<416x64xf32, #tpu.memory_space<vmem>>
    %dma_wait3A_1650 = arith.constant 0 : i32
    %dma_wait3A_1651 = tpu.memref_slice %arg4[%add3A_1627, %dma_wait3A_1650] : memref<425984x64xf32, #tpu.memory_space<hbm>> -> memref<416x64xf32, #tpu.memory_space<hbm>>
    %dma_wait3A_1652 = tpu.memref_slice %arg8[%dma_wait3A_1645] : memref<4x!tpu.dma_semaphore, #tpu.memory_space<semaphore_mem>> -> memref<1x!tpu.dma_semaphore, #tpu.memory_space<semaphore_mem>>
    %dma_wait3A_1653 = tpu.memref_squeeze %dma_wait3A_1652 : memref<1x!tpu.dma_semaphore, #tpu.memory_space<semaphore_mem>> -> memref<!tpu.dma_semaphore, #tpu.memory_space<semaphore_mem>>
    %dma_wait3A_1654 = arith.constant 0 : i32
    %dma_wait3A_1655 = tpu.memref_slice %arg4[%add3A_1627, %dma_wait3A_1654] : memref<425984x64xf32, #tpu.memory_space<hbm>> -> memref<416x64xf32, #tpu.memory_space<hbm>>
    %dma_wait3A_1656 = arith.constant 0 : i32
    %dma_wait3A_1657 = arith.constant 0 : i32
    %dma_wait3A_1658 = tpu.memref_slice %arg6[%dma_wait3A_1644, %dma_wait3A_1656, %dma_wait3A_1657] : memref<4x416x64xf32, #tpu.memory_space<vmem>> -> memref<1x416x64xf32, #tpu.memory_space<vmem>>
    %dma_wait3A_1659 = tpu.memref_squeeze %dma_wait3A_1658 : memref<1x416x64xf32, #tpu.memory_space<vmem>> -> memref<416x64xf32, #tpu.memory_space<vmem>>
    tpu.wait_dma2 semaphore(%dma_wait3A_1653 : memref<!tpu.dma_semaphore, #tpu.memory_space<semaphore_mem>>) src(%dma_wait3A_1659 : memref<416x64xf32, #tpu.memory_space<vmem>>) dst(%dma_wait3A_1655 : memref<416x64xf32, #tpu.memory_space<hbm>>)
    %dma_start3A_1660 = arith.constant 2 : i32
    %dma_start3A_1661 = arith.constant 2 : i32
    %dma_start3A_1662 = arith.constant 0 : i32
    %dma_start3A_1663 = arith.constant 0 : i32
    %dma_start3A_1664 = tpu.memref_slice %arg6[%dma_start3A_1660, %dma_start3A_1662, %dma_start3A_1663] : memref<4x416x64xf32, #tpu.memory_space<vmem>> -> memref<1x416x64xf32, #tpu.memory_space<vmem>>
    %dma_start3A_1665 = tpu.memref_squeeze %dma_start3A_1664 : memref<1x416x64xf32, #tpu.memory_space<vmem>> -> memref<416x64xf32, #tpu.memory_space<vmem>>
    %dma_start3A_1666 = arith.constant 12480 : i32
    %dma_start3A_1667 = tpu.memref_slice %arg5[%dma_start3A_1666] : memref<13312xi32, #tpu.memory_space<vmem>> -> memref<416xi32, #tpu.memory_space<vmem>>
    %dma_start3A_1668 = arith.constant 0 : i32
    %dma_start3A_1669 = arith.constant 0 : i32
    %dma_start3A_1670 = tpu.memref_slice %arg3[%dma_start3A_1668, %dma_start3A_1669] : memref<1000000x64xf32, #tpu.memory_space<hbm>> -> memref<1000000x64xf32, #tpu.memory_space<hbm>>
    %dma_start3A_1671 = tpu.memref_slice %arg7[%dma_start3A_1661] : memref<4x!tpu.dma_semaphore, #tpu.memory_space<semaphore_mem>> -> memref<1x!tpu.dma_semaphore, #tpu.memory_space<semaphore_mem>>
    %dma_start3A_1672 = tpu.memref_squeeze %dma_start3A_1671 : memref<1x!tpu.dma_semaphore, #tpu.memory_space<semaphore_mem>> -> memref<!tpu.dma_semaphore, #tpu.memory_space<semaphore_mem>>
    tpu.enqueue_indirect_dma source(%dma_start3A_1670 : memref<1000000x64xf32, #tpu.memory_space<hbm>>) target(%dma_start3A_1665 : memref<416x64xf32, #tpu.memory_space<vmem>>) offsets(%dma_start3A_1667 : memref<416xi32, #tpu.memory_space<vmem>>) semaphore(%dma_start3A_1672 : memref<!tpu.dma_semaphore, #tpu.memory_space<semaphore_mem>>)
    %dma_wait3A_1673 = arith.constant 3 : i32
    %dma_wait3A_1674 = arith.constant 3 : i32
    %dma_wait3A_1675 = arith.constant 0 : i32
    %dma_wait3A_1676 = arith.constant 0 : i32
    %dma_wait3A_1677 = tpu.memref_slice %arg6[%dma_wait3A_1673, %dma_wait3A_1675, %dma_wait3A_1676] : memref<4x416x64xf32, #tpu.memory_space<vmem>> -> memref<1x416x64xf32, #tpu.memory_space<vmem>>
    %dma_wait3A_1678 = tpu.memref_squeeze %dma_wait3A_1677 : memref<1x416x64xf32, #tpu.memory_space<vmem>> -> memref<416x64xf32, #tpu.memory_space<vmem>>
    %dma_wait3A_1679 = arith.constant 11232 : i32
    %dma_wait3A_1680 = tpu.memref_slice %arg5[%dma_wait3A_1679] : memref<13312xi32, #tpu.memory_space<vmem>> -> memref<416xi32, #tpu.memory_space<vmem>>
    %dma_wait3A_1681 = arith.constant 0 : i32
    %dma_wait3A_1682 = arith.constant 0 : i32
    %dma_wait3A_1683 = tpu.memref_slice %arg3[%dma_wait3A_1681, %dma_wait3A_1682] : memref<1000000x64xf32, #tpu.memory_space<hbm>> -> memref<1000000x64xf32, #tpu.memory_space<hbm>>
    %dma_wait3A_1684 = tpu.memref_slice %arg7[%dma_wait3A_1674] : memref<4x!tpu.dma_semaphore, #tpu.memory_space<semaphore_mem>> -> memref<1x!tpu.dma_semaphore, #tpu.memory_space<semaphore_mem>>
    %dma_wait3A_1685 = tpu.memref_squeeze %dma_wait3A_1684 : memref<1x!tpu.dma_semaphore, #tpu.memory_space<semaphore_mem>> -> memref<!tpu.dma_semaphore, #tpu.memory_space<semaphore_mem>>
    tpu.wait_indirect_dma semaphore(%dma_wait3A_1685 : memref<!tpu.dma_semaphore, #tpu.memory_space<semaphore_mem>>) src(%dma_wait3A_1683 : memref<1000000x64xf32, #tpu.memory_space<hbm>>) dst(%dma_wait3A_1678 : memref<416x64xf32, #tpu.memory_space<vmem>>)
    %add3A_1686 = arith.constant 11232 : i32
    %add3A_1687 = arith.addi %mul3A_2, %add3A_1686 : i32
    %dma_start3A_1688 = arith.constant 3 : i32
    %dma_start3A_1689 = arith.constant 3 : i32
    %dma_start3A_1690 = arith.constant 0 : i32
    %dma_start3A_1691 = arith.constant 0 : i32
    %dma_start3A_1692 = tpu.memref_slice %arg6[%dma_start3A_1688, %dma_start3A_1690, %dma_start3A_1691] : memref<4x416x64xf32, #tpu.memory_space<vmem>> -> memref<1x416x64xf32, #tpu.memory_space<vmem>>
    %dma_start3A_1693 = tpu.memref_squeeze %dma_start3A_1692 : memref<1x416x64xf32, #tpu.memory_space<vmem>> -> memref<416x64xf32, #tpu.memory_space<vmem>>
    %dma_start3A_1694 = arith.constant 0 : i32
    %dma_start3A_1695 = tpu.memref_slice %arg4[%add3A_1687, %dma_start3A_1694] : memref<425984x64xf32, #tpu.memory_space<hbm>> -> memref<416x64xf32, #tpu.memory_space<hbm>>
    %dma_start3A_1696 = tpu.memref_slice %arg8[%dma_start3A_1689] : memref<4x!tpu.dma_semaphore, #tpu.memory_space<semaphore_mem>> -> memref<1x!tpu.dma_semaphore, #tpu.memory_space<semaphore_mem>>
    %dma_start3A_1697 = tpu.memref_squeeze %dma_start3A_1696 : memref<1x!tpu.dma_semaphore, #tpu.memory_space<semaphore_mem>> -> memref<!tpu.dma_semaphore, #tpu.memory_space<semaphore_mem>>
    %dma_start3A_1698 = arith.constant 0 : i32
    %dma_start3A_1699 = tpu.memref_slice %arg4[%add3A_1687, %dma_start3A_1698] : memref<425984x64xf32, #tpu.memory_space<hbm>> -> memref<416x64xf32, #tpu.memory_space<hbm>>
    %dma_start3A_1700 = arith.constant 0 : i32
    %dma_start3A_1701 = arith.constant 0 : i32
    %dma_start3A_1702 = tpu.memref_slice %arg6[%dma_start3A_1688, %dma_start3A_1700, %dma_start3A_1701] : memref<4x416x64xf32, #tpu.memory_space<vmem>> -> memref<1x416x64xf32, #tpu.memory_space<vmem>>
    %dma_start3A_1703 = tpu.memref_squeeze %dma_start3A_1702 : memref<1x416x64xf32, #tpu.memory_space<vmem>> -> memref<416x64xf32, #tpu.memory_space<vmem>>
    tpu.enqueue_dma source(%dma_start3A_1703 : memref<416x64xf32, #tpu.memory_space<vmem>>) target(%dma_start3A_1699 : memref<416x64xf32, #tpu.memory_space<hbm>>) target_semaphore(%dma_start3A_1697 : memref<!tpu.dma_semaphore, #tpu.memory_space<semaphore_mem>>)
    %dma_wait3A_1704 = arith.constant 3 : i32
    %dma_wait3A_1705 = arith.constant 3 : i32
    %dma_wait3A_1706 = arith.constant 0 : i32
    %dma_wait3A_1707 = arith.constant 0 : i32
    %dma_wait3A_1708 = tpu.memref_slice %arg6[%dma_wait3A_1704, %dma_wait3A_1706, %dma_wait3A_1707] : memref<4x416x64xf32, #tpu.memory_space<vmem>> -> memref<1x416x64xf32, #tpu.memory_space<vmem>>
    %dma_wait3A_1709 = tpu.memref_squeeze %dma_wait3A_1708 : memref<1x416x64xf32, #tpu.memory_space<vmem>> -> memref<416x64xf32, #tpu.memory_space<vmem>>
    %dma_wait3A_1710 = arith.constant 0 : i32
    %dma_wait3A_1711 = tpu.memref_slice %arg4[%add3A_1687, %dma_wait3A_1710] : memref<425984x64xf32, #tpu.memory_space<hbm>> -> memref<416x64xf32, #tpu.memory_space<hbm>>
    %dma_wait3A_1712 = tpu.memref_slice %arg8[%dma_wait3A_1705] : memref<4x!tpu.dma_semaphore, #tpu.memory_space<semaphore_mem>> -> memref<1x!tpu.dma_semaphore, #tpu.memory_space<semaphore_mem>>
    %dma_wait3A_1713 = tpu.memref_squeeze %dma_wait3A_1712 : memref<1x!tpu.dma_semaphore, #tpu.memory_space<semaphore_mem>> -> memref<!tpu.dma_semaphore, #tpu.memory_space<semaphore_mem>>
    %dma_wait3A_1714 = arith.constant 0 : i32
    %dma_wait3A_1715 = tpu.memref_slice %arg4[%add3A_1687, %dma_wait3A_1714] : memref<425984x64xf32, #tpu.memory_space<hbm>> -> memref<416x64xf32, #tpu.memory_space<hbm>>
    %dma_wait3A_1716 = arith.constant 0 : i32
    %dma_wait3A_1717 = arith.constant 0 : i32
    %dma_wait3A_1718 = tpu.memref_slice %arg6[%dma_wait3A_1704, %dma_wait3A_1716, %dma_wait3A_1717] : memref<4x416x64xf32, #tpu.memory_space<vmem>> -> memref<1x416x64xf32, #tpu.memory_space<vmem>>
    %dma_wait3A_1719 = tpu.memref_squeeze %dma_wait3A_1718 : memref<1x416x64xf32, #tpu.memory_space<vmem>> -> memref<416x64xf32, #tpu.memory_space<vmem>>
    tpu.wait_dma2 semaphore(%dma_wait3A_1713 : memref<!tpu.dma_semaphore, #tpu.memory_space<semaphore_mem>>) src(%dma_wait3A_1719 : memref<416x64xf32, #tpu.memory_space<vmem>>) dst(%dma_wait3A_1715 : memref<416x64xf32, #tpu.memory_space<hbm>>)
    %dma_start3A_1720 = arith.constant 3 : i32
    %dma_start3A_1721 = arith.constant 3 : i32
    %dma_start3A_1722 = arith.constant 0 : i32
    %dma_start3A_1723 = arith.constant 0 : i32
    %dma_start3A_1724 = tpu.memref_slice %arg6[%dma_start3A_1720, %dma_start3A_1722, %dma_start3A_1723] : memref<4x416x64xf32, #tpu.memory_space<vmem>> -> memref<1x416x64xf32, #tpu.memory_space<vmem>>
    %dma_start3A_1725 = tpu.memref_squeeze %dma_start3A_1724 : memref<1x416x64xf32, #tpu.memory_space<vmem>> -> memref<416x64xf32, #tpu.memory_space<vmem>>
    %dma_start3A_1726 = arith.constant 12896 : i32
    %dma_start3A_1727 = tpu.memref_slice %arg5[%dma_start3A_1726] : memref<13312xi32, #tpu.memory_space<vmem>> -> memref<416xi32, #tpu.memory_space<vmem>>
    %dma_start3A_1728 = arith.constant 0 : i32
    %dma_start3A_1729 = arith.constant 0 : i32
    %dma_start3A_1730 = tpu.memref_slice %arg3[%dma_start3A_1728, %dma_start3A_1729] : memref<1000000x64xf32, #tpu.memory_space<hbm>> -> memref<1000000x64xf32, #tpu.memory_space<hbm>>
    %dma_start3A_1731 = tpu.memref_slice %arg7[%dma_start3A_1721] : memref<4x!tpu.dma_semaphore, #tpu.memory_space<semaphore_mem>> -> memref<1x!tpu.dma_semaphore, #tpu.memory_space<semaphore_mem>>
    %dma_start3A_1732 = tpu.memref_squeeze %dma_start3A_1731 : memref<1x!tpu.dma_semaphore, #tpu.memory_space<semaphore_mem>> -> memref<!tpu.dma_semaphore, #tpu.memory_space<semaphore_mem>>
    tpu.enqueue_indirect_dma source(%dma_start3A_1730 : memref<1000000x64xf32, #tpu.memory_space<hbm>>) target(%dma_start3A_1725 : memref<416x64xf32, #tpu.memory_space<vmem>>) offsets(%dma_start3A_1727 : memref<416xi32, #tpu.memory_space<vmem>>) semaphore(%dma_start3A_1732 : memref<!tpu.dma_semaphore, #tpu.memory_space<semaphore_mem>>)
    %dma_wait3A_1733 = arith.constant 0 : i32
    %dma_wait3A_1734 = arith.constant 0 : i32
    %dma_wait3A_1735 = arith.constant 0 : i32
    %dma_wait3A_1736 = arith.constant 0 : i32
    %dma_wait3A_1737 = tpu.memref_slice %arg6[%dma_wait3A_1733, %dma_wait3A_1735, %dma_wait3A_1736] : memref<4x416x64xf32, #tpu.memory_space<vmem>> -> memref<1x416x64xf32, #tpu.memory_space<vmem>>
    %dma_wait3A_1738 = tpu.memref_squeeze %dma_wait3A_1737 : memref<1x416x64xf32, #tpu.memory_space<vmem>> -> memref<416x64xf32, #tpu.memory_space<vmem>>
    %dma_wait3A_1739 = arith.constant 11648 : i32
    %dma_wait3A_1740 = tpu.memref_slice %arg5[%dma_wait3A_1739] : memref<13312xi32, #tpu.memory_space<vmem>> -> memref<416xi32, #tpu.memory_space<vmem>>
    %dma_wait3A_1741 = arith.constant 0 : i32
    %dma_wait3A_1742 = arith.constant 0 : i32
    %dma_wait3A_1743 = tpu.memref_slice %arg3[%dma_wait3A_1741, %dma_wait3A_1742] : memref<1000000x64xf32, #tpu.memory_space<hbm>> -> memref<1000000x64xf32, #tpu.memory_space<hbm>>
    %dma_wait3A_1744 = tpu.memref_slice %arg7[%dma_wait3A_1734] : memref<4x!tpu.dma_semaphore, #tpu.memory_space<semaphore_mem>> -> memref<1x!tpu.dma_semaphore, #tpu.memory_space<semaphore_mem>>
    %dma_wait3A_1745 = tpu.memref_squeeze %dma_wait3A_1744 : memref<1x!tpu.dma_semaphore, #tpu.memory_space<semaphore_mem>> -> memref<!tpu.dma_semaphore, #tpu.memory_space<semaphore_mem>>
    tpu.wait_indirect_dma semaphore(%dma_wait3A_1745 : memref<!tpu.dma_semaphore, #tpu.memory_space<semaphore_mem>>) src(%dma_wait3A_1743 : memref<1000000x64xf32, #tpu.memory_space<hbm>>) dst(%dma_wait3A_1738 : memref<416x64xf32, #tpu.memory_space<vmem>>)
    %add3A_1746 = arith.constant 11648 : i32
    %add3A_1747 = arith.addi %mul3A_2, %add3A_1746 : i32
    %dma_start3A_1748 = arith.constant 0 : i32
    %dma_start3A_1749 = arith.constant 0 : i32
    %dma_start3A_1750 = arith.constant 0 : i32
    %dma_start3A_1751 = arith.constant 0 : i32
    %dma_start3A_1752 = tpu.memref_slice %arg6[%dma_start3A_1748, %dma_start3A_1750, %dma_start3A_1751] : memref<4x416x64xf32, #tpu.memory_space<vmem>> -> memref<1x416x64xf32, #tpu.memory_space<vmem>>
    %dma_start3A_1753 = tpu.memref_squeeze %dma_start3A_1752 : memref<1x416x64xf32, #tpu.memory_space<vmem>> -> memref<416x64xf32, #tpu.memory_space<vmem>>
    %dma_start3A_1754 = arith.constant 0 : i32
    %dma_start3A_1755 = tpu.memref_slice %arg4[%add3A_1747, %dma_start3A_1754] : memref<425984x64xf32, #tpu.memory_space<hbm>> -> memref<416x64xf32, #tpu.memory_space<hbm>>
    %dma_start3A_1756 = tpu.memref_slice %arg8[%dma_start3A_1749] : memref<4x!tpu.dma_semaphore, #tpu.memory_space<semaphore_mem>> -> memref<1x!tpu.dma_semaphore, #tpu.memory_space<semaphore_mem>>
    %dma_start3A_1757 = tpu.memref_squeeze %dma_start3A_1756 : memref<1x!tpu.dma_semaphore, #tpu.memory_space<semaphore_mem>> -> memref<!tpu.dma_semaphore, #tpu.memory_space<semaphore_mem>>
    %dma_start3A_1758 = arith.constant 0 : i32
    %dma_start3A_1759 = tpu.memref_slice %arg4[%add3A_1747, %dma_start3A_1758] : memref<425984x64xf32, #tpu.memory_space<hbm>> -> memref<416x64xf32, #tpu.memory_space<hbm>>
    %dma_start3A_1760 = arith.constant 0 : i32
    %dma_start3A_1761 = arith.constant 0 : i32
    %dma_start3A_1762 = tpu.memref_slice %arg6[%dma_start3A_1748, %dma_start3A_1760, %dma_start3A_1761] : memref<4x416x64xf32, #tpu.memory_space<vmem>> -> memref<1x416x64xf32, #tpu.memory_space<vmem>>
    %dma_start3A_1763 = tpu.memref_squeeze %dma_start3A_1762 : memref<1x416x64xf32, #tpu.memory_space<vmem>> -> memref<416x64xf32, #tpu.memory_space<vmem>>
    tpu.enqueue_dma source(%dma_start3A_1763 : memref<416x64xf32, #tpu.memory_space<vmem>>) target(%dma_start3A_1759 : memref<416x64xf32, #tpu.memory_space<hbm>>) target_semaphore(%dma_start3A_1757 : memref<!tpu.dma_semaphore, #tpu.memory_space<semaphore_mem>>)
    %dma_wait3A_1764 = arith.constant 1 : i32
    %dma_wait3A_1765 = arith.constant 1 : i32
    %dma_wait3A_1766 = arith.constant 0 : i32
    %dma_wait3A_1767 = arith.constant 0 : i32
    %dma_wait3A_1768 = tpu.memref_slice %arg6[%dma_wait3A_1764, %dma_wait3A_1766, %dma_wait3A_1767] : memref<4x416x64xf32, #tpu.memory_space<vmem>> -> memref<1x416x64xf32, #tpu.memory_space<vmem>>
    %dma_wait3A_1769 = tpu.memref_squeeze %dma_wait3A_1768 : memref<1x416x64xf32, #tpu.memory_space<vmem>> -> memref<416x64xf32, #tpu.memory_space<vmem>>
    %dma_wait3A_1770 = arith.constant 12064 : i32
    %dma_wait3A_1771 = tpu.memref_slice %arg5[%dma_wait3A_1770] : memref<13312xi32, #tpu.memory_space<vmem>> -> memref<416xi32, #tpu.memory_space<vmem>>
    %dma_wait3A_1772 = arith.constant 0 : i32
    %dma_wait3A_1773 = arith.constant 0 : i32
    %dma_wait3A_1774 = tpu.memref_slice %arg3[%dma_wait3A_1772, %dma_wait3A_1773] : memref<1000000x64xf32, #tpu.memory_space<hbm>> -> memref<1000000x64xf32, #tpu.memory_space<hbm>>
    %dma_wait3A_1775 = tpu.memref_slice %arg7[%dma_wait3A_1765] : memref<4x!tpu.dma_semaphore, #tpu.memory_space<semaphore_mem>> -> memref<1x!tpu.dma_semaphore, #tpu.memory_space<semaphore_mem>>
    %dma_wait3A_1776 = tpu.memref_squeeze %dma_wait3A_1775 : memref<1x!tpu.dma_semaphore, #tpu.memory_space<semaphore_mem>> -> memref<!tpu.dma_semaphore, #tpu.memory_space<semaphore_mem>>
    tpu.wait_indirect_dma semaphore(%dma_wait3A_1776 : memref<!tpu.dma_semaphore, #tpu.memory_space<semaphore_mem>>) src(%dma_wait3A_1774 : memref<1000000x64xf32, #tpu.memory_space<hbm>>) dst(%dma_wait3A_1769 : memref<416x64xf32, #tpu.memory_space<vmem>>)
    %add3A_1777 = arith.constant 12064 : i32
    %add3A_1778 = arith.addi %mul3A_2, %add3A_1777 : i32
    %dma_start3A_1779 = arith.constant 1 : i32
    %dma_start3A_1780 = arith.constant 1 : i32
    %dma_start3A_1781 = arith.constant 0 : i32
    %dma_start3A_1782 = arith.constant 0 : i32
    %dma_start3A_1783 = tpu.memref_slice %arg6[%dma_start3A_1779, %dma_start3A_1781, %dma_start3A_1782] : memref<4x416x64xf32, #tpu.memory_space<vmem>> -> memref<1x416x64xf32, #tpu.memory_space<vmem>>
    %dma_start3A_1784 = tpu.memref_squeeze %dma_start3A_1783 : memref<1x416x64xf32, #tpu.memory_space<vmem>> -> memref<416x64xf32, #tpu.memory_space<vmem>>
    %dma_start3A_1785 = arith.constant 0 : i32
    %dma_start3A_1786 = tpu.memref_slice %arg4[%add3A_1778, %dma_start3A_1785] : memref<425984x64xf32, #tpu.memory_space<hbm>> -> memref<416x64xf32, #tpu.memory_space<hbm>>
    %dma_start3A_1787 = tpu.memref_slice %arg8[%dma_start3A_1780] : memref<4x!tpu.dma_semaphore, #tpu.memory_space<semaphore_mem>> -> memref<1x!tpu.dma_semaphore, #tpu.memory_space<semaphore_mem>>
    %dma_start3A_1788 = tpu.memref_squeeze %dma_start3A_1787 : memref<1x!tpu.dma_semaphore, #tpu.memory_space<semaphore_mem>> -> memref<!tpu.dma_semaphore, #tpu.memory_space<semaphore_mem>>
    %dma_start3A_1789 = arith.constant 0 : i32
    %dma_start3A_1790 = tpu.memref_slice %arg4[%add3A_1778, %dma_start3A_1789] : memref<425984x64xf32, #tpu.memory_space<hbm>> -> memref<416x64xf32, #tpu.memory_space<hbm>>
    %dma_start3A_1791 = arith.constant 0 : i32
    %dma_start3A_1792 = arith.constant 0 : i32
    %dma_start3A_1793 = tpu.memref_slice %arg6[%dma_start3A_1779, %dma_start3A_1791, %dma_start3A_1792] : memref<4x416x64xf32, #tpu.memory_space<vmem>> -> memref<1x416x64xf32, #tpu.memory_space<vmem>>
    %dma_start3A_1794 = tpu.memref_squeeze %dma_start3A_1793 : memref<1x416x64xf32, #tpu.memory_space<vmem>> -> memref<416x64xf32, #tpu.memory_space<vmem>>
    tpu.enqueue_dma source(%dma_start3A_1794 : memref<416x64xf32, #tpu.memory_space<vmem>>) target(%dma_start3A_1790 : memref<416x64xf32, #tpu.memory_space<hbm>>) target_semaphore(%dma_start3A_1788 : memref<!tpu.dma_semaphore, #tpu.memory_space<semaphore_mem>>)
    %dma_wait3A_1795 = arith.constant 2 : i32
    %dma_wait3A_1796 = arith.constant 2 : i32
    %dma_wait3A_1797 = arith.constant 0 : i32
    %dma_wait3A_1798 = arith.constant 0 : i32
    %dma_wait3A_1799 = tpu.memref_slice %arg6[%dma_wait3A_1795, %dma_wait3A_1797, %dma_wait3A_1798] : memref<4x416x64xf32, #tpu.memory_space<vmem>> -> memref<1x416x64xf32, #tpu.memory_space<vmem>>
    %dma_wait3A_1800 = tpu.memref_squeeze %dma_wait3A_1799 : memref<1x416x64xf32, #tpu.memory_space<vmem>> -> memref<416x64xf32, #tpu.memory_space<vmem>>
    %dma_wait3A_1801 = arith.constant 12480 : i32
    %dma_wait3A_1802 = tpu.memref_slice %arg5[%dma_wait3A_1801] : memref<13312xi32, #tpu.memory_space<vmem>> -> memref<416xi32, #tpu.memory_space<vmem>>
    %dma_wait3A_1803 = arith.constant 0 : i32
    %dma_wait3A_1804 = arith.constant 0 : i32
    %dma_wait3A_1805 = tpu.memref_slice %arg3[%dma_wait3A_1803, %dma_wait3A_1804] : memref<1000000x64xf32, #tpu.memory_space<hbm>> -> memref<1000000x64xf32, #tpu.memory_space<hbm>>
    %dma_wait3A_1806 = tpu.memref_slice %arg7[%dma_wait3A_1796] : memref<4x!tpu.dma_semaphore, #tpu.memory_space<semaphore_mem>> -> memref<1x!tpu.dma_semaphore, #tpu.memory_space<semaphore_mem>>
    %dma_wait3A_1807 = tpu.memref_squeeze %dma_wait3A_1806 : memref<1x!tpu.dma_semaphore, #tpu.memory_space<semaphore_mem>> -> memref<!tpu.dma_semaphore, #tpu.memory_space<semaphore_mem>>
    tpu.wait_indirect_dma semaphore(%dma_wait3A_1807 : memref<!tpu.dma_semaphore, #tpu.memory_space<semaphore_mem>>) src(%dma_wait3A_1805 : memref<1000000x64xf32, #tpu.memory_space<hbm>>) dst(%dma_wait3A_1800 : memref<416x64xf32, #tpu.memory_space<vmem>>)
    %add3A_1808 = arith.constant 12480 : i32
    %add3A_1809 = arith.addi %mul3A_2, %add3A_1808 : i32
    %dma_start3A_1810 = arith.constant 2 : i32
    %dma_start3A_1811 = arith.constant 2 : i32
    %dma_start3A_1812 = arith.constant 0 : i32
    %dma_start3A_1813 = arith.constant 0 : i32
    %dma_start3A_1814 = tpu.memref_slice %arg6[%dma_start3A_1810, %dma_start3A_1812, %dma_start3A_1813] : memref<4x416x64xf32, #tpu.memory_space<vmem>> -> memref<1x416x64xf32, #tpu.memory_space<vmem>>
    %dma_start3A_1815 = tpu.memref_squeeze %dma_start3A_1814 : memref<1x416x64xf32, #tpu.memory_space<vmem>> -> memref<416x64xf32, #tpu.memory_space<vmem>>
    %dma_start3A_1816 = arith.constant 0 : i32
    %dma_start3A_1817 = tpu.memref_slice %arg4[%add3A_1809, %dma_start3A_1816] : memref<425984x64xf32, #tpu.memory_space<hbm>> -> memref<416x64xf32, #tpu.memory_space<hbm>>
    %dma_start3A_1818 = tpu.memref_slice %arg8[%dma_start3A_1811] : memref<4x!tpu.dma_semaphore, #tpu.memory_space<semaphore_mem>> -> memref<1x!tpu.dma_semaphore, #tpu.memory_space<semaphore_mem>>
    %dma_start3A_1819 = tpu.memref_squeeze %dma_start3A_1818 : memref<1x!tpu.dma_semaphore, #tpu.memory_space<semaphore_mem>> -> memref<!tpu.dma_semaphore, #tpu.memory_space<semaphore_mem>>
    %dma_start3A_1820 = arith.constant 0 : i32
    %dma_start3A_1821 = tpu.memref_slice %arg4[%add3A_1809, %dma_start3A_1820] : memref<425984x64xf32, #tpu.memory_space<hbm>> -> memref<416x64xf32, #tpu.memory_space<hbm>>
    %dma_start3A_1822 = arith.constant 0 : i32
    %dma_start3A_1823 = arith.constant 0 : i32
    %dma_start3A_1824 = tpu.memref_slice %arg6[%dma_start3A_1810, %dma_start3A_1822, %dma_start3A_1823] : memref<4x416x64xf32, #tpu.memory_space<vmem>> -> memref<1x416x64xf32, #tpu.memory_space<vmem>>
    %dma_start3A_1825 = tpu.memref_squeeze %dma_start3A_1824 : memref<1x416x64xf32, #tpu.memory_space<vmem>> -> memref<416x64xf32, #tpu.memory_space<vmem>>
    tpu.enqueue_dma source(%dma_start3A_1825 : memref<416x64xf32, #tpu.memory_space<vmem>>) target(%dma_start3A_1821 : memref<416x64xf32, #tpu.memory_space<hbm>>) target_semaphore(%dma_start3A_1819 : memref<!tpu.dma_semaphore, #tpu.memory_space<semaphore_mem>>)
    %dma_wait3A_1826 = arith.constant 3 : i32
    %dma_wait3A_1827 = arith.constant 3 : i32
    %dma_wait3A_1828 = arith.constant 0 : i32
    %dma_wait3A_1829 = arith.constant 0 : i32
    %dma_wait3A_1830 = tpu.memref_slice %arg6[%dma_wait3A_1826, %dma_wait3A_1828, %dma_wait3A_1829] : memref<4x416x64xf32, #tpu.memory_space<vmem>> -> memref<1x416x64xf32, #tpu.memory_space<vmem>>
    %dma_wait3A_1831 = tpu.memref_squeeze %dma_wait3A_1830 : memref<1x416x64xf32, #tpu.memory_space<vmem>> -> memref<416x64xf32, #tpu.memory_space<vmem>>
    %dma_wait3A_1832 = arith.constant 12896 : i32
    %dma_wait3A_1833 = tpu.memref_slice %arg5[%dma_wait3A_1832] : memref<13312xi32, #tpu.memory_space<vmem>> -> memref<416xi32, #tpu.memory_space<vmem>>
    %dma_wait3A_1834 = arith.constant 0 : i32
    %dma_wait3A_1835 = arith.constant 0 : i32
    %dma_wait3A_1836 = tpu.memref_slice %arg3[%dma_wait3A_1834, %dma_wait3A_1835] : memref<1000000x64xf32, #tpu.memory_space<hbm>> -> memref<1000000x64xf32, #tpu.memory_space<hbm>>
    %dma_wait3A_1837 = tpu.memref_slice %arg7[%dma_wait3A_1827] : memref<4x!tpu.dma_semaphore, #tpu.memory_space<semaphore_mem>> -> memref<1x!tpu.dma_semaphore, #tpu.memory_space<semaphore_mem>>
    %dma_wait3A_1838 = tpu.memref_squeeze %dma_wait3A_1837 : memref<1x!tpu.dma_semaphore, #tpu.memory_space<semaphore_mem>> -> memref<!tpu.dma_semaphore, #tpu.memory_space<semaphore_mem>>
    tpu.wait_indirect_dma semaphore(%dma_wait3A_1838 : memref<!tpu.dma_semaphore, #tpu.memory_space<semaphore_mem>>) src(%dma_wait3A_1836 : memref<1000000x64xf32, #tpu.memory_space<hbm>>) dst(%dma_wait3A_1831 : memref<416x64xf32, #tpu.memory_space<vmem>>)
    %add3A_1839 = arith.constant 12896 : i32
    %add3A_1840 = arith.addi %mul3A_2, %add3A_1839 : i32
    %dma_start3A_1841 = arith.constant 3 : i32
    %dma_start3A_1842 = arith.constant 3 : i32
    %dma_start3A_1843 = arith.constant 0 : i32
    %dma_start3A_1844 = arith.constant 0 : i32
    %dma_start3A_1845 = tpu.memref_slice %arg6[%dma_start3A_1841, %dma_start3A_1843, %dma_start3A_1844] : memref<4x416x64xf32, #tpu.memory_space<vmem>> -> memref<1x416x64xf32, #tpu.memory_space<vmem>>
    %dma_start3A_1846 = tpu.memref_squeeze %dma_start3A_1845 : memref<1x416x64xf32, #tpu.memory_space<vmem>> -> memref<416x64xf32, #tpu.memory_space<vmem>>
    %dma_start3A_1847 = arith.constant 0 : i32
    %dma_start3A_1848 = tpu.memref_slice %arg4[%add3A_1840, %dma_start3A_1847] : memref<425984x64xf32, #tpu.memory_space<hbm>> -> memref<416x64xf32, #tpu.memory_space<hbm>>
    %dma_start3A_1849 = tpu.memref_slice %arg8[%dma_start3A_1842] : memref<4x!tpu.dma_semaphore, #tpu.memory_space<semaphore_mem>> -> memref<1x!tpu.dma_semaphore, #tpu.memory_space<semaphore_mem>>
    %dma_start3A_1850 = tpu.memref_squeeze %dma_start3A_1849 : memref<1x!tpu.dma_semaphore, #tpu.memory_space<semaphore_mem>> -> memref<!tpu.dma_semaphore, #tpu.memory_space<semaphore_mem>>
    %dma_start3A_1851 = arith.constant 0 : i32
    %dma_start3A_1852 = tpu.memref_slice %arg4[%add3A_1840, %dma_start3A_1851] : memref<425984x64xf32, #tpu.memory_space<hbm>> -> memref<416x64xf32, #tpu.memory_space<hbm>>
    %dma_start3A_1853 = arith.constant 0 : i32
    %dma_start3A_1854 = arith.constant 0 : i32
    %dma_start3A_1855 = tpu.memref_slice %arg6[%dma_start3A_1841, %dma_start3A_1853, %dma_start3A_1854] : memref<4x416x64xf32, #tpu.memory_space<vmem>> -> memref<1x416x64xf32, #tpu.memory_space<vmem>>
    %dma_start3A_1856 = tpu.memref_squeeze %dma_start3A_1855 : memref<1x416x64xf32, #tpu.memory_space<vmem>> -> memref<416x64xf32, #tpu.memory_space<vmem>>
    tpu.enqueue_dma source(%dma_start3A_1856 : memref<416x64xf32, #tpu.memory_space<vmem>>) target(%dma_start3A_1852 : memref<416x64xf32, #tpu.memory_space<hbm>>) target_semaphore(%dma_start3A_1850 : memref<!tpu.dma_semaphore, #tpu.memory_space<semaphore_mem>>)
    %dma_wait3A_1857 = arith.constant 0 : i32
    %dma_wait3A_1858 = arith.constant 0 : i32
    %dma_wait3A_1859 = arith.constant 0 : i32
    %dma_wait3A_1860 = arith.constant 0 : i32
    %dma_wait3A_1861 = tpu.memref_slice %arg6[%dma_wait3A_1857, %dma_wait3A_1859, %dma_wait3A_1860] : memref<4x416x64xf32, #tpu.memory_space<vmem>> -> memref<1x416x64xf32, #tpu.memory_space<vmem>>
    %dma_wait3A_1862 = tpu.memref_squeeze %dma_wait3A_1861 : memref<1x416x64xf32, #tpu.memory_space<vmem>> -> memref<416x64xf32, #tpu.memory_space<vmem>>
    %dma_wait3A_1863 = arith.constant 0 : i32
    %dma_wait3A_1864 = tpu.memref_slice %arg4[%add3A_1747, %dma_wait3A_1863] : memref<425984x64xf32, #tpu.memory_space<hbm>> -> memref<416x64xf32, #tpu.memory_space<hbm>>
    %dma_wait3A_1865 = tpu.memref_slice %arg8[%dma_wait3A_1858] : memref<4x!tpu.dma_semaphore, #tpu.memory_space<semaphore_mem>> -> memref<1x!tpu.dma_semaphore, #tpu.memory_space<semaphore_mem>>
    %dma_wait3A_1866 = tpu.memref_squeeze %dma_wait3A_1865 : memref<1x!tpu.dma_semaphore, #tpu.memory_space<semaphore_mem>> -> memref<!tpu.dma_semaphore, #tpu.memory_space<semaphore_mem>>
    %dma_wait3A_1867 = arith.constant 0 : i32
    %dma_wait3A_1868 = tpu.memref_slice %arg4[%add3A_1747, %dma_wait3A_1867] : memref<425984x64xf32, #tpu.memory_space<hbm>> -> memref<416x64xf32, #tpu.memory_space<hbm>>
    %dma_wait3A_1869 = arith.constant 0 : i32
    %dma_wait3A_1870 = arith.constant 0 : i32
    %dma_wait3A_1871 = tpu.memref_slice %arg6[%dma_wait3A_1857, %dma_wait3A_1869, %dma_wait3A_1870] : memref<4x416x64xf32, #tpu.memory_space<vmem>> -> memref<1x416x64xf32, #tpu.memory_space<vmem>>
    %dma_wait3A_1872 = tpu.memref_squeeze %dma_wait3A_1871 : memref<1x416x64xf32, #tpu.memory_space<vmem>> -> memref<416x64xf32, #tpu.memory_space<vmem>>
    tpu.wait_dma2 semaphore(%dma_wait3A_1866 : memref<!tpu.dma_semaphore, #tpu.memory_space<semaphore_mem>>) src(%dma_wait3A_1872 : memref<416x64xf32, #tpu.memory_space<vmem>>) dst(%dma_wait3A_1868 : memref<416x64xf32, #tpu.memory_space<hbm>>)
    %dma_wait3A_1873 = arith.constant 1 : i32
    %dma_wait3A_1874 = arith.constant 1 : i32
    %dma_wait3A_1875 = arith.constant 0 : i32
    %dma_wait3A_1876 = arith.constant 0 : i32
    %dma_wait3A_1877 = tpu.memref_slice %arg6[%dma_wait3A_1873, %dma_wait3A_1875, %dma_wait3A_1876] : memref<4x416x64xf32, #tpu.memory_space<vmem>> -> memref<1x416x64xf32, #tpu.memory_space<vmem>>
    %dma_wait3A_1878 = tpu.memref_squeeze %dma_wait3A_1877 : memref<1x416x64xf32, #tpu.memory_space<vmem>> -> memref<416x64xf32, #tpu.memory_space<vmem>>
    %dma_wait3A_1879 = arith.constant 0 : i32
    %dma_wait3A_1880 = tpu.memref_slice %arg4[%add3A_1778, %dma_wait3A_1879] : memref<425984x64xf32, #tpu.memory_space<hbm>> -> memref<416x64xf32, #tpu.memory_space<hbm>>
    %dma_wait3A_1881 = tpu.memref_slice %arg8[%dma_wait3A_1874] : memref<4x!tpu.dma_semaphore, #tpu.memory_space<semaphore_mem>> -> memref<1x!tpu.dma_semaphore, #tpu.memory_space<semaphore_mem>>
    %dma_wait3A_1882 = tpu.memref_squeeze %dma_wait3A_1881 : memref<1x!tpu.dma_semaphore, #tpu.memory_space<semaphore_mem>> -> memref<!tpu.dma_semaphore, #tpu.memory_space<semaphore_mem>>
    %dma_wait3A_1883 = arith.constant 0 : i32
    %dma_wait3A_1884 = tpu.memref_slice %arg4[%add3A_1778, %dma_wait3A_1883] : memref<425984x64xf32, #tpu.memory_space<hbm>> -> memref<416x64xf32, #tpu.memory_space<hbm>>
    %dma_wait3A_1885 = arith.constant 0 : i32
    %dma_wait3A_1886 = arith.constant 0 : i32
    %dma_wait3A_1887 = tpu.memref_slice %arg6[%dma_wait3A_1873, %dma_wait3A_1885, %dma_wait3A_1886] : memref<4x416x64xf32, #tpu.memory_space<vmem>> -> memref<1x416x64xf32, #tpu.memory_space<vmem>>
    %dma_wait3A_1888 = tpu.memref_squeeze %dma_wait3A_1887 : memref<1x416x64xf32, #tpu.memory_space<vmem>> -> memref<416x64xf32, #tpu.memory_space<vmem>>
    tpu.wait_dma2 semaphore(%dma_wait3A_1882 : memref<!tpu.dma_semaphore, #tpu.memory_space<semaphore_mem>>) src(%dma_wait3A_1888 : memref<416x64xf32, #tpu.memory_space<vmem>>) dst(%dma_wait3A_1884 : memref<416x64xf32, #tpu.memory_space<hbm>>)
    %dma_wait3A_1889 = arith.constant 2 : i32
    %dma_wait3A_1890 = arith.constant 2 : i32
    %dma_wait3A_1891 = arith.constant 0 : i32
    %dma_wait3A_1892 = arith.constant 0 : i32
    %dma_wait3A_1893 = tpu.memref_slice %arg6[%dma_wait3A_1889, %dma_wait3A_1891, %dma_wait3A_1892] : memref<4x416x64xf32, #tpu.memory_space<vmem>> -> memref<1x416x64xf32, #tpu.memory_space<vmem>>
    %dma_wait3A_1894 = tpu.memref_squeeze %dma_wait3A_1893 : memref<1x416x64xf32, #tpu.memory_space<vmem>> -> memref<416x64xf32, #tpu.memory_space<vmem>>
    %dma_wait3A_1895 = arith.constant 0 : i32
    %dma_wait3A_1896 = tpu.memref_slice %arg4[%add3A_1809, %dma_wait3A_1895] : memref<425984x64xf32, #tpu.memory_space<hbm>> -> memref<416x64xf32, #tpu.memory_space<hbm>>
    %dma_wait3A_1897 = tpu.memref_slice %arg8[%dma_wait3A_1890] : memref<4x!tpu.dma_semaphore, #tpu.memory_space<semaphore_mem>> -> memref<1x!tpu.dma_semaphore, #tpu.memory_space<semaphore_mem>>
    %dma_wait3A_1898 = tpu.memref_squeeze %dma_wait3A_1897 : memref<1x!tpu.dma_semaphore, #tpu.memory_space<semaphore_mem>> -> memref<!tpu.dma_semaphore, #tpu.memory_space<semaphore_mem>>
    %dma_wait3A_1899 = arith.constant 0 : i32
    %dma_wait3A_1900 = tpu.memref_slice %arg4[%add3A_1809, %dma_wait3A_1899] : memref<425984x64xf32, #tpu.memory_space<hbm>> -> memref<416x64xf32, #tpu.memory_space<hbm>>
    %dma_wait3A_1901 = arith.constant 0 : i32
    %dma_wait3A_1902 = arith.constant 0 : i32
    %dma_wait3A_1903 = tpu.memref_slice %arg6[%dma_wait3A_1889, %dma_wait3A_1901, %dma_wait3A_1902] : memref<4x416x64xf32, #tpu.memory_space<vmem>> -> memref<1x416x64xf32, #tpu.memory_space<vmem>>
    %dma_wait3A_1904 = tpu.memref_squeeze %dma_wait3A_1903 : memref<1x416x64xf32, #tpu.memory_space<vmem>> -> memref<416x64xf32, #tpu.memory_space<vmem>>
    tpu.wait_dma2 semaphore(%dma_wait3A_1898 : memref<!tpu.dma_semaphore, #tpu.memory_space<semaphore_mem>>) src(%dma_wait3A_1904 : memref<416x64xf32, #tpu.memory_space<vmem>>) dst(%dma_wait3A_1900 : memref<416x64xf32, #tpu.memory_space<hbm>>)
    %dma_wait3A_1905 = arith.constant 3 : i32
    %dma_wait3A_1906 = arith.constant 3 : i32
    %dma_wait3A_1907 = arith.constant 0 : i32
    %dma_wait3A_1908 = arith.constant 0 : i32
    %dma_wait3A_1909 = tpu.memref_slice %arg6[%dma_wait3A_1905, %dma_wait3A_1907, %dma_wait3A_1908] : memref<4x416x64xf32, #tpu.memory_space<vmem>> -> memref<1x416x64xf32, #tpu.memory_space<vmem>>
    %dma_wait3A_1910 = tpu.memref_squeeze %dma_wait3A_1909 : memref<1x416x64xf32, #tpu.memory_space<vmem>> -> memref<416x64xf32, #tpu.memory_space<vmem>>
    %dma_wait3A_1911 = arith.constant 0 : i32
    %dma_wait3A_1912 = tpu.memref_slice %arg4[%add3A_1840, %dma_wait3A_1911] : memref<425984x64xf32, #tpu.memory_space<hbm>> -> memref<416x64xf32, #tpu.memory_space<hbm>>
    %dma_wait3A_1913 = tpu.memref_slice %arg8[%dma_wait3A_1906] : memref<4x!tpu.dma_semaphore, #tpu.memory_space<semaphore_mem>> -> memref<1x!tpu.dma_semaphore, #tpu.memory_space<semaphore_mem>>
    %dma_wait3A_1914 = tpu.memref_squeeze %dma_wait3A_1913 : memref<1x!tpu.dma_semaphore, #tpu.memory_space<semaphore_mem>> -> memref<!tpu.dma_semaphore, #tpu.memory_space<semaphore_mem>>
    %dma_wait3A_1915 = arith.constant 0 : i32
    %dma_wait3A_1916 = tpu.memref_slice %arg4[%add3A_1840, %dma_wait3A_1915] : memref<425984x64xf32, #tpu.memory_space<hbm>> -> memref<416x64xf32, #tpu.memory_space<hbm>>
    %dma_wait3A_1917 = arith.constant 0 : i32
    %dma_wait3A_1918 = arith.constant 0 : i32
    %dma_wait3A_1919 = tpu.memref_slice %arg6[%dma_wait3A_1905, %dma_wait3A_1917, %dma_wait3A_1918] : memref<4x416x64xf32, #tpu.memory_space<vmem>> -> memref<1x416x64xf32, #tpu.memory_space<vmem>>
    %dma_wait3A_1920 = tpu.memref_squeeze %dma_wait3A_1919 : memref<1x416x64xf32, #tpu.memory_space<vmem>> -> memref<416x64xf32, #tpu.memory_space<vmem>>
    tpu.wait_dma2 semaphore(%dma_wait3A_1914 : memref<!tpu.dma_semaphore, #tpu.memory_space<semaphore_mem>>) src(%dma_wait3A_1920 : memref<416x64xf32, #tpu.memory_space<vmem>>) dst(%dma_wait3A_1916 : memref<416x64xf32, #tpu.memory_space<hbm>>)
    return
  }
}

</mosaic_0001>

<sc_bundles>
// kernel: kernel.3.cloned.1.call-start
scs
__scs_entry_jumppad:
0x0: {  	(pc) =	sbr.rel $0x88, $3  }
0x1: {  	(tag) =	ssettag $0x0;
	lr =	simm.s32 $0x1  }
0x2: {  	[smem:$0x3F9F] =	sst lr;
	_ =	strace $0xD0000000  }
0x3: {  	_ = 	snop  }
0x4: {  	_ = 	snop  }
0x5: {  	_ = 	snop  }
0x6: {  	_ = 	snop  }
0x7: {  	_ = 	snop  }
__scs_overlays_trampoline_lowered:
0x8: {  	[smem:$0x3FAE] =	sst s0  }
0x9: {  	[smem:$0x3FAF] =	sst s1  }
0xa: {  	[smem:$0x3FB0] =	sst s2  }
0xb: {  	[smem:$0x3FB1] =	sst s3  }
0xc: {  	[smem:$0x3FB2] =	sst s4  }
0xd: {  	[smem:$0x3FB3] =	sst s5  }
0xe: {  	[smem:$0x3FB4] =	sst s6  }
0xf: {  	[smem:$0x3FB5] =	sst s7  }
0x10: {  	[smem:$0x3FB6] =	sst s8  }
0x11: {  	[smem:$0x3FB7] =	sst s9;
	s0 =	simm.s32 @!p0 $0x0  }
0x12: {  	s1 =	sld [smem:$0x3F9D];
	s0 =	simm.s32 @p0 $0x1  }
0x13: {  	[smem:$0x3FB8] =	sst s0;
	s0 =	simm.s32 @!p1 $0x0  }
0x14: {  	s2 =	sld [smem:$0x3F9C];
	s0 =	simm.s32 @p1 $0x1  }
0x15: {  	[smem:$0x3FB9] =	sst s0;
	s0 =	simm.s32 @!p2 $0x0  }
0x16: {  	s3 =	sld [smem:$0x3FDB];
	s0 =	simm.s32 @p2 $0x1  }
0x17: {  	s4 =	simm.s32 $0x1BF5;
	[smem:$0x3FBB] =	sst s0  }
0x18: {  	s0 =	sld [smem:$0x3F9E];
	_ =	swait.ge [sflag:s4], $0x0  }
0x19: {  	s7 =	sld [smem:$0x3F9F]  }
0x1a: {  	s8 =	sadd.s32 $0xFFFFE003, lr  }
0x1b: {  	s9 =	sadd.s32 $0xFFFFFEF7, lr;
	s5 =	simm.s32 $0xFFFFFFFF;
	p2 =	slt.u32 s8, $0xFFFFF086  }
0x1c: {  	p1 =	slt.u32 s9, $0xF7A;
	s5 =	simm.s32 @!p2 $0x0  }
0x1d: {  	s5 =	simm.s32 @p1 $0x1;
	p0 =	seq.s32 s7, s2  }
0x1e: {  	s7 =	smul.u32 @!p0 $0xF7A, s2;
	p2 =	seq.s32 @!p0 s5, $0x0  }
0x1f: {  	s9 =	smul.u32 $0xF7A, s1;
	s8 =	simm.s32 @!p0 $0x1BF5;
	p2 =	por !p2, p0  }
0x20: {  	[sflag:s8] =	ssyncset.s32 @!p0 $0xFFFFF086;
	s6 =	sadd.s32 @!p0 s3, s7;
	s7 =	simm.s32 @!p0 $0x108  }
0x21: {  	s3 =	sadd.s32 s3, s9;
	s6 =	sadd.s32 @!p0 $0x88, s6;
	s7 =	simm.s32 @p2 $0x1082  }
0x22: {  	[simem:s7], [sflag:s8] =	dma.local @!p0 [hbm:s6], $0xF7A  }
0x23: {  	s9 =	sor.u32 $0xD0000000, s2;
	s6 =	simm.s32 $0x108;
	_ =	swait.ge @!p0 [sflag:s8], $0x0  }
0x24: {  	s3 =	sadd.s32 $0x88, s3;
	s6 =	simm.s32 @!p1 $0x1082;
	[sflag:s4] =	ssyncset.s32 $0xFFFFF086  }
0x25: {  	[simem:s6], [sflag:s4] =	dma.local [hbm:s3], $0xF7A  }
0x26: {  	[smem:$0x3F9F] =	sst s1;
	(tag) =	ssettag s2;
	_ =	strace s9  }
0x27: {  	s1 =	sld [smem:$0x3FAF]  }
0x28: {  	s2 =	sld [smem:$0x3FB0]  }
0x29: {  	s4 =	sld [smem:$0x3FB2]  }
0x2a: {  	p0 =	seq.s32 s5, $0x0;
	s5 =	sld [smem:$0x3FB3]  }
0x2b: {  	s6 =	sld [smem:$0x3FB4]  }
0x2c: {  	s7 =	sld [smem:$0x3FB5]  }
0x2d: {  	s3 =	simm.s32 $0x108;
	s8 =	sld [smem:$0x3FB6]  }
0x2e: {  	s3 =	simm.s32 @!p0 $0x1082;
	s9 =	sld [smem:$0x3FB7]  }
0x2f: {  	lr =	sadd.s32 s0, s3;
	s0 =	sld [smem:$0x3FAE]  }
0x30: {  	s3 =	sld [smem:$0x3FB1]  }
0x31: {  	[smem:$0x3FBA] =	sst s10  }
0x32: {  	s10 =	sld [smem:$0x3FB8];
	_ =	sdelay $0x3  }
0x33: {  	p0 =	seq.s32 s10, $0x1;
	s10 =	sld [smem:$0x3FBA];
	_ =	sdelay $0x3  }
0x34: {  	[smem:$0x3FBA] =	sst s10  }
0x35: {  	s10 =	sld [smem:$0x3FB9];
	_ =	sdelay $0x3  }
0x36: {  	p1 =	seq.s32 s10, $0x1;
	s10 =	sld [smem:$0x3FBA];
	_ =	sdelay $0x3  }
0x37: {  	[smem:$0x3FBA] =	sst s10  }
0x38: {  	s10 =	sld [smem:$0x3FBB]  }
0x39: {  	_ = 	snop;
	(pc) =	sbr.ind lr, $3  }
0x3a: {  	_ = 	snop  }
0x3b: {  	_ = 	snop  }
0x3c: {  	p2 =	seq.s32 s10, $0x1;
	s10 =	sld [smem:$0x3FBA]  }
0x3d: {  	_ =	shalt  }
0x3e: {  	_ =	shalt  }
0x3f: {  	_ =	shalt  }
0x40: {  	_ =	shalt  }
0x41: {  	_ =	shalt  }
0x42: {  	_ =	shalt  }
0x43: {  	_ =	shalt  }
0x44: {  	_ =	shalt  }
0x45: {  	_ =	shalt  }
0x46: {  	_ =	shalt  }
0x47: {  	_ =	shalt  }
0x48: {  	_ =	shalt  }
0x49: {  	_ =	shalt  }
0x4a: {  	_ =	shalt  }
0x4b: {  	_ =	shalt  }
0x4c: {  	_ =	shalt  }
0x4d: {  	_ =	shalt  }
0x4e: {  	_ =	shalt  }
0x4f: {  	_ =	shalt  }
0x50: {  	_ =	shalt  }
0x51: {  	_ =	shalt  }
0x52: {  	_ =	shalt  }
0x53: {  	_ =	shalt  }
0x54: {  	_ =	shalt  }
0x55: {  	_ =	shalt  }
0x56: {  	_ =	shalt  }
0x57: {  	_ =	shalt  }
0x58: {  	_ =	shalt  }
0x59: {  	_ =	shalt  }
0x5a: {  	_ =	shalt  }
0x5b: {  	_ =	shalt  }
0x5c: {  	_ =	shalt  }
0x5d: {  	_ =	shalt  }
0x5e: {  	_ =	shalt  }
0x5f: {  	_ =	shalt  }
0x60: {  	_ =	shalt  }
0x61: {  	_ =	shalt  }
0x62: {  	_ =	shalt  }
0x63: {  	_ =	shalt  }
0x64: {  	_ =	shalt  }
0x65: {  	_ =	shalt  }
0x66: {  	_ =	shalt  }
0x67: {  	_ =	shalt  }
0x68: {  	_ =	shalt  }
0x69: {  	_ =	shalt  }
0x6a: {  	_ =	shalt  }
0x6b: {  	_ =	shalt  }
0x6c: {  	_ =	shalt  }
0x6d: {  	_ =	shalt  }
0x6e: {  	_ =	shalt  }
0x6f: {  	_ =	shalt  }
0x70: {  	_ =	shalt  }
0x71: {  	_ =	shalt  }
0x72: {  	_ =	shalt  }
0x73: {  	_ =	shalt  }
0x74: {  	_ =	shalt  }
0x75: {  	_ =	shalt  }
0x76: {  	_ =	shalt  }
0x77: {  	_ =	shalt  }
0x78: {  	_ =	shalt  }
0x79: {  	_ =	shalt  }
0x7a: {  	_ =	shalt  }
0x7b: {  	_ =	shalt  }
0x7c: {  	_ =	shalt  }
0x7d: {  	_ =	shalt  }
0x7e: {  	_ =	shalt  }
0x7f: {  	_ =	shalt  }
0x80: {  	_ =	shalt  }
0x81: {  	_ =	shalt  }
0x82: {  	_ =	shalt  }
0x83: {  	_ =	shalt  }
0x84: {  	_ =	shalt  }
0x85: {  	_ =	shalt  }
0x86: {  	_ =	shalt  }
0x87: {  	_ =	shalt  }
.Lfunc_end0:
.L_simem_size_0:
called_computation.1_lowered:
.L_overlay_start_0:
0x88: {  	s2 =	sld [smem:$0x3FD9]  }
0x89: {  	s3 =	sld [smem:$0x3FFE];
	_ =	sdelay $0x1  }
0x8a: {  	s1 =	srdreg.scid  }
0x8b: {  	s0 =	sand.u32 $0x1, s1  }
0x8c: {  	s17 =	sshll.u32 s0, $0xA;
	s2 =	sadd.s32 s3, s2  }
0x8d: {  	s2 =	sadd.s32 s2, s17  }
0x8e: {  	[smem:$0x3FC6] =	sst s2  }
0x8f: {  	_ = 	snop  }
0x90: {  	s2 =	sld [smem:$0x3FD0];
	(tm) =	ssettm $0x1  }
0x91: {  	s18 =	sld [smem:$0x3FFB];
	_ =	sdelay $0x3  }
0x92: {  	_ =	strace s18  }
0x93: {  	s3 =	sld [smem:$0x3FFC];
	_ =	sdelay $0x3  }
0x94: {  	_ =	strace s3  }
0x95: {  	s3 =	sld [smem:$0x3FFD];
	_ =	sdelay $0x3  }
0x96: {  	_ =	strace s3  }
0x97: {  	_ =	strace $0x8FFFFFFF  }
0x98: {  	s19 =	sld [smem:$0x3FDB];
	_ =	sdelay $0x1  }
0x99: {  	s4 =	simm.s32 $_scs_section_size  }
0x9a: {  	s5 =	simm.s32 $_size__tile_overlayer_lowered;
	s6 =	simm.s32 $_tile_overlayer_lowered  }
0x9b: {  	s22 =	simm.s32 $0x1BFF;
	s21 =	sshll.u32 s6, $0x1;
	s3 =	sadd.s32 s4, s19  }
0x9c: {  	s7 =	simm.s32 $0x0;
	s20 =	sshll.u32 s5, $0x1;
	s5 =	sadd.s32 s21, s3  }
0x9d: {  	[timem:s7], [sflag:s22] =	dma.local [hbm:s5], s20  }
0x9e: {  	_ =	swait.ge [sflag:s22], s20  }
0x9f: {  	s4 =	ssub.s32 $0x0, s20;
	[sflag:s22] =	ssyncset.done $0x0  }
0xa0: {  	[sflag:s22] =	ssyncadd.s32 s4;
	_ =	sdelay $0x1  }
0xa1: {  	s23 =	simm.s32 $0x1B8B  }
0xa2: {  	_ =	swait.ge [sflag:s23], $0x1  }
0xa3: {  	[sflag:s23] =	ssyncset.done $0x0  }
0xa4: {  	s25 =	simm.s32 $0x1B8E;
	s24 =	sld [smem:$0x3FFE];
	[sflag:s23] =	ssyncadd.s32 $0xFFFFFFFF  }
0xa5: {  	s26 =	simm.s32 $execute0_lowered;
	[smem:$0x3FD2] =	sst s25  }
0xa6: {  	s5 =	sshll.u32 s26, $0x1;
	_ =	strace $0x80000046;
	[dreg:$0x1] =	wrdreg $0xFFFFFFFF  }
0xa7: {  	s28 =	simm.s32 $_size_execute0_lowered;
	s3 =	sadd.s32 s3, s5;
	[dreg:$0x0] =	wrdreg $0x0  }
0xa8: {  	s5 =	sshll.u32 s28, $0x1;
	[dreg:$0x2] =	wrdreg s3  }
0xa9: {  	[dreg:$0x3] =	wrdreg s5  }
0xaa: {  	[dreg:$0x4] =	wrdreg $0xC0  }
0xab: {  	_ =	task [dreg:s7], $0x5FFFF  }
0xac: {  	[dreg:$0x1] =	wrdreg $0xFFFFFFFF  }
0xad: {  	[dreg:$0x0] =	wrdreg $0x60  }
0xae: {  	[dreg:$0x2] =	wrdreg s24  }
0xaf: {  	[dreg:$0x3] =	wrdreg s2  }
0xb0: {  	[dreg:$0x4] =	wrdreg $0x9  }
0xb1: {  	_ =	task.clear_ibuf [dreg:s7], $0x5FFFF;
	_ =	strace $0x90000046  }
0xb2: {  	s29 =	simm.s32 $0x9;
	_ =	strace $0x80000048  }
0xb3: {  	_ =	swait.ge [sflag:s29], $0x1  }
0xb4: {  	[sflag:s29] =	ssyncadd.s32 $0xFFFFFFFF  }
0xb5: {  	_ =	strace $0x90000048  }
0xb6: {  	_ =	sfence  }
0xb7: {  	s30 =	sld [smem:$0x0];
	_ =	sdelay $0x2  }
0xb8: {  	s31 =	sshll.u32 s1, $0xD;
	s1 =	sshrl.u32 s1, $0x2  }
0xb9: {  	s3 =	sand.u32 $0x4000, s31;
	s1 =	sadd.s32 s1, s30  }
0xba: {  	s0 =	sor.u32 s3, s0;
	s1 =	sshll.u32 s1, $0x11  }
0xbb: {  	s0 =	sor.u32 s1, s0  }
0xbc: {  	s0 =	sadd.s32 $0x8F2B, s0  }
0xbd: {  	[sflag:s0] =	ssyncadd.remote.s32 $0x1  }
0xbe: {  	_ =	sfence.sel $0xFFFF  }
0xbf: {  	[dreg:$0x0] =	wrdreg $0xFFFFFFFF;
	(pc) =	sbr.abs _section_cstart, $3  }
0xc0: {  	[dreg:$0x1] =	wrdreg $0xFFFFFFFF  }
0xc1: {  	_ =	task.clear_ibuf [dreg:s7], $0x2FFFF;
	_ =	strace $0x9FFFFFFF  }
0xc2: {  	(tm) =	ssettm $0x7FFFFFFF  }
0xc3: {  	_ =	shalt  }
tec
execute0_lowered:
.L_overlay_start_1:
0x0: {  	(tag) =	ssettag $0x1  }
0x1: {  	s0 =	srdreg.scid;
	s17 =	stileid.u32  }
0x2: {  	s1 =	sand.u32 $0x1, s0;
	s20 =	sshll.u32 s17, $0x1  }
0x3: {  	s0 =	sor.u32 s1, s20  }
0x4: {  	s3 =	rddreg [dreg:$0x0];
	s5 =	smul.u32 $0x680, s0  }
0x5: {  	s4 =	rddreg [dreg:$0x1];
	s2 =	simm.s32 $0x0;
	s6 =	smul.u32 $0x1A000, s0  }
0x6: {  	[smem:$0x7FF] =	sst s2;
	s0 =	smul.u32 $0xD0000, s0;
	s5 =	sadd.s32 s5, s3  }
0x7: {  	_ =	strace $0x80000047;
	s30 =	sadd.s32 s4, s6;
	s5 =	sadd.s32 $0xA00, s5  }
0x8: {  	s0 =	sshrl.u32 s0, $0x3;
	s21 =	sadd.s32 $0xD00, s30;
	[dreg:$0x3] =	wrdreg s5  }
0x9: {  	s22 =	sadd.s32 $0x1A00, s30;
	s0 =	sadd.s32 s4, s0;
	[dreg:$0x4] =	wrdreg s21  }
0xa: {  	[dreg:$0x5] =	wrdreg s22;
	s4 =	sadd.s32 $0x2700, s0  }
0xb: {  	s23 =	sadd.s32 $0x3400, s0;
	[dreg:$0x6] =	wrdreg s4  }
0xc: {  	s24 =	sadd.s32 $0x4100, s0;
	[dreg:$0x7] =	wrdreg s23  }
0xd: {  	s25 =	sadd.s32 $0x4E00, s0;
	[dreg:$0x8] =	wrdreg s24  }
0xe: {  	s26 =	sadd.s32 $0x5B00, s0;
	[dreg:$0x9] =	wrdreg s25  }
0xf: {  	s5 =	sadd.s32 $0x6800, s0;
	[dreg:$0xa] =	wrdreg s26  }
0x10: {  	s6 =	sadd.s32 $0x7500, s0;
	[dreg:$0xb] =	wrdreg s5  }
0x11: {  	s7 =	sadd.s32 $0x8200, s0;
	[dreg:$0xc] =	wrdreg s6  }
0x12: {  	s8 =	sadd.s32 $0x8F00, s0;
	[dreg:$0xd] =	wrdreg s7  }
0x13: {  	s9 =	sadd.s32 $0x9C00, s0;
	[dreg:$0xe] =	wrdreg s8  }
0x14: {  	s10 =	sadd.s32 $0xA900, s0;
	[dreg:$0xf] =	wrdreg s9  }
0x15: {  	s11 =	sadd.s32 $0xB600, s0;
	[dreg:$0x10] =	wrdreg s10  }
0x16: {  	s12 =	sadd.s32 $0xC300, s0;
	[dreg:$0x11] =	wrdreg s11  }
0x17: {  	s13 =	sadd.s32 $0xD000, s0;
	[dreg:$0x12] =	wrdreg s12  }
0x18: {  	s14 =	sadd.s32 $0xDD00, s0;
	[dreg:$0x13] =	wrdreg s13  }
0x19: {  	s15 =	sadd.s32 $0xEA00, s0;
	[dreg:$0x14] =	wrdreg s14  }
0x1a: {  	s16 =	sadd.s32 $0xF700, s0;
	[dreg:$0x15] =	wrdreg s15  }
0x1b: {  	s18 =	sadd.s32 $0x10400, s0;
	[dreg:$0x16] =	wrdreg s16  }
0x1c: {  	s19 =	sadd.s32 $0x11100, s0;
	[dreg:$0x17] =	wrdreg s18  }
0x1d: {  	s20 =	sadd.s32 $0x11E00, s0;
	[dreg:$0x18] =	wrdreg s19  }
0x1e: {  	s21 =	sadd.s32 $0x12B00, s0;
	[dreg:$0x19] =	wrdreg s20  }
0x1f: {  	s22 =	sadd.s32 $0x13800, s0;
	[dreg:$0x1a] =	wrdreg s21  }
0x20: {  	[dreg:$0x1b] =	wrdreg s22;
	s23 =	sadd.s32 $0x14500, s0  }
0x21: {  	s24 =	sadd.s32 $0x15200, s0;
	[dreg:$0x1c] =	wrdreg s23  }
0x22: {  	s25 =	sadd.s32 $0x15F00, s0;
	[dreg:$0x1d] =	wrdreg s24  }
0x23: {  	s26 =	sadd.s32 $0x16C00, s0;
	[dreg:$0x1e] =	wrdreg s25  }
0x24: {  	s31 =	simm.s32 $0x9;
	s5 =	sadd.s32 $0x17900, s0;
	[dreg:$0x1f] =	wrdreg s26  }
0x25: {  	s29 =	simm.s32 $0x2220;
	s6 =	sadd.s32 $0x18600, s0;
	[smem:$0x7E9] =	sst s5  }
0x26: {  	s28 =	simm.s32 $0x23C0;
	s0 =	sadd.s32 $0x19300, s0;
	[smem:$0x7EA] =	sst s6  }
0x27: {  	p0 =	por $0x0, $0x0;
	s7 =	simm.s32 $0x340;
	[smem:$0x7EB] =	sst s0  }
0x28: {  	s1 =	ssub.s32 $0x2, s1;
	s8 =	simm.s32 $0x4E0;
	[smem:$0x7EC] =	sst s7  }
0x29: {  	s3 =	sadd.s32 $0xF42E00, s3;
	s10 =	simm.s32 $0x680;
	[smem:$0x7ED] =	sst s8  }
0x2a: {  	s9 =	sshrl.u32 s1, $0x1;
	s11 =	simm.s32 $0x820;
	[smem:$0x7EE] =	sst s10  }
0x2b: {  	s12 =	simm.s32 $0x9C0;
	s13 =	simm.s32 $0xB60;
	[smem:$0x7EF] =	sst s11  }
0x2c: {  	s14 =	simm.s32 $0xD00;
	s15 =	simm.s32 $0xEA0;
	[smem:$0x7F0] =	sst s12  }
0x2d: {  	s16 =	simm.s32 $0x1040;
	s18 =	simm.s32 $0x11E0;
	[smem:$0x7F1] =	sst s13  }
0x2e: {  	s4 =	simm.s32 $0x16C00;
	s19 =	simm.s32 $0x1380;
	[smem:$0x7F2] =	sst s14  }
0x2f: {  	s20 =	simm.s32 $0x1520;
	s21 =	simm.s32 $0x16C0;
	[smem:$0x7F3] =	sst s15  }
0x30: {  	s22 =	simm.s32 $0x1860;
	s1 =	ssub.s32 s1, s9;
	[smem:$0x7F4] =	sst s16  }
0x31: {  	s10 =	simm.s32 $0x1A0;
	s8 =	simm.s32 $0x3400;
	[smem:$0x7F5] =	sst s18  }
0x32: {  	s7 =	simm.s32 $0x9C00;
	s5 =	simm.s32 $0x10400;
	[smem:$0x7F6] =	sst s19  }
0x33: {  	s13 =	simm.s32 $0x1;
	s6 =	simm.s32 $0x5;
	[smem:$0x7F7] =	sst s20  }
0x34: {  	s14 =	simm.s32 $0x2;
	[smem:$0x7F8] =	sst s21;
	s9 =	simm.s32 $0x6  }
0x35: {  	[smem:$0x7F9] =	sst s22;
	s23 =	simm.s32 $0x1A00;
	s15 =	simm.s32 $0x3  }
0x36: {  	s24 =	simm.s32 $0x1BA0;
	s11 =	simm.s32 $0x7;
	s25 =	simm.s32 $0x1D40  }
0x37: {  	s16 =	simm.s32 $0x4;
	s26 =	simm.s32 $0x1EE0;
	s1 =	smax.u32 s1, $0x1  }
0x38: {  	s12 =	simm.s32 $0x8;
	s0 =	rddreg [dreg:$0x3];
	p1 =	sne.s32 s1, $0x1  }
.Ltmp0:
0x39: {  	s22 =	simm.s32 $0x2BE0;
	[smem:$0x7FA] =	sst s23;
	(pc) =	sbr.rel @!p1 .LBB2_1-.Ltmp0, $4  }
0x3a: {  	s21 =	simm.s32 $0x2D80;
	s20 =	simm.s32 $0x2F20;
	[smem:$0x7FB] =	sst s24  }
0x3b: {  	s19 =	simm.s32 $0x30C0;
	s18 =	simm.s32 $0x3260;
	[smem:$0x7FC] =	sst s25  }
0x3c: {  	[smem:$0x7FD] =	sst s26;
	s26 =	simm.s32 $0x2560;
	s25 =	simm.s32 $0x2700  }
0x3d: {  	s24 =	simm.s32 $0x28A0;
	s23 =	simm.s32 $0x2A40;
	s1 =	sadd.s32 $0xFFFFFFFF, s1  }
0x3e: {  	[tilespmem:s2], [sflag:$0x9] =	stream.linear.gather [hbm4b:s0+s2], $0x3400, $0x38;
	[tilespmem:$0x1D400] =	vst v63  }
0x3f: {  	_ =	swait.ge [sflag:s31], $0x3400  }
0x40: {  	[sflag:s31] =	ssyncset.done $0x0  }
0x41: {  	[sflag:s31] =	ssyncadd.s32 $0xFFFFCC00  }
0x42: {  	[tilespmem:s8], [sflag:$0x1] =	stream.indirect.gather [hbm4b:s3+s10], $0x40, s2, s10, $0xb8;
	[tilespmem:$0x1D400] =	vst v63  }
0x43: {  	s0 =	sld [smem:$0x7EC]  }
0x44: {  	[tilespmem:s7], [sflag:$0x2] =	stream.indirect.gather [hbm4b:s3+s10], $0x40, s10, s10, $0xb8;
	[tilespmem:$0x1D400] =	vst v63  }
0x45: {  	s17 =	smov.u32 s1;
	s1 =	sld [smem:$0x7ED]  }
0x46: {  	[tilespmem:s5], [sflag:$0x3] =	stream.indirect.gather [hbm4b:s3+s10], $0x40, s0, s10, $0xb8;
	[tilespmem:$0x1D400] =	vst v63  }
0x47: {  	_ = 	snop  }
0x48: {  	[tilespmem:s4], [sflag:$0x4] =	stream.indirect.gather [hbm4b:s3+s10], $0x40, s1, s10, $0xb8;
	[tilespmem:$0x1D400] =	vst v63  }
0x49: {  	_ =	swait.ge [sflag:s13], $0x6800  }
0x4a: {  	[sflag:s13] =	ssyncset.done $0x0  }
0x4b: {  	[sflag:s13] =	ssyncadd.s32 $0xFFFF9800  }
0x4c: {  	[hbm4b:s30+s2] =	stream.linear.scatter [tilespmem:s8], [sflag:$0x5], $0x6800, $0x38;
	[tilespmem:$0x1D400] =	vst v63  }
0x4d: {  	_ =	swait.ge [sflag:s6], $0x6800  }
0x4e: {  	s1 =	sld [smem:$0x7EE]  }
0x4f: {  	[sflag:s6] =	ssyncset.done $0x0  }
0x50: {  	[sflag:s6] =	ssyncadd.s32 $0xFFFF9800  }
0x51: {  	[tilespmem:s8], [sflag:$0x1] =	stream.indirect.gather [hbm4b:s3+s10], $0x40, s1, s10, $0xb8;
	[tilespmem:$0x1D400] =	vst v63  }
0x52: {  	_ =	swait.ge [sflag:s14], $0x6800  }
0x53: {  	[sflag:s14] =	ssyncset.done $0x0  }
0x54: {  	s1 =	rddreg [dreg:$0x4];
	[sflag:s14] =	ssyncadd.s32 $0xFFFF9800  }
0x55: {  	[hbm4b:s1+s2] =	stream.linear.scatter [tilespmem:s7], [sflag:$0x6], $0x6800, $0x38;
	[tilespmem:$0x1D400] =	vst v63  }
0x56: {  	_ =	swait.ge [sflag:s9], $0x6800  }
0x57: {  	s1 =	sld [smem:$0x7EF]  }
0x58: {  	[sflag:s9] =	ssyncset.done $0x0  }
0x59: {  	[sflag:s9] =	ssyncadd.s32 $0xFFFF9800  }
0x5a: {  	[tilespmem:s7], [sflag:$0x2] =	stream.indirect.gather [hbm4b:s3+s10], $0x40, s1, s10, $0xb8;
	[tilespmem:$0x1D400] =	vst v63  }
0x5b: {  	_ =	swait.ge [sflag:s15], $0x6800  }
0x5c: {  	[sflag:s15] =	ssyncset.done $0x0  }
0x5d: {  	s1 =	rddreg [dreg:$0x5];
	[sflag:s15] =	ssyncadd.s32 $0xFFFF9800  }
0x5e: {  	[hbm4b:s1+s2] =	stream.linear.scatter [tilespmem:s5], [sflag:$0x7], $0x6800, $0x38;
	[tilespmem:$0x1D400] =	vst v63  }
0x5f: {  	_ =	swait.ge [sflag:s11], $0x6800  }
0x60: {  	s1 =	sld [smem:$0x7F0]  }
0x61: {  	[sflag:s11] =	ssyncset.done $0x0  }
0x62: {  	[sflag:s11] =	ssyncadd.s32 $0xFFFF9800  }
0x63: {  	[tilespmem:s5], [sflag:$0x3] =	stream.indirect.gather [hbm4b:s3+s10], $0x40, s1, s10, $0xb8;
	[tilespmem:$0x1D400] =	vst v63  }
0x64: {  	_ =	swait.ge [sflag:s16], $0x6800  }
0x65: {  	[sflag:s16] =	ssyncset.done $0x0  }
0x66: {  	s1 =	rddreg [dreg:$0x6];
	[sflag:s16] =	ssyncadd.s32 $0xFFFF9800  }
0x67: {  	[hbm4b:s1+s2] =	stream.linear.scatter [tilespmem:s4], [sflag:$0x8], $0x6800, $0x38;
	[tilespmem:$0x1D400] =	vst v63  }
0x68: {  	_ =	swait.ge [sflag:s12], $0x6800  }
0x69: {  	s1 =	sld [smem:$0x7F1]  }
0x6a: {  	[sflag:s12] =	ssyncset.done $0x0  }
0x6b: {  	[sflag:s12] =	ssyncadd.s32 $0xFFFF9800  }
0x6c: {  	[tilespmem:s4], [sflag:$0x4] =	stream.indirect.gather [hbm4b:s3+s10], $0x40, s1, s10, $0xb8;
	[tilespmem:$0x1D400] =	vst v63  }
0x6d: {  	_ =	swait.ge [sflag:s13], $0x6800  }
0x6e: {  	[sflag:s13] =	ssyncset.done $0x0  }
0x6f: {  	s1 =	rddreg [dreg:$0x7];
	[sflag:s13] =	ssyncadd.s32 $0xFFFF9800  }
0x70: {  	[hbm4b:s1+s2] =	stream.linear.scatter [tilespmem:s8], [sflag:$0x5], $0x6800, $0x38;
	[tilespmem:$0x1D400] =	vst v63  }
0x71: {  	_ =	swait.ge [sflag:s6], $0x6800  }
0x72: {  	s1 =	sld [smem:$0x7F2]  }
0x73: {  	[sflag:s6] =	ssyncset.done $0x0  }
0x74: {  	[sflag:s6] =	ssyncadd.s32 $0xFFFF9800  }
0x75: {  	[tilespmem:s8], [sflag:$0x1] =	stream.indirect.gather [hbm4b:s3+s10], $0x40, s1, s10, $0xb8;
	[tilespmem:$0x1D400] =	vst v63  }
0x76: {  	_ =	swait.ge [sflag:s14], $0x6800  }
0x77: {  	[sflag:s14] =	ssyncset.done $0x0  }
0x78: {  	s1 =	rddreg [dreg:$0x8];
	[sflag:s14] =	ssyncadd.s32 $0xFFFF9800  }
0x79: {  	[hbm4b:s1+s2] =	stream.linear.scatter [tilespmem:s7], [sflag:$0x6], $0x6800, $0x38;
	[tilespmem:$0x1D400] =	vst v63  }
0x7a: {  	_ =	swait.ge [sflag:s9], $0x6800  }
0x7b: {  	s1 =	sld [smem:$0x7F3]  }
0x7c: {  	[sflag:s9] =	ssyncset.done $0x0  }
0x7d: {  	[sflag:s9] =	ssyncadd.s32 $0xFFFF9800  }
0x7e: {  	[tilespmem:s7], [sflag:$0x2] =	stream.indirect.gather [hbm4b:s3+s10], $0x40, s1, s10, $0xb8;
	[tilespmem:$0x1D400] =	vst v63  }
0x7f: {  	_ =	swait.ge [sflag:s15], $0x6800  }
0x80: {  	[sflag:s15] =	ssyncset.done $0x0  }
0x81: {  	s1 =	rddreg [dreg:$0x9];
	[sflag:s15] =	ssyncadd.s32 $0xFFFF9800  }
0x82: {  	[hbm4b:s1+s2] =	stream.linear.scatter [tilespmem:s5], [sflag:$0x7], $0x6800, $0x38;
	[tilespmem:$0x1D400] =	vst v63  }
0x83: {  	_ =	swait.ge [sflag:s11], $0x6800  }
0x84: {  	s1 =	sld [smem:$0x7F4]  }
0x85: {  	[sflag:s11] =	ssyncset.done $0x0  }
0x86: {  	[sflag:s11] =	ssyncadd.s32 $0xFFFF9800  }
0x87: {  	[tilespmem:s5], [sflag:$0x3] =	stream.indirect.gather [hbm4b:s3+s10], $0x40, s1, s10, $0xb8;
	[tilespmem:$0x1D400] =	vst v63  }
0x88: {  	_ =	swait.ge [sflag:s16], $0x6800  }
0x89: {  	[sflag:s16] =	ssyncset.done $0x0  }
0x8a: {  	s1 =	rddreg [dreg:$0xa];
	[sflag:s16] =	ssyncadd.s32 $0xFFFF9800  }
0x8b: {  	[hbm4b:s1+s2] =	stream.linear.scatter [tilespmem:s4], [sflag:$0x8], $0x6800, $0x38;
	[tilespmem:$0x1D400] =	vst v63  }
0x8c: {  	_ =	swait.ge [sflag:s12], $0x6800  }
0x8d: {  	s1 =	sld [smem:$0x7F5]  }
0x8e: {  	[sflag:s12] =	ssyncset.done $0x0  }
0x8f: {  	[sflag:s12] =	ssyncadd.s32 $0xFFFF9800  }
0x90: {  	[tilespmem:s4], [sflag:$0x4] =	stream.indirect.gather [hbm4b:s3+s10], $0x40, s1, s10, $0xb8;
	[tilespmem:$0x1D400] =	vst v63  }
0x91: {  	_ =	swait.ge [sflag:s13], $0x6800  }
0x92: {  	[sflag:s13] =	ssyncset.done $0x0  }
0x93: {  	s1 =	rddreg [dreg:$0xb];
	[sflag:s13] =	ssyncadd.s32 $0xFFFF9800  }
0x94: {  	[hbm4b:s1+s2] =	stream.linear.scatter [tilespmem:s8], [sflag:$0x5], $0x6800, $0x38;
	[tilespmem:$0x1D400] =	vst v63  }
0x95: {  	_ =	swait.ge [sflag:s6], $0x6800  }
0x96: {  	s1 =	sld [smem:$0x7F6]  }
0x97: {  	[sflag:s6] =	ssyncset.done $0x0  }
0x98: {  	[sflag:s6] =	ssyncadd.s32 $0xFFFF9800  }
0x99: {  	[tilespmem:s8], [sflag:$0x1] =	stream.indirect.gather [hbm4b:s3+s10], $0x40, s1, s10, $0xb8;
	[tilespmem:$0x1D400] =	vst v63  }
0x9a: {  	_ =	swait.ge [sflag:s14], $0x6800  }
0x9b: {  	[sflag:s14] =	ssyncset.done $0x0  }
0x9c: {  	s1 =	rddreg [dreg:$0xc];
	[sflag:s14] =	ssyncadd.s32 $0xFFFF9800  }
0x9d: {  	[hbm4b:s1+s2] =	stream.linear.scatter [tilespmem:s7], [sflag:$0x6], $0x6800, $0x38;
	[tilespmem:$0x1D400] =	vst v63  }
0x9e: {  	_ =	swait.ge [sflag:s9], $0x6800  }
0x9f: {  	s1 =	sld [smem:$0x7F7]  }
0xa0: {  	[sflag:s9] =	ssyncset.done $0x0  }
0xa1: {  	[sflag:s9] =	ssyncadd.s32 $0xFFFF9800  }
0xa2: {  	[tilespmem:s7], [sflag:$0x2] =	stream.indirect.gather [hbm4b:s3+s10], $0x40, s1, s10, $0xb8;
	[tilespmem:$0x1D400] =	vst v63  }
0xa3: {  	_ =	swait.ge [sflag:s15], $0x6800  }
0xa4: {  	[sflag:s15] =	ssyncset.done $0x0  }
0xa5: {  	s1 =	rddreg [dreg:$0xd];
	[sflag:s15] =	ssyncadd.s32 $0xFFFF9800  }
0xa6: {  	[hbm4b:s1+s2] =	stream.linear.scatter [tilespmem:s5], [sflag:$0x7], $0x6800, $0x38;
	[tilespmem:$0x1D400] =	vst v63  }
0xa7: {  	_ =	swait.ge [sflag:s11], $0x6800  }
0xa8: {  	s1 =	sld [smem:$0x7F8]  }
0xa9: {  	[sflag:s11] =	ssyncset.done $0x0  }
0xaa: {  	[sflag:s11] =	ssyncadd.s32 $0xFFFF9800  }
0xab: {  	[tilespmem:s5], [sflag:$0x3] =	stream.indirect.gather [hbm4b:s3+s10], $0x40, s1, s10, $0xb8;
	[tilespmem:$0x1D400] =	vst v63  }
0xac: {  	_ =	swait.ge [sflag:s16], $0x6800  }
0xad: {  	[sflag:s16] =	ssyncset.done $0x0  }
0xae: {  	s1 =	rddreg [dreg:$0xe];
	[sflag:s16] =	ssyncadd.s32 $0xFFFF9800  }
0xaf: {  	[hbm4b:s1+s2] =	stream.linear.scatter [tilespmem:s4], [sflag:$0x8], $0x6800, $0x38;
	[tilespmem:$0x1D400] =	vst v63  }
0xb0: {  	_ =	swait.ge [sflag:s12], $0x6800  }
0xb1: {  	s1 =	sld [smem:$0x7F9]  }
0xb2: {  	[sflag:s12] =	ssyncset.done $0x0  }
0xb3: {  	[sflag:s12] =	ssyncadd.s32 $0xFFFF9800  }
0xb4: {  	[tilespmem:s4], [sflag:$0x4] =	stream.indirect.gather [hbm4b:s3+s10], $0x40, s1, s10, $0xb8;
	[tilespmem:$0x1D400] =	vst v63  }
0xb5: {  	_ =	swait.ge [sflag:s13], $0x6800  }
0xb6: {  	[sflag:s13] =	ssyncset.done $0x0  }
0xb7: {  	s1 =	rddreg [dreg:$0xf];
	[sflag:s13] =	ssyncadd.s32 $0xFFFF9800  }
0xb8: {  	[hbm4b:s1+s2] =	stream.linear.scatter [tilespmem:s8], [sflag:$0x5], $0x6800, $0x38;
	[tilespmem:$0x1D400] =	vst v63  }
0xb9: {  	_ =	swait.ge [sflag:s6], $0x6800  }
0xba: {  	s1 =	sld [smem:$0x7FA]  }
0xbb: {  	[sflag:s6] =	ssyncset.done $0x0  }
0xbc: {  	[sflag:s6] =	ssyncadd.s32 $0xFFFF9800  }
0xbd: {  	[tilespmem:s8], [sflag:$0x1] =	stream.indirect.gather [hbm4b:s3+s10], $0x40, s1, s10, $0xb8;
	[tilespmem:$0x1D400] =	vst v63  }
0xbe: {  	_ =	swait.ge [sflag:s14], $0x6800  }
0xbf: {  	[sflag:s14] =	ssyncset.done $0x0  }
0xc0: {  	s1 =	rddreg [dreg:$0x10];
	[sflag:s14] =	ssyncadd.s32 $0xFFFF9800  }
0xc1: {  	[hbm4b:s1+s2] =	stream.linear.scatter [tilespmem:s7], [sflag:$0x6], $0x6800, $0x38;
	[tilespmem:$0x1D400] =	vst v63  }
0xc2: {  	_ =	swait.ge [sflag:s9], $0x6800  }
0xc3: {  	s1 =	sld [smem:$0x7FB]  }
0xc4: {  	[sflag:s9] =	ssyncset.done $0x0  }
0xc5: {  	[sflag:s9] =	ssyncadd.s32 $0xFFFF9800  }
0xc6: {  	[tilespmem:s7], [sflag:$0x2] =	stream.indirect.gather [hbm4b:s3+s10], $0x40, s1, s10, $0xb8;
	[tilespmem:$0x1D400] =	vst v63  }
0xc7: {  	_ =	swait.ge [sflag:s15], $0x6800  }
0xc8: {  	[sflag:s15] =	ssyncset.done $0x0  }
0xc9: {  	s1 =	rddreg [dreg:$0x11];
	[sflag:s15] =	ssyncadd.s32 $0xFFFF9800  }
0xca: {  	[hbm4b:s1+s2] =	stream.linear.scatter [tilespmem:s5], [sflag:$0x7], $0x6800, $0x38;
	[tilespmem:$0x1D400] =	vst v63  }
0xcb: {  	_ =	swait.ge [sflag:s11], $0x6800  }
0xcc: {  	s1 =	sld [smem:$0x7FC]  }
0xcd: {  	[sflag:s11] =	ssyncset.done $0x0  }
0xce: {  	[sflag:s11] =	ssyncadd.s32 $0xFFFF9800  }
0xcf: {  	[tilespmem:s5], [sflag:$0x3] =	stream.indirect.gather [hbm4b:s3+s10], $0x40, s1, s10, $0xb8;
	[tilespmem:$0x1D400] =	vst v63  }
0xd0: {  	_ =	swait.ge [sflag:s16], $0x6800  }
0xd1: {  	[sflag:s16] =	ssyncset.done $0x0  }
0xd2: {  	s1 =	rddreg [dreg:$0x12];
	[sflag:s16] =	ssyncadd.s32 $0xFFFF9800  }
0xd3: {  	[hbm4b:s1+s2] =	stream.linear.scatter [tilespmem:s4], [sflag:$0x8], $0x6800, $0x38;
	[tilespmem:$0x1D400] =	vst v63  }
0xd4: {  	_ =	swait.ge [sflag:s12], $0x6800  }
0xd5: {  	s1 =	sld [smem:$0x7FD]  }
0xd6: {  	[sflag:s12] =	ssyncset.done $0x0  }
0xd7: {  	[sflag:s12] =	ssyncadd.s32 $0xFFFF9800  }
0xd8: {  	[tilespmem:s4], [sflag:$0x4] =	stream.indirect.gather [hbm4b:s3+s10], $0x40, s1, s10, $0xb8;
	[tilespmem:$0x1D400] =	vst v63  }
0xd9: {  	_ =	swait.ge [sflag:s13], $0x6800  }
0xda: {  	[sflag:s13] =	ssyncset.done $0x0  }
0xdb: {  	s1 =	rddreg [dreg:$0x13];
	[sflag:s13] =	ssyncadd.s32 $0xFFFF9800  }
0xdc: {  	[hbm4b:s1+s2] =	stream.linear.scatter [tilespmem:s8], [sflag:$0x5], $0x6800, $0x38;
	[tilespmem:$0x1D400] =	vst v63  }
0xdd: {  	_ =	swait.ge [sflag:s6], $0x6800  }
0xde: {  	[sflag:s6] =	ssyncset.done $0x0  }
0xdf: {  	s1 =	simm.s32 $0x2080;
	[sflag:s6] =	ssyncadd.s32 $0xFFFF9800  }
0xe0: {  	[tilespmem:s8], [sflag:$0x1] =	stream.indirect.gather [hbm4b:s3+s10], $0x40, s1, s10, $0xb8;
	[tilespmem:$0x1D400] =	vst v63  }
0xe1: {  	_ =	swait.ge [sflag:s14], $0x6800  }
0xe2: {  	[sflag:s14] =	ssyncset.done $0x0  }
0xe3: {  	s1 =	rddreg [dreg:$0x14];
	[sflag:s14] =	ssyncadd.s32 $0xFFFF9800  }
0xe4: {  	[hbm4b:s1+s2] =	stream.linear.scatter [tilespmem:s7], [sflag:$0x6], $0x6800, $0x38;
	[tilespmem:$0x1D400] =	vst v63  }
0xe5: {  	_ =	swait.ge [sflag:s9], $0x6800  }
0xe6: {  	[sflag:s9] =	ssyncset.done $0x0  }
0xe7: {  	[sflag:s9] =	ssyncadd.s32 $0xFFFF9800  }
0xe8: {  	[tilespmem:s7], [sflag:$0x2] =	stream.indirect.gather [hbm4b:s3+s10], $0x40, s29, s10, $0xb8;
	[tilespmem:$0x1D400] =	vst v63  }
0xe9: {  	_ =	swait.ge [sflag:s15], $0x6800  }
0xea: {  	[sflag:s15] =	ssyncset.done $0x0  }
0xeb: {  	s1 =	rddreg [dreg:$0x15];
	[sflag:s15] =	ssyncadd.s32 $0xFFFF9800  }
0xec: {  	[hbm4b:s1+s2] =	stream.linear.scatter [tilespmem:s5], [sflag:$0x7], $0x6800, $0x38;
	[tilespmem:$0x1D400] =	vst v63  }
0xed: {  	_ =	swait.ge [sflag:s11], $0x6800  }
0xee: {  	[sflag:s11] =	ssyncset.done $0x0  }
0xef: {  	[sflag:s11] =	ssyncadd.s32 $0xFFFF9800  }
0xf0: {  	[tilespmem:s5], [sflag:$0x3] =	stream.indirect.gather [hbm4b:s3+s10], $0x40, s28, s10, $0xb8;
	[tilespmem:$0x1D400] =	vst v63  }
0xf1: {  	_ =	swait.ge [sflag:s16], $0x6800  }
0xf2: {  	[sflag:s16] =	ssyncset.done $0x0  }
0xf3: {  	s1 =	rddreg [dreg:$0x16];
	[sflag:s16] =	ssyncadd.s32 $0xFFFF9800  }
0xf4: {  	[hbm4b:s1+s2] =	stream.linear.scatter [tilespmem:s4], [sflag:$0x8], $0x6800, $0x38;
	[tilespmem:$0x1D400] =	vst v63  }
0xf5: {  	_ =	swait.ge [sflag:s12], $0x6800  }
0xf6: {  	[sflag:s12] =	ssyncset.done $0x0  }
0xf7: {  	[sflag:s12] =	ssyncadd.s32 $0xFFFF9800  }
0xf8: {  	[tilespmem:s4], [sflag:$0x4] =	stream.indirect.gather [hbm4b:s3+s10], $0x40, s26, s10, $0xb8;
	[tilespmem:$0x1D400] =	vst v63  }
0xf9: {  	_ =	swait.ge [sflag:s13], $0x6800  }
0xfa: {  	[sflag:s13] =	ssyncset.done $0x0  }
0xfb: {  	s1 =	rddreg [dreg:$0x17];
	[sflag:s13] =	ssyncadd.s32 $0xFFFF9800  }
0xfc: {  	[hbm4b:s1+s2] =	stream.linear.scatter [tilespmem:s8], [sflag:$0x5], $0x6800, $0x38;
	[tilespmem:$0x1D400] =	vst v63  }
0xfd: {  	_ =	swait.ge [sflag:s6], $0x6800  }
0xfe: {  	[sflag:s6] =	ssyncset.done $0x0  }
0xff: {  	[sflag:s6] =	ssyncadd.s32 $0xFFFF9800  }
0x100: {  	[tilespmem:s8], [sflag:$0x1] =	stream.indirect.gather [hbm4b:s3+s10], $0x40, s25, s10, $0xb8;
	[tilespmem:$0x1D400] =	vst v63  }
0x101: {  	_ =	swait.ge [sflag:s14], $0x6800  }
0x102: {  	[sflag:s14] =	ssyncset.done $0x0  }
0x103: {  	s1 =	rddreg [dreg:$0x18];
	[sflag:s14] =	ssyncadd.s32 $0xFFFF9800  }
0x104: {  	[hbm4b:s1+s2] =	stream.linear.scatter [tilespmem:s7], [sflag:$0x6], $0x6800, $0x38;
	[tilespmem:$0x1D400] =	vst v63  }
0x105: {  	_ =	swait.ge [sflag:s9], $0x6800  }
0x106: {  	[sflag:s9] =	ssyncset.done $0x0  }
0x107: {  	[sflag:s9] =	ssyncadd.s32 $0xFFFF9800  }
0x108: {  	[tilespmem:s7], [sflag:$0x2] =	stream.indirect.gather [hbm4b:s3+s10], $0x40, s24, s10, $0xb8;
	[tilespmem:$0x1D400] =	vst v63  }
0x109: {  	_ =	swait.ge [sflag:s15], $0x6800  }
0x10a: {  	[sflag:s15] =	ssyncset.done $0x0  }
0x10b: {  	s1 =	rddreg [dreg:$0x19];
	[sflag:s15] =	ssyncadd.s32 $0xFFFF9800  }
0x10c: {  	[hbm4b:s1+s2] =	stream.linear.scatter [tilespmem:s5], [sflag:$0x7], $0x6800, $0x38;
	[tilespmem:$0x1D400] =	vst v63  }
0x10d: {  	_ =	swait.ge [sflag:s11], $0x6800  }
0x10e: {  	[sflag:s11] =	ssyncset.done $0x0  }
0x10f: {  	[sflag:s11] =	ssyncadd.s32 $0xFFFF9800  }
0x110: {  	[tilespmem:s5], [sflag:$0x3] =	stream.indirect.gather [hbm4b:s3+s10], $0x40, s23, s10, $0xb8;
	[tilespmem:$0x1D400] =	vst v63  }
0x111: {  	_ =	swait.ge [sflag:s16], $0x6800  }
0x112: {  	[sflag:s16] =	ssyncset.done $0x0  }
0x113: {  	s1 =	rddreg [dreg:$0x1a];
	[sflag:s16] =	ssyncadd.s32 $0xFFFF9800  }
0x114: {  	[hbm4b:s1+s2] =	stream.linear.scatter [tilespmem:s4], [sflag:$0x8], $0x6800, $0x38;
	[tilespmem:$0x1D400] =	vst v63  }
0x115: {  	_ =	swait.ge [sflag:s12], $0x6800  }
0x116: {  	[sflag:s12] =	ssyncset.done $0x0  }
0x117: {  	[sflag:s12] =	ssyncadd.s32 $0xFFFF9800  }
0x118: {  	[tilespmem:s4], [sflag:$0x4] =	stream.indirect.gather [hbm4b:s3+s10], $0x40, s22, s10, $0xb8;
	[tilespmem:$0x1D400] =	vst v63  }
0x119: {  	_ =	swait.ge [sflag:s13], $0x6800  }
0x11a: {  	[sflag:s13] =	ssyncset.done $0x0  }
0x11b: {  	s1 =	rddreg [dreg:$0x1b];
	[sflag:s13] =	ssyncadd.s32 $0xFFFF9800  }
0x11c: {  	[hbm4b:s1+s2] =	stream.linear.scatter [tilespmem:s8], [sflag:$0x5], $0x6800, $0x38;
	[tilespmem:$0x1D400] =	vst v63  }
0x11d: {  	_ =	swait.ge [sflag:s6], $0x6800  }
0x11e: {  	[sflag:s6] =	ssyncset.done $0x0  }
0x11f: {  	[sflag:s6] =	ssyncadd.s32 $0xFFFF9800  }
0x120: {  	[tilespmem:s8], [sflag:$0x1] =	stream.indirect.gather [hbm4b:s3+s10], $0x40, s21, s10, $0xb8;
	[tilespmem:$0x1D400] =	vst v63  }
0x121: {  	_ =	swait.ge [sflag:s14], $0x6800  }
0x122: {  	[sflag:s14] =	ssyncset.done $0x0  }
0x123: {  	s1 =	rddreg [dreg:$0x1c];
	[sflag:s14] =	ssyncadd.s32 $0xFFFF9800  }
0x124: {  	[hbm4b:s1+s2] =	stream.linear.scatter [tilespmem:s7], [sflag:$0x6], $0x6800, $0x38;
	[tilespmem:$0x1D400] =	vst v63  }
0x125: {  	_ =	swait.ge [sflag:s9], $0x6800  }
0x126: {  	[sflag:s9] =	ssyncset.done $0x0  }
0x127: {  	[sflag:s9] =	ssyncadd.s32 $0xFFFF9800  }
0x128: {  	[tilespmem:s7], [sflag:$0x2] =	stream.indirect.gather [hbm4b:s3+s10], $0x40, s20, s10, $0xb8;
	[tilespmem:$0x1D400] =	vst v63  }
0x129: {  	_ =	swait.ge [sflag:s15], $0x6800  }
0x12a: {  	[sflag:s15] =	ssyncset.done $0x0  }
0x12b: {  	s1 =	rddreg [dreg:$0x1d];
	[sflag:s15] =	ssyncadd.s32 $0xFFFF9800  }
0x12c: {  	[hbm4b:s1+s2] =	stream.linear.scatter [tilespmem:s5], [sflag:$0x7], $0x6800, $0x38;
	[tilespmem:$0x1D400] =	vst v63  }
0x12d: {  	_ =	swait.ge [sflag:s11], $0x6800  }
0x12e: {  	[sflag:s11] =	ssyncset.done $0x0  }
0x12f: {  	[sflag:s11] =	ssyncadd.s32 $0xFFFF9800  }
0x130: {  	[tilespmem:s5], [sflag:$0x3] =	stream.indirect.gather [hbm4b:s3+s10], $0x40, s19, s10, $0xb8;
	[tilespmem:$0x1D400] =	vst v63  }
0x131: {  	_ =	swait.ge [sflag:s16], $0x6800  }
0x132: {  	[sflag:s16] =	ssyncset.done $0x0  }
0x133: {  	s1 =	rddreg [dreg:$0x1e];
	[sflag:s16] =	ssyncadd.s32 $0xFFFF9800  }
0x134: {  	[hbm4b:s1+s2] =	stream.linear.scatter [tilespmem:s4], [sflag:$0x8], $0x6800, $0x38;
	[tilespmem:$0x1D400] =	vst v63  }
0x135: {  	_ =	swait.ge [sflag:s12], $0x6800  }
0x136: {  	[sflag:s12] =	ssyncset.done $0x0  }
0x137: {  	[sflag:s12] =	ssyncadd.s32 $0xFFFF9800  }
0x138: {  	[tilespmem:s4], [sflag:$0x4] =	stream.indirect.gather [hbm4b:s3+s10], $0x40, s18, s10, $0xb8;
	[tilespmem:$0x1D400] =	vst v63  }
0x139: {  	_ =	swait.ge [sflag:s13], $0x6800  }
0x13a: {  	[sflag:s13] =	ssyncset.done $0x0  }
0x13b: {  	s1 =	rddreg [dreg:$0x1f];
	[sflag:s13] =	ssyncadd.s32 $0xFFFF9800  }
0x13c: {  	[hbm4b:s1+s2] =	stream.linear.scatter [tilespmem:s8], [sflag:$0x5], $0x6800, $0x38;
	[tilespmem:$0x1D400] =	vst v63  }
0x13d: {  	_ =	swait.ge [sflag:s14], $0x6800  }
0x13e: {  	s1 =	sld [smem:$0x7E9]  }
0x13f: {  	[sflag:s14] =	ssyncset.done $0x0  }
0x140: {  	[sflag:s14] =	ssyncadd.s32 $0xFFFF9800  }
0x141: {  	[hbm4b:s1+s2] =	stream.linear.scatter [tilespmem:s7], [sflag:$0x6], $0x6800, $0x38;
	[tilespmem:$0x1D400] =	vst v63  }
0x142: {  	_ =	swait.ge [sflag:s15], $0x6800  }
0x143: {  	s1 =	sld [smem:$0x7EA]  }
0x144: {  	[sflag:s15] =	ssyncset.done $0x0  }
0x145: {  	[sflag:s15] =	ssyncadd.s32 $0xFFFF9800  }
0x146: {  	[hbm4b:s1+s2] =	stream.linear.scatter [tilespmem:s5], [sflag:$0x7], $0x6800, $0x38;
	[tilespmem:$0x1D400] =	vst v63  }
0x147: {  	_ =	swait.ge [sflag:s16], $0x6800  }
0x148: {  	s1 =	sld [smem:$0x7EB]  }
0x149: {  	[sflag:s16] =	ssyncset.done $0x0  }
0x14a: {  	[sflag:s16] =	ssyncadd.s32 $0xFFFF9800  }
0x14b: {  	[hbm4b:s1+s2] =	stream.linear.scatter [tilespmem:s4], [sflag:$0x8], $0x6800, $0x38;
	[tilespmem:$0x1D400] =	vst v63  }
0x14c: {  	_ =	swait.ge [sflag:s6], $0x6800  }
0x14d: {  	[sflag:s6] =	ssyncset.done $0x0  }
0x14e: {  	[sflag:s6] =	ssyncadd.s32 $0xFFFF9800  }
0x14f: {  	_ =	swait.ge [sflag:s9], $0x6800  }
0x150: {  	[sflag:s9] =	ssyncset.done $0x0  }
0x151: {  	p1 =	sne.s32 s17, $0x1;
	[sflag:s9] =	ssyncadd.s32 $0xFFFF9800  }
.Ltmp1:
0x152: {  	_ =	swait.ge [sflag:s11], $0x6800;
	(pc) =	sbr.rel @!p1 .LBB2_3-.Ltmp1, $4  }
0x153: {  	[sflag:s11] =	ssyncset.done $0x0  }
0x154: {  	[sflag:s11] =	ssyncadd.s32 $0xFFFF9800  }
0x155: {  	p0 =	por $0x1, $0x1;
	_ =	swait.ge [sflag:s12], $0x6800  }
0x156: {  	s1 =	sadd.s32 $0xFFFFFFFF, s17;
	s0 =	rddreg [dreg:$0x3];
	[sflag:s12] =	ssyncset.done $0x0  }
.LBB2_4:
0x157: {  	[sflag:s12] =	ssyncadd.s32 $0xFFFF9800  }
0x158: {  	[tilespmem:s2], [sflag:$0x9] =	stream.linear.gather [hbm4b:s0+s2], $0x3400, $0x38;
	[tilespmem:$0x1D400] =	vst v63  }
0x159: {  	_ =	swait.ge [sflag:s31], $0x3400  }
0x15a: {  	[sflag:s31] =	ssyncset.done $0x0  }
0x15b: {  	[sflag:s31] =	ssyncadd.s32 $0xFFFFCC00  }
0x15c: {  	[tilespmem:s8], [sflag:$0x1] =	stream.indirect.gather [hbm4b:s3+s10], $0x40, s2, s10, $0xb8;
	[tilespmem:$0x1D400] =	vst v63  }
0x15d: {  	s0 =	sld [smem:$0x7EC]  }
0x15e: {  	[tilespmem:s7], [sflag:$0x2] =	stream.indirect.gather [hbm4b:s3+s10], $0x40, s10, s10, $0xb8;
	[tilespmem:$0x1D400] =	vst v63  }
0x15f: {  	s17 =	sld [smem:$0x7ED]  }
0x160: {  	[tilespmem:s5], [sflag:$0x3] =	stream.indirect.gather [hbm4b:s3+s10], $0x40, s0, s10, $0xb8;
	[tilespmem:$0x1D400] =	vst v63  }
0x161: {  	_ = 	snop  }
0x162: {  	[tilespmem:s4], [sflag:$0x4] =	stream.indirect.gather [hbm4b:s3+s10], $0x40, s17, s10, $0xb8;
	[tilespmem:$0x1D400] =	vst v63  }
0x163: {  	_ =	swait.ge [sflag:s13], $0x6800  }
0x164: {  	[sflag:s13] =	ssyncset.done $0x0  }
0x165: {  	[sflag:s13] =	ssyncadd.s32 $0xFFFF9800  }
0x166: {  	[hbm4b:s30+s2] =	stream.linear.scatter [tilespmem:s8], [sflag:$0x5], $0x6800, $0x38;
	[tilespmem:$0x1D400] =	vst v63  }
0x167: {  	_ =	swait.ge [sflag:s6], $0x6800  }
0x168: {  	s17 =	sld [smem:$0x7EE]  }
0x169: {  	[sflag:s6] =	ssyncset.done $0x0  }
0x16a: {  	[sflag:s6] =	ssyncadd.s32 $0xFFFF9800  }
0x16b: {  	[tilespmem:s8], [sflag:$0x1] =	stream.indirect.gather [hbm4b:s3+s10], $0x40, s17, s10, $0xb8;
	[tilespmem:$0x1D400] =	vst v63  }
0x16c: {  	_ =	swait.ge [sflag:s14], $0x6800  }
0x16d: {  	[sflag:s14] =	ssyncset.done $0x0  }
0x16e: {  	s17 =	rddreg [dreg:$0x4];
	[sflag:s14] =	ssyncadd.s32 $0xFFFF9800  }
0x16f: {  	[hbm4b:s17+s2] =	stream.linear.scatter [tilespmem:s7], [sflag:$0x6], $0x6800, $0x38;
	[tilespmem:$0x1D400] =	vst v63  }
0x170: {  	_ =	swait.ge [sflag:s9], $0x6800  }
0x171: {  	s17 =	sld [smem:$0x7EF]  }
0x172: {  	[sflag:s9] =	ssyncset.done $0x0  }
0x173: {  	[sflag:s9] =	ssyncadd.s32 $0xFFFF9800  }
0x174: {  	[tilespmem:s7], [sflag:$0x2] =	stream.indirect.gather [hbm4b:s3+s10], $0x40, s17, s10, $0xb8;
	[tilespmem:$0x1D400] =	vst v63  }
0x175: {  	_ =	swait.ge [sflag:s15], $0x6800  }
0x176: {  	[sflag:s15] =	ssyncset.done $0x0  }
0x177: {  	s17 =	rddreg [dreg:$0x5];
	[sflag:s15] =	ssyncadd.s32 $0xFFFF9800  }
0x178: {  	[hbm4b:s17+s2] =	stream.linear.scatter [tilespmem:s5], [sflag:$0x7], $0x6800, $0x38;
	[tilespmem:$0x1D400] =	vst v63  }
0x179: {  	_ =	swait.ge [sflag:s11], $0x6800  }
0x17a: {  	s17 =	sld [smem:$0x7F0]  }
0x17b: {  	[sflag:s11] =	ssyncset.done $0x0  }
0x17c: {  	[sflag:s11] =	ssyncadd.s32 $0xFFFF9800  }
0x17d: {  	[tilespmem:s5], [sflag:$0x3] =	stream.indirect.gather [hbm4b:s3+s10], $0x40, s17, s10, $0xb8;
	[tilespmem:$0x1D400] =	vst v63  }
0x17e: {  	_ =	swait.ge [sflag:s16], $0x6800  }
0x17f: {  	[sflag:s16] =	ssyncset.done $0x0  }
0x180: {  	s17 =	rddreg [dreg:$0x6];
	[sflag:s16] =	ssyncadd.s32 $0xFFFF9800  }
0x181: {  	[hbm4b:s17+s2] =	stream.linear.scatter [tilespmem:s4], [sflag:$0x8], $0x6800, $0x38;
	[tilespmem:$0x1D400] =	vst v63  }
0x182: {  	_ =	swait.ge [sflag:s12], $0x6800  }
0x183: {  	s17 =	sld [smem:$0x7F1]  }
0x184: {  	[sflag:s12] =	ssyncset.done $0x0  }
0x185: {  	[sflag:s12] =	ssyncadd.s32 $0xFFFF9800  }
0x186: {  	[tilespmem:s4], [sflag:$0x4] =	stream.indirect.gather [hbm4b:s3+s10], $0x40, s17, s10, $0xb8;
	[tilespmem:$0x1D400] =	vst v63  }
0x187: {  	_ =	swait.ge [sflag:s13], $0x6800  }
0x188: {  	[sflag:s13] =	ssyncset.done $0x0  }
0x189: {  	s17 =	rddreg [dreg:$0x7];
	[sflag:s13] =	ssyncadd.s32 $0xFFFF9800  }
0x18a: {  	[hbm4b:s17+s2] =	stream.linear.scatter [tilespmem:s8], [sflag:$0x5], $0x6800, $0x38;
	[tilespmem:$0x1D400] =	vst v63  }
0x18b: {  	_ =	swait.ge [sflag:s6], $0x6800  }
0x18c: {  	s17 =	sld [smem:$0x7F2]  }
0x18d: {  	[sflag:s6] =	ssyncset.done $0x0  }
0x18e: {  	[sflag:s6] =	ssyncadd.s32 $0xFFFF9800  }
0x18f: {  	[tilespmem:s8], [sflag:$0x1] =	stream.indirect.gather [hbm4b:s3+s10], $0x40, s17, s10, $0xb8;
	[tilespmem:$0x1D400] =	vst v63  }
0x190: {  	_ =	swait.ge [sflag:s14], $0x6800  }
0x191: {  	[sflag:s14] =	ssyncset.done $0x0  }
0x192: {  	s17 =	rddreg [dreg:$0x8];
	[sflag:s14] =	ssyncadd.s32 $0xFFFF9800  }
0x193: {  	[hbm4b:s17+s2] =	stream.linear.scatter [tilespmem:s7], [sflag:$0x6], $0x6800, $0x38;
	[tilespmem:$0x1D400] =	vst v63  }
0x194: {  	_ =	swait.ge [sflag:s9], $0x6800  }
0x195: {  	s17 =	sld [smem:$0x7F3]  }
0x196: {  	[sflag:s9] =	ssyncset.done $0x0  }
0x197: {  	[sflag:s9] =	ssyncadd.s32 $0xFFFF9800  }
0x198: {  	[tilespmem:s7], [sflag:$0x2] =	stream.indirect.gather [hbm4b:s3+s10], $0x40, s17, s10, $0xb8;
	[tilespmem:$0x1D400] =	vst v63  }
0x199: {  	_ =	swait.ge [sflag:s15], $0x6800  }
0x19a: {  	[sflag:s15] =	ssyncset.done $0x0  }
0x19b: {  	s17 =	rddreg [dreg:$0x9];
	[sflag:s15] =	ssyncadd.s32 $0xFFFF9800  }
0x19c: {  	[hbm4b:s17+s2] =	stream.linear.scatter [tilespmem:s5], [sflag:$0x7], $0x6800, $0x38;
	[tilespmem:$0x1D400] =	vst v63  }
0x19d: {  	_ =	swait.ge [sflag:s11], $0x6800  }
0x19e: {  	s17 =	sld [smem:$0x7F4]  }
0x19f: {  	[sflag:s11] =	ssyncset.done $0x0  }
0x1a0: {  	[sflag:s11] =	ssyncadd.s32 $0xFFFF9800  }
0x1a1: {  	[tilespmem:s5], [sflag:$0x3] =	stream.indirect.gather [hbm4b:s3+s10], $0x40, s17, s10, $0xb8;
	[tilespmem:$0x1D400] =	vst v63  }
0x1a2: {  	_ =	swait.ge [sflag:s16], $0x6800  }
0x1a3: {  	[sflag:s16] =	ssyncset.done $0x0  }
0x1a4: {  	s17 =	rddreg [dreg:$0xa];
	[sflag:s16] =	ssyncadd.s32 $0xFFFF9800  }
0x1a5: {  	[hbm4b:s17+s2] =	stream.linear.scatter [tilespmem:s4], [sflag:$0x8], $0x6800, $0x38;
	[tilespmem:$0x1D400] =	vst v63  }
0x1a6: {  	_ =	swait.ge [sflag:s12], $0x6800  }
0x1a7: {  	s17 =	sld [smem:$0x7F5]  }
0x1a8: {  	[sflag:s12] =	ssyncset.done $0x0  }
0x1a9: {  	[sflag:s12] =	ssyncadd.s32 $0xFFFF9800  }
0x1aa: {  	[tilespmem:s4], [sflag:$0x4] =	stream.indirect.gather [hbm4b:s3+s10], $0x40, s17, s10, $0xb8;
	[tilespmem:$0x1D400] =	vst v63  }
0x1ab: {  	_ =	swait.ge [sflag:s13], $0x6800  }
0x1ac: {  	[sflag:s13] =	ssyncset.done $0x0  }
0x1ad: {  	s17 =	rddreg [dreg:$0xb];
	[sflag:s13] =	ssyncadd.s32 $0xFFFF9800  }
0x1ae: {  	[hbm4b:s17+s2] =	stream.linear.scatter [tilespmem:s8], [sflag:$0x5], $0x6800, $0x38;
	[tilespmem:$0x1D400] =	vst v63  }
0x1af: {  	_ =	swait.ge [sflag:s6], $0x6800  }
0x1b0: {  	s17 =	sld [smem:$0x7F6]  }
0x1b1: {  	[sflag:s6] =	ssyncset.done $0x0  }
0x1b2: {  	[sflag:s6] =	ssyncadd.s32 $0xFFFF9800  }
0x1b3: {  	[tilespmem:s8], [sflag:$0x1] =	stream.indirect.gather [hbm4b:s3+s10], $0x40, s17, s10, $0xb8;
	[tilespmem:$0x1D400] =	vst v63  }
0x1b4: {  	_ =	swait.ge [sflag:s14], $0x6800  }
0x1b5: {  	[sflag:s14] =	ssyncset.done $0x0  }
0x1b6: {  	s17 =	rddreg [dreg:$0xc];
	[sflag:s14] =	ssyncadd.s32 $0xFFFF9800  }
0x1b7: {  	[hbm4b:s17+s2] =	stream.linear.scatter [tilespmem:s7], [sflag:$0x6], $0x6800, $0x38;
	[tilespmem:$0x1D400] =	vst v63  }
0x1b8: {  	_ =	swait.ge [sflag:s9], $0x6800  }
0x1b9: {  	s17 =	sld [smem:$0x7F7]  }
0x1ba: {  	[sflag:s9] =	ssyncset.done $0x0  }
0x1bb: {  	[sflag:s9] =	ssyncadd.s32 $0xFFFF9800  }
0x1bc: {  	[tilespmem:s7], [sflag:$0x2] =	stream.indirect.gather [hbm4b:s3+s10], $0x40, s17, s10, $0xb8;
	[tilespmem:$0x1D400] =	vst v63  }
0x1bd: {  	_ =	swait.ge [sflag:s15], $0x6800  }
0x1be: {  	[sflag:s15] =	ssyncset.done $0x0  }
0x1bf: {  	s17 =	rddreg [dreg:$0xd];
	[sflag:s15] =	ssyncadd.s32 $0xFFFF9800  }
0x1c0: {  	[hbm4b:s17+s2] =	stream.linear.scatter [tilespmem:s5], [sflag:$0x7], $0x6800, $0x38;
	[tilespmem:$0x1D400] =	vst v63  }
0x1c1: {  	_ =	swait.ge [sflag:s11], $0x6800  }
0x1c2: {  	s17 =	sld [smem:$0x7F8]  }
0x1c3: {  	[sflag:s11] =	ssyncset.done $0x0  }
0x1c4: {  	[sflag:s11] =	ssyncadd.s32 $0xFFFF9800  }
0x1c5: {  	[tilespmem:s5], [sflag:$0x3] =	stream.indirect.gather [hbm4b:s3+s10], $0x40, s17, s10, $0xb8;
	[tilespmem:$0x1D400] =	vst v63  }
0x1c6: {  	_ =	swait.ge [sflag:s16], $0x6800  }
0x1c7: {  	[sflag:s16] =	ssyncset.done $0x0  }
0x1c8: {  	s17 =	rddreg [dreg:$0xe];
	[sflag:s16] =	ssyncadd.s32 $0xFFFF9800  }
0x1c9: {  	[hbm4b:s17+s2] =	stream.linear.scatter [tilespmem:s4], [sflag:$0x8], $0x6800, $0x38;
	[tilespmem:$0x1D400] =	vst v63  }
0x1ca: {  	_ =	swait.ge [sflag:s12], $0x6800  }
0x1cb: {  	s17 =	sld [smem:$0x7F9]  }
0x1cc: {  	[sflag:s12] =	ssyncset.done $0x0  }
0x1cd: {  	[sflag:s12] =	ssyncadd.s32 $0xFFFF9800  }
0x1ce: {  	[tilespmem:s4], [sflag:$0x4] =	stream.indirect.gather [hbm4b:s3+s10], $0x40, s17, s10, $0xb8;
	[tilespmem:$0x1D400] =	vst v63  }
0x1cf: {  	_ =	swait.ge [sflag:s13], $0x6800  }
0x1d0: {  	[sflag:s13] =	ssyncset.done $0x0  }
0x1d1: {  	s17 =	rddreg [dreg:$0xf];
	[sflag:s13] =	ssyncadd.s32 $0xFFFF9800  }
0x1d2: {  	[hbm4b:s17+s2] =	stream.linear.scatter [tilespmem:s8], [sflag:$0x5], $0x6800, $0x38;
	[tilespmem:$0x1D400] =	vst v63  }
0x1d3: {  	_ =	swait.ge [sflag:s6], $0x6800  }
0x1d4: {  	s17 =	sld [smem:$0x7FA]  }
0x1d5: {  	[sflag:s6] =	ssyncset.done $0x0  }
0x1d6: {  	[sflag:s6] =	ssyncadd.s32 $0xFFFF9800  }
0x1d7: {  	[tilespmem:s8], [sflag:$0x1] =	stream.indirect.gather [hbm4b:s3+s10], $0x40, s17, s10, $0xb8;
	[tilespmem:$0x1D400] =	vst v63  }
0x1d8: {  	_ =	swait.ge [sflag:s14], $0x6800  }
0x1d9: {  	[sflag:s14] =	ssyncset.done $0x0  }
0x1da: {  	s17 =	rddreg [dreg:$0x10];
	[sflag:s14] =	ssyncadd.s32 $0xFFFF9800  }
0x1db: {  	[hbm4b:s17+s2] =	stream.linear.scatter [tilespmem:s7], [sflag:$0x6], $0x6800, $0x38;
	[tilespmem:$0x1D400] =	vst v63  }
0x1dc: {  	_ =	swait.ge [sflag:s9], $0x6800  }
0x1dd: {  	s17 =	sld [smem:$0x7FB]  }
0x1de: {  	[sflag:s9] =	ssyncset.done $0x0  }
0x1df: {  	[sflag:s9] =	ssyncadd.s32 $0xFFFF9800  }
0x1e0: {  	[tilespmem:s7], [sflag:$0x2] =	stream.indirect.gather [hbm4b:s3+s10], $0x40, s17, s10, $0xb8;
	[tilespmem:$0x1D400] =	vst v63  }
0x1e1: {  	_ =	swait.ge [sflag:s15], $0x6800  }
0x1e2: {  	[sflag:s15] =	ssyncset.done $0x0  }
0x1e3: {  	s17 =	rddreg [dreg:$0x11];
	[sflag:s15] =	ssyncadd.s32 $0xFFFF9800  }
0x1e4: {  	[hbm4b:s17+s2] =	stream.linear.scatter [tilespmem:s5], [sflag:$0x7], $0x6800, $0x38;
	[tilespmem:$0x1D400] =	vst v63  }
0x1e5: {  	_ =	swait.ge [sflag:s11], $0x6800  }
0x1e6: {  	s17 =	sld [smem:$0x7FC]  }
0x1e7: {  	[sflag:s11] =	ssyncset.done $0x0  }
0x1e8: {  	[sflag:s11] =	ssyncadd.s32 $0xFFFF9800  }
0x1e9: {  	[tilespmem:s5], [sflag:$0x3] =	stream.indirect.gather [hbm4b:s3+s10], $0x40, s17, s10, $0xb8;
	[tilespmem:$0x1D400] =	vst v63  }
0x1ea: {  	_ =	swait.ge [sflag:s16], $0x6800  }
0x1eb: {  	[sflag:s16] =	ssyncset.done $0x0  }
0x1ec: {  	s17 =	rddreg [dreg:$0x12];
	[sflag:s16] =	ssyncadd.s32 $0xFFFF9800  }
0x1ed: {  	[hbm4b:s17+s2] =	stream.linear.scatter [tilespmem:s4], [sflag:$0x8], $0x6800, $0x38;
	[tilespmem:$0x1D400] =	vst v63  }
0x1ee: {  	_ =	swait.ge [sflag:s12], $0x6800  }
0x1ef: {  	s17 =	sld [smem:$0x7FD]  }
0x1f0: {  	[sflag:s12] =	ssyncset.done $0x0  }
0x1f1: {  	[sflag:s12] =	ssyncadd.s32 $0xFFFF9800  }
0x1f2: {  	[tilespmem:s4], [sflag:$0x4] =	stream.indirect.gather [hbm4b:s3+s10], $0x40, s17, s10, $0xb8;
	[tilespmem:$0x1D400] =	vst v63  }
0x1f3: {  	_ =	swait.ge [sflag:s13], $0x6800  }
0x1f4: {  	[sflag:s13] =	ssyncset.done $0x0  }
0x1f5: {  	s17 =	rddreg [dreg:$0x13];
	[sflag:s13] =	ssyncadd.s32 $0xFFFF9800  }
0x1f6: {  	[hbm4b:s17+s2] =	stream.linear.scatter [tilespmem:s8], [sflag:$0x5], $0x6800, $0x38;
	[tilespmem:$0x1D400] =	vst v63  }
0x1f7: {  	_ =	swait.ge [sflag:s6], $0x6800  }
0x1f8: {  	[sflag:s6] =	ssyncset.done $0x0  }
0x1f9: {  	s17 =	simm.s32 $0x2080;
	[sflag:s6] =	ssyncadd.s32 $0xFFFF9800  }
0x1fa: {  	[tilespmem:s8], [sflag:$0x1] =	stream.indirect.gather [hbm4b:s3+s10], $0x40, s17, s10, $0xb8;
	[tilespmem:$0x1D400] =	vst v63  }
0x1fb: {  	_ =	swait.ge [sflag:s14], $0x6800  }
0x1fc: {  	[sflag:s14] =	ssyncset.done $0x0  }
0x1fd: {  	s17 =	rddreg [dreg:$0x14];
	[sflag:s14] =	ssyncadd.s32 $0xFFFF9800  }
0x1fe: {  	[hbm4b:s17+s2] =	stream.linear.scatter [tilespmem:s7], [sflag:$0x6], $0x6800, $0x38;
	[tilespmem:$0x1D400] =	vst v63  }
0x1ff: {  	_ =	swait.ge [sflag:s9], $0x6800  }
0x200: {  	[sflag:s9] =	ssyncset.done $0x0  }
0x201: {  	[sflag:s9] =	ssyncadd.s32 $0xFFFF9800  }
0x202: {  	[tilespmem:s7], [sflag:$0x2] =	stream.indirect.gather [hbm4b:s3+s10], $0x40, s29, s10, $0xb8;
	[tilespmem:$0x1D400] =	vst v63  }
0x203: {  	_ =	swait.ge [sflag:s15], $0x6800  }
0x204: {  	[sflag:s15] =	ssyncset.done $0x0  }
0x205: {  	s17 =	rddreg [dreg:$0x15];
	[sflag:s15] =	ssyncadd.s32 $0xFFFF9800  }
0x206: {  	[hbm4b:s17+s2] =	stream.linear.scatter [tilespmem:s5], [sflag:$0x7], $0x6800, $0x38;
	[tilespmem:$0x1D400] =	vst v63  }
0x207: {  	_ =	swait.ge [sflag:s11], $0x6800  }
0x208: {  	[sflag:s11] =	ssyncset.done $0x0  }
0x209: {  	[sflag:s11] =	ssyncadd.s32 $0xFFFF9800  }
0x20a: {  	[tilespmem:s5], [sflag:$0x3] =	stream.indirect.gather [hbm4b:s3+s10], $0x40, s28, s10, $0xb8;
	[tilespmem:$0x1D400] =	vst v63  }
0x20b: {  	_ =	swait.ge [sflag:s16], $0x6800  }
0x20c: {  	[sflag:s16] =	ssyncset.done $0x0  }
0x20d: {  	s17 =	rddreg [dreg:$0x16];
	[sflag:s16] =	ssyncadd.s32 $0xFFFF9800  }
0x20e: {  	[hbm4b:s17+s2] =	stream.linear.scatter [tilespmem:s4], [sflag:$0x8], $0x6800, $0x38;
	[tilespmem:$0x1D400] =	vst v63  }
0x20f: {  	_ =	swait.ge [sflag:s12], $0x6800  }
0x210: {  	[sflag:s12] =	ssyncset.done $0x0  }
0x211: {  	[sflag:s12] =	ssyncadd.s32 $0xFFFF9800  }
0x212: {  	[tilespmem:s4], [sflag:$0x4] =	stream.indirect.gather [hbm4b:s3+s10], $0x40, s26, s10, $0xb8;
	[tilespmem:$0x1D400] =	vst v63  }
0x213: {  	_ =	swait.ge [sflag:s13], $0x6800  }
0x214: {  	[sflag:s13] =	ssyncset.done $0x0  }
0x215: {  	s17 =	rddreg [dreg:$0x17];
	[sflag:s13] =	ssyncadd.s32 $0xFFFF9800  }
0x216: {  	[hbm4b:s17+s2] =	stream.linear.scatter [tilespmem:s8], [sflag:$0x5], $0x6800, $0x38;
	[tilespmem:$0x1D400] =	vst v63  }
0x217: {  	_ =	swait.ge [sflag:s6], $0x6800  }
0x218: {  	[sflag:s6] =	ssyncset.done $0x0  }
0x219: {  	[sflag:s6] =	ssyncadd.s32 $0xFFFF9800  }
0x21a: {  	[tilespmem:s8], [sflag:$0x1] =	stream.indirect.gather [hbm4b:s3+s10], $0x40, s25, s10, $0xb8;
	[tilespmem:$0x1D400] =	vst v63  }
0x21b: {  	_ =	swait.ge [sflag:s14], $0x6800  }
0x21c: {  	[sflag:s14] =	ssyncset.done $0x0  }
0x21d: {  	s17 =	rddreg [dreg:$0x18];
	[sflag:s14] =	ssyncadd.s32 $0xFFFF9800  }
0x21e: {  	[hbm4b:s17+s2] =	stream.linear.scatter [tilespmem:s7], [sflag:$0x6], $0x6800, $0x38;
	[tilespmem:$0x1D400] =	vst v63  }
0x21f: {  	_ =	swait.ge [sflag:s9], $0x6800  }
0x220: {  	[sflag:s9] =	ssyncset.done $0x0  }
0x221: {  	[sflag:s9] =	ssyncadd.s32 $0xFFFF9800  }
0x222: {  	[tilespmem:s7], [sflag:$0x2] =	stream.indirect.gather [hbm4b:s3+s10], $0x40, s24, s10, $0xb8;
	[tilespmem:$0x1D400] =	vst v63  }
0x223: {  	_ =	swait.ge [sflag:s15], $0x6800  }
0x224: {  	[sflag:s15] =	ssyncset.done $0x0  }
0x225: {  	s17 =	rddreg [dreg:$0x19];
	[sflag:s15] =	ssyncadd.s32 $0xFFFF9800  }
0x226: {  	[hbm4b:s17+s2] =	stream.linear.scatter [tilespmem:s5], [sflag:$0x7], $0x6800, $0x38;
	[tilespmem:$0x1D400] =	vst v63  }
0x227: {  	_ =	swait.ge [sflag:s11], $0x6800  }
0x228: {  	[sflag:s11] =	ssyncset.done $0x0  }
0x229: {  	[sflag:s11] =	ssyncadd.s32 $0xFFFF9800  }
0x22a: {  	[tilespmem:s5], [sflag:$0x3] =	stream.indirect.gather [hbm4b:s3+s10], $0x40, s23, s10, $0xb8;
	[tilespmem:$0x1D400] =	vst v63  }
0x22b: {  	_ =	swait.ge [sflag:s16], $0x6800  }
0x22c: {  	[sflag:s16] =	ssyncset.done $0x0  }
0x22d: {  	s17 =	rddreg [dreg:$0x1a];
	[sflag:s16] =	ssyncadd.s32 $0xFFFF9800  }
0x22e: {  	[hbm4b:s17+s2] =	stream.linear.scatter [tilespmem:s4], [sflag:$0x8], $0x6800, $0x38;
	[tilespmem:$0x1D400] =	vst v63  }
0x22f: {  	_ =	swait.ge [sflag:s12], $0x6800  }
0x230: {  	[sflag:s12] =	ssyncset.done $0x0  }
0x231: {  	[sflag:s12] =	ssyncadd.s32 $0xFFFF9800  }
0x232: {  	[tilespmem:s4], [sflag:$0x4] =	stream.indirect.gather [hbm4b:s3+s10], $0x40, s22, s10, $0xb8;
	[tilespmem:$0x1D400] =	vst v63  }
0x233: {  	_ =	swait.ge [sflag:s13], $0x6800  }
0x234: {  	[sflag:s13] =	ssyncset.done $0x0  }
0x235: {  	s17 =	rddreg [dreg:$0x1b];
	[sflag:s13] =	ssyncadd.s32 $0xFFFF9800  }
0x236: {  	[hbm4b:s17+s2] =	stream.linear.scatter [tilespmem:s8], [sflag:$0x5], $0x6800, $0x38;
	[tilespmem:$0x1D400] =	vst v63  }
0x237: {  	_ =	swait.ge [sflag:s6], $0x6800  }
0x238: {  	[sflag:s6] =	ssyncset.done $0x0  }
0x239: {  	[sflag:s6] =	ssyncadd.s32 $0xFFFF9800  }
0x23a: {  	[tilespmem:s8], [sflag:$0x1] =	stream.indirect.gather [hbm4b:s3+s10], $0x40, s21, s10, $0xb8;
	[tilespmem:$0x1D400] =	vst v63  }
0x23b: {  	_ =	swait.ge [sflag:s14], $0x6800  }
0x23c: {  	[sflag:s14] =	ssyncset.done $0x0  }
0x23d: {  	s17 =	rddreg [dreg:$0x1c];
	[sflag:s14] =	ssyncadd.s32 $0xFFFF9800  }
0x23e: {  	[hbm4b:s17+s2] =	stream.linear.scatter [tilespmem:s7], [sflag:$0x6], $0x6800, $0x38;
	[tilespmem:$0x1D400] =	vst v63  }
0x23f: {  	_ =	swait.ge [sflag:s9], $0x6800  }
0x240: {  	[sflag:s9] =	ssyncset.done $0x0  }
0x241: {  	[sflag:s9] =	ssyncadd.s32 $0xFFFF9800  }
0x242: {  	[tilespmem:s7], [sflag:$0x2] =	stream.indirect.gather [hbm4b:s3+s10], $0x40, s20, s10, $0xb8;
	[tilespmem:$0x1D400] =	vst v63  }
0x243: {  	_ =	swait.ge [sflag:s15], $0x6800  }
0x244: {  	[sflag:s15] =	ssyncset.done $0x0  }
0x245: {  	s17 =	rddreg [dreg:$0x1d];
	[sflag:s15] =	ssyncadd.s32 $0xFFFF9800  }
0x246: {  	[hbm4b:s17+s2] =	stream.linear.scatter [tilespmem:s5], [sflag:$0x7], $0x6800, $0x38;
	[tilespmem:$0x1D400] =	vst v63  }
0x247: {  	_ =	swait.ge [sflag:s11], $0x6800  }
0x248: {  	[sflag:s11] =	ssyncset.done $0x0  }
0x249: {  	[sflag:s11] =	ssyncadd.s32 $0xFFFF9800  }
0x24a: {  	[tilespmem:s5], [sflag:$0x3] =	stream.indirect.gather [hbm4b:s3+s10], $0x40, s19, s10, $0xb8;
	[tilespmem:$0x1D400] =	vst v63  }
0x24b: {  	_ =	swait.ge [sflag:s16], $0x6800  }
0x24c: {  	[sflag:s16] =	ssyncset.done $0x0  }
0x24d: {  	s17 =	rddreg [dreg:$0x1e];
	[sflag:s16] =	ssyncadd.s32 $0xFFFF9800  }
0x24e: {  	[hbm4b:s17+s2] =	stream.linear.scatter [tilespmem:s4], [sflag:$0x8], $0x6800, $0x38;
	[tilespmem:$0x1D400] =	vst v63  }
0x24f: {  	_ =	swait.ge [sflag:s12], $0x6800  }
0x250: {  	[sflag:s12] =	ssyncset.done $0x0  }
0x251: {  	[sflag:s12] =	ssyncadd.s32 $0xFFFF9800  }
0x252: {  	[tilespmem:s4], [sflag:$0x4] =	stream.indirect.gather [hbm4b:s3+s10], $0x40, s18, s10, $0xb8;
	[tilespmem:$0x1D400] =	vst v63  }
0x253: {  	_ =	swait.ge [sflag:s13], $0x6800  }
0x254: {  	[sflag:s13] =	ssyncset.done $0x0  }
0x255: {  	s17 =	rddreg [dreg:$0x1f];
	[sflag:s13] =	ssyncadd.s32 $0xFFFF9800  }
0x256: {  	[hbm4b:s17+s2] =	stream.linear.scatter [tilespmem:s8], [sflag:$0x5], $0x6800, $0x38;
	[tilespmem:$0x1D400] =	vst v63  }
0x257: {  	_ =	swait.ge [sflag:s14], $0x6800  }
0x258: {  	s17 =	sld [smem:$0x7E9]  }
0x259: {  	[sflag:s14] =	ssyncset.done $0x0  }
0x25a: {  	[sflag:s14] =	ssyncadd.s32 $0xFFFF9800  }
0x25b: {  	[hbm4b:s17+s2] =	stream.linear.scatter [tilespmem:s7], [sflag:$0x6], $0x6800, $0x38;
	[tilespmem:$0x1D400] =	vst v63  }
0x25c: {  	_ =	swait.ge [sflag:s15], $0x6800  }
0x25d: {  	s17 =	sld [smem:$0x7EA]  }
0x25e: {  	[sflag:s15] =	ssyncset.done $0x0  }
0x25f: {  	[sflag:s15] =	ssyncadd.s32 $0xFFFF9800  }
0x260: {  	[hbm4b:s17+s2] =	stream.linear.scatter [tilespmem:s5], [sflag:$0x7], $0x6800, $0x38;
	[tilespmem:$0x1D400] =	vst v63  }
0x261: {  	_ =	swait.ge [sflag:s16], $0x6800  }
0x262: {  	s17 =	sld [smem:$0x7EB]  }
0x263: {  	[sflag:s16] =	ssyncset.done $0x0  }
0x264: {  	[sflag:s16] =	ssyncadd.s32 $0xFFFF9800  }
0x265: {  	[hbm4b:s17+s2] =	stream.linear.scatter [tilespmem:s4], [sflag:$0x8], $0x6800, $0x38;
	[tilespmem:$0x1D400] =	vst v63  }
0x266: {  	_ =	swait.ge [sflag:s6], $0x6800  }
0x267: {  	[sflag:s6] =	ssyncset.done $0x0  }
0x268: {  	[sflag:s6] =	ssyncadd.s32 $0xFFFF9800  }
0x269: {  	_ =	swait.ge [sflag:s9], $0x6800  }
0x26a: {  	[sflag:s9] =	ssyncset.done $0x0  }
0x26b: {  	p1 =	sne.s32 s1, $0x1;
	[sflag:s9] =	ssyncadd.s32 $0xFFFF9800  }
.Ltmp2:
0x26c: {  	_ =	swait.ge [sflag:s11], $0x6800;
	(pc) =	sbr.rel @p1 .LBB2_4-.Ltmp2, $4  }
0x26d: {  	[sflag:s11] =	ssyncset.done $0x0  }
0x26e: {  	[sflag:s11] =	ssyncadd.s32 $0xFFFF9800  }
0x26f: {  	_ =	swait.ge [sflag:s12], $0x6800  }
0x270: {  	s1 =	sadd.s32 $0xFFFFFFFF, s1;
	s0 =	rddreg [dreg:$0x3];
	[sflag:s12] =	ssyncset.done $0x0  }
0x271: {  	s18 =	simm.s32 $0x2080;
	s29 =	simm.s32 $0x2220;
	s28 =	simm.s32 $0x23C0  }
0x272: {  	s26 =	simm.s32 $0x2560;
	s25 =	simm.s32 $0x2700;
	s24 =	simm.s32 $0x28A0  }
0x273: {  	s23 =	simm.s32 $0x2A40;
	s22 =	simm.s32 $0x2BE0;
	s21 =	simm.s32 $0x2D80  }
0x274: {  	s20 =	simm.s32 $0x2F20;
	s19 =	simm.s32 $0x30C0;
	s17 =	stileid.u32  }
.LBB2_6:
0x275: {  	[sflag:s12] =	ssyncadd.s32 @p0 $0xFFFF9800  }
0x276: {  	[tilespmem:s2], [sflag:$0x9] =	stream.linear.gather [hbm4b:s0+s2], $0x3400, $0x38;
	[tilespmem:$0x1D400] =	vst v63  }
0x277: {  	_ =	swait.ge [sflag:s31], $0x3400  }
0x278: {  	[sflag:s31] =	ssyncset.done $0x0  }
0x279: {  	[sflag:s31] =	ssyncadd.s32 $0xFFFFCC00  }
0x27a: {  	[tilespmem:s8], [sflag:$0x1] =	stream.indirect.gather [hbm4b:s3+s10], $0x40, s2, s10, $0xb8;
	[tilespmem:$0x1D400] =	vst v63  }
0x27b: {  	s31 =	sld [smem:$0x7EC]  }
0x27c: {  	[tilespmem:s7], [sflag:$0x2] =	stream.indirect.gather [hbm4b:s3+s10], $0x40, s10, s10, $0xb8;
	[tilespmem:$0x1D400] =	vst v63  }
0x27d: {  	s1 =	sld [smem:$0x7ED]  }
0x27e: {  	[tilespmem:s5], [sflag:$0x3] =	stream.indirect.gather [hbm4b:s3+s10], $0x40, s31, s10, $0xb8;
	[tilespmem:$0x1D400] =	vst v63  }
0x27f: {  	_ = 	snop  }
0x280: {  	[tilespmem:s4], [sflag:$0x4] =	stream.indirect.gather [hbm4b:s3+s10], $0x40, s1, s10, $0xb8;
	[tilespmem:$0x1D400] =	vst v63  }
0x281: {  	_ =	swait.ge [sflag:s13], $0x6800  }
0x282: {  	[sflag:s13] =	ssyncset.done $0x0  }
0x283: {  	[sflag:s13] =	ssyncadd.s32 $0xFFFF9800  }
0x284: {  	[hbm4b:s30+s2] =	stream.linear.scatter [tilespmem:s8], [sflag:$0x5], $0x6800, $0x38;
	[tilespmem:$0x1D400] =	vst v63  }
0x285: {  	_ =	swait.ge [sflag:s6], $0x6800  }
0x286: {  	s30 =	sld [smem:$0x7EE]  }
0x287: {  	[sflag:s6] =	ssyncset.done $0x0  }
0x288: {  	[sflag:s6] =	ssyncadd.s32 $0xFFFF9800  }
0x289: {  	[tilespmem:s8], [sflag:$0x1] =	stream.indirect.gather [hbm4b:s3+s10], $0x40, s30, s10, $0xb8;
	[tilespmem:$0x1D400] =	vst v63  }
0x28a: {  	_ =	swait.ge [sflag:s14], $0x6800  }
0x28b: {  	[sflag:s14] =	ssyncset.done $0x0  }
0x28c: {  	s31 =	rddreg [dreg:$0x4];
	[sflag:s14] =	ssyncadd.s32 $0xFFFF9800  }
0x28d: {  	[hbm4b:s31+s2] =	stream.linear.scatter [tilespmem:s7], [sflag:$0x6], $0x6800, $0x38;
	[tilespmem:$0x1D400] =	vst v63  }
0x28e: {  	_ =	swait.ge [sflag:s9], $0x6800  }
0x28f: {  	s1 =	sld [smem:$0x7EF]  }
0x290: {  	[sflag:s9] =	ssyncset.done $0x0  }
0x291: {  	[sflag:s9] =	ssyncadd.s32 $0xFFFF9800  }
0x292: {  	[tilespmem:s7], [sflag:$0x2] =	stream.indirect.gather [hbm4b:s3+s10], $0x40, s1, s10, $0xb8;
	[tilespmem:$0x1D400] =	vst v63  }
0x293: {  	_ =	swait.ge [sflag:s15], $0x6800  }
0x294: {  	[sflag:s15] =	ssyncset.done $0x0  }
0x295: {  	s30 =	rddreg [dreg:$0x5];
	[sflag:s15] =	ssyncadd.s32 $0xFFFF9800  }
0x296: {  	[hbm4b:s30+s2] =	stream.linear.scatter [tilespmem:s5], [sflag:$0x7], $0x6800, $0x38;
	[tilespmem:$0x1D400] =	vst v63  }
0x297: {  	_ =	swait.ge [sflag:s11], $0x6800  }
0x298: {  	s31 =	sld [smem:$0x7F0]  }
0x299: {  	[sflag:s11] =	ssyncset.done $0x0  }
0x29a: {  	[sflag:s11] =	ssyncadd.s32 $0xFFFF9800  }
0x29b: {  	[tilespmem:s5], [sflag:$0x3] =	stream.indirect.gather [hbm4b:s3+s10], $0x40, s31, s10, $0xb8;
	[tilespmem:$0x1D400] =	vst v63  }
0x29c: {  	_ =	swait.ge [sflag:s16], $0x6800  }
0x29d: {  	[sflag:s16] =	ssyncset.done $0x0  }
0x29e: {  	s1 =	rddreg [dreg:$0x6];
	[sflag:s16] =	ssyncadd.s32 $0xFFFF9800  }
0x29f: {  	[hbm4b:s1+s2] =	stream.linear.scatter [tilespmem:s4], [sflag:$0x8], $0x6800, $0x38;
	[tilespmem:$0x1D400] =	vst v63  }
0x2a0: {  	_ =	swait.ge [sflag:s12], $0x6800  }
0x2a1: {  	s30 =	sld [smem:$0x7F1]  }
0x2a2: {  	[sflag:s12] =	ssyncset.done $0x0  }
0x2a3: {  	[sflag:s12] =	ssyncadd.s32 $0xFFFF9800  }
0x2a4: {  	[tilespmem:s4], [sflag:$0x4] =	stream.indirect.gather [hbm4b:s3+s10], $0x40, s30, s10, $0xb8;
	[tilespmem:$0x1D400] =	vst v63  }
0x2a5: {  	_ =	swait.ge [sflag:s13], $0x6800  }
0x2a6: {  	[sflag:s13] =	ssyncset.done $0x0  }
0x2a7: {  	s31 =	rddreg [dreg:$0x7];
	[sflag:s13] =	ssyncadd.s32 $0xFFFF9800  }
0x2a8: {  	[hbm4b:s31+s2] =	stream.linear.scatter [tilespmem:s8], [sflag:$0x5], $0x6800, $0x38;
	[tilespmem:$0x1D400] =	vst v63  }
0x2a9: {  	_ =	swait.ge [sflag:s6], $0x6800  }
0x2aa: {  	s1 =	sld [smem:$0x7F2]  }
0x2ab: {  	[sflag:s6] =	ssyncset.done $0x0  }
0x2ac: {  	[sflag:s6] =	ssyncadd.s32 $0xFFFF9800  }
0x2ad: {  	[tilespmem:s8], [sflag:$0x1] =	stream.indirect.gather [hbm4b:s3+s10], $0x40, s1, s10, $0xb8;
	[tilespmem:$0x1D400] =	vst v63  }
0x2ae: {  	_ =	swait.ge [sflag:s14], $0x6800  }
0x2af: {  	[sflag:s14] =	ssyncset.done $0x0  }
0x2b0: {  	s30 =	rddreg [dreg:$0x8];
	[sflag:s14] =	ssyncadd.s32 $0xFFFF9800  }
0x2b1: {  	[hbm4b:s30+s2] =	stream.linear.scatter [tilespmem:s7], [sflag:$0x6], $0x6800, $0x38;
	[tilespmem:$0x1D400] =	vst v63  }
0x2b2: {  	_ =	swait.ge [sflag:s9], $0x6800  }
0x2b3: {  	s31 =	sld [smem:$0x7F3]  }
0x2b4: {  	[sflag:s9] =	ssyncset.done $0x0  }
0x2b5: {  	[sflag:s9] =	ssyncadd.s32 $0xFFFF9800  }
0x2b6: {  	[tilespmem:s7], [sflag:$0x2] =	stream.indirect.gather [hbm4b:s3+s10], $0x40, s31, s10, $0xb8;
	[tilespmem:$0x1D400] =	vst v63  }
0x2b7: {  	_ =	swait.ge [sflag:s15], $0x6800  }
0x2b8: {  	[sflag:s15] =	ssyncset.done $0x0  }
0x2b9: {  	s1 =	rddreg [dreg:$0x9];
	[sflag:s15] =	ssyncadd.s32 $0xFFFF9800  }
0x2ba: {  	[hbm4b:s1+s2] =	stream.linear.scatter [tilespmem:s5], [sflag:$0x7], $0x6800, $0x38;
	[tilespmem:$0x1D400] =	vst v63  }
0x2bb: {  	_ =	swait.ge [sflag:s11], $0x6800  }
0x2bc: {  	s30 =	sld [smem:$0x7F4]  }
0x2bd: {  	[sflag:s11] =	ssyncset.done $0x0  }
0x2be: {  	[sflag:s11] =	ssyncadd.s32 $0xFFFF9800  }
0x2bf: {  	[tilespmem:s5], [sflag:$0x3] =	stream.indirect.gather [hbm4b:s3+s10], $0x40, s30, s10, $0xb8;
	[tilespmem:$0x1D400] =	vst v63  }
0x2c0: {  	_ =	swait.ge [sflag:s16], $0x6800  }
0x2c1: {  	[sflag:s16] =	ssyncset.done $0x0  }
0x2c2: {  	s31 =	rddreg [dreg:$0xa];
	[sflag:s16] =	ssyncadd.s32 $0xFFFF9800  }
0x2c3: {  	[hbm4b:s31+s2] =	stream.linear.scatter [tilespmem:s4], [sflag:$0x8], $0x6800, $0x38;
	[tilespmem:$0x1D400] =	vst v63  }
0x2c4: {  	_ =	swait.ge [sflag:s12], $0x6800  }
0x2c5: {  	s1 =	sld [smem:$0x7F5]  }
0x2c6: {  	[sflag:s12] =	ssyncset.done $0x0  }
0x2c7: {  	[sflag:s12] =	ssyncadd.s32 $0xFFFF9800  }
0x2c8: {  	[tilespmem:s4], [sflag:$0x4] =	stream.indirect.gather [hbm4b:s3+s10], $0x40, s1, s10, $0xb8;
	[tilespmem:$0x1D400] =	vst v63  }
0x2c9: {  	_ =	swait.ge [sflag:s13], $0x6800  }
0x2ca: {  	[sflag:s13] =	ssyncset.done $0x0  }
0x2cb: {  	s30 =	rddreg [dreg:$0xb];
	[sflag:s13] =	ssyncadd.s32 $0xFFFF9800  }
0x2cc: {  	[hbm4b:s30+s2] =	stream.linear.scatter [tilespmem:s8], [sflag:$0x5], $0x6800, $0x38;
	[tilespmem:$0x1D400] =	vst v63  }
0x2cd: {  	_ =	swait.ge [sflag:s6], $0x6800  }
0x2ce: {  	s31 =	sld [smem:$0x7F6]  }
0x2cf: {  	[sflag:s6] =	ssyncset.done $0x0  }
0x2d0: {  	[sflag:s6] =	ssyncadd.s32 $0xFFFF9800  }
0x2d1: {  	[tilespmem:s8], [sflag:$0x1] =	stream.indirect.gather [hbm4b:s3+s10], $0x40, s31, s10, $0xb8;
	[tilespmem:$0x1D400] =	vst v63  }
0x2d2: {  	_ =	swait.ge [sflag:s14], $0x6800  }
0x2d3: {  	[sflag:s14] =	ssyncset.done $0x0  }
0x2d4: {  	s1 =	rddreg [dreg:$0xc];
	[sflag:s14] =	ssyncadd.s32 $0xFFFF9800  }
0x2d5: {  	[hbm4b:s1+s2] =	stream.linear.scatter [tilespmem:s7], [sflag:$0x6], $0x6800, $0x38;
	[tilespmem:$0x1D400] =	vst v63  }
0x2d6: {  	_ =	swait.ge [sflag:s9], $0x6800  }
0x2d7: {  	s30 =	sld [smem:$0x7F7]  }
0x2d8: {  	[sflag:s9] =	ssyncset.done $0x0  }
0x2d9: {  	[sflag:s9] =	ssyncadd.s32 $0xFFFF9800  }
0x2da: {  	[tilespmem:s7], [sflag:$0x2] =	stream.indirect.gather [hbm4b:s3+s10], $0x40, s30, s10, $0xb8;
	[tilespmem:$0x1D400] =	vst v63  }
0x2db: {  	_ =	swait.ge [sflag:s15], $0x6800  }
0x2dc: {  	[sflag:s15] =	ssyncset.done $0x0  }
0x2dd: {  	s31 =	rddreg [dreg:$0xd];
	[sflag:s15] =	ssyncadd.s32 $0xFFFF9800  }
0x2de: {  	[hbm4b:s31+s2] =	stream.linear.scatter [tilespmem:s5], [sflag:$0x7], $0x6800, $0x38;
	[tilespmem:$0x1D400] =	vst v63  }
0x2df: {  	_ =	swait.ge [sflag:s11], $0x6800  }
0x2e0: {  	s1 =	sld [smem:$0x7F8]  }
0x2e1: {  	[sflag:s11] =	ssyncset.done $0x0  }
0x2e2: {  	[sflag:s11] =	ssyncadd.s32 $0xFFFF9800  }
0x2e3: {  	[tilespmem:s5], [sflag:$0x3] =	stream.indirect.gather [hbm4b:s3+s10], $0x40, s1, s10, $0xb8;
	[tilespmem:$0x1D400] =	vst v63  }
0x2e4: {  	_ =	swait.ge [sflag:s16], $0x6800  }
0x2e5: {  	[sflag:s16] =	ssyncset.done $0x0  }
0x2e6: {  	s30 =	rddreg [dreg:$0xe];
	[sflag:s16] =	ssyncadd.s32 $0xFFFF9800  }
0x2e7: {  	[hbm4b:s30+s2] =	stream.linear.scatter [tilespmem:s4], [sflag:$0x8], $0x6800, $0x38;
	[tilespmem:$0x1D400] =	vst v63  }
0x2e8: {  	_ =	swait.ge [sflag:s12], $0x6800  }
0x2e9: {  	s31 =	sld [smem:$0x7F9]  }
0x2ea: {  	[sflag:s12] =	ssyncset.done $0x0  }
0x2eb: {  	[sflag:s12] =	ssyncadd.s32 $0xFFFF9800  }
0x2ec: {  	[tilespmem:s4], [sflag:$0x4] =	stream.indirect.gather [hbm4b:s3+s10], $0x40, s31, s10, $0xb8;
	[tilespmem:$0x1D400] =	vst v63  }
0x2ed: {  	_ =	swait.ge [sflag:s13], $0x6800  }
0x2ee: {  	[sflag:s13] =	ssyncset.done $0x0  }
0x2ef: {  	s1 =	rddreg [dreg:$0xf];
	[sflag:s13] =	ssyncadd.s32 $0xFFFF9800  }
0x2f0: {  	[hbm4b:s1+s2] =	stream.linear.scatter [tilespmem:s8], [sflag:$0x5], $0x6800, $0x38;
	[tilespmem:$0x1D400] =	vst v63  }
0x2f1: {  	_ =	swait.ge [sflag:s6], $0x6800  }
0x2f2: {  	s30 =	sld [smem:$0x7FA]  }
0x2f3: {  	[sflag:s6] =	ssyncset.done $0x0  }
0x2f4: {  	[sflag:s6] =	ssyncadd.s32 $0xFFFF9800  }
0x2f5: {  	[tilespmem:s8], [sflag:$0x1] =	stream.indirect.gather [hbm4b:s3+s10], $0x40, s30, s10, $0xb8;
	[tilespmem:$0x1D400] =	vst v63  }
0x2f6: {  	_ =	swait.ge [sflag:s14], $0x6800  }
0x2f7: {  	[sflag:s14] =	ssyncset.done $0x0  }
0x2f8: {  	s31 =	rddreg [dreg:$0x10];
	[sflag:s14] =	ssyncadd.s32 $0xFFFF9800  }
0x2f9: {  	[hbm4b:s31+s2] =	stream.linear.scatter [tilespmem:s7], [sflag:$0x6], $0x6800, $0x38;
	[tilespmem:$0x1D400] =	vst v63  }
0x2fa: {  	_ =	swait.ge [sflag:s9], $0x6800  }
0x2fb: {  	s1 =	sld [smem:$0x7FB]  }
0x2fc: {  	[sflag:s9] =	ssyncset.done $0x0  }
0x2fd: {  	[sflag:s9] =	ssyncadd.s32 $0xFFFF9800  }
0x2fe: {  	[tilespmem:s7], [sflag:$0x2] =	stream.indirect.gather [hbm4b:s3+s10], $0x40, s1, s10, $0xb8;
	[tilespmem:$0x1D400] =	vst v63  }
0x2ff: {  	_ =	swait.ge [sflag:s15], $0x6800  }
0x300: {  	[sflag:s15] =	ssyncset.done $0x0  }
0x301: {  	s30 =	rddreg [dreg:$0x11];
	[sflag:s15] =	ssyncadd.s32 $0xFFFF9800  }
0x302: {  	[hbm4b:s30+s2] =	stream.linear.scatter [tilespmem:s5], [sflag:$0x7], $0x6800, $0x38;
	[tilespmem:$0x1D400] =	vst v63  }
0x303: {  	_ =	swait.ge [sflag:s11], $0x6800  }
0x304: {  	s31 =	sld [smem:$0x7FC]  }
0x305: {  	[sflag:s11] =	ssyncset.done $0x0  }
0x306: {  	[sflag:s11] =	ssyncadd.s32 $0xFFFF9800  }
0x307: {  	[tilespmem:s5], [sflag:$0x3] =	stream.indirect.gather [hbm4b:s3+s10], $0x40, s31, s10, $0xb8;
	[tilespmem:$0x1D400] =	vst v63  }
0x308: {  	_ =	swait.ge [sflag:s16], $0x6800  }
0x309: {  	[sflag:s16] =	ssyncset.done $0x0  }
0x30a: {  	s1 =	rddreg [dreg:$0x12];
	[sflag:s16] =	ssyncadd.s32 $0xFFFF9800  }
0x30b: {  	[hbm4b:s1+s2] =	stream.linear.scatter [tilespmem:s4], [sflag:$0x8], $0x6800, $0x38;
	[tilespmem:$0x1D400] =	vst v63  }
0x30c: {  	_ =	swait.ge [sflag:s12], $0x6800  }
0x30d: {  	s30 =	sld [smem:$0x7FD]  }
0x30e: {  	[sflag:s12] =	ssyncset.done $0x0  }
0x30f: {  	[sflag:s12] =	ssyncadd.s32 $0xFFFF9800  }
0x310: {  	[tilespmem:s4], [sflag:$0x4] =	stream.indirect.gather [hbm4b:s3+s10], $0x40, s30, s10, $0xb8;
	[tilespmem:$0x1D400] =	vst v63  }
0x311: {  	_ =	swait.ge [sflag:s13], $0x6800  }
0x312: {  	[sflag:s13] =	ssyncset.done $0x0  }
0x313: {  	s31 =	rddreg [dreg:$0x13];
	[sflag:s13] =	ssyncadd.s32 $0xFFFF9800  }
0x314: {  	[hbm4b:s31+s2] =	stream.linear.scatter [tilespmem:s8], [sflag:$0x5], $0x6800, $0x38;
	[tilespmem:$0x1D400] =	vst v63  }
0x315: {  	_ =	swait.ge [sflag:s6], $0x6800  }
0x316: {  	[sflag:s6] =	ssyncset.done $0x0  }
0x317: {  	[sflag:s6] =	ssyncadd.s32 $0xFFFF9800  }
0x318: {  	[tilespmem:s8], [sflag:$0x1] =	stream.indirect.gather [hbm4b:s3+s10], $0x40, s18, s10, $0xb8;
	[tilespmem:$0x1D400] =	vst v63  }
0x319: {  	_ =	swait.ge [sflag:s14], $0x6800  }
0x31a: {  	[sflag:s14] =	ssyncset.done $0x0  }
0x31b: {  	s1 =	rddreg [dreg:$0x14];
	[sflag:s14] =	ssyncadd.s32 $0xFFFF9800  }
0x31c: {  	[hbm4b:s1+s2] =	stream.linear.scatter [tilespmem:s7], [sflag:$0x6], $0x6800, $0x38;
	[tilespmem:$0x1D400] =	vst v63  }
0x31d: {  	_ =	swait.ge [sflag:s9], $0x6800  }
0x31e: {  	[sflag:s9] =	ssyncset.done $0x0  }
0x31f: {  	[sflag:s9] =	ssyncadd.s32 $0xFFFF9800  }
0x320: {  	[tilespmem:s7], [sflag:$0x2] =	stream.indirect.gather [hbm4b:s3+s10], $0x40, s29, s10, $0xb8;
	[tilespmem:$0x1D400] =	vst v63  }
0x321: {  	_ =	swait.ge [sflag:s15], $0x6800  }
0x322: {  	[sflag:s15] =	ssyncset.done $0x0  }
0x323: {  	s18 =	rddreg [dreg:$0x15];
	[sflag:s15] =	ssyncadd.s32 $0xFFFF9800  }
0x324: {  	[hbm4b:s18+s2] =	stream.linear.scatter [tilespmem:s5], [sflag:$0x7], $0x6800, $0x38;
	[tilespmem:$0x1D400] =	vst v63  }
0x325: {  	_ =	swait.ge [sflag:s11], $0x6800  }
0x326: {  	[sflag:s11] =	ssyncset.done $0x0  }
0x327: {  	[sflag:s11] =	ssyncadd.s32 $0xFFFF9800  }
0x328: {  	[tilespmem:s5], [sflag:$0x3] =	stream.indirect.gather [hbm4b:s3+s10], $0x40, s28, s10, $0xb8;
	[tilespmem:$0x1D400] =	vst v63  }
0x329: {  	_ =	swait.ge [sflag:s16], $0x6800  }
0x32a: {  	[sflag:s16] =	ssyncset.done $0x0  }
0x32b: {  	s29 =	rddreg [dreg:$0x16];
	[sflag:s16] =	ssyncadd.s32 $0xFFFF9800  }
0x32c: {  	[hbm4b:s29+s2] =	stream.linear.scatter [tilespmem:s4], [sflag:$0x8], $0x6800, $0x38;
	[tilespmem:$0x1D400] =	vst v63  }
0x32d: {  	_ =	swait.ge [sflag:s12], $0x6800  }
0x32e: {  	[sflag:s12] =	ssyncset.done $0x0  }
0x32f: {  	[sflag:s12] =	ssyncadd.s32 $0xFFFF9800  }
0x330: {  	[tilespmem:s4], [sflag:$0x4] =	stream.indirect.gather [hbm4b:s3+s10], $0x40, s26, s10, $0xb8;
	[tilespmem:$0x1D400] =	vst v63  }
0x331: {  	_ =	swait.ge [sflag:s13], $0x6800  }
0x332: {  	[sflag:s13] =	ssyncset.done $0x0  }
0x333: {  	s30 =	rddreg [dreg:$0x17];
	[sflag:s13] =	ssyncadd.s32 $0xFFFF9800  }
0x334: {  	[hbm4b:s30+s2] =	stream.linear.scatter [tilespmem:s8], [sflag:$0x5], $0x6800, $0x38;
	[tilespmem:$0x1D400] =	vst v63  }
0x335: {  	_ =	swait.ge [sflag:s6], $0x6800  }
0x336: {  	[sflag:s6] =	ssyncset.done $0x0  }
0x337: {  	[sflag:s6] =	ssyncadd.s32 $0xFFFF9800  }
0x338: {  	[tilespmem:s8], [sflag:$0x1] =	stream.indirect.gather [hbm4b:s3+s10], $0x40, s25, s10, $0xb8;
	[tilespmem:$0x1D400] =	vst v63  }
0x339: {  	_ =	swait.ge [sflag:s14], $0x6800  }
0x33a: {  	[sflag:s14] =	ssyncset.done $0x0  }
0x33b: {  	s31 =	rddreg [dreg:$0x18];
	[sflag:s14] =	ssyncadd.s32 $0xFFFF9800  }
0x33c: {  	[hbm4b:s31+s2] =	stream.linear.scatter [tilespmem:s7], [sflag:$0x6], $0x6800, $0x38;
	[tilespmem:$0x1D400] =	vst v63  }
0x33d: {  	_ =	swait.ge [sflag:s9], $0x6800  }
0x33e: {  	[sflag:s9] =	ssyncset.done $0x0  }
0x33f: {  	[sflag:s9] =	ssyncadd.s32 $0xFFFF9800  }
0x340: {  	[tilespmem:s7], [sflag:$0x2] =	stream.indirect.gather [hbm4b:s3+s10], $0x40, s24, s10, $0xb8;
	[tilespmem:$0x1D400] =	vst v63  }
0x341: {  	_ =	swait.ge [sflag:s15], $0x6800  }
0x342: {  	[sflag:s15] =	ssyncset.done $0x0  }
0x343: {  	s1 =	rddreg [dreg:$0x19];
	[sflag:s15] =	ssyncadd.s32 $0xFFFF9800  }
0x344: {  	[hbm4b:s1+s2] =	stream.linear.scatter [tilespmem:s5], [sflag:$0x7], $0x6800, $0x38;
	[tilespmem:$0x1D400] =	vst v63  }
0x345: {  	_ =	swait.ge [sflag:s11], $0x6800  }
0x346: {  	[sflag:s11] =	ssyncset.done $0x0  }
0x347: {  	[sflag:s11] =	ssyncadd.s32 $0xFFFF9800  }
0x348: {  	[tilespmem:s5], [sflag:$0x3] =	stream.indirect.gather [hbm4b:s3+s10], $0x40, s23, s10, $0xb8;
	[tilespmem:$0x1D400] =	vst v63  }
0x349: {  	_ =	swait.ge [sflag:s16], $0x6800  }
0x34a: {  	[sflag:s16] =	ssyncset.done $0x0  }
0x34b: {  	s18 =	rddreg [dreg:$0x1a];
	[sflag:s16] =	ssyncadd.s32 $0xFFFF9800  }
0x34c: {  	[hbm4b:s18+s2] =	stream.linear.scatter [tilespmem:s4], [sflag:$0x8], $0x6800, $0x38;
	[tilespmem:$0x1D400] =	vst v63  }
0x34d: {  	_ =	swait.ge [sflag:s12], $0x6800  }
0x34e: {  	[sflag:s12] =	ssyncset.done $0x0  }
0x34f: {  	[sflag:s12] =	ssyncadd.s32 $0xFFFF9800  }
0x350: {  	[tilespmem:s4], [sflag:$0x4] =	stream.indirect.gather [hbm4b:s3+s10], $0x40, s22, s10, $0xb8;
	[tilespmem:$0x1D400] =	vst v63  }
0x351: {  	_ =	swait.ge [sflag:s13], $0x6800  }
0x352: {  	[sflag:s13] =	ssyncset.done $0x0  }
0x353: {  	s22 =	rddreg [dreg:$0x1b];
	[sflag:s13] =	ssyncadd.s32 $0xFFFF9800  }
0x354: {  	[hbm4b:s22+s2] =	stream.linear.scatter [tilespmem:s8], [sflag:$0x5], $0x6800, $0x38;
	[tilespmem:$0x1D400] =	vst v63  }
0x355: {  	_ =	swait.ge [sflag:s6], $0x6800  }
0x356: {  	[sflag:s6] =	ssyncset.done $0x0  }
0x357: {  	[sflag:s6] =	ssyncadd.s32 $0xFFFF9800  }
0x358: {  	[tilespmem:s8], [sflag:$0x1] =	stream.indirect.gather [hbm4b:s3+s10], $0x40, s21, s10, $0xb8;
	[tilespmem:$0x1D400] =	vst v63  }
0x359: {  	_ =	swait.ge [sflag:s14], $0x6800  }
0x35a: {  	[sflag:s14] =	ssyncset.done $0x0  }
0x35b: {  	s23 =	rddreg [dreg:$0x1c];
	[sflag:s14] =	ssyncadd.s32 $0xFFFF9800  }
0x35c: {  	[hbm4b:s23+s2] =	stream.linear.scatter [tilespmem:s7], [sflag:$0x6], $0x6800, $0x38;
	[tilespmem:$0x1D400] =	vst v63  }
0x35d: {  	_ =	swait.ge [sflag:s9], $0x6800  }
0x35e: {  	[sflag:s9] =	ssyncset.done $0x0  }
0x35f: {  	[sflag:s9] =	ssyncadd.s32 $0xFFFF9800  }
0x360: {  	[tilespmem:s7], [sflag:$0x2] =	stream.indirect.gather [hbm4b:s3+s10], $0x40, s20, s10, $0xb8;
	[tilespmem:$0x1D400] =	vst v63  }
0x361: {  	_ =	swait.ge [sflag:s15], $0x6800  }
0x362: {  	[sflag:s15] =	ssyncset.done $0x0  }
0x363: {  	s24 =	rddreg [dreg:$0x1d];
	[sflag:s15] =	ssyncadd.s32 $0xFFFF9800  }
0x364: {  	[hbm4b:s24+s2] =	stream.linear.scatter [tilespmem:s5], [sflag:$0x7], $0x6800, $0x38;
	[tilespmem:$0x1D400] =	vst v63  }
0x365: {  	_ =	swait.ge [sflag:s11], $0x6800  }
0x366: {  	[sflag:s11] =	ssyncset.done $0x0  }
0x367: {  	[sflag:s11] =	ssyncadd.s32 $0xFFFF9800  }
0x368: {  	[tilespmem:s5], [sflag:$0x3] =	stream.indirect.gather [hbm4b:s3+s10], $0x40, s19, s10, $0xb8;
	[tilespmem:$0x1D400] =	vst v63  }
0x369: {  	_ =	swait.ge [sflag:s16], $0x6800  }
0x36a: {  	[sflag:s16] =	ssyncset.done $0x0  }
0x36b: {  	s25 =	rddreg [dreg:$0x1e];
	[sflag:s16] =	ssyncadd.s32 $0xFFFF9800  }
0x36c: {  	[hbm4b:s25+s2] =	stream.linear.scatter [tilespmem:s4], [sflag:$0x8], $0x6800, $0x38;
	[tilespmem:$0x1D400] =	vst v63  }
0x36d: {  	_ =	swait.ge [sflag:s12], $0x6800  }
0x36e: {  	[sflag:s12] =	ssyncset.done $0x0  }
0x36f: {  	s26 =	simm.s32 $0x3260;
	[sflag:s12] =	ssyncadd.s32 $0xFFFF9800  }
0x370: {  	[tilespmem:s4], [sflag:$0x4] =	stream.indirect.gather [hbm4b:s3+s10], $0x40, s26, s10, $0xb8;
	[tilespmem:$0x1D400] =	vst v63  }
0x371: {  	_ =	swait.ge [sflag:s13], $0x6800  }
0x372: {  	[sflag:s13] =	ssyncset.done $0x0  }
0x373: {  	s28 =	rddreg [dreg:$0x1f];
	[sflag:s13] =	ssyncadd.s32 $0xFFFF9800  }
0x374: {  	[hbm4b:s28+s2] =	stream.linear.scatter [tilespmem:s8], [sflag:$0x5], $0x6800, $0x38;
	[tilespmem:$0x1D400] =	vst v63  }
0x375: {  	_ =	swait.ge [sflag:s14], $0x6800  }
0x376: {  	s29 =	sld [smem:$0x7E9]  }
0x377: {  	[sflag:s14] =	ssyncset.done $0x0  }
0x378: {  	[sflag:s14] =	ssyncadd.s32 $0xFFFF9800  }
0x379: {  	[hbm4b:s29+s2] =	stream.linear.scatter [tilespmem:s7], [sflag:$0x6], $0x6800, $0x38;
	[tilespmem:$0x1D400] =	vst v63  }
0x37a: {  	_ =	swait.ge [sflag:s15], $0x6800  }
0x37b: {  	s30 =	sld [smem:$0x7EA]  }
0x37c: {  	[sflag:s15] =	ssyncset.done $0x0  }
0x37d: {  	[sflag:s15] =	ssyncadd.s32 $0xFFFF9800  }
0x37e: {  	[hbm4b:s30+s2] =	stream.linear.scatter [tilespmem:s5], [sflag:$0x7], $0x6800, $0x38;
	[tilespmem:$0x1D400] =	vst v63  }
0x37f: {  	_ =	swait.ge [sflag:s16], $0x6800  }
0x380: {  	s31 =	sld [smem:$0x7EB]  }
0x381: {  	[sflag:s16] =	ssyncset.done $0x0  }
0x382: {  	[sflag:s16] =	ssyncadd.s32 $0xFFFF9800  }
0x383: {  	[hbm4b:s31+s2] =	stream.linear.scatter [tilespmem:s4], [sflag:$0x8], $0x6800, $0x38;
	[tilespmem:$0x1D400] =	vst v63  }
0x384: {  	_ =	swait.ge [sflag:s6], $0x6800  }
0x385: {  	[sflag:s6] =	ssyncset.done $0x0  }
0x386: {  	[sflag:s6] =	ssyncadd.s32 $0xFFFF9800  }
0x387: {  	_ =	swait.ge [sflag:s9], $0x6800  }
0x388: {  	[sflag:s9] =	ssyncset.done $0x0  }
0x389: {  	[sflag:s9] =	ssyncadd.s32 $0xFFFF9800  }
0x38a: {  	_ =	swait.ge [sflag:s11], $0x6800  }
0x38b: {  	[sflag:s11] =	ssyncset.done $0x0  }
0x38c: {  	[sflag:s11] =	ssyncadd.s32 $0xFFFF9800  }
0x38d: {  	_ =	swait.ge [sflag:s12], $0x6800  }
0x38e: {  	[sflag:s12] =	ssyncset.done $0x0  }
0x38f: {  	[sflag:s12] =	ssyncadd.s32 $0xFFFF9800  }
0x390: {  	_ =	sfence.sel $0x180000  }
0x391: {  	[bflag:$0x0] =	sbarrier.arrive $0xFFFF  }
0x392: {  	_ =	strace $0x90000047  }
0x393: {  	[bflag:$0x2] =	sbarrier.arrive $0xFFFF  }
0x394: {  	p0 =	sne.s32 s17, $0x0;
	s0 =	rddreg [dreg:$0x2]  }
0x395: {  	s0 =	sadd.s32 @!p0 $0x100000, s0  }
0x396: {  	[sflag:s0] =	ssyncadd.tile.s32 @!p0 $0x1;
	_ =	shalt  }
.LBB2_1:
.Ltmp3:
0x397: {  	(pc) =	sbr.rel .LBB2_6-.Ltmp3, $4  }
0x398: {  	s18 =	simm.s32 $0x2080;
	s29 =	simm.s32 $0x2220  }
0x399: {  	s28 =	simm.s32 $0x23C0;
	s26 =	simm.s32 $0x2560;
	s25 =	simm.s32 $0x2700  }
0x39a: {  	s24 =	simm.s32 $0x28A0;
	s23 =	simm.s32 $0x2A40;
	s22 =	simm.s32 $0x2BE0  }
0x39b: {  	s21 =	simm.s32 $0x2D80;
	s20 =	simm.s32 $0x2F20;
	s19 =	simm.s32 $0x30C0  }
.LBB2_3:
.Ltmp4:
0x39c: {  	(pc) =	sbr.rel .LBB2_6-.Ltmp4, $4  }
0x39d: {  	s18 =	simm.s32 $0x2080;
	s29 =	simm.s32 $0x2220;
	s28 =	simm.s32 $0x23C0  }
0x39e: {  	s26 =	simm.s32 $0x2560;
	s25 =	simm.s32 $0x2700;
	s24 =	simm.s32 $0x28A0  }
0x39f: {  	s23 =	simm.s32 $0x2A40;
	s22 =	simm.s32 $0x2BE0;
	s21 =	simm.s32 $0x2D80  }
0x3a0: {  	s20 =	simm.s32 $0x2F20;
	s19 =	simm.s32 $0x30C0;
	s17 =	stileid.u32  }
.Lfunc_end2:
_tile_overlayer_lowered:
.L_overlay_start_2:
0x3a1: {  	(tag) =	ssettag $0x2  }
0x3a2: {  	s0 =	rddreg [dreg:$0x0];
	s2 =	stileid.u32  }
0x3a3: {  	s1 =	rddreg [dreg:$0x1];
	p0 =	sne.s32 s2, $0x0  }
0x3a4: {  	s3 =	rddreg [dreg:$0x2];
	[bflag:$0x3] =	sbarrier.arrive $0xFFFF;
	s2 =	simm.s32 @!p0 $0x1C09  }
0x3a5: {  	[timem:s3], [sflag:s2] =	dma.local @!p0 [hbm:s0], s1  }
0x3a6: {  	s0 =	simm.s32 @!p0 $0x9  }
0x3a7: {  	_ =	swait.ge @!p0 [sflag:s0], s1  }
0x3a8: {  	s1 =	ssub.s32 @!p0 $0x0, s1;
	[sflag:s0] =	ssyncset.done @!p0 $0x0  }
0x3a9: {  	[sflag:s0] =	ssyncadd.s32 @!p0 s1  }
0x3aa: {  	[bflag:$0x3] =	sbarrier.arrive $0xFFFF  }
0x3ab: {  	_ =	shalt  }

// kernel: sparse-core-data-format-call.cloned.1.call-start
scs
called_computation_lowered:
.L_overlay_start_0:
0x0: {  	s2 =	sld [smem:$0x3FD9]  }
0x1: {  	s3 =	sld [smem:$0x3FFE];
	_ =	sdelay $0x1  }
0x2: {  	s1 =	srdreg.scid  }
0x3: {  	s0 =	sand.u32 $0x1, s1  }
0x4: {  	s18 =	sshll.u32 s0, $0xA;
	s2 =	sadd.s32 s3, s2  }
0x5: {  	s2 =	sadd.s32 s2, s18  }
0x6: {  	[smem:$0x3FC6] =	sst s2  }
0x7: {  	_ = 	snop  }
0x8: {  	s2 =	sld [smem:$0x3FD0];
	(tm) =	ssettm $0x1  }
0x9: {  	s19 =	sld [smem:$0x3FFB];
	_ =	sdelay $0x3  }
0xa: {  	_ =	strace s19  }
0xb: {  	s3 =	sld [smem:$0x3FFC];
	_ =	sdelay $0x3  }
0xc: {  	_ =	strace s3  }
0xd: {  	s3 =	sld [smem:$0x3FFD];
	_ =	sdelay $0x3  }
0xe: {  	_ =	strace s3  }
0xf: {  	_ =	strace $0x8FFFFFFF  }
0x10: {  	s20 =	sld [smem:$0x3FDB];
	_ =	sdelay $0x1  }
0x11: {  	s4 =	simm.s32 $_scs_section_size  }
0x12: {  	s5 =	simm.s32 $_size__tile_overlayer_lowered;
	s6 =	simm.s32 $_tile_overlayer_lowered  }
0x13: {  	s23 =	simm.s32 $0x1BFF;
	s22 =	sshll.u32 s6, $0x1;
	s3 =	sadd.s32 s4, s20  }
0x14: {  	s7 =	simm.s32 $0x0;
	s21 =	sshll.u32 s5, $0x1;
	s5 =	sadd.s32 s22, s3  }
0x15: {  	[timem:s7], [sflag:s23] =	dma.local [hbm:s5], s21  }
0x16: {  	_ =	swait.ge [sflag:s23], s21  }
0x17: {  	s4 =	ssub.s32 $0x0, s21;
	[sflag:s23] =	ssyncset.done $0x0  }
0x18: {  	[sflag:s23] =	ssyncadd.s32 s4;
	_ =	sdelay $0x1  }
0x19: {  	s24 =	simm.s32 $0x1B8B  }
0x1a: {  	_ =	swait.ge [sflag:s24], $0x1  }
0x1b: {  	[sflag:s24] =	ssyncset.done $0x0  }
0x1c: {  	s26 =	simm.s32 $0x1B8E;
	s25 =	sld [smem:$0x3FFE];
	[sflag:s24] =	ssyncadd.s32 $0xFFFFFFFF  }
0x1d: {  	s27 =	simm.s32 $execute0_lowered;
	[smem:$0x3FD2] =	sst s26  }
0x1e: {  	s5 =	sshll.u32 s27, $0x1;
	_ =	strace $0x80000049;
	[dreg:$0x1] =	wrdreg $0xFFFFFFFF  }
0x1f: {  	s28 =	simm.s32 $_size_execute0_lowered;
	s3 =	sadd.s32 s3, s5;
	[dreg:$0x0] =	wrdreg $0x0  }
0x20: {  	s5 =	sshll.u32 s28, $0x1;
	[dreg:$0x2] =	wrdreg s3  }
0x21: {  	[dreg:$0x3] =	wrdreg s5  }
0x22: {  	[dreg:$0x4] =	wrdreg $0xC0  }
0x23: {  	_ =	task [dreg:s7], $0x5FFFF  }
0x24: {  	[dreg:$0x1] =	wrdreg $0xFFFFFFFF  }
0x25: {  	[dreg:$0x0] =	wrdreg $0x60  }
0x26: {  	[dreg:$0x2] =	wrdreg s25  }
0x27: {  	[dreg:$0x3] =	wrdreg s2  }
0x28: {  	[dreg:$0x4] =	wrdreg $0x9  }
0x29: {  	_ =	task.clear_ibuf [dreg:s7], $0x5FFFF;
	_ =	strace $0x90000049  }
0x2a: {  	s29 =	simm.s32 $0x9;
	_ =	strace $0x8000004B  }
0x2b: {  	_ =	swait.ge [sflag:s29], $0x1  }
0x2c: {  	[sflag:s29] =	ssyncadd.s32 $0xFFFFFFFF  }
0x2d: {  	_ =	strace $0x9000004B  }
0x2e: {  	_ =	sfence  }
0x2f: {  	s30 =	sld [smem:$0x0];
	_ =	sdelay $0x2  }
0x30: {  	s31 =	sshll.u32 s1, $0xD;
	s1 =	sshrl.u32 s1, $0x2  }
0x31: {  	s3 =	sand.u32 $0x4000, s31;
	s1 =	sadd.s32 s1, s30  }
0x32: {  	s0 =	sor.u32 s3, s0;
	s1 =	sshll.u32 s1, $0x11  }
0x33: {  	s0 =	sor.u32 s1, s0  }
0x34: {  	s0 =	sadd.s32 $0x8F2B, s0  }
0x35: {  	[sflag:s0] =	ssyncadd.remote.s32 $0x1  }
0x36: {  	_ =	sfence.sel $0xFFFF  }
0x37: {  	[dreg:$0x0] =	wrdreg $0xFFFFFFFF;
	(pc) =	sbr.abs _section_cstart, $3  }
0x38: {  	[dreg:$0x1] =	wrdreg $0xFFFFFFFF  }
0x39: {  	_ =	task.clear_ibuf [dreg:s7], $0x2FFFF;
	_ =	strace $0x9FFFFFFF  }
0x3a: {  	(tm) =	ssettm $0x7FFFFFFF  }
0x3b: {  	_ =	shalt  }
tec
execute0_lowered:
.L_overlay_start_1:
0x0: {  	(tag) =	ssettag $0x1  }
0x1: {  	s0 =	srdreg.scid  }
0x2: {  	s1 =	sshll.u32 s0, $0x4  }
0x3: {  	s0 =	stileid.u32;
	s1 =	sand.u32 $0x10, s1  }
0x4: {  	s1 =	sor.u32 s0, s1  }
0x5: {  	s6 =	rddreg [dreg:$0x0];
	s4 =	simm.s32 $0x1;
	s2 =	sshll.u32 s1, $0x7  }
0x6: {  	s7 =	simm.s32 $0x2;
	s12 =	simm.s32 $0x0;
	s1 =	ssub.s32 $0x4000, s2  }
0x7: {  	s8 =	simm.s32 $0x20000;
	s13 =	simm.s32 $0x0;
	s3 =	sand.u32 $0xF80, s1  }
0x8: {  	s9 =	simm.s32 $0x0;
	s5 =	sshrl.u32 s1, $0xC;
	p0 =	sne.s32 s3, $0x0  }
.Ltmp0:
0x9: {  	s1 =	rddreg [dreg:$0x2];
	s4 =	simm.s32 @!p0 $0x0;
	(pc) =	sbr.rel .LBB1_1-.Ltmp0, $4  }
0xa: {  	s11 =	simm.s32 $0x0;
	s3 =	rddreg [dreg:$0x1];
	s5 =	sadd.s32 s4, s5  }
0xb: {  	_ =	strace $0x8000004A;
	s4 =	simm.s32 $0x1;
	s5 =	smul.u32 $0x1A, s5  }
0xc: {  	s6 =	sadd.s32 $0xA00, s6;
	s10 =	smov.u32 s2;
	[sflag:s4] =	ssyncpa.u1 $0x0  }
0xd: {  	p0 =	por $0x0, $0x0;
	[sflag:s7] =	ssyncpa.u1 $0x0;
	s7 =	sor.u32 $0x1, s5  }
.LBB1_4:
0xe: {  	s16 =	sshll.u32 s13, $0x3;
	s17 =	sand.u32 $0x78, s13  }
0xf: {  	s30 =	sand.u32 $0x1F800, s13;
	s12 =	sshll.u32 s12, $0x11;
	s16 =	sand.u32 $0x3C00, s16  }
0x10: {  	[tilespmem:s15+$0x810 ss:$0x81] =	vst.msk $0xffff, v2;
	s31 =	sand.u32 $0x7, s13;
	s16 =	sor.u32 s17, s16;
	s17 =	sadd.s32 s3, s30  }
0x11: {  	[tilespmem:s15+$0x1020 ss:$0x81] =	vst.msk $0xffff, v0;
	s13 =	sshll.u32 s31, $0x12;
	s12 =	sadd.s32 s12, s17;
	s16 =	sshrl.u32 s16, $0x3  }
0x12: {  	[tilespmem:s15+$0x0 ss:$0x81] =	vst.msk $0xffff, v1;
	s13 =	sor.u32 $0x400, s13;
	s12 =	sadd.s32 s16, s12  }
0x13: {  	[hbm4b:s12+s13] =	stream.strided.scatter [tilespmem:s14], [sflag:$0x2], $0x2000, s8, s13, $0x20;
	[tilespmem:$0x8080] =	vst v63  }
.LBB1_5:
0x14: {  	s14 =	sadd.s32 $0x1, s9  }
0x15: {  	s12 =	sadd.s32 $0x1000, s10;
	s16 =	smov.u32 s10;
	p2 =	sgt.s32 s14, $0x19  }
0x16: {  	s16 =	smov.u32 @p2 s12  }
0x17: {  	s14 =	simm.s32 @p2 $0x0;
	p2 =	sgt.s32 s16, $0x3FFF  }
0x18: {  	s16 =	smov.u32 @p2 s2;
	p2 =	sne.s32 s11, s7  }
.Ltmp1:
0x19: {  	p1 =	slt.u32 s11, $0x2;
	(pc) =	sbr.rel @!p2 .LBB1_6-.Ltmp1, $4  }
0x1a: {  	s15 =	simm.s32 @!p1 $0x2  }
0x1b: {  	s13 =	smov.u32 s10;
	p0 =	por !p0, !p0;
	_ =	swait.ge @!p1 [sflag:s15], $0x2000  }
0x1c: {  	s12 =	smov.u32 s9;
	[sflag:s15] =	ssyncset.done @!p1 $0x0;
	s9 =	smov.u32 s14  }
0x1d: {  	s11 =	sadd.s32 $0x1, s11;
	[sflag:s15] =	ssyncadd.s32 @!p1 $0xFFFFE000;
	s10 =	smov.u32 s16  }
.LBB1_1:
0x1e: {  	p1 =	sge.u32 s11, s5  }
0x1f: {  	s31 =	sadd.s32 $0xFFFFFFFF, s11;
	s14 =	sxor.u32 @!p1 $0xFFFFFFFF, s11  }
0x20: {  	s15 =	sshll.u32 @!p1 s10, $0x9;
	s16 =	sshll.u32 @!p1 s9, $0x4;
	s17 =	simm.s32 @!p1 $0x1000  }
0x21: {  	s14 =	sshll.u32 @!p1 s14, $0xD;
	s16 =	sand.u32 @!p1 $0x1F0, s16;
	s15 =	sadd.s32 @!p1 s6, s15  }
0x22: {  	s14 =	sand.u32 @!p1 $0x2000, s14;
	s15 =	sadd.s32 @!p1 s16, s15;
	s16 =	simm.s32 @!p1 $0x40  }
0x23: {  	[tilespmem:s14], [sflag:$0x1] =	stream.strided.gather @!p1 [hbm4b:s15+s16], $0x2000, s17, s16, $0x38;
	[tilespmem:$0x8080] =	vst v63  }
0x24: {  	p1 =	sge.u32 s31, s5  }
.Ltmp2:
0x25: {  	_ = 	snop;
	(pc) =	sbr.rel @p1 .LBB1_5-.Ltmp2, $1  }
0x26: {  	_ =	sdelay $0x3  }
0x27: {  	s14 =	simm.s32 $0x1  }
0x28: {  	_ =	swait.ge [sflag:s4], $0x2000;
	s14 =	simm.s32 @!p0 $0x0  }
0x29: {  	[sflag:s4] =	ssyncset.done $0x0;
	s15 =	sshll.u32 s14, $0xD  }
0x2a: {  	[sflag:s4] =	ssyncadd.s32 $0xFFFFE000;
	s18 =	sor.u32 $0x20, s15  }
0x2b: {  	s14 =	smul.u32 $0x8100, s14;
	v3 =	vld [tilespmem:s18+$0x10]  }
0x2c: {  	s30 =	sand.u32 $0x1, s11;
	v2 =	vld [tilespmem:s18+$0xFFFFFFF0]  }
0x2d: {  	s15 =	smul.u32 $0x8100, s30;
	s14 =	sshrl.u32 s14, $0x2;
	v0 =	vld [tilespmem:s18+$0x0]  }
0x2e: {  	v1 =	vld [tilespmem:s18+$0xFFFFFFE0];
	s16 =	sor.u32 $0x4000, s14  }
0x2f: {  	s31 =	sshrl.u32 s15, $0x2;
	s15 =	sadd.s32 $0x0, s16  }
0x30: {  	s17 =	simm.s32 $0x4;
	s18 =	sadd.s32 $0x40, s18;
	s14 =	sor.u32 $0x4000, s31;
	[tilespmem:s15+$0x1830 ss:$0x81] =	vst.msk $0xffff, v3  }
.LBB1_3:
0x31: {  	v3 =	vld [tilespmem:s18+$0x10];
	p1 =	sne.s32 s17, $0x1FC;
	[tilespmem:s15+$0x810 ss:$0x81] =	vst.msk $0xffff, v2;
	s19 =	smov.u32 s17;
	s17 =	sadd.s32 $0x4, s17  }
.Ltmp3:
0x32: {  	v2 =	vld [tilespmem:s18+$0xFFFFFFF0];
	[tilespmem:s15+$0x1020 ss:$0x81] =	vst.msk $0xffff, v0;
	(pc) =	sbr.rel @p1 .LBB1_3-.Ltmp3, $4  }
0x33: {  	v0 =	vld [tilespmem:s18+$0x0];
	[tilespmem:s15+$0x0 ss:$0x81] =	vst.msk $0xffff, v1  }
0x34: {  	s15 =	sshra.s32 s19, $0x2;
	v1 =	vld [tilespmem:s18+$0xFFFFFFE0]  }
0x35: {  	s15 =	sadd.s32 s15, s16  }
0x36: {  	s18 =	sadd.s32 $0x40, s18;
	[tilespmem:s15+$0x1830 ss:$0x81] =	vst.msk $0xffff, v3  }
.Ltmp4:
0x37: {  	_ = 	snop;
	(pc) =	sbr.rel .LBB1_4-.Ltmp4, $1  }
0x38: {  	_ =	sdelay $0x3  }
.LBB1_6:
0x39: {  	_ =	sfence.sel $0x180000  }
0x3a: {  	s2 =	simm.s32 $0x1;
	[bflag:$0x0] =	sbarrier.arrive $0xFFFF  }
0x3b: {  	s31 =	simm.s32 $0x2;
	[sflag:s2] =	ssyncpa.u1 $0x1  }
0x3c: {  	[sflag:s31] =	ssyncpa.u1 $0x1  }
0x3d: {  	p0 =	sne.s32 s0, $0x0;
	_ =	strace $0x9000004A  }
0x3e: {  	s0 =	sadd.s32 @!p0 $0x100000, s1;
	[bflag:$0x2] =	sbarrier.arrive $0xFFFF  }
0x3f: {  	[sflag:s0] =	ssyncadd.tile.s32 @!p0 $0x1;
	_ =	shalt  }
.Lfunc_end1:
_tile_overlayer_lowered:
.L_overlay_start_2:
0x40: {  	(tag) =	ssettag $0x2  }
0x41: {  	s0 =	rddreg [dreg:$0x0];
	s2 =	stileid.u32  }
0x42: {  	s1 =	rddreg [dreg:$0x1];
	p0 =	sne.s32 s2, $0x0  }
0x43: {  	s3 =	rddreg [dreg:$0x2];
	[bflag:$0x3] =	sbarrier.arrive $0xFFFF;
	s2 =	simm.s32 @!p0 $0x1C01  }
0x44: {  	[timem:s3], [sflag:s2] =	dma.local @!p0 [hbm:s0], s1  }
0x45: {  	s0 =	simm.s32 @!p0 $0x1  }
0x46: {  	_ =	swait.ge @!p0 [sflag:s0], s1  }
0x47: {  	s1 =	ssub.s32 @!p0 $0x0, s1;
	[sflag:s0] =	ssyncset.done @!p0 $0x0  }
0x48: {  	[sflag:s0] =	ssyncadd.s32 @!p0 s1  }
0x49: {  	[bflag:$0x3] =	sbarrier.arrive $0xFFFF  }
0x4a: {  	_ =	shalt  }

</sc_bundles>
